<compile_context>
chip_gen: v7x
topology: tpu7x:2x2x1
jax: 0.10.2.dev20260603
libtpu: 0.0.44.dev20260713+nightly
codegen_flags: <defaults>
</compile_context>

<pallas_src>
import functools

import jax
import jax.numpy as jnp
from jax import lax
from jax.experimental import pallas as pl
from jax.experimental.pallas import tpu as pltpu
from jax.experimental.pallas import tpu_sc as plsc

K = 20
EPS = 1e-5
NEG = -3.4e38
B, N = 16, 1024



def _norm_apply(m, hs, hq, g, bb):
    M = float(B * N * K)
    mean = hs / M
    var = hq / M - mean * mean
    h = (m - mean[None, :]) / jnp.sqrt(var + EPS)[None, :] \
        * g[None, :] + bb[None, :]
    return jnp.where(h >= 0, h, 0.2 * h)


def _knn_kernel(*refs, norm):
    if norm:
        (mt_ref, mf_ref, hs_ref, hq_ref, g_ref, b_ref,
         idx_ref, xt_ref) = refs
        hs, hq = hs_ref[0], hq_ref[0]
        g, bb = g_ref[...], b_ref[...]
        xr = _norm_apply(mt_ref[0], hs, hq, g, bb)
        xf = _norm_apply(mf_ref[0], hs, hq, g, bb)
        xt_ref[0] = xr
    else:
        mt_ref, mf_ref, idx_ref = refs
        xr = mt_ref[0]
        xf = mf_ref[0]
    inner = -2.0 * jax.lax.dot_general(
        xr, xf, (((1,), (1,)), ((), ())), preferred_element_type=jnp.float32)
    xxr = jnp.sum(xr * xr, axis=1, keepdims=True)
    xxf = jnp.sum(xf * xf, axis=1)
    pd = -xxr - inner - xxf[None, :]
    R = pd.shape[0]
    iota = jax.lax.broadcasted_iota(jnp.int32, (R, N), 1)
    off = pl.program_id(0) * N
    sels = []
    for _ in range(K):
        sel = jnp.argmax(pd, axis=1).astype(jnp.int32)[:, None]
        sels.append(sel + off)
        pd = jnp.where(iota == sel, NEG, pd)
    idx_ref[0] = jnp.concatenate(sels, axis=1)


def _knn_raw(xt, b0, nb, R=1024):
    D = xt.shape[-1]
    return pl.pallas_call(
        functools.partial(_knn_kernel, norm=False),
        grid=(nb, N // R),
        in_specs=[
            pl.BlockSpec((1, R, D), lambda b, i: (b + b0, i, 0)),
            pl.BlockSpec((1, N, D), lambda b, i: (b + b0, 0, 0)),
        ],
        out_specs=pl.BlockSpec((1, R, K), lambda b, i: (b, i, 0)),
        out_shape=jax.ShapeDtypeStruct((nb, N, K), jnp.int32),
    )(xt, xt)


def _knn_norm(m, hsum, hsq, g, bb, b0, nb, R=1024):
    D = m.shape[-1]
    return pl.pallas_call(
        functools.partial(_knn_kernel, norm=True),
        grid=(nb, N // R),
        in_specs=[
            pl.BlockSpec((1, R, D), lambda b, i: (b + b0, i, 0)),
            pl.BlockSpec((1, N, D), lambda b, i: (b + b0, 0, 0)),
            pl.BlockSpec((1, D), lambda b, i: (0, 0)),
            pl.BlockSpec((1, D), lambda b, i: (0, 0)),
            pl.BlockSpec((D,), lambda b, i: (0,)),
            pl.BlockSpec((D,), lambda b, i: (0,)),
        ],
        out_specs=[
            pl.BlockSpec((1, R, K), lambda b, i: (b, i, 0)),
            pl.BlockSpec((1, R, D), lambda b, i: (b, i, 0)),
        ],
        out_shape=[
            jax.ShapeDtypeStruct((nb, N, K), jnp.int32),
            jax.ShapeDtypeStruct((nb, N, D), jnp.float32),
        ],
    )(m, m, hsum, hsq, g, bb)



def _edge_kernel(xt_ref, fg_ref, w_ref, m_ref, hsum_ref, hsq_ref, *, C):
    first = (pl.program_id(0) == 0) & (pl.program_id(1) == 0)
    xr = xt_ref[0][:, :C]
    fg = fg_ref[0][:, :, :C]
    Rn = xr.shape[0]
    xb = jnp.broadcast_to(xr[:, None, :], fg.shape)
    f2 = jnp.concatenate([xb, fg - xb], axis=-1)
    f2 = f2.reshape(Rn * K, 2 * C)
    h = jax.lax.dot_general(
        f2, w_ref[...], (((1,), (1,)), ((), ())),
        preferred_element_type=jnp.float32)
    s = jnp.sum(h, axis=0)
    q = jnp.sum(h * h, axis=0)
    m = jnp.max(h.reshape(Rn, K, -1), axis=1)

    @pl.when(first)
    def _():
        hsum_ref[...] = jnp.zeros_like(hsum_ref)
        hsq_ref[...] = jnp.zeros_like(hsq_ref)

    hsum_ref[...] += s[None, :]
    hsq_ref[...] += q[None, :]
    m_ref[0] = m


def _edge_mm(xt, fg, W, b0, nb, R=256):
    O, C2 = W.shape
    C = C2 // 2
    Dp = xt.shape[-1]
    return pl.pallas_call(
        functools.partial(_edge_kernel, C=C),
        grid=(nb, N // R),
        in_specs=[
            pl.BlockSpec((1, R, Dp), lambda b, i: (b + b0, i, 0)),
            pl.BlockSpec((1, R, K, Dp), lambda b, i: (b, i, 0, 0)),
            pl.BlockSpec((O, C2), lambda b, i: (0, 0)),
        ],
        out_specs=[
            pl.BlockSpec((1, R, O), lambda b, i: (b, i, 0)),
            pl.BlockSpec((1, O), lambda b, i: (0, 0)),
            pl.BlockSpec((1, O), lambda b, i: (0, 0)),
        ],
        out_shape=[
            jax.ShapeDtypeStruct((nb, N, O), jnp.float32),
            jax.ShapeDtypeStruct((1, O), jnp.float32),
            jax.ShapeDtypeStruct((1, O), jnp.float32),
        ],
    )(xt, fg, W)



def _norm_kernel(m_ref, hsum_ref, hsq_ref, g_ref, b_ref, o_ref, *, M, Dp):
    mean = hsum_ref[0] / M
    var = hsq_ref[0] / M - mean * mean
    h = ((m_ref[0] - mean[None, :]) / jnp.sqrt(var + EPS)[None, :]
         * g_ref[...][None, :] + b_ref[...][None, :])
    h = jnp.where(h >= 0, h, 0.2 * h)
    O = h.shape[-1]
    if Dp > O:
        h = jnp.pad(h, ((0, 0), (0, Dp - O)))
    o_ref[0] = h


def _bn_lrelu(m, hsum, hsq, g, b, Dp=None):
    O = m.shape[-1]
    Dp = Dp or O
    return pl.pallas_call(
        functools.partial(_norm_kernel, M=float(B * N * K), Dp=Dp),
        grid=(B,),
        in_specs=[
            pl.BlockSpec((1, N, O), lambda i: (i, 0, 0)),
            pl.BlockSpec((1, O), lambda i: (0, 0)),
            pl.BlockSpec((1, O), lambda i: (0, 0)),
            pl.BlockSpec((O,), lambda i: (0,)),
            pl.BlockSpec((O,), lambda i: (0,)),
        ],
        out_specs=pl.BlockSpec((1, N, Dp), lambda i: (i, 0, 0)),
        out_shape=jax.ShapeDtypeStruct((B, N, Dp), jnp.float32),
    )(m, hsum, hsq, g, b)



_NW = 32
_CH = 128


def _gather(xt, idx_flat):
    Dp = xt.shape[-1]
    nb = idx_flat.shape[0]
    rows = nb * N * K
    per = rows // _NW
    table = xt.reshape(nb * N, Dp)
    idx1 = idx_flat.reshape(rows)
    mesh = plsc.VectorSubcoreMesh(core_axis_name="c", subcore_axis_name="s")

    @functools.partial(
        pl.kernel, mesh=mesh,
        compiler_params=pltpu.CompilerParams(use_tc_tiling_on_sc=False),
        out_type=jax.ShapeDtypeStruct((rows, Dp), jnp.float32),
        scratch_types=[
            pltpu.VMEM((_CH,), jnp.int32),
            pltpu.VMEM((_CH, Dp), jnp.float32),
            pltpu.VMEM((_CH,), jnp.int32),
            pltpu.VMEM((_CH, Dp), jnp.float32),
            pltpu.SemaphoreType.DMA,
            pltpu.SemaphoreType.DMA,
        ],
    )
    def gk(table_hbm, idx_hbm, out_hbm, idx_a, buf_a, idx_b, buf_b, sem_a,
           sem_b):
        wid = lax.axis_index("s") * 2 + lax.axis_index("c")
        base = wid * per
        nch = per // (2 * _CH)

        def body(i, _):
            off = base + i * 2 * _CH
            pltpu.sync_copy(idx_hbm.at[pl.ds(off, _CH)], idx_a)
            cp_a = pltpu.async_copy(table_hbm.at[idx_a], buf_a, sem_a)
            pltpu.sync_copy(idx_hbm.at[pl.ds(off + _CH, _CH)], idx_b)
            cp_b = pltpu.async_copy(table_hbm.at[idx_b], buf_b, sem_b)
            cp_a.wait()
            pltpu.sync_copy(buf_a, out_hbm.at[pl.ds(off, _CH)])
            cp_b.wait()
            pltpu.sync_copy(buf_b, out_hbm.at[pl.ds(off + _CH, _CH)])
            return 0

        lax.fori_loop(0, nch, body, 0)

    return gk(table, idx1).reshape(nb, N, K, Dp)



def _final_kernel(x1_ref, x2_ref, x3_ref, x4_ref, w_ref,
                  hsum_ref, hsq_ref, hmax_ref):
    i = pl.program_id(0)
    w = w_ref[...]
    h = jax.lax.dot_general(
        x1_ref[0], w[:, 0:64], (((1,), (1,)), ((), ())),
        preferred_element_type=jnp.float32)
    h += jax.lax.dot_general(
        x2_ref[0], w[:, 64:128], (((1,), (1,)), ((), ())),
        preferred_element_type=jnp.float32)
    h += jax.lax.dot_general(
        x3_ref[0], w[:, 128:256], (((1,), (1,)), ((), ())),
        preferred_element_type=jnp.float32)
    h += jax.lax.dot_general(
        x4_ref[0], w[:, 256:512], (((1,), (1,)), ((), ())),
        preferred_element_type=jnp.float32)
    s = jnp.sum(h, axis=0)
    q = jnp.sum(h * h, axis=0)
    m = jnp.max(h, axis=0)

    @pl.when(i == 0)
    def _():
        hsum_ref[...] = jnp.zeros_like(hsum_ref)
        hsq_ref[...] = jnp.zeros_like(hsq_ref)

    hsum_ref[...] += s[None, :]
    hsq_ref[...] += q[None, :]
    hmax_ref[pl.ds(i, 1), :] = m[None, :]


def _final_norm_kernel(hsum_ref, hsq_ref, hmax_ref, g_ref, b_ref, o_ref):
    M = float(B * N)
    mean = hsum_ref[0] / M
    var = hsq_ref[0] / M - mean * mean
    h = ((hmax_ref[...] - mean[None, :]) / jnp.sqrt(var + EPS)[None, :]
         * g_ref[...][None, :] + b_ref[...][None, :])
    o_ref[...] = jnp.where(h >= 0, h, 0.2 * h)


def _final_stage(x1, x2, x3, x4, W5, g5, b5):
    O = W5.shape[0]
    hsum, hsq, hmax = pl.pallas_call(
        _final_kernel,
        grid=(B,),
        in_specs=[
            pl.BlockSpec((1, N, 64), lambda i: (i, 0, 0)),
            pl.BlockSpec((1, N, 64), lambda i: (i, 0, 0)),
            pl.BlockSpec((1, N, 128), lambda i: (i, 0, 0)),
            pl.BlockSpec((1, N, 256), lambda i: (i, 0, 0)),
            pl.BlockSpec((O, 512), lambda i: (0, 0)),
        ],
        out_specs=[
            pl.BlockSpec((1, O), lambda i: (0, 0)),
            pl.BlockSpec((1, O), lambda i: (0, 0)),
            pl.BlockSpec((B, O), lambda i: (0, 0)),
        ],
        out_shape=[
            jax.ShapeDtypeStruct((1, O), jnp.float32),
            jax.ShapeDtypeStruct((1, O), jnp.float32),
            jax.ShapeDtypeStruct((B, O), jnp.float32),
        ],
    )(x1, x2, x3, x4, W5)
    return pl.pallas_call(
        _final_norm_kernel,
        out_shape=jax.ShapeDtypeStruct((B, O), jnp.float32),
    )(hsum, hsq, hmax, g5, b5)



def _layer(prev, W, waves=2):
    nb = B // waves
    ms, hsums, hsqs, xts = [], [], [], []
    for w in range(waves):
        if prev[0] == "raw":
            xt_w = jax.lax.slice_in_dim(prev[1], w * nb, (w + 1) * nb, axis=0)
            idx = _knn_raw(prev[1], w * nb, nb)
        else:
            _, m_in, hs_in, hq_in, g_in, b_in = prev
            idx, xt_w = _knn_norm(m_in, hs_in, hq_in, g_in, b_in, w * nb, nb)
        fg = _gather(xt_w, idx)
        m, hsum, hsq = _edge_mm(xt_w, fg, W, 0, nb)
        ms.append(m)
        hsums.append(hsum)
        hsqs.append(hsq)
        xts.append(xt_w)
    m = jnp.concatenate(ms, axis=0)
    hsum = functools.reduce(jnp.add, hsums)
    hsq = functools.reduce(jnp.add, hsqs)
    xt_full = jnp.concatenate(xts, axis=0) if prev[0] == "norm" else None
    return m, hsum, hsq, xt_full


def kernel(x, W1, W2, W3, W4, W5, g1, b1, g2, b2, g3, b3, g4, b4, g5, b5):
    xt0 = jnp.pad(jnp.transpose(x, (0, 2, 1)), ((0, 0), (0, 0), (0, 13)))
    m1, s1, q1, _ = _layer(("raw", xt0), W1)
    m2, s2, q2, x1 = _layer(("norm", m1, s1, q1, g1, b1), W2)
    m3, s3, q3, x2 = _layer(("norm", m2, s2, q2, g2, b2), W3)
    m4, s4, q4, x3 = _layer(("norm", m3, s3, q3, g3, b3), W4)
    x4 = _bn_lrelu(m4, s4, q4, g4, b4)
    return _final_stage(x1, x2, x3, x4, W5, g5, b5)

# --- scband reference (transcript-rebuilt; emitter-appended) ---
"""Pipeline reference for scband-dgcnn-encoder-70557722739181 (READ-ONLY COPY).

The authoritative reference and input builder live on the scoring server;
editing this copy changes nothing except your own understanding.
"""

import jax, jax.numpy as jnp
import numpy as np

K = 20

def knn_idx(x, k):
    # x: (b, C, N)
    inner = -2.0 * jnp.einsum('bcn,bcm->bnm', x, x)
    xx = jnp.sum(x * x, axis=1, keepdims=True)  # (b,1,N)
    pd = -xx - inner - jnp.transpose(xx, (0, 2, 1))  # (b,N,N)
    return jax.lax.top_k(pd, k)[1]  # (b,N,k)

def get_graph_feature(x, k):
    # x: (b, C, N) -> (b, 2C, N, k)
    idx = knn_idx(x, k)
    xt = jnp.transpose(x, (0, 2, 1))  # (b,N,C)
    feature = jax.vmap(lambda a, i: a[i])(xt, idx)  # (b,N,k,C) gather
    xr = xt[:, :, None, :]
    f = jnp.concatenate([jnp.broadcast_to(xr, feature.shape), feature - xr], axis=-1)
    return jnp.transpose(f, (0, 3, 1, 2))

def bn(h, g, b, axes):
    m = jnp.mean(h, axis=axes, keepdims=True)
    v = jnp.var(h, axis=axes, keepdims=True)
    sh = [1] * h.ndim
    sh[1] = -1
    return (h - m) / jnp.sqrt(v + 1e-5) * g.reshape(sh) + b.reshape(sh)

def lrelu(h):
    return jnp.where(h >= 0, h, 0.2 * h)

def setup_inputs(seed: int = 0):
    key = jax.random.key(seed)
    ks = jax.random.split(key, 7)
    x = jax.random.normal(ks[0], (16, 3, 1024), dtype=jnp.float32)
    W1 = jax.random.normal(ks[1], (64, 6), dtype=jnp.float32) * 0.1
    W2 = jax.random.normal(ks[2], (64, 128), dtype=jnp.float32) * 0.1
    W3 = jax.random.normal(ks[3], (128, 128), dtype=jnp.float32) * 0.1
    W4 = jax.random.normal(ks[4], (256, 256), dtype=jnp.float32) * 0.1
    W5 = jax.random.normal(ks[5], (1024, 512), dtype=jnp.float32) * 0.05
    g1, b1 = jnp.ones((64,), jnp.float32), jnp.zeros((64,), jnp.float32)
    g2, b2 = jnp.ones((64,), jnp.float32), jnp.zeros((64,), jnp.float32)
    g3, b3 = jnp.ones((128,), jnp.float32), jnp.zeros((128,), jnp.float32)
    g4, b4 = jnp.ones((256,), jnp.float32), jnp.zeros((256,), jnp.float32)
    g5, b5 = jnp.ones((1024,), jnp.float32), jnp.zeros((1024,), jnp.float32)
    return {"x": x, "W1": W1, "W2": W2, "W3": W3, "W4": W4, "W5": W5,
            "g1": g1, "b1": b1, "g2": g2, "b2": b2, "g3": g3, "b3": b3,
            "g4": g4, "b4": b4, "g5": g5, "b5": b5}

def reference(x, W1, W2, W3, W4, W5, g1, b1, g2, b2, g3, b3, g4, b4, g5, b5):
    f = get_graph_feature(x, K)
    h = lrelu(bn(jnp.einsum('oc,bcnk->bonk', W1, f), g1, b1, (0, 2, 3)))
    x1 = jnp.max(h, axis=-1)
    f = get_graph_feature(x1, K)
    h = lrelu(bn(jnp.einsum('oc,bcnk->bonk', W2, f), g2, b2, (0, 2, 3)))
    x2 = jnp.max(h, axis=-1)
    f = get_graph_feature(x2, K)
    h = lrelu(bn(jnp.einsum('oc,bcnk->bonk', W3, f), g3, b3, (0, 2, 3)))
    x3 = jnp.max(h, axis=-1)
    f = get_graph_feature(x3, K)
    h = lrelu(bn(jnp.einsum('oc,bcnk->bonk', W4, f), g4, b4, (0, 2, 3)))
    x4 = jnp.max(h, axis=-1)
    cat = jnp.concatenate([x1, x2, x3, x4], axis=1)  # (b,512,N)
    h5 = lrelu(bn(jnp.einsum('oc,bcn->bon', W5, cat), g5, b5, (0, 2)))
    return jnp.max(h5, axis=-1)  # (b,1024)

if __name__ == "__main__":
    import jax
    _d = setup_inputs()
    print(jax.jit(kernel)(*tuple(_d.values())))

</pallas_src>

<mosaic_0001>
#map = affine_map<(d0, d1) -> (0, 0)>
#map1 = affine_map<(d0, d1) -> (0)>
module attributes {stable_mosaic.version = 14 : i64} {
  func.func @gk(%arg0: i32, %arg1: i32, %arg2: memref<8192x16xf32, #tpu.memory_space<hbm>>, %arg3: memref<163840xi32, #tpu.memory_space<hbm>>, %arg4: memref<163840x16xf32, #tpu.memory_space<hbm>>, %arg5: memref<128xi32, #tpu.memory_space<vmem>>, %arg6: memref<128x16xf32, #tpu.memory_space<vmem>>, %arg7: memref<128xi32, #tpu.memory_space<vmem>>, %arg8: memref<128x16xf32, #tpu.memory_space<vmem>>, %arg9: memref<!tpu.dma_semaphore, #tpu.memory_space<semaphore_mem>>, %arg10: memref<!tpu.dma_semaphore, #tpu.memory_space<semaphore_mem>>) attributes {dimension_semantics = [#tpu.dimension_semantics<core_parallel>, #tpu.dimension_semantics<subcore_parallel>], iteration_bounds = array<i64: 2, 16>, scalar_prefetch = 0 : i64, scratch_operands = 6 : i64, tpu.core_type = #tpu.core_type<sc_vector_subcore>, window_params = [{transform_indices = #map}, {transform_indices = #map1}, {transform_indices = #map}]} {
    %mul3A = arith.constant 2 : i32
    %mul3A_0 = arith.muli %arg1, %mul3A : i32
    %add3A = arith.addi %mul3A_0, %arg0 : i32
    %mul3A_1 = arith.constant 5120 : i32
    %mul3A_2 = arith.muli %add3A, %mul3A_1 : i32
    %scan3A = arith.constant 0 : i32
    %scan3A_3 = arith.constant 0 : i32
    %scan3A_4 = arith.constant 20 : i32
    %scan3A_5 = arith.addi %scan3A_3, %scan3A_4 : i32
    %scan3A_6 = arith.constant 1 : i32
    %scan3A_7 = scf.for %scan3A_9 = %scan3A_3 to %scan3A_5 step %scan3A_6 iter_args(%scan3A_10 = %scan3A) -> (i32)  : i32 {
      %mul3A_11 = arith.constant 2 : i32
      %mul3A_12 = arith.muli %scan3A_9, %mul3A_11 : i32
      %mul3A_13 = arith.constant 128 : i32
      %mul3A_14 = arith.muli %mul3A_12, %mul3A_13 : i32
      %add3A_15 = arith.addi %mul3A_2, %mul3A_14 : i32
      "tpu.region"() ({
        %run_scoped3A = tpu.sem_alloc : memref<!tpu.dma_semaphore, #tpu.memory_space<semaphore_mem>>
        %dma_start3A_31 = tpu.memref_slice %arg3[%add3A_15] : memref<163840xi32, #tpu.memory_space<hbm>> -> memref<128xi32, #tpu.memory_space<hbm>>
        %dma_start3A_32 = tpu.memref_slice %arg3[%add3A_15] : memref<163840xi32, #tpu.memory_space<hbm>> -> memref<128xi32, #tpu.memory_space<hbm>>
        tpu.enqueue_dma source(%dma_start3A_32 : memref<128xi32, #tpu.memory_space<hbm>>) target(%arg5 : memref<128xi32, #tpu.memory_space<vmem>>) target_semaphore(%run_scoped3A : memref<!tpu.dma_semaphore, #tpu.memory_space<semaphore_mem>>)
        %dma_wait3A_33 = tpu.memref_slice %arg3[%add3A_15] : memref<163840xi32, #tpu.memory_space<hbm>> -> memref<128xi32, #tpu.memory_space<hbm>>
        %dma_wait3A_34 = tpu.memref_slice %arg3[%add3A_15] : memref<163840xi32, #tpu.memory_space<hbm>> -> memref<128xi32, #tpu.memory_space<hbm>>
        tpu.wait_dma2 semaphore(%run_scoped3A : memref<!tpu.dma_semaphore, #tpu.memory_space<semaphore_mem>>) src(%dma_wait3A_34 : memref<128xi32, #tpu.memory_space<hbm>>) dst(%arg5 : memref<128xi32, #tpu.memory_space<vmem>>)
        tpu.yield
      }) : () -> ()
      %dma_start3A = arith.constant 0 : i32
      %dma_start3A_16 = arith.constant 0 : i32
      %dma_start3A_17 = tpu.memref_slice %arg2[%dma_start3A, %dma_start3A_16] : memref<8192x16xf32, #tpu.memory_space<hbm>> -> memref<8192x16xf32, #tpu.memory_space<hbm>>
      tpu.enqueue_indirect_dma source(%dma_start3A_17 : memref<8192x16xf32, #tpu.memory_space<hbm>>) target(%arg6 : memref<128x16xf32, #tpu.memory_space<vmem>>) offsets(%arg5 : memref<128xi32, #tpu.memory_space<vmem>>) semaphore(%arg9 : memref<!tpu.dma_semaphore, #tpu.memory_space<semaphore_mem>>)
      %add3A_18 = arith.constant 128 : i32
      %add3A_19 = arith.addi %add3A_15, %add3A_18 : i32
      "tpu.region"() ({
        %run_scoped3A = tpu.sem_alloc : memref<!tpu.dma_semaphore, #tpu.memory_space<semaphore_mem>>
        %dma_start3A_31 = tpu.memref_slice %arg3[%add3A_19] : memref<163840xi32, #tpu.memory_space<hbm>> -> memref<128xi32, #tpu.memory_space<hbm>>
        %dma_start3A_32 = tpu.memref_slice %arg3[%add3A_19] : memref<163840xi32, #tpu.memory_space<hbm>> -> memref<128xi32, #tpu.memory_space<hbm>>
        tpu.enqueue_dma source(%dma_start3A_32 : memref<128xi32, #tpu.memory_space<hbm>>) target(%arg7 : memref<128xi32, #tpu.memory_space<vmem>>) target_semaphore(%run_scoped3A : memref<!tpu.dma_semaphore, #tpu.memory_space<semaphore_mem>>)
        %dma_wait3A_33 = tpu.memref_slice %arg3[%add3A_19] : memref<163840xi32, #tpu.memory_space<hbm>> -> memref<128xi32, #tpu.memory_space<hbm>>
        %dma_wait3A_34 = tpu.memref_slice %arg3[%add3A_19] : memref<163840xi32, #tpu.memory_space<hbm>> -> memref<128xi32, #tpu.memory_space<hbm>>
        tpu.wait_dma2 semaphore(%run_scoped3A : memref<!tpu.dma_semaphore, #tpu.memory_space<semaphore_mem>>) src(%dma_wait3A_34 : memref<128xi32, #tpu.memory_space<hbm>>) dst(%arg7 : memref<128xi32, #tpu.memory_space<vmem>>)
        tpu.yield
      }) : () -> ()
      %dma_start3A_20 = arith.constant 0 : i32
      %dma_start3A_21 = arith.constant 0 : i32
      %dma_start3A_22 = tpu.memref_slice %arg2[%dma_start3A_20, %dma_start3A_21] : memref<8192x16xf32, #tpu.memory_space<hbm>> -> memref<8192x16xf32, #tpu.memory_space<hbm>>
      tpu.enqueue_indirect_dma source(%dma_start3A_22 : memref<8192x16xf32, #tpu.memory_space<hbm>>) target(%arg8 : memref<128x16xf32, #tpu.memory_space<vmem>>) offsets(%arg7 : memref<128xi32, #tpu.memory_space<vmem>>) semaphore(%arg10 : memref<!tpu.dma_semaphore, #tpu.memory_space<semaphore_mem>>)
      %dma_wait3A = arith.constant 0 : i32
      %dma_wait3A_23 = arith.constant 0 : i32
      %dma_wait3A_24 = tpu.memref_slice %arg2[%dma_wait3A, %dma_wait3A_23] : memref<8192x16xf32, #tpu.memory_space<hbm>> -> memref<8192x16xf32, #tpu.memory_space<hbm>>
      tpu.wait_indirect_dma semaphore(%arg9 : memref<!tpu.dma_semaphore, #tpu.memory_space<semaphore_mem>>) src(%dma_wait3A_24 : memref<8192x16xf32, #tpu.memory_space<hbm>>) dst(%arg6 : memref<128x16xf32, #tpu.memory_space<vmem>>)
      "tpu.region"() ({
        %run_scoped3A = tpu.sem_alloc : memref<!tpu.dma_semaphore, #tpu.memory_space<semaphore_mem>>
        %dma_start3A_31 = arith.constant 0 : i32
        %dma_start3A_32 = tpu.memref_slice %arg4[%add3A_15, %dma_start3A_31] : memref<163840x16xf32, #tpu.memory_space<hbm>> -> memref<128x16xf32, #tpu.memory_space<hbm>>
        %dma_start3A_33 = arith.constant 0 : i32
        %dma_start3A_34 = tpu.memref_slice %arg4[%add3A_15, %dma_start3A_33] : memref<163840x16xf32, #tpu.memory_space<hbm>> -> memref<128x16xf32, #tpu.memory_space<hbm>>
        tpu.enqueue_dma source(%arg6 : memref<128x16xf32, #tpu.memory_space<vmem>>) target(%dma_start3A_34 : memref<128x16xf32, #tpu.memory_space<hbm>>) target_semaphore(%run_scoped3A : memref<!tpu.dma_semaphore, #tpu.memory_space<semaphore_mem>>)
        %dma_wait3A_35 = arith.constant 0 : i32
        %dma_wait3A_36 = tpu.memref_slice %arg4[%add3A_15, %dma_wait3A_35] : memref<163840x16xf32, #tpu.memory_space<hbm>> -> memref<128x16xf32, #tpu.memory_space<hbm>>
        %dma_wait3A_37 = arith.constant 0 : i32
        %dma_wait3A_38 = tpu.memref_slice %arg4[%add3A_15, %dma_wait3A_37] : memref<163840x16xf32, #tpu.memory_space<hbm>> -> memref<128x16xf32, #tpu.memory_space<hbm>>
        tpu.wait_dma2 semaphore(%run_scoped3A : memref<!tpu.dma_semaphore, #tpu.memory_space<semaphore_mem>>) src(%arg6 : memref<128x16xf32, #tpu.memory_space<vmem>>) dst(%dma_wait3A_38 : memref<128x16xf32, #tpu.memory_space<hbm>>)
        tpu.yield
      }) : () -> ()
      %dma_wait3A_25 = arith.constant 0 : i32
      %dma_wait3A_26 = arith.constant 0 : i32
      %dma_wait3A_27 = tpu.memref_slice %arg2[%dma_wait3A_25, %dma_wait3A_26] : memref<8192x16xf32, #tpu.memory_space<hbm>> -> memref<8192x16xf32, #tpu.memory_space<hbm>>
      tpu.wait_indirect_dma semaphore(%arg10 : memref<!tpu.dma_semaphore, #tpu.memory_space<semaphore_mem>>) src(%dma_wait3A_27 : memref<8192x16xf32, #tpu.memory_space<hbm>>) dst(%arg8 : memref<128x16xf32, #tpu.memory_space<vmem>>)
      %add3A_28 = arith.constant 128 : i32
      %add3A_29 = arith.addi %add3A_15, %add3A_28 : i32
      "tpu.region"() ({
        %run_scoped3A = tpu.sem_alloc : memref<!tpu.dma_semaphore, #tpu.memory_space<semaphore_mem>>
        %dma_start3A_31 = arith.constant 0 : i32
        %dma_start3A_32 = tpu.memref_slice %arg4[%add3A_29, %dma_start3A_31] : memref<163840x16xf32, #tpu.memory_space<hbm>> -> memref<128x16xf32, #tpu.memory_space<hbm>>
        %dma_start3A_33 = arith.constant 0 : i32
        %dma_start3A_34 = tpu.memref_slice %arg4[%add3A_29, %dma_start3A_33] : memref<163840x16xf32, #tpu.memory_space<hbm>> -> memref<128x16xf32, #tpu.memory_space<hbm>>
        tpu.enqueue_dma source(%arg8 : memref<128x16xf32, #tpu.memory_space<vmem>>) target(%dma_start3A_34 : memref<128x16xf32, #tpu.memory_space<hbm>>) target_semaphore(%run_scoped3A : memref<!tpu.dma_semaphore, #tpu.memory_space<semaphore_mem>>)
        %dma_wait3A_35 = arith.constant 0 : i32
        %dma_wait3A_36 = tpu.memref_slice %arg4[%add3A_29, %dma_wait3A_35] : memref<163840x16xf32, #tpu.memory_space<hbm>> -> memref<128x16xf32, #tpu.memory_space<hbm>>
        %dma_wait3A_37 = arith.constant 0 : i32
        %dma_wait3A_38 = tpu.memref_slice %arg4[%add3A_29, %dma_wait3A_37] : memref<163840x16xf32, #tpu.memory_space<hbm>> -> memref<128x16xf32, #tpu.memory_space<hbm>>
        tpu.wait_dma2 semaphore(%run_scoped3A : memref<!tpu.dma_semaphore, #tpu.memory_space<semaphore_mem>>) src(%arg8 : memref<128x16xf32, #tpu.memory_space<vmem>>) dst(%dma_wait3A_38 : memref<128x16xf32, #tpu.memory_space<hbm>>)
        tpu.yield
      }) : () -> ()
      %scan3A_30 = arith.constant 0 : i32
      scf.yield %scan3A_30 : i32
    }
    %scan3A_8 = arith.constant 20 : i32
    return
  }
}

#map = affine_map<(d0, d1) -> (0, 0)>
#map1 = affine_map<(d0, d1) -> (0)>
module attributes {stable_mosaic.version = 14 : i64} {
  func.func @gk(%arg0: i32, %arg1: i32, %arg2: memref<8192x64xf32, #tpu.memory_space<hbm>>, %arg3: memref<163840xi32, #tpu.memory_space<hbm>>, %arg4: memref<163840x64xf32, #tpu.memory_space<hbm>>, %arg5: memref<128xi32, #tpu.memory_space<vmem>>, %arg6: memref<128x64xf32, #tpu.memory_space<vmem>>, %arg7: memref<128xi32, #tpu.memory_space<vmem>>, %arg8: memref<128x64xf32, #tpu.memory_space<vmem>>, %arg9: memref<!tpu.dma_semaphore, #tpu.memory_space<semaphore_mem>>, %arg10: memref<!tpu.dma_semaphore, #tpu.memory_space<semaphore_mem>>) attributes {dimension_semantics = [#tpu.dimension_semantics<core_parallel>, #tpu.dimension_semantics<subcore_parallel>], iteration_bounds = array<i64: 2, 16>, scalar_prefetch = 0 : i64, scratch_operands = 6 : i64, tpu.core_type = #tpu.core_type<sc_vector_subcore>, window_params = [{transform_indices = #map}, {transform_indices = #map1}, {transform_indices = #map}]} {
    %mul3A = arith.constant 2 : i32
    %mul3A_0 = arith.muli %arg1, %mul3A : i32
    %add3A = arith.addi %mul3A_0, %arg0 : i32
    %mul3A_1 = arith.constant 5120 : i32
    %mul3A_2 = arith.muli %add3A, %mul3A_1 : i32
    %scan3A = arith.constant 0 : i32
    %scan3A_3 = arith.constant 0 : i32
    %scan3A_4 = arith.constant 20 : i32
    %scan3A_5 = arith.addi %scan3A_3, %scan3A_4 : i32
    %scan3A_6 = arith.constant 1 : i32
    %scan3A_7 = scf.for %scan3A_9 = %scan3A_3 to %scan3A_5 step %scan3A_6 iter_args(%scan3A_10 = %scan3A) -> (i32)  : i32 {
      %mul3A_11 = arith.constant 2 : i32
      %mul3A_12 = arith.muli %scan3A_9, %mul3A_11 : i32
      %mul3A_13 = arith.constant 128 : i32
      %mul3A_14 = arith.muli %mul3A_12, %mul3A_13 : i32
      %add3A_15 = arith.addi %mul3A_2, %mul3A_14 : i32
      "tpu.region"() ({
        %run_scoped3A = tpu.sem_alloc : memref<!tpu.dma_semaphore, #tpu.memory_space<semaphore_mem>>
        %dma_start3A_31 = tpu.memref_slice %arg3[%add3A_15] : memref<163840xi32, #tpu.memory_space<hbm>> -> memref<128xi32, #tpu.memory_space<hbm>>
        %dma_start3A_32 = tpu.memref_slice %arg3[%add3A_15] : memref<163840xi32, #tpu.memory_space<hbm>> -> memref<128xi32, #tpu.memory_space<hbm>>
        tpu.enqueue_dma source(%dma_start3A_32 : memref<128xi32, #tpu.memory_space<hbm>>) target(%arg5 : memref<128xi32, #tpu.memory_space<vmem>>) target_semaphore(%run_scoped3A : memref<!tpu.dma_semaphore, #tpu.memory_space<semaphore_mem>>)
        %dma_wait3A_33 = tpu.memref_slice %arg3[%add3A_15] : memref<163840xi32, #tpu.memory_space<hbm>> -> memref<128xi32, #tpu.memory_space<hbm>>
        %dma_wait3A_34 = tpu.memref_slice %arg3[%add3A_15] : memref<163840xi32, #tpu.memory_space<hbm>> -> memref<128xi32, #tpu.memory_space<hbm>>
        tpu.wait_dma2 semaphore(%run_scoped3A : memref<!tpu.dma_semaphore, #tpu.memory_space<semaphore_mem>>) src(%dma_wait3A_34 : memref<128xi32, #tpu.memory_space<hbm>>) dst(%arg5 : memref<128xi32, #tpu.memory_space<vmem>>)
        tpu.yield
      }) : () -> ()
      %dma_start3A = arith.constant 0 : i32
      %dma_start3A_16 = arith.constant 0 : i32
      %dma_start3A_17 = tpu.memref_slice %arg2[%dma_start3A, %dma_start3A_16] : memref<8192x64xf32, #tpu.memory_space<hbm>> -> memref<8192x64xf32, #tpu.memory_space<hbm>>
      tpu.enqueue_indirect_dma source(%dma_start3A_17 : memref<8192x64xf32, #tpu.memory_space<hbm>>) target(%arg6 : memref<128x64xf32, #tpu.memory_space<vmem>>) offsets(%arg5 : memref<128xi32, #tpu.memory_space<vmem>>) semaphore(%arg9 : memref<!tpu.dma_semaphore, #tpu.memory_space<semaphore_mem>>)
      %add3A_18 = arith.constant 128 : i32
      %add3A_19 = arith.addi %add3A_15, %add3A_18 : i32
      "tpu.region"() ({
        %run_scoped3A = tpu.sem_alloc : memref<!tpu.dma_semaphore, #tpu.memory_space<semaphore_mem>>
        %dma_start3A_31 = tpu.memref_slice %arg3[%add3A_19] : memref<163840xi32, #tpu.memory_space<hbm>> -> memref<128xi32, #tpu.memory_space<hbm>>
        %dma_start3A_32 = tpu.memref_slice %arg3[%add3A_19] : memref<163840xi32, #tpu.memory_space<hbm>> -> memref<128xi32, #tpu.memory_space<hbm>>
        tpu.enqueue_dma source(%dma_start3A_32 : memref<128xi32, #tpu.memory_space<hbm>>) target(%arg7 : memref<128xi32, #tpu.memory_space<vmem>>) target_semaphore(%run_scoped3A : memref<!tpu.dma_semaphore, #tpu.memory_space<semaphore_mem>>)
        %dma_wait3A_33 = tpu.memref_slice %arg3[%add3A_19] : memref<163840xi32, #tpu.memory_space<hbm>> -> memref<128xi32, #tpu.memory_space<hbm>>
        %dma_wait3A_34 = tpu.memref_slice %arg3[%add3A_19] : memref<163840xi32, #tpu.memory_space<hbm>> -> memref<128xi32, #tpu.memory_space<hbm>>
        tpu.wait_dma2 semaphore(%run_scoped3A : memref<!tpu.dma_semaphore, #tpu.memory_space<semaphore_mem>>) src(%dma_wait3A_34 : memref<128xi32, #tpu.memory_space<hbm>>) dst(%arg7 : memref<128xi32, #tpu.memory_space<vmem>>)
        tpu.yield
      }) : () -> ()
      %dma_start3A_20 = arith.constant 0 : i32
      %dma_start3A_21 = arith.constant 0 : i32
      %dma_start3A_22 = tpu.memref_slice %arg2[%dma_start3A_20, %dma_start3A_21] : memref<8192x64xf32, #tpu.memory_space<hbm>> -> memref<8192x64xf32, #tpu.memory_space<hbm>>
      tpu.enqueue_indirect_dma source(%dma_start3A_22 : memref<8192x64xf32, #tpu.memory_space<hbm>>) target(%arg8 : memref<128x64xf32, #tpu.memory_space<vmem>>) offsets(%arg7 : memref<128xi32, #tpu.memory_space<vmem>>) semaphore(%arg10 : memref<!tpu.dma_semaphore, #tpu.memory_space<semaphore_mem>>)
      %dma_wait3A = arith.constant 0 : i32
      %dma_wait3A_23 = arith.constant 0 : i32
      %dma_wait3A_24 = tpu.memref_slice %arg2[%dma_wait3A, %dma_wait3A_23] : memref<8192x64xf32, #tpu.memory_space<hbm>> -> memref<8192x64xf32, #tpu.memory_space<hbm>>
      tpu.wait_indirect_dma semaphore(%arg9 : memref<!tpu.dma_semaphore, #tpu.memory_space<semaphore_mem>>) src(%dma_wait3A_24 : memref<8192x64xf32, #tpu.memory_space<hbm>>) dst(%arg6 : memref<128x64xf32, #tpu.memory_space<vmem>>)
      "tpu.region"() ({
        %run_scoped3A = tpu.sem_alloc : memref<!tpu.dma_semaphore, #tpu.memory_space<semaphore_mem>>
        %dma_start3A_31 = arith.constant 0 : i32
        %dma_start3A_32 = tpu.memref_slice %arg4[%add3A_15, %dma_start3A_31] : memref<163840x64xf32, #tpu.memory_space<hbm>> -> memref<128x64xf32, #tpu.memory_space<hbm>>
        %dma_start3A_33 = arith.constant 0 : i32
        %dma_start3A_34 = tpu.memref_slice %arg4[%add3A_15, %dma_start3A_33] : memref<163840x64xf32, #tpu.memory_space<hbm>> -> memref<128x64xf32, #tpu.memory_space<hbm>>
        tpu.enqueue_dma source(%arg6 : memref<128x64xf32, #tpu.memory_space<vmem>>) target(%dma_start3A_34 : memref<128x64xf32, #tpu.memory_space<hbm>>) target_semaphore(%run_scoped3A : memref<!tpu.dma_semaphore, #tpu.memory_space<semaphore_mem>>)
        %dma_wait3A_35 = arith.constant 0 : i32
        %dma_wait3A_36 = tpu.memref_slice %arg4[%add3A_15, %dma_wait3A_35] : memref<163840x64xf32, #tpu.memory_space<hbm>> -> memref<128x64xf32, #tpu.memory_space<hbm>>
        %dma_wait3A_37 = arith.constant 0 : i32
        %dma_wait3A_38 = tpu.memref_slice %arg4[%add3A_15, %dma_wait3A_37] : memref<163840x64xf32, #tpu.memory_space<hbm>> -> memref<128x64xf32, #tpu.memory_space<hbm>>
        tpu.wait_dma2 semaphore(%run_scoped3A : memref<!tpu.dma_semaphore, #tpu.memory_space<semaphore_mem>>) src(%arg6 : memref<128x64xf32, #tpu.memory_space<vmem>>) dst(%dma_wait3A_38 : memref<128x64xf32, #tpu.memory_space<hbm>>)
        tpu.yield
      }) : () -> ()
      %dma_wait3A_25 = arith.constant 0 : i32
      %dma_wait3A_26 = arith.constant 0 : i32
      %dma_wait3A_27 = tpu.memref_slice %arg2[%dma_wait3A_25, %dma_wait3A_26] : memref<8192x64xf32, #tpu.memory_space<hbm>> -> memref<8192x64xf32, #tpu.memory_space<hbm>>
      tpu.wait_indirect_dma semaphore(%arg10 : memref<!tpu.dma_semaphore, #tpu.memory_space<semaphore_mem>>) src(%dma_wait3A_27 : memref<8192x64xf32, #tpu.memory_space<hbm>>) dst(%arg8 : memref<128x64xf32, #tpu.memory_space<vmem>>)
      %add3A_28 = arith.constant 128 : i32
      %add3A_29 = arith.addi %add3A_15, %add3A_28 : i32
      "tpu.region"() ({
        %run_scoped3A = tpu.sem_alloc : memref<!tpu.dma_semaphore, #tpu.memory_space<semaphore_mem>>
        %dma_start3A_31 = arith.constant 0 : i32
        %dma_start3A_32 = tpu.memref_slice %arg4[%add3A_29, %dma_start3A_31] : memref<163840x64xf32, #tpu.memory_space<hbm>> -> memref<128x64xf32, #tpu.memory_space<hbm>>
        %dma_start3A_33 = arith.constant 0 : i32
        %dma_start3A_34 = tpu.memref_slice %arg4[%add3A_29, %dma_start3A_33] : memref<163840x64xf32, #tpu.memory_space<hbm>> -> memref<128x64xf32, #tpu.memory_space<hbm>>
        tpu.enqueue_dma source(%arg8 : memref<128x64xf32, #tpu.memory_space<vmem>>) target(%dma_start3A_34 : memref<128x64xf32, #tpu.memory_space<hbm>>) target_semaphore(%run_scoped3A : memref<!tpu.dma_semaphore, #tpu.memory_space<semaphore_mem>>)
        %dma_wait3A_35 = arith.constant 0 : i32
        %dma_wait3A_36 = tpu.memref_slice %arg4[%add3A_29, %dma_wait3A_35] : memref<163840x64xf32, #tpu.memory_space<hbm>> -> memref<128x64xf32, #tpu.memory_space<hbm>>
        %dma_wait3A_37 = arith.constant 0 : i32
        %dma_wait3A_38 = tpu.memref_slice %arg4[%add3A_29, %dma_wait3A_37] : memref<163840x64xf32, #tpu.memory_space<hbm>> -> memref<128x64xf32, #tpu.memory_space<hbm>>
        tpu.wait_dma2 semaphore(%run_scoped3A : memref<!tpu.dma_semaphore, #tpu.memory_space<semaphore_mem>>) src(%arg8 : memref<128x64xf32, #tpu.memory_space<vmem>>) dst(%dma_wait3A_38 : memref<128x64xf32, #tpu.memory_space<hbm>>)
        tpu.yield
      }) : () -> ()
      %scan3A_30 = arith.constant 0 : i32
      scf.yield %scan3A_30 : i32
    }
    %scan3A_8 = arith.constant 20 : i32
    return
  }
}

#map = affine_map<(d0, d1) -> (0, 0)>
#map1 = affine_map<(d0, d1) -> (0)>
module attributes {stable_mosaic.version = 14 : i64} {
  func.func @gk(%arg0: i32, %arg1: i32, %arg2: memref<8192x16xf32, #tpu.memory_space<hbm>>, %arg3: memref<163840xi32, #tpu.memory_space<hbm>>, %arg4: memref<163840x16xf32, #tpu.memory_space<hbm>>, %arg5: memref<128xi32, #tpu.memory_space<vmem>>, %arg6: memref<128x16xf32, #tpu.memory_space<vmem>>, %arg7: memref<128xi32, #tpu.memory_space<vmem>>, %arg8: memref<128x16xf32, #tpu.memory_space<vmem>>, %arg9: memref<!tpu.dma_semaphore, #tpu.memory_space<semaphore_mem>>, %arg10: memref<!tpu.dma_semaphore, #tpu.memory_space<semaphore_mem>>) attributes {dimension_semantics = [#tpu.dimension_semantics<core_parallel>, #tpu.dimension_semantics<subcore_parallel>], iteration_bounds = array<i64: 2, 16>, scalar_prefetch = 0 : i64, scratch_operands = 6 : i64, tpu.core_type = #tpu.core_type<sc_vector_subcore>, window_params = [{transform_indices = #map}, {transform_indices = #map1}, {transform_indices = #map}]} {
    %mul3A = arith.constant 2 : i32
    %mul3A_0 = arith.muli %arg1, %mul3A : i32
    %add3A = arith.addi %mul3A_0, %arg0 : i32
    %mul3A_1 = arith.constant 5120 : i32
    %mul3A_2 = arith.muli %add3A, %mul3A_1 : i32
    %scan3A = arith.constant 0 : i32
    %scan3A_3 = arith.constant 0 : i32
    %scan3A_4 = arith.constant 20 : i32
    %scan3A_5 = arith.addi %scan3A_3, %scan3A_4 : i32
    %scan3A_6 = arith.constant 1 : i32
    %scan3A_7 = scf.for %scan3A_9 = %scan3A_3 to %scan3A_5 step %scan3A_6 iter_args(%scan3A_10 = %scan3A) -> (i32)  : i32 {
      %mul3A_11 = arith.constant 2 : i32
      %mul3A_12 = arith.muli %scan3A_9, %mul3A_11 : i32
      %mul3A_13 = arith.constant 128 : i32
      %mul3A_14 = arith.muli %mul3A_12, %mul3A_13 : i32
      %add3A_15 = arith.addi %mul3A_2, %mul3A_14 : i32
      "tpu.region"() ({
        %run_scoped3A = tpu.sem_alloc : memref<!tpu.dma_semaphore, #tpu.memory_space<semaphore_mem>>
        %dma_start3A_31 = tpu.memref_slice %arg3[%add3A_15] : memref<163840xi32, #tpu.memory_space<hbm>> -> memref<128xi32, #tpu.memory_space<hbm>>
        %dma_start3A_32 = tpu.memref_slice %arg3[%add3A_15] : memref<163840xi32, #tpu.memory_space<hbm>> -> memref<128xi32, #tpu.memory_space<hbm>>
        tpu.enqueue_dma source(%dma_start3A_32 : memref<128xi32, #tpu.memory_space<hbm>>) target(%arg5 : memref<128xi32, #tpu.memory_space<vmem>>) target_semaphore(%run_scoped3A : memref<!tpu.dma_semaphore, #tpu.memory_space<semaphore_mem>>)
        %dma_wait3A_33 = tpu.memref_slice %arg3[%add3A_15] : memref<163840xi32, #tpu.memory_space<hbm>> -> memref<128xi32, #tpu.memory_space<hbm>>
        %dma_wait3A_34 = tpu.memref_slice %arg3[%add3A_15] : memref<163840xi32, #tpu.memory_space<hbm>> -> memref<128xi32, #tpu.memory_space<hbm>>
        tpu.wait_dma2 semaphore(%run_scoped3A : memref<!tpu.dma_semaphore, #tpu.memory_space<semaphore_mem>>) src(%dma_wait3A_34 : memref<128xi32, #tpu.memory_space<hbm>>) dst(%arg5 : memref<128xi32, #tpu.memory_space<vmem>>)
        tpu.yield
      }) : () -> ()
      %dma_start3A = arith.constant 0 : i32
      %dma_start3A_16 = arith.constant 0 : i32
      %dma_start3A_17 = tpu.memref_slice %arg2[%dma_start3A, %dma_start3A_16] : memref<8192x16xf32, #tpu.memory_space<hbm>> -> memref<8192x16xf32, #tpu.memory_space<hbm>>
      tpu.enqueue_indirect_dma source(%dma_start3A_17 : memref<8192x16xf32, #tpu.memory_space<hbm>>) target(%arg6 : memref<128x16xf32, #tpu.memory_space<vmem>>) offsets(%arg5 : memref<128xi32, #tpu.memory_space<vmem>>) semaphore(%arg9 : memref<!tpu.dma_semaphore, #tpu.memory_space<semaphore_mem>>)
      %add3A_18 = arith.constant 128 : i32
      %add3A_19 = arith.addi %add3A_15, %add3A_18 : i32
      "tpu.region"() ({
        %run_scoped3A = tpu.sem_alloc : memref<!tpu.dma_semaphore, #tpu.memory_space<semaphore_mem>>
        %dma_start3A_31 = tpu.memref_slice %arg3[%add3A_19] : memref<163840xi32, #tpu.memory_space<hbm>> -> memref<128xi32, #tpu.memory_space<hbm>>
        %dma_start3A_32 = tpu.memref_slice %arg3[%add3A_19] : memref<163840xi32, #tpu.memory_space<hbm>> -> memref<128xi32, #tpu.memory_space<hbm>>
        tpu.enqueue_dma source(%dma_start3A_32 : memref<128xi32, #tpu.memory_space<hbm>>) target(%arg7 : memref<128xi32, #tpu.memory_space<vmem>>) target_semaphore(%run_scoped3A : memref<!tpu.dma_semaphore, #tpu.memory_space<semaphore_mem>>)
        %dma_wait3A_33 = tpu.memref_slice %arg3[%add3A_19] : memref<163840xi32, #tpu.memory_space<hbm>> -> memref<128xi32, #tpu.memory_space<hbm>>
        %dma_wait3A_34 = tpu.memref_slice %arg3[%add3A_19] : memref<163840xi32, #tpu.memory_space<hbm>> -> memref<128xi32, #tpu.memory_space<hbm>>
        tpu.wait_dma2 semaphore(%run_scoped3A : memref<!tpu.dma_semaphore, #tpu.memory_space<semaphore_mem>>) src(%dma_wait3A_34 : memref<128xi32, #tpu.memory_space<hbm>>) dst(%arg7 : memref<128xi32, #tpu.memory_space<vmem>>)
        tpu.yield
      }) : () -> ()
      %dma_start3A_20 = arith.constant 0 : i32
      %dma_start3A_21 = arith.constant 0 : i32
      %dma_start3A_22 = tpu.memref_slice %arg2[%dma_start3A_20, %dma_start3A_21] : memref<8192x16xf32, #tpu.memory_space<hbm>> -> memref<8192x16xf32, #tpu.memory_space<hbm>>
      tpu.enqueue_indirect_dma source(%dma_start3A_22 : memref<8192x16xf32, #tpu.memory_space<hbm>>) target(%arg8 : memref<128x16xf32, #tpu.memory_space<vmem>>) offsets(%arg7 : memref<128xi32, #tpu.memory_space<vmem>>) semaphore(%arg10 : memref<!tpu.dma_semaphore, #tpu.memory_space<semaphore_mem>>)
      %dma_wait3A = arith.constant 0 : i32
      %dma_wait3A_23 = arith.constant 0 : i32
      %dma_wait3A_24 = tpu.memref_slice %arg2[%dma_wait3A, %dma_wait3A_23] : memref<8192x16xf32, #tpu.memory_space<hbm>> -> memref<8192x16xf32, #tpu.memory_space<hbm>>
      tpu.wait_indirect_dma semaphore(%arg9 : memref<!tpu.dma_semaphore, #tpu.memory_space<semaphore_mem>>) src(%dma_wait3A_24 : memref<8192x16xf32, #tpu.memory_space<hbm>>) dst(%arg6 : memref<128x16xf32, #tpu.memory_space<vmem>>)
      "tpu.region"() ({
        %run_scoped3A = tpu.sem_alloc : memref<!tpu.dma_semaphore, #tpu.memory_space<semaphore_mem>>
        %dma_start3A_31 = arith.constant 0 : i32
        %dma_start3A_32 = tpu.memref_slice %arg4[%add3A_15, %dma_start3A_31] : memref<163840x16xf32, #tpu.memory_space<hbm>> -> memref<128x16xf32, #tpu.memory_space<hbm>>
        %dma_start3A_33 = arith.constant 0 : i32
        %dma_start3A_34 = tpu.memref_slice %arg4[%add3A_15, %dma_start3A_33] : memref<163840x16xf32, #tpu.memory_space<hbm>> -> memref<128x16xf32, #tpu.memory_space<hbm>>
        tpu.enqueue_dma source(%arg6 : memref<128x16xf32, #tpu.memory_space<vmem>>) target(%dma_start3A_34 : memref<128x16xf32, #tpu.memory_space<hbm>>) target_semaphore(%run_scoped3A : memref<!tpu.dma_semaphore, #tpu.memory_space<semaphore_mem>>)
        %dma_wait3A_35 = arith.constant 0 : i32
        %dma_wait3A_36 = tpu.memref_slice %arg4[%add3A_15, %dma_wait3A_35] : memref<163840x16xf32, #tpu.memory_space<hbm>> -> memref<128x16xf32, #tpu.memory_space<hbm>>
        %dma_wait3A_37 = arith.constant 0 : i32
        %dma_wait3A_38 = tpu.memref_slice %arg4[%add3A_15, %dma_wait3A_37] : memref<163840x16xf32, #tpu.memory_space<hbm>> -> memref<128x16xf32, #tpu.memory_space<hbm>>
        tpu.wait_dma2 semaphore(%run_scoped3A : memref<!tpu.dma_semaphore, #tpu.memory_space<semaphore_mem>>) src(%arg6 : memref<128x16xf32, #tpu.memory_space<vmem>>) dst(%dma_wait3A_38 : memref<128x16xf32, #tpu.memory_space<hbm>>)
        tpu.yield
      }) : () -> ()
      %dma_wait3A_25 = arith.constant 0 : i32
      %dma_wait3A_26 = arith.constant 0 : i32
      %dma_wait3A_27 = tpu.memref_slice %arg2[%dma_wait3A_25, %dma_wait3A_26] : memref<8192x16xf32, #tpu.memory_space<hbm>> -> memref<8192x16xf32, #tpu.memory_space<hbm>>
      tpu.wait_indirect_dma semaphore(%arg10 : memref<!tpu.dma_semaphore, #tpu.memory_space<semaphore_mem>>) src(%dma_wait3A_27 : memref<8192x16xf32, #tpu.memory_space<hbm>>) dst(%arg8 : memref<128x16xf32, #tpu.memory_space<vmem>>)
      %add3A_28 = arith.constant 128 : i32
      %add3A_29 = arith.addi %add3A_15, %add3A_28 : i32
      "tpu.region"() ({
        %run_scoped3A = tpu.sem_alloc : memref<!tpu.dma_semaphore, #tpu.memory_space<semaphore_mem>>
        %dma_start3A_31 = arith.constant 0 : i32
        %dma_start3A_32 = tpu.memref_slice %arg4[%add3A_29, %dma_start3A_31] : memref<163840x16xf32, #tpu.memory_space<hbm>> -> memref<128x16xf32, #tpu.memory_space<hbm>>
        %dma_start3A_33 = arith.constant 0 : i32
        %dma_start3A_34 = tpu.memref_slice %arg4[%add3A_29, %dma_start3A_33] : memref<163840x16xf32, #tpu.memory_space<hbm>> -> memref<128x16xf32, #tpu.memory_space<hbm>>
        tpu.enqueue_dma source(%arg8 : memref<128x16xf32, #tpu.memory_space<vmem>>) target(%dma_start3A_34 : memref<128x16xf32, #tpu.memory_space<hbm>>) target_semaphore(%run_scoped3A : memref<!tpu.dma_semaphore, #tpu.memory_space<semaphore_mem>>)
        %dma_wait3A_35 = arith.constant 0 : i32
        %dma_wait3A_36 = tpu.memref_slice %arg4[%add3A_29, %dma_wait3A_35] : memref<163840x16xf32, #tpu.memory_space<hbm>> -> memref<128x16xf32, #tpu.memory_space<hbm>>
        %dma_wait3A_37 = arith.constant 0 : i32
        %dma_wait3A_38 = tpu.memref_slice %arg4[%add3A_29, %dma_wait3A_37] : memref<163840x16xf32, #tpu.memory_space<hbm>> -> memref<128x16xf32, #tpu.memory_space<hbm>>
        tpu.wait_dma2 semaphore(%run_scoped3A : memref<!tpu.dma_semaphore, #tpu.memory_space<semaphore_mem>>) src(%arg8 : memref<128x16xf32, #tpu.memory_space<vmem>>) dst(%dma_wait3A_38 : memref<128x16xf32, #tpu.memory_space<hbm>>)
        tpu.yield
      }) : () -> ()
      %scan3A_30 = arith.constant 0 : i32
      scf.yield %scan3A_30 : i32
    }
    %scan3A_8 = arith.constant 20 : i32
    return
  }
}

#map = affine_map<(d0, d1) -> (0, 0)>
#map1 = affine_map<(d0, d1) -> (0)>
module attributes {stable_mosaic.version = 14 : i64} {
  func.func @gk(%arg0: i32, %arg1: i32, %arg2: memref<8192x64xf32, #tpu.memory_space<hbm>>, %arg3: memref<163840xi32, #tpu.memory_space<hbm>>, %arg4: memref<163840x64xf32, #tpu.memory_space<hbm>>, %arg5: memref<128xi32, #tpu.memory_space<vmem>>, %arg6: memref<128x64xf32, #tpu.memory_space<vmem>>, %arg7: memref<128xi32, #tpu.memory_space<vmem>>, %arg8: memref<128x64xf32, #tpu.memory_space<vmem>>, %arg9: memref<!tpu.dma_semaphore, #tpu.memory_space<semaphore_mem>>, %arg10: memref<!tpu.dma_semaphore, #tpu.memory_space<semaphore_mem>>) attributes {dimension_semantics = [#tpu.dimension_semantics<core_parallel>, #tpu.dimension_semantics<subcore_parallel>], iteration_bounds = array<i64: 2, 16>, scalar_prefetch = 0 : i64, scratch_operands = 6 : i64, tpu.core_type = #tpu.core_type<sc_vector_subcore>, window_params = [{transform_indices = #map}, {transform_indices = #map1}, {transform_indices = #map}]} {
    %mul3A = arith.constant 2 : i32
    %mul3A_0 = arith.muli %arg1, %mul3A : i32
    %add3A = arith.addi %mul3A_0, %arg0 : i32
    %mul3A_1 = arith.constant 5120 : i32
    %mul3A_2 = arith.muli %add3A, %mul3A_1 : i32
    %scan3A = arith.constant 0 : i32
    %scan3A_3 = arith.constant 0 : i32
    %scan3A_4 = arith.constant 20 : i32
    %scan3A_5 = arith.addi %scan3A_3, %scan3A_4 : i32
    %scan3A_6 = arith.constant 1 : i32
    %scan3A_7 = scf.for %scan3A_9 = %scan3A_3 to %scan3A_5 step %scan3A_6 iter_args(%scan3A_10 = %scan3A) -> (i32)  : i32 {
      %mul3A_11 = arith.constant 2 : i32
      %mul3A_12 = arith.muli %scan3A_9, %mul3A_11 : i32
      %mul3A_13 = arith.constant 128 : i32
      %mul3A_14 = arith.muli %mul3A_12, %mul3A_13 : i32
      %add3A_15 = arith.addi %mul3A_2, %mul3A_14 : i32
      "tpu.region"() ({
        %run_scoped3A = tpu.sem_alloc : memref<!tpu.dma_semaphore, #tpu.memory_space<semaphore_mem>>
        %dma_start3A_31 = tpu.memref_slice %arg3[%add3A_15] : memref<163840xi32, #tpu.memory_space<hbm>> -> memref<128xi32, #tpu.memory_space<hbm>>
        %dma_start3A_32 = tpu.memref_slice %arg3[%add3A_15] : memref<163840xi32, #tpu.memory_space<hbm>> -> memref<128xi32, #tpu.memory_space<hbm>>
        tpu.enqueue_dma source(%dma_start3A_32 : memref<128xi32, #tpu.memory_space<hbm>>) target(%arg5 : memref<128xi32, #tpu.memory_space<vmem>>) target_semaphore(%run_scoped3A : memref<!tpu.dma_semaphore, #tpu.memory_space<semaphore_mem>>)
        %dma_wait3A_33 = tpu.memref_slice %arg3[%add3A_15] : memref<163840xi32, #tpu.memory_space<hbm>> -> memref<128xi32, #tpu.memory_space<hbm>>
        %dma_wait3A_34 = tpu.memref_slice %arg3[%add3A_15] : memref<163840xi32, #tpu.memory_space<hbm>> -> memref<128xi32, #tpu.memory_space<hbm>>
        tpu.wait_dma2 semaphore(%run_scoped3A : memref<!tpu.dma_semaphore, #tpu.memory_space<semaphore_mem>>) src(%dma_wait3A_34 : memref<128xi32, #tpu.memory_space<hbm>>) dst(%arg5 : memref<128xi32, #tpu.memory_space<vmem>>)
        tpu.yield
      }) : () -> ()
      %dma_start3A = arith.constant 0 : i32
      %dma_start3A_16 = arith.constant 0 : i32
      %dma_start3A_17 = tpu.memref_slice %arg2[%dma_start3A, %dma_start3A_16] : memref<8192x64xf32, #tpu.memory_space<hbm>> -> memref<8192x64xf32, #tpu.memory_space<hbm>>
      tpu.enqueue_indirect_dma source(%dma_start3A_17 : memref<8192x64xf32, #tpu.memory_space<hbm>>) target(%arg6 : memref<128x64xf32, #tpu.memory_space<vmem>>) offsets(%arg5 : memref<128xi32, #tpu.memory_space<vmem>>) semaphore(%arg9 : memref<!tpu.dma_semaphore, #tpu.memory_space<semaphore_mem>>)
      %add3A_18 = arith.constant 128 : i32
      %add3A_19 = arith.addi %add3A_15, %add3A_18 : i32
      "tpu.region"() ({
        %run_scoped3A = tpu.sem_alloc : memref<!tpu.dma_semaphore, #tpu.memory_space<semaphore_mem>>
        %dma_start3A_31 = tpu.memref_slice %arg3[%add3A_19] : memref<163840xi32, #tpu.memory_space<hbm>> -> memref<128xi32, #tpu.memory_space<hbm>>
        %dma_start3A_32 = tpu.memref_slice %arg3[%add3A_19] : memref<163840xi32, #tpu.memory_space<hbm>> -> memref<128xi32, #tpu.memory_space<hbm>>
        tpu.enqueue_dma source(%dma_start3A_32 : memref<128xi32, #tpu.memory_space<hbm>>) target(%arg7 : memref<128xi32, #tpu.memory_space<vmem>>) target_semaphore(%run_scoped3A : memref<!tpu.dma_semaphore, #tpu.memory_space<semaphore_mem>>)
        %dma_wait3A_33 = tpu.memref_slice %arg3[%add3A_19] : memref<163840xi32, #tpu.memory_space<hbm>> -> memref<128xi32, #tpu.memory_space<hbm>>
        %dma_wait3A_34 = tpu.memref_slice %arg3[%add3A_19] : memref<163840xi32, #tpu.memory_space<hbm>> -> memref<128xi32, #tpu.memory_space<hbm>>
        tpu.wait_dma2 semaphore(%run_scoped3A : memref<!tpu.dma_semaphore, #tpu.memory_space<semaphore_mem>>) src(%dma_wait3A_34 : memref<128xi32, #tpu.memory_space<hbm>>) dst(%arg7 : memref<128xi32, #tpu.memory_space<vmem>>)
        tpu.yield
      }) : () -> ()
      %dma_start3A_20 = arith.constant 0 : i32
      %dma_start3A_21 = arith.constant 0 : i32
      %dma_start3A_22 = tpu.memref_slice %arg2[%dma_start3A_20, %dma_start3A_21] : memref<8192x64xf32, #tpu.memory_space<hbm>> -> memref<8192x64xf32, #tpu.memory_space<hbm>>
      tpu.enqueue_indirect_dma source(%dma_start3A_22 : memref<8192x64xf32, #tpu.memory_space<hbm>>) target(%arg8 : memref<128x64xf32, #tpu.memory_space<vmem>>) offsets(%arg7 : memref<128xi32, #tpu.memory_space<vmem>>) semaphore(%arg10 : memref<!tpu.dma_semaphore, #tpu.memory_space<semaphore_mem>>)
      %dma_wait3A = arith.constant 0 : i32
      %dma_wait3A_23 = arith.constant 0 : i32
      %dma_wait3A_24 = tpu.memref_slice %arg2[%dma_wait3A, %dma_wait3A_23] : memref<8192x64xf32, #tpu.memory_space<hbm>> -> memref<8192x64xf32, #tpu.memory_space<hbm>>
      tpu.wait_indirect_dma semaphore(%arg9 : memref<!tpu.dma_semaphore, #tpu.memory_space<semaphore_mem>>) src(%dma_wait3A_24 : memref<8192x64xf32, #tpu.memory_space<hbm>>) dst(%arg6 : memref<128x64xf32, #tpu.memory_space<vmem>>)
      "tpu.region"() ({
        %run_scoped3A = tpu.sem_alloc : memref<!tpu.dma_semaphore, #tpu.memory_space<semaphore_mem>>
        %dma_start3A_31 = arith.constant 0 : i32
        %dma_start3A_32 = tpu.memref_slice %arg4[%add3A_15, %dma_start3A_31] : memref<163840x64xf32, #tpu.memory_space<hbm>> -> memref<128x64xf32, #tpu.memory_space<hbm>>
        %dma_start3A_33 = arith.constant 0 : i32
        %dma_start3A_34 = tpu.memref_slice %arg4[%add3A_15, %dma_start3A_33] : memref<163840x64xf32, #tpu.memory_space<hbm>> -> memref<128x64xf32, #tpu.memory_space<hbm>>
        tpu.enqueue_dma source(%arg6 : memref<128x64xf32, #tpu.memory_space<vmem>>) target(%dma_start3A_34 : memref<128x64xf32, #tpu.memory_space<hbm>>) target_semaphore(%run_scoped3A : memref<!tpu.dma_semaphore, #tpu.memory_space<semaphore_mem>>)
        %dma_wait3A_35 = arith.constant 0 : i32
        %dma_wait3A_36 = tpu.memref_slice %arg4[%add3A_15, %dma_wait3A_35] : memref<163840x64xf32, #tpu.memory_space<hbm>> -> memref<128x64xf32, #tpu.memory_space<hbm>>
        %dma_wait3A_37 = arith.constant 0 : i32
        %dma_wait3A_38 = tpu.memref_slice %arg4[%add3A_15, %dma_wait3A_37] : memref<163840x64xf32, #tpu.memory_space<hbm>> -> memref<128x64xf32, #tpu.memory_space<hbm>>
        tpu.wait_dma2 semaphore(%run_scoped3A : memref<!tpu.dma_semaphore, #tpu.memory_space<semaphore_mem>>) src(%arg6 : memref<128x64xf32, #tpu.memory_space<vmem>>) dst(%dma_wait3A_38 : memref<128x64xf32, #tpu.memory_space<hbm>>)
        tpu.yield
      }) : () -> ()
      %dma_wait3A_25 = arith.constant 0 : i32
      %dma_wait3A_26 = arith.constant 0 : i32
      %dma_wait3A_27 = tpu.memref_slice %arg2[%dma_wait3A_25, %dma_wait3A_26] : memref<8192x64xf32, #tpu.memory_space<hbm>> -> memref<8192x64xf32, #tpu.memory_space<hbm>>
      tpu.wait_indirect_dma semaphore(%arg10 : memref<!tpu.dma_semaphore, #tpu.memory_space<semaphore_mem>>) src(%dma_wait3A_27 : memref<8192x64xf32, #tpu.memory_space<hbm>>) dst(%arg8 : memref<128x64xf32, #tpu.memory_space<vmem>>)
      %add3A_28 = arith.constant 128 : i32
      %add3A_29 = arith.addi %add3A_15, %add3A_28 : i32
      "tpu.region"() ({
        %run_scoped3A = tpu.sem_alloc : memref<!tpu.dma_semaphore, #tpu.memory_space<semaphore_mem>>
        %dma_start3A_31 = arith.constant 0 : i32
        %dma_start3A_32 = tpu.memref_slice %arg4[%add3A_29, %dma_start3A_31] : memref<163840x64xf32, #tpu.memory_space<hbm>> -> memref<128x64xf32, #tpu.memory_space<hbm>>
        %dma_start3A_33 = arith.constant 0 : i32
        %dma_start3A_34 = tpu.memref_slice %arg4[%add3A_29, %dma_start3A_33] : memref<163840x64xf32, #tpu.memory_space<hbm>> -> memref<128x64xf32, #tpu.memory_space<hbm>>
        tpu.enqueue_dma source(%arg8 : memref<128x64xf32, #tpu.memory_space<vmem>>) target(%dma_start3A_34 : memref<128x64xf32, #tpu.memory_space<hbm>>) target_semaphore(%run_scoped3A : memref<!tpu.dma_semaphore, #tpu.memory_space<semaphore_mem>>)
        %dma_wait3A_35 = arith.constant 0 : i32
        %dma_wait3A_36 = tpu.memref_slice %arg4[%add3A_29, %dma_wait3A_35] : memref<163840x64xf32, #tpu.memory_space<hbm>> -> memref<128x64xf32, #tpu.memory_space<hbm>>
        %dma_wait3A_37 = arith.constant 0 : i32
        %dma_wait3A_38 = tpu.memref_slice %arg4[%add3A_29, %dma_wait3A_37] : memref<163840x64xf32, #tpu.memory_space<hbm>> -> memref<128x64xf32, #tpu.memory_space<hbm>>
        tpu.wait_dma2 semaphore(%run_scoped3A : memref<!tpu.dma_semaphore, #tpu.memory_space<semaphore_mem>>) src(%arg8 : memref<128x64xf32, #tpu.memory_space<vmem>>) dst(%dma_wait3A_38 : memref<128x64xf32, #tpu.memory_space<hbm>>)
        tpu.yield
      }) : () -> ()
      %scan3A_30 = arith.constant 0 : i32
      scf.yield %scan3A_30 : i32
    }
    %scan3A_8 = arith.constant 20 : i32
    return
  }
}

#map = affine_map<(d0, d1) -> (0, 0)>
#map1 = affine_map<(d0, d1) -> (0)>
module attributes {stable_mosaic.version = 14 : i64} {
  func.func @gk(%arg0: i32, %arg1: i32, %arg2: memref<8192x64xf32, #tpu.memory_space<hbm>>, %arg3: memref<163840xi32, #tpu.memory_space<hbm>>, %arg4: memref<163840x64xf32, #tpu.memory_space<hbm>>, %arg5: memref<128xi32, #tpu.memory_space<vmem>>, %arg6: memref<128x64xf32, #tpu.memory_space<vmem>>, %arg7: memref<128xi32, #tpu.memory_space<vmem>>, %arg8: memref<128x64xf32, #tpu.memory_space<vmem>>, %arg9: memref<!tpu.dma_semaphore, #tpu.memory_space<semaphore_mem>>, %arg10: memref<!tpu.dma_semaphore, #tpu.memory_space<semaphore_mem>>) attributes {dimension_semantics = [#tpu.dimension_semantics<core_parallel>, #tpu.dimension_semantics<subcore_parallel>], iteration_bounds = array<i64: 2, 16>, scalar_prefetch = 0 : i64, scratch_operands = 6 : i64, tpu.core_type = #tpu.core_type<sc_vector_subcore>, window_params = [{transform_indices = #map}, {transform_indices = #map1}, {transform_indices = #map}]} {
    %mul3A = arith.constant 2 : i32
    %mul3A_0 = arith.muli %arg1, %mul3A : i32
    %add3A = arith.addi %mul3A_0, %arg0 : i32
    %mul3A_1 = arith.constant 5120 : i32
    %mul3A_2 = arith.muli %add3A, %mul3A_1 : i32
    %scan3A = arith.constant 0 : i32
    %scan3A_3 = arith.constant 0 : i32
    %scan3A_4 = arith.constant 20 : i32
    %scan3A_5 = arith.addi %scan3A_3, %scan3A_4 : i32
    %scan3A_6 = arith.constant 1 : i32
    %scan3A_7 = scf.for %scan3A_9 = %scan3A_3 to %scan3A_5 step %scan3A_6 iter_args(%scan3A_10 = %scan3A) -> (i32)  : i32 {
      %mul3A_11 = arith.constant 2 : i32
      %mul3A_12 = arith.muli %scan3A_9, %mul3A_11 : i32
      %mul3A_13 = arith.constant 128 : i32
      %mul3A_14 = arith.muli %mul3A_12, %mul3A_13 : i32
      %add3A_15 = arith.addi %mul3A_2, %mul3A_14 : i32
      "tpu.region"() ({
        %run_scoped3A = tpu.sem_alloc : memref<!tpu.dma_semaphore, #tpu.memory_space<semaphore_mem>>
        %dma_start3A_31 = tpu.memref_slice %arg3[%add3A_15] : memref<163840xi32, #tpu.memory_space<hbm>> -> memref<128xi32, #tpu.memory_space<hbm>>
        %dma_start3A_32 = tpu.memref_slice %arg3[%add3A_15] : memref<163840xi32, #tpu.memory_space<hbm>> -> memref<128xi32, #tpu.memory_space<hbm>>
        tpu.enqueue_dma source(%dma_start3A_32 : memref<128xi32, #tpu.memory_space<hbm>>) target(%arg5 : memref<128xi32, #tpu.memory_space<vmem>>) target_semaphore(%run_scoped3A : memref<!tpu.dma_semaphore, #tpu.memory_space<semaphore_mem>>)
        %dma_wait3A_33 = tpu.memref_slice %arg3[%add3A_15] : memref<163840xi32, #tpu.memory_space<hbm>> -> memref<128xi32, #tpu.memory_space<hbm>>
        %dma_wait3A_34 = tpu.memref_slice %arg3[%add3A_15] : memref<163840xi32, #tpu.memory_space<hbm>> -> memref<128xi32, #tpu.memory_space<hbm>>
        tpu.wait_dma2 semaphore(%run_scoped3A : memref<!tpu.dma_semaphore, #tpu.memory_space<semaphore_mem>>) src(%dma_wait3A_34 : memref<128xi32, #tpu.memory_space<hbm>>) dst(%arg5 : memref<128xi32, #tpu.memory_space<vmem>>)
        tpu.yield
      }) : () -> ()
      %dma_start3A = arith.constant 0 : i32
      %dma_start3A_16 = arith.constant 0 : i32
      %dma_start3A_17 = tpu.memref_slice %arg2[%dma_start3A, %dma_start3A_16] : memref<8192x64xf32, #tpu.memory_space<hbm>> -> memref<8192x64xf32, #tpu.memory_space<hbm>>
      tpu.enqueue_indirect_dma source(%dma_start3A_17 : memref<8192x64xf32, #tpu.memory_space<hbm>>) target(%arg6 : memref<128x64xf32, #tpu.memory_space<vmem>>) offsets(%arg5 : memref<128xi32, #tpu.memory_space<vmem>>) semaphore(%arg9 : memref<!tpu.dma_semaphore, #tpu.memory_space<semaphore_mem>>)
      %add3A_18 = arith.constant 128 : i32
      %add3A_19 = arith.addi %add3A_15, %add3A_18 : i32
      "tpu.region"() ({
        %run_scoped3A = tpu.sem_alloc : memref<!tpu.dma_semaphore, #tpu.memory_space<semaphore_mem>>
        %dma_start3A_31 = tpu.memref_slice %arg3[%add3A_19] : memref<163840xi32, #tpu.memory_space<hbm>> -> memref<128xi32, #tpu.memory_space<hbm>>
        %dma_start3A_32 = tpu.memref_slice %arg3[%add3A_19] : memref<163840xi32, #tpu.memory_space<hbm>> -> memref<128xi32, #tpu.memory_space<hbm>>
        tpu.enqueue_dma source(%dma_start3A_32 : memref<128xi32, #tpu.memory_space<hbm>>) target(%arg7 : memref<128xi32, #tpu.memory_space<vmem>>) target_semaphore(%run_scoped3A : memref<!tpu.dma_semaphore, #tpu.memory_space<semaphore_mem>>)
        %dma_wait3A_33 = tpu.memref_slice %arg3[%add3A_19] : memref<163840xi32, #tpu.memory_space<hbm>> -> memref<128xi32, #tpu.memory_space<hbm>>
        %dma_wait3A_34 = tpu.memref_slice %arg3[%add3A_19] : memref<163840xi32, #tpu.memory_space<hbm>> -> memref<128xi32, #tpu.memory_space<hbm>>
        tpu.wait_dma2 semaphore(%run_scoped3A : memref<!tpu.dma_semaphore, #tpu.memory_space<semaphore_mem>>) src(%dma_wait3A_34 : memref<128xi32, #tpu.memory_space<hbm>>) dst(%arg7 : memref<128xi32, #tpu.memory_space<vmem>>)
        tpu.yield
      }) : () -> ()
      %dma_start3A_20 = arith.constant 0 : i32
      %dma_start3A_21 = arith.constant 0 : i32
      %dma_start3A_22 = tpu.memref_slice %arg2[%dma_start3A_20, %dma_start3A_21] : memref<8192x64xf32, #tpu.memory_space<hbm>> -> memref<8192x64xf32, #tpu.memory_space<hbm>>
      tpu.enqueue_indirect_dma source(%dma_start3A_22 : memref<8192x64xf32, #tpu.memory_space<hbm>>) target(%arg8 : memref<128x64xf32, #tpu.memory_space<vmem>>) offsets(%arg7 : memref<128xi32, #tpu.memory_space<vmem>>) semaphore(%arg10 : memref<!tpu.dma_semaphore, #tpu.memory_space<semaphore_mem>>)
      %dma_wait3A = arith.constant 0 : i32
      %dma_wait3A_23 = arith.constant 0 : i32
      %dma_wait3A_24 = tpu.memref_slice %arg2[%dma_wait3A, %dma_wait3A_23] : memref<8192x64xf32, #tpu.memory_space<hbm>> -> memref<8192x64xf32, #tpu.memory_space<hbm>>
      tpu.wait_indirect_dma semaphore(%arg9 : memref<!tpu.dma_semaphore, #tpu.memory_space<semaphore_mem>>) src(%dma_wait3A_24 : memref<8192x64xf32, #tpu.memory_space<hbm>>) dst(%arg6 : memref<128x64xf32, #tpu.memory_space<vmem>>)
      "tpu.region"() ({
        %run_scoped3A = tpu.sem_alloc : memref<!tpu.dma_semaphore, #tpu.memory_space<semaphore_mem>>
        %dma_start3A_31 = arith.constant 0 : i32
        %dma_start3A_32 = tpu.memref_slice %arg4[%add3A_15, %dma_start3A_31] : memref<163840x64xf32, #tpu.memory_space<hbm>> -> memref<128x64xf32, #tpu.memory_space<hbm>>
        %dma_start3A_33 = arith.constant 0 : i32
        %dma_start3A_34 = tpu.memref_slice %arg4[%add3A_15, %dma_start3A_33] : memref<163840x64xf32, #tpu.memory_space<hbm>> -> memref<128x64xf32, #tpu.memory_space<hbm>>
        tpu.enqueue_dma source(%arg6 : memref<128x64xf32, #tpu.memory_space<vmem>>) target(%dma_start3A_34 : memref<128x64xf32, #tpu.memory_space<hbm>>) target_semaphore(%run_scoped3A : memref<!tpu.dma_semaphore, #tpu.memory_space<semaphore_mem>>)
        %dma_wait3A_35 = arith.constant 0 : i32
        %dma_wait3A_36 = tpu.memref_slice %arg4[%add3A_15, %dma_wait3A_35] : memref<163840x64xf32, #tpu.memory_space<hbm>> -> memref<128x64xf32, #tpu.memory_space<hbm>>
        %dma_wait3A_37 = arith.constant 0 : i32
        %dma_wait3A_38 = tpu.memref_slice %arg4[%add3A_15, %dma_wait3A_37] : memref<163840x64xf32, #tpu.memory_space<hbm>> -> memref<128x64xf32, #tpu.memory_space<hbm>>
        tpu.wait_dma2 semaphore(%run_scoped3A : memref<!tpu.dma_semaphore, #tpu.memory_space<semaphore_mem>>) src(%arg6 : memref<128x64xf32, #tpu.memory_space<vmem>>) dst(%dma_wait3A_38 : memref<128x64xf32, #tpu.memory_space<hbm>>)
        tpu.yield
      }) : () -> ()
      %dma_wait3A_25 = arith.constant 0 : i32
      %dma_wait3A_26 = arith.constant 0 : i32
      %dma_wait3A_27 = tpu.memref_slice %arg2[%dma_wait3A_25, %dma_wait3A_26] : memref<8192x64xf32, #tpu.memory_space<hbm>> -> memref<8192x64xf32, #tpu.memory_space<hbm>>
      tpu.wait_indirect_dma semaphore(%arg10 : memref<!tpu.dma_semaphore, #tpu.memory_space<semaphore_mem>>) src(%dma_wait3A_27 : memref<8192x64xf32, #tpu.memory_space<hbm>>) dst(%arg8 : memref<128x64xf32, #tpu.memory_space<vmem>>)
      %add3A_28 = arith.constant 128 : i32
      %add3A_29 = arith.addi %add3A_15, %add3A_28 : i32
      "tpu.region"() ({
        %run_scoped3A = tpu.sem_alloc : memref<!tpu.dma_semaphore, #tpu.memory_space<semaphore_mem>>
        %dma_start3A_31 = arith.constant 0 : i32
        %dma_start3A_32 = tpu.memref_slice %arg4[%add3A_29, %dma_start3A_31] : memref<163840x64xf32, #tpu.memory_space<hbm>> -> memref<128x64xf32, #tpu.memory_space<hbm>>
        %dma_start3A_33 = arith.constant 0 : i32
        %dma_start3A_34 = tpu.memref_slice %arg4[%add3A_29, %dma_start3A_33] : memref<163840x64xf32, #tpu.memory_space<hbm>> -> memref<128x64xf32, #tpu.memory_space<hbm>>
        tpu.enqueue_dma source(%arg8 : memref<128x64xf32, #tpu.memory_space<vmem>>) target(%dma_start3A_34 : memref<128x64xf32, #tpu.memory_space<hbm>>) target_semaphore(%run_scoped3A : memref<!tpu.dma_semaphore, #tpu.memory_space<semaphore_mem>>)
        %dma_wait3A_35 = arith.constant 0 : i32
        %dma_wait3A_36 = tpu.memref_slice %arg4[%add3A_29, %dma_wait3A_35] : memref<163840x64xf32, #tpu.memory_space<hbm>> -> memref<128x64xf32, #tpu.memory_space<hbm>>
        %dma_wait3A_37 = arith.constant 0 : i32
        %dma_wait3A_38 = tpu.memref_slice %arg4[%add3A_29, %dma_wait3A_37] : memref<163840x64xf32, #tpu.memory_space<hbm>> -> memref<128x64xf32, #tpu.memory_space<hbm>>
        tpu.wait_dma2 semaphore(%run_scoped3A : memref<!tpu.dma_semaphore, #tpu.memory_space<semaphore_mem>>) src(%arg8 : memref<128x64xf32, #tpu.memory_space<vmem>>) dst(%dma_wait3A_38 : memref<128x64xf32, #tpu.memory_space<hbm>>)
        tpu.yield
      }) : () -> ()
      %scan3A_30 = arith.constant 0 : i32
      scf.yield %scan3A_30 : i32
    }
    %scan3A_8 = arith.constant 20 : i32
    return
  }
}

#map = affine_map<(d0, d1) -> (0, 0)>
#map1 = affine_map<(d0, d1) -> (0)>
module attributes {stable_mosaic.version = 14 : i64} {
  func.func @gk(%arg0: i32, %arg1: i32, %arg2: memref<8192x64xf32, #tpu.memory_space<hbm>>, %arg3: memref<163840xi32, #tpu.memory_space<hbm>>, %arg4: memref<163840x64xf32, #tpu.memory_space<hbm>>, %arg5: memref<128xi32, #tpu.memory_space<vmem>>, %arg6: memref<128x64xf32, #tpu.memory_space<vmem>>, %arg7: memref<128xi32, #tpu.memory_space<vmem>>, %arg8: memref<128x64xf32, #tpu.memory_space<vmem>>, %arg9: memref<!tpu.dma_semaphore, #tpu.memory_space<semaphore_mem>>, %arg10: memref<!tpu.dma_semaphore, #tpu.memory_space<semaphore_mem>>) attributes {dimension_semantics = [#tpu.dimension_semantics<core_parallel>, #tpu.dimension_semantics<subcore_parallel>], iteration_bounds = array<i64: 2, 16>, scalar_prefetch = 0 : i64, scratch_operands = 6 : i64, tpu.core_type = #tpu.core_type<sc_vector_subcore>, window_params = [{transform_indices = #map}, {transform_indices = #map1}, {transform_indices = #map}]} {
    %mul3A = arith.constant 2 : i32
    %mul3A_0 = arith.muli %arg1, %mul3A : i32
    %add3A = arith.addi %mul3A_0, %arg0 : i32
    %mul3A_1 = arith.constant 5120 : i32
    %mul3A_2 = arith.muli %add3A, %mul3A_1 : i32
    %scan3A = arith.constant 0 : i32
    %scan3A_3 = arith.constant 0 : i32
    %scan3A_4 = arith.constant 20 : i32
    %scan3A_5 = arith.addi %scan3A_3, %scan3A_4 : i32
    %scan3A_6 = arith.constant 1 : i32
    %scan3A_7 = scf.for %scan3A_9 = %scan3A_3 to %scan3A_5 step %scan3A_6 iter_args(%scan3A_10 = %scan3A) -> (i32)  : i32 {
      %mul3A_11 = arith.constant 2 : i32
      %mul3A_12 = arith.muli %scan3A_9, %mul3A_11 : i32
      %mul3A_13 = arith.constant 128 : i32
      %mul3A_14 = arith.muli %mul3A_12, %mul3A_13 : i32
      %add3A_15 = arith.addi %mul3A_2, %mul3A_14 : i32
      "tpu.region"() ({
        %run_scoped3A = tpu.sem_alloc : memref<!tpu.dma_semaphore, #tpu.memory_space<semaphore_mem>>
        %dma_start3A_31 = tpu.memref_slice %arg3[%add3A_15] : memref<163840xi32, #tpu.memory_space<hbm>> -> memref<128xi32, #tpu.memory_space<hbm>>
        %dma_start3A_32 = tpu.memref_slice %arg3[%add3A_15] : memref<163840xi32, #tpu.memory_space<hbm>> -> memref<128xi32, #tpu.memory_space<hbm>>
        tpu.enqueue_dma source(%dma_start3A_32 : memref<128xi32, #tpu.memory_space<hbm>>) target(%arg5 : memref<128xi32, #tpu.memory_space<vmem>>) target_semaphore(%run_scoped3A : memref<!tpu.dma_semaphore, #tpu.memory_space<semaphore_mem>>)
        %dma_wait3A_33 = tpu.memref_slice %arg3[%add3A_15] : memref<163840xi32, #tpu.memory_space<hbm>> -> memref<128xi32, #tpu.memory_space<hbm>>
        %dma_wait3A_34 = tpu.memref_slice %arg3[%add3A_15] : memref<163840xi32, #tpu.memory_space<hbm>> -> memref<128xi32, #tpu.memory_space<hbm>>
        tpu.wait_dma2 semaphore(%run_scoped3A : memref<!tpu.dma_semaphore, #tpu.memory_space<semaphore_mem>>) src(%dma_wait3A_34 : memref<128xi32, #tpu.memory_space<hbm>>) dst(%arg5 : memref<128xi32, #tpu.memory_space<vmem>>)
        tpu.yield
      }) : () -> ()
      %dma_start3A = arith.constant 0 : i32
      %dma_start3A_16 = arith.constant 0 : i32
      %dma_start3A_17 = tpu.memref_slice %arg2[%dma_start3A, %dma_start3A_16] : memref<8192x64xf32, #tpu.memory_space<hbm>> -> memref<8192x64xf32, #tpu.memory_space<hbm>>
      tpu.enqueue_indirect_dma source(%dma_start3A_17 : memref<8192x64xf32, #tpu.memory_space<hbm>>) target(%arg6 : memref<128x64xf32, #tpu.memory_space<vmem>>) offsets(%arg5 : memref<128xi32, #tpu.memory_space<vmem>>) semaphore(%arg9 : memref<!tpu.dma_semaphore, #tpu.memory_space<semaphore_mem>>)
      %add3A_18 = arith.constant 128 : i32
      %add3A_19 = arith.addi %add3A_15, %add3A_18 : i32
      "tpu.region"() ({
        %run_scoped3A = tpu.sem_alloc : memref<!tpu.dma_semaphore, #tpu.memory_space<semaphore_mem>>
        %dma_start3A_31 = tpu.memref_slice %arg3[%add3A_19] : memref<163840xi32, #tpu.memory_space<hbm>> -> memref<128xi32, #tpu.memory_space<hbm>>
        %dma_start3A_32 = tpu.memref_slice %arg3[%add3A_19] : memref<163840xi32, #tpu.memory_space<hbm>> -> memref<128xi32, #tpu.memory_space<hbm>>
        tpu.enqueue_dma source(%dma_start3A_32 : memref<128xi32, #tpu.memory_space<hbm>>) target(%arg7 : memref<128xi32, #tpu.memory_space<vmem>>) target_semaphore(%run_scoped3A : memref<!tpu.dma_semaphore, #tpu.memory_space<semaphore_mem>>)
        %dma_wait3A_33 = tpu.memref_slice %arg3[%add3A_19] : memref<163840xi32, #tpu.memory_space<hbm>> -> memref<128xi32, #tpu.memory_space<hbm>>
        %dma_wait3A_34 = tpu.memref_slice %arg3[%add3A_19] : memref<163840xi32, #tpu.memory_space<hbm>> -> memref<128xi32, #tpu.memory_space<hbm>>
        tpu.wait_dma2 semaphore(%run_scoped3A : memref<!tpu.dma_semaphore, #tpu.memory_space<semaphore_mem>>) src(%dma_wait3A_34 : memref<128xi32, #tpu.memory_space<hbm>>) dst(%arg7 : memref<128xi32, #tpu.memory_space<vmem>>)
        tpu.yield
      }) : () -> ()
      %dma_start3A_20 = arith.constant 0 : i32
      %dma_start3A_21 = arith.constant 0 : i32
      %dma_start3A_22 = tpu.memref_slice %arg2[%dma_start3A_20, %dma_start3A_21] : memref<8192x64xf32, #tpu.memory_space<hbm>> -> memref<8192x64xf32, #tpu.memory_space<hbm>>
      tpu.enqueue_indirect_dma source(%dma_start3A_22 : memref<8192x64xf32, #tpu.memory_space<hbm>>) target(%arg8 : memref<128x64xf32, #tpu.memory_space<vmem>>) offsets(%arg7 : memref<128xi32, #tpu.memory_space<vmem>>) semaphore(%arg10 : memref<!tpu.dma_semaphore, #tpu.memory_space<semaphore_mem>>)
      %dma_wait3A = arith.constant 0 : i32
      %dma_wait3A_23 = arith.constant 0 : i32
      %dma_wait3A_24 = tpu.memref_slice %arg2[%dma_wait3A, %dma_wait3A_23] : memref<8192x64xf32, #tpu.memory_space<hbm>> -> memref<8192x64xf32, #tpu.memory_space<hbm>>
      tpu.wait_indirect_dma semaphore(%arg9 : memref<!tpu.dma_semaphore, #tpu.memory_space<semaphore_mem>>) src(%dma_wait3A_24 : memref<8192x64xf32, #tpu.memory_space<hbm>>) dst(%arg6 : memref<128x64xf32, #tpu.memory_space<vmem>>)
      "tpu.region"() ({
        %run_scoped3A = tpu.sem_alloc : memref<!tpu.dma_semaphore, #tpu.memory_space<semaphore_mem>>
        %dma_start3A_31 = arith.constant 0 : i32
        %dma_start3A_32 = tpu.memref_slice %arg4[%add3A_15, %dma_start3A_31] : memref<163840x64xf32, #tpu.memory_space<hbm>> -> memref<128x64xf32, #tpu.memory_space<hbm>>
        %dma_start3A_33 = arith.constant 0 : i32
        %dma_start3A_34 = tpu.memref_slice %arg4[%add3A_15, %dma_start3A_33] : memref<163840x64xf32, #tpu.memory_space<hbm>> -> memref<128x64xf32, #tpu.memory_space<hbm>>
        tpu.enqueue_dma source(%arg6 : memref<128x64xf32, #tpu.memory_space<vmem>>) target(%dma_start3A_34 : memref<128x64xf32, #tpu.memory_space<hbm>>) target_semaphore(%run_scoped3A : memref<!tpu.dma_semaphore, #tpu.memory_space<semaphore_mem>>)
        %dma_wait3A_35 = arith.constant 0 : i32
        %dma_wait3A_36 = tpu.memref_slice %arg4[%add3A_15, %dma_wait3A_35] : memref<163840x64xf32, #tpu.memory_space<hbm>> -> memref<128x64xf32, #tpu.memory_space<hbm>>
        %dma_wait3A_37 = arith.constant 0 : i32
        %dma_wait3A_38 = tpu.memref_slice %arg4[%add3A_15, %dma_wait3A_37] : memref<163840x64xf32, #tpu.memory_space<hbm>> -> memref<128x64xf32, #tpu.memory_space<hbm>>
        tpu.wait_dma2 semaphore(%run_scoped3A : memref<!tpu.dma_semaphore, #tpu.memory_space<semaphore_mem>>) src(%arg6 : memref<128x64xf32, #tpu.memory_space<vmem>>) dst(%dma_wait3A_38 : memref<128x64xf32, #tpu.memory_space<hbm>>)
        tpu.yield
      }) : () -> ()
      %dma_wait3A_25 = arith.constant 0 : i32
      %dma_wait3A_26 = arith.constant 0 : i32
      %dma_wait3A_27 = tpu.memref_slice %arg2[%dma_wait3A_25, %dma_wait3A_26] : memref<8192x64xf32, #tpu.memory_space<hbm>> -> memref<8192x64xf32, #tpu.memory_space<hbm>>
      tpu.wait_indirect_dma semaphore(%arg10 : memref<!tpu.dma_semaphore, #tpu.memory_space<semaphore_mem>>) src(%dma_wait3A_27 : memref<8192x64xf32, #tpu.memory_space<hbm>>) dst(%arg8 : memref<128x64xf32, #tpu.memory_space<vmem>>)
      %add3A_28 = arith.constant 128 : i32
      %add3A_29 = arith.addi %add3A_15, %add3A_28 : i32
      "tpu.region"() ({
        %run_scoped3A = tpu.sem_alloc : memref<!tpu.dma_semaphore, #tpu.memory_space<semaphore_mem>>
        %dma_start3A_31 = arith.constant 0 : i32
        %dma_start3A_32 = tpu.memref_slice %arg4[%add3A_29, %dma_start3A_31] : memref<163840x64xf32, #tpu.memory_space<hbm>> -> memref<128x64xf32, #tpu.memory_space<hbm>>
        %dma_start3A_33 = arith.constant 0 : i32
        %dma_start3A_34 = tpu.memref_slice %arg4[%add3A_29, %dma_start3A_33] : memref<163840x64xf32, #tpu.memory_space<hbm>> -> memref<128x64xf32, #tpu.memory_space<hbm>>
        tpu.enqueue_dma source(%arg8 : memref<128x64xf32, #tpu.memory_space<vmem>>) target(%dma_start3A_34 : memref<128x64xf32, #tpu.memory_space<hbm>>) target_semaphore(%run_scoped3A : memref<!tpu.dma_semaphore, #tpu.memory_space<semaphore_mem>>)
        %dma_wait3A_35 = arith.constant 0 : i32
        %dma_wait3A_36 = tpu.memref_slice %arg4[%add3A_29, %dma_wait3A_35] : memref<163840x64xf32, #tpu.memory_space<hbm>> -> memref<128x64xf32, #tpu.memory_space<hbm>>
        %dma_wait3A_37 = arith.constant 0 : i32
        %dma_wait3A_38 = tpu.memref_slice %arg4[%add3A_29, %dma_wait3A_37] : memref<163840x64xf32, #tpu.memory_space<hbm>> -> memref<128x64xf32, #tpu.memory_space<hbm>>
        tpu.wait_dma2 semaphore(%run_scoped3A : memref<!tpu.dma_semaphore, #tpu.memory_space<semaphore_mem>>) src(%arg8 : memref<128x64xf32, #tpu.memory_space<vmem>>) dst(%dma_wait3A_38 : memref<128x64xf32, #tpu.memory_space<hbm>>)
        tpu.yield
      }) : () -> ()
      %scan3A_30 = arith.constant 0 : i32
      scf.yield %scan3A_30 : i32
    }
    %scan3A_8 = arith.constant 20 : i32
    return
  }
}

#map = affine_map<(d0, d1) -> (0, 0)>
#map1 = affine_map<(d0, d1) -> (0)>
module attributes {stable_mosaic.version = 14 : i64} {
  func.func @gk(%arg0: i32, %arg1: i32, %arg2: memref<8192x128xf32, #tpu.memory_space<hbm>>, %arg3: memref<163840xi32, #tpu.memory_space<hbm>>, %arg4: memref<163840x128xf32, #tpu.memory_space<hbm>>, %arg5: memref<128xi32, #tpu.memory_space<vmem>>, %arg6: memref<128x128xf32, #tpu.memory_space<vmem>>, %arg7: memref<128xi32, #tpu.memory_space<vmem>>, %arg8: memref<128x128xf32, #tpu.memory_space<vmem>>, %arg9: memref<!tpu.dma_semaphore, #tpu.memory_space<semaphore_mem>>, %arg10: memref<!tpu.dma_semaphore, #tpu.memory_space<semaphore_mem>>) attributes {dimension_semantics = [#tpu.dimension_semantics<core_parallel>, #tpu.dimension_semantics<subcore_parallel>], iteration_bounds = array<i64: 2, 16>, scalar_prefetch = 0 : i64, scratch_operands = 6 : i64, tpu.core_type = #tpu.core_type<sc_vector_subcore>, window_params = [{transform_indices = #map}, {transform_indices = #map1}, {transform_indices = #map}]} {
    %mul3A = arith.constant 2 : i32
    %mul3A_0 = arith.muli %arg1, %mul3A : i32
    %add3A = arith.addi %mul3A_0, %arg0 : i32
    %mul3A_1 = arith.constant 5120 : i32
    %mul3A_2 = arith.muli %add3A, %mul3A_1 : i32
    %scan3A = arith.constant 0 : i32
    %scan3A_3 = arith.constant 0 : i32
    %scan3A_4 = arith.constant 20 : i32
    %scan3A_5 = arith.addi %scan3A_3, %scan3A_4 : i32
    %scan3A_6 = arith.constant 1 : i32
    %scan3A_7 = scf.for %scan3A_9 = %scan3A_3 to %scan3A_5 step %scan3A_6 iter_args(%scan3A_10 = %scan3A) -> (i32)  : i32 {
      %mul3A_11 = arith.constant 2 : i32
      %mul3A_12 = arith.muli %scan3A_9, %mul3A_11 : i32
      %mul3A_13 = arith.constant 128 : i32
      %mul3A_14 = arith.muli %mul3A_12, %mul3A_13 : i32
      %add3A_15 = arith.addi %mul3A_2, %mul3A_14 : i32
      "tpu.region"() ({
        %run_scoped3A = tpu.sem_alloc : memref<!tpu.dma_semaphore, #tpu.memory_space<semaphore_mem>>
        %dma_start3A_31 = tpu.memref_slice %arg3[%add3A_15] : memref<163840xi32, #tpu.memory_space<hbm>> -> memref<128xi32, #tpu.memory_space<hbm>>
        %dma_start3A_32 = tpu.memref_slice %arg3[%add3A_15] : memref<163840xi32, #tpu.memory_space<hbm>> -> memref<128xi32, #tpu.memory_space<hbm>>
        tpu.enqueue_dma source(%dma_start3A_32 : memref<128xi32, #tpu.memory_space<hbm>>) target(%arg5 : memref<128xi32, #tpu.memory_space<vmem>>) target_semaphore(%run_scoped3A : memref<!tpu.dma_semaphore, #tpu.memory_space<semaphore_mem>>)
        %dma_wait3A_33 = tpu.memref_slice %arg3[%add3A_15] : memref<163840xi32, #tpu.memory_space<hbm>> -> memref<128xi32, #tpu.memory_space<hbm>>
        %dma_wait3A_34 = tpu.memref_slice %arg3[%add3A_15] : memref<163840xi32, #tpu.memory_space<hbm>> -> memref<128xi32, #tpu.memory_space<hbm>>
        tpu.wait_dma2 semaphore(%run_scoped3A : memref<!tpu.dma_semaphore, #tpu.memory_space<semaphore_mem>>) src(%dma_wait3A_34 : memref<128xi32, #tpu.memory_space<hbm>>) dst(%arg5 : memref<128xi32, #tpu.memory_space<vmem>>)
        tpu.yield
      }) : () -> ()
      %dma_start3A = arith.constant 0 : i32
      %dma_start3A_16 = arith.constant 0 : i32
      %dma_start3A_17 = tpu.memref_slice %arg2[%dma_start3A, %dma_start3A_16] : memref<8192x128xf32, #tpu.memory_space<hbm>> -> memref<8192x128xf32, #tpu.memory_space<hbm>>
      tpu.enqueue_indirect_dma source(%dma_start3A_17 : memref<8192x128xf32, #tpu.memory_space<hbm>>) target(%arg6 : memref<128x128xf32, #tpu.memory_space<vmem>>) offsets(%arg5 : memref<128xi32, #tpu.memory_space<vmem>>) semaphore(%arg9 : memref<!tpu.dma_semaphore, #tpu.memory_space<semaphore_mem>>)
      %add3A_18 = arith.constant 128 : i32
      %add3A_19 = arith.addi %add3A_15, %add3A_18 : i32
      "tpu.region"() ({
        %run_scoped3A = tpu.sem_alloc : memref<!tpu.dma_semaphore, #tpu.memory_space<semaphore_mem>>
        %dma_start3A_31 = tpu.memref_slice %arg3[%add3A_19] : memref<163840xi32, #tpu.memory_space<hbm>> -> memref<128xi32, #tpu.memory_space<hbm>>
        %dma_start3A_32 = tpu.memref_slice %arg3[%add3A_19] : memref<163840xi32, #tpu.memory_space<hbm>> -> memref<128xi32, #tpu.memory_space<hbm>>
        tpu.enqueue_dma source(%dma_start3A_32 : memref<128xi32, #tpu.memory_space<hbm>>) target(%arg7 : memref<128xi32, #tpu.memory_space<vmem>>) target_semaphore(%run_scoped3A : memref<!tpu.dma_semaphore, #tpu.memory_space<semaphore_mem>>)
        %dma_wait3A_33 = tpu.memref_slice %arg3[%add3A_19] : memref<163840xi32, #tpu.memory_space<hbm>> -> memref<128xi32, #tpu.memory_space<hbm>>
        %dma_wait3A_34 = tpu.memref_slice %arg3[%add3A_19] : memref<163840xi32, #tpu.memory_space<hbm>> -> memref<128xi32, #tpu.memory_space<hbm>>
        tpu.wait_dma2 semaphore(%run_scoped3A : memref<!tpu.dma_semaphore, #tpu.memory_space<semaphore_mem>>) src(%dma_wait3A_34 : memref<128xi32, #tpu.memory_space<hbm>>) dst(%arg7 : memref<128xi32, #tpu.memory_space<vmem>>)
        tpu.yield
      }) : () -> ()
      %dma_start3A_20 = arith.constant 0 : i32
      %dma_start3A_21 = arith.constant 0 : i32
      %dma_start3A_22 = tpu.memref_slice %arg2[%dma_start3A_20, %dma_start3A_21] : memref<8192x128xf32, #tpu.memory_space<hbm>> -> memref<8192x128xf32, #tpu.memory_space<hbm>>
      tpu.enqueue_indirect_dma source(%dma_start3A_22 : memref<8192x128xf32, #tpu.memory_space<hbm>>) target(%arg8 : memref<128x128xf32, #tpu.memory_space<vmem>>) offsets(%arg7 : memref<128xi32, #tpu.memory_space<vmem>>) semaphore(%arg10 : memref<!tpu.dma_semaphore, #tpu.memory_space<semaphore_mem>>)
      %dma_wait3A = arith.constant 0 : i32
      %dma_wait3A_23 = arith.constant 0 : i32
      %dma_wait3A_24 = tpu.memref_slice %arg2[%dma_wait3A, %dma_wait3A_23] : memref<8192x128xf32, #tpu.memory_space<hbm>> -> memref<8192x128xf32, #tpu.memory_space<hbm>>
      tpu.wait_indirect_dma semaphore(%arg9 : memref<!tpu.dma_semaphore, #tpu.memory_space<semaphore_mem>>) src(%dma_wait3A_24 : memref<8192x128xf32, #tpu.memory_space<hbm>>) dst(%arg6 : memref<128x128xf32, #tpu.memory_space<vmem>>)
      "tpu.region"() ({
        %run_scoped3A = tpu.sem_alloc : memref<!tpu.dma_semaphore, #tpu.memory_space<semaphore_mem>>
        %dma_start3A_31 = arith.constant 0 : i32
        %dma_start3A_32 = tpu.memref_slice %arg4[%add3A_15, %dma_start3A_31] : memref<163840x128xf32, #tpu.memory_space<hbm>> -> memref<128x128xf32, #tpu.memory_space<hbm>>
        %dma_start3A_33 = arith.constant 0 : i32
        %dma_start3A_34 = tpu.memref_slice %arg4[%add3A_15, %dma_start3A_33] : memref<163840x128xf32, #tpu.memory_space<hbm>> -> memref<128x128xf32, #tpu.memory_space<hbm>>
        tpu.enqueue_dma source(%arg6 : memref<128x128xf32, #tpu.memory_space<vmem>>) target(%dma_start3A_34 : memref<128x128xf32, #tpu.memory_space<hbm>>) target_semaphore(%run_scoped3A : memref<!tpu.dma_semaphore, #tpu.memory_space<semaphore_mem>>)
        %dma_wait3A_35 = arith.constant 0 : i32
        %dma_wait3A_36 = tpu.memref_slice %arg4[%add3A_15, %dma_wait3A_35] : memref<163840x128xf32, #tpu.memory_space<hbm>> -> memref<128x128xf32, #tpu.memory_space<hbm>>
        %dma_wait3A_37 = arith.constant 0 : i32
        %dma_wait3A_38 = tpu.memref_slice %arg4[%add3A_15, %dma_wait3A_37] : memref<163840x128xf32, #tpu.memory_space<hbm>> -> memref<128x128xf32, #tpu.memory_space<hbm>>
        tpu.wait_dma2 semaphore(%run_scoped3A : memref<!tpu.dma_semaphore, #tpu.memory_space<semaphore_mem>>) src(%arg6 : memref<128x128xf32, #tpu.memory_space<vmem>>) dst(%dma_wait3A_38 : memref<128x128xf32, #tpu.memory_space<hbm>>)
        tpu.yield
      }) : () -> ()
      %dma_wait3A_25 = arith.constant 0 : i32
      %dma_wait3A_26 = arith.constant 0 : i32
      %dma_wait3A_27 = tpu.memref_slice %arg2[%dma_wait3A_25, %dma_wait3A_26] : memref<8192x128xf32, #tpu.memory_space<hbm>> -> memref<8192x128xf32, #tpu.memory_space<hbm>>
      tpu.wait_indirect_dma semaphore(%arg10 : memref<!tpu.dma_semaphore, #tpu.memory_space<semaphore_mem>>) src(%dma_wait3A_27 : memref<8192x128xf32, #tpu.memory_space<hbm>>) dst(%arg8 : memref<128x128xf32, #tpu.memory_space<vmem>>)
      %add3A_28 = arith.constant 128 : i32
      %add3A_29 = arith.addi %add3A_15, %add3A_28 : i32
      "tpu.region"() ({
        %run_scoped3A = tpu.sem_alloc : memref<!tpu.dma_semaphore, #tpu.memory_space<semaphore_mem>>
        %dma_start3A_31 = arith.constant 0 : i32
        %dma_start3A_32 = tpu.memref_slice %arg4[%add3A_29, %dma_start3A_31] : memref<163840x128xf32, #tpu.memory_space<hbm>> -> memref<128x128xf32, #tpu.memory_space<hbm>>
        %dma_start3A_33 = arith.constant 0 : i32
        %dma_start3A_34 = tpu.memref_slice %arg4[%add3A_29, %dma_start3A_33] : memref<163840x128xf32, #tpu.memory_space<hbm>> -> memref<128x128xf32, #tpu.memory_space<hbm>>
        tpu.enqueue_dma source(%arg8 : memref<128x128xf32, #tpu.memory_space<vmem>>) target(%dma_start3A_34 : memref<128x128xf32, #tpu.memory_space<hbm>>) target_semaphore(%run_scoped3A : memref<!tpu.dma_semaphore, #tpu.memory_space<semaphore_mem>>)
        %dma_wait3A_35 = arith.constant 0 : i32
        %dma_wait3A_36 = tpu.memref_slice %arg4[%add3A_29, %dma_wait3A_35] : memref<163840x128xf32, #tpu.memory_space<hbm>> -> memref<128x128xf32, #tpu.memory_space<hbm>>
        %dma_wait3A_37 = arith.constant 0 : i32
        %dma_wait3A_38 = tpu.memref_slice %arg4[%add3A_29, %dma_wait3A_37] : memref<163840x128xf32, #tpu.memory_space<hbm>> -> memref<128x128xf32, #tpu.memory_space<hbm>>
        tpu.wait_dma2 semaphore(%run_scoped3A : memref<!tpu.dma_semaphore, #tpu.memory_space<semaphore_mem>>) src(%arg8 : memref<128x128xf32, #tpu.memory_space<vmem>>) dst(%dma_wait3A_38 : memref<128x128xf32, #tpu.memory_space<hbm>>)
        tpu.yield
      }) : () -> ()
      %scan3A_30 = arith.constant 0 : i32
      scf.yield %scan3A_30 : i32
    }
    %scan3A_8 = arith.constant 20 : i32
    return
  }
}

#map = affine_map<(d0, d1) -> (0, 0)>
#map1 = affine_map<(d0, d1) -> (0)>
module attributes {stable_mosaic.version = 14 : i64} {
  func.func @gk(%arg0: i32, %arg1: i32, %arg2: memref<8192x128xf32, #tpu.memory_space<hbm>>, %arg3: memref<163840xi32, #tpu.memory_space<hbm>>, %arg4: memref<163840x128xf32, #tpu.memory_space<hbm>>, %arg5: memref<128xi32, #tpu.memory_space<vmem>>, %arg6: memref<128x128xf32, #tpu.memory_space<vmem>>, %arg7: memref<128xi32, #tpu.memory_space<vmem>>, %arg8: memref<128x128xf32, #tpu.memory_space<vmem>>, %arg9: memref<!tpu.dma_semaphore, #tpu.memory_space<semaphore_mem>>, %arg10: memref<!tpu.dma_semaphore, #tpu.memory_space<semaphore_mem>>) attributes {dimension_semantics = [#tpu.dimension_semantics<core_parallel>, #tpu.dimension_semantics<subcore_parallel>], iteration_bounds = array<i64: 2, 16>, scalar_prefetch = 0 : i64, scratch_operands = 6 : i64, tpu.core_type = #tpu.core_type<sc_vector_subcore>, window_params = [{transform_indices = #map}, {transform_indices = #map1}, {transform_indices = #map}]} {
    %mul3A = arith.constant 2 : i32
    %mul3A_0 = arith.muli %arg1, %mul3A : i32
    %add3A = arith.addi %mul3A_0, %arg0 : i32
    %mul3A_1 = arith.constant 5120 : i32
    %mul3A_2 = arith.muli %add3A, %mul3A_1 : i32
    %scan3A = arith.constant 0 : i32
    %scan3A_3 = arith.constant 0 : i32
    %scan3A_4 = arith.constant 20 : i32
    %scan3A_5 = arith.addi %scan3A_3, %scan3A_4 : i32
    %scan3A_6 = arith.constant 1 : i32
    %scan3A_7 = scf.for %scan3A_9 = %scan3A_3 to %scan3A_5 step %scan3A_6 iter_args(%scan3A_10 = %scan3A) -> (i32)  : i32 {
      %mul3A_11 = arith.constant 2 : i32
      %mul3A_12 = arith.muli %scan3A_9, %mul3A_11 : i32
      %mul3A_13 = arith.constant 128 : i32
      %mul3A_14 = arith.muli %mul3A_12, %mul3A_13 : i32
      %add3A_15 = arith.addi %mul3A_2, %mul3A_14 : i32
      "tpu.region"() ({
        %run_scoped3A = tpu.sem_alloc : memref<!tpu.dma_semaphore, #tpu.memory_space<semaphore_mem>>
        %dma_start3A_31 = tpu.memref_slice %arg3[%add3A_15] : memref<163840xi32, #tpu.memory_space<hbm>> -> memref<128xi32, #tpu.memory_space<hbm>>
        %dma_start3A_32 = tpu.memref_slice %arg3[%add3A_15] : memref<163840xi32, #tpu.memory_space<hbm>> -> memref<128xi32, #tpu.memory_space<hbm>>
        tpu.enqueue_dma source(%dma_start3A_32 : memref<128xi32, #tpu.memory_space<hbm>>) target(%arg5 : memref<128xi32, #tpu.memory_space<vmem>>) target_semaphore(%run_scoped3A : memref<!tpu.dma_semaphore, #tpu.memory_space<semaphore_mem>>)
        %dma_wait3A_33 = tpu.memref_slice %arg3[%add3A_15] : memref<163840xi32, #tpu.memory_space<hbm>> -> memref<128xi32, #tpu.memory_space<hbm>>
        %dma_wait3A_34 = tpu.memref_slice %arg3[%add3A_15] : memref<163840xi32, #tpu.memory_space<hbm>> -> memref<128xi32, #tpu.memory_space<hbm>>
        tpu.wait_dma2 semaphore(%run_scoped3A : memref<!tpu.dma_semaphore, #tpu.memory_space<semaphore_mem>>) src(%dma_wait3A_34 : memref<128xi32, #tpu.memory_space<hbm>>) dst(%arg5 : memref<128xi32, #tpu.memory_space<vmem>>)
        tpu.yield
      }) : () -> ()
      %dma_start3A = arith.constant 0 : i32
      %dma_start3A_16 = arith.constant 0 : i32
      %dma_start3A_17 = tpu.memref_slice %arg2[%dma_start3A, %dma_start3A_16] : memref<8192x128xf32, #tpu.memory_space<hbm>> -> memref<8192x128xf32, #tpu.memory_space<hbm>>
      tpu.enqueue_indirect_dma source(%dma_start3A_17 : memref<8192x128xf32, #tpu.memory_space<hbm>>) target(%arg6 : memref<128x128xf32, #tpu.memory_space<vmem>>) offsets(%arg5 : memref<128xi32, #tpu.memory_space<vmem>>) semaphore(%arg9 : memref<!tpu.dma_semaphore, #tpu.memory_space<semaphore_mem>>)
      %add3A_18 = arith.constant 128 : i32
      %add3A_19 = arith.addi %add3A_15, %add3A_18 : i32
      "tpu.region"() ({
        %run_scoped3A = tpu.sem_alloc : memref<!tpu.dma_semaphore, #tpu.memory_space<semaphore_mem>>
        %dma_start3A_31 = tpu.memref_slice %arg3[%add3A_19] : memref<163840xi32, #tpu.memory_space<hbm>> -> memref<128xi32, #tpu.memory_space<hbm>>
        %dma_start3A_32 = tpu.memref_slice %arg3[%add3A_19] : memref<163840xi32, #tpu.memory_space<hbm>> -> memref<128xi32, #tpu.memory_space<hbm>>
        tpu.enqueue_dma source(%dma_start3A_32 : memref<128xi32, #tpu.memory_space<hbm>>) target(%arg7 : memref<128xi32, #tpu.memory_space<vmem>>) target_semaphore(%run_scoped3A : memref<!tpu.dma_semaphore, #tpu.memory_space<semaphore_mem>>)
        %dma_wait3A_33 = tpu.memref_slice %arg3[%add3A_19] : memref<163840xi32, #tpu.memory_space<hbm>> -> memref<128xi32, #tpu.memory_space<hbm>>
        %dma_wait3A_34 = tpu.memref_slice %arg3[%add3A_19] : memref<163840xi32, #tpu.memory_space<hbm>> -> memref<128xi32, #tpu.memory_space<hbm>>
        tpu.wait_dma2 semaphore(%run_scoped3A : memref<!tpu.dma_semaphore, #tpu.memory_space<semaphore_mem>>) src(%dma_wait3A_34 : memref<128xi32, #tpu.memory_space<hbm>>) dst(%arg7 : memref<128xi32, #tpu.memory_space<vmem>>)
        tpu.yield
      }) : () -> ()
      %dma_start3A_20 = arith.constant 0 : i32
      %dma_start3A_21 = arith.constant 0 : i32
      %dma_start3A_22 = tpu.memref_slice %arg2[%dma_start3A_20, %dma_start3A_21] : memref<8192x128xf32, #tpu.memory_space<hbm>> -> memref<8192x128xf32, #tpu.memory_space<hbm>>
      tpu.enqueue_indirect_dma source(%dma_start3A_22 : memref<8192x128xf32, #tpu.memory_space<hbm>>) target(%arg8 : memref<128x128xf32, #tpu.memory_space<vmem>>) offsets(%arg7 : memref<128xi32, #tpu.memory_space<vmem>>) semaphore(%arg10 : memref<!tpu.dma_semaphore, #tpu.memory_space<semaphore_mem>>)
      %dma_wait3A = arith.constant 0 : i32
      %dma_wait3A_23 = arith.constant 0 : i32
      %dma_wait3A_24 = tpu.memref_slice %arg2[%dma_wait3A, %dma_wait3A_23] : memref<8192x128xf32, #tpu.memory_space<hbm>> -> memref<8192x128xf32, #tpu.memory_space<hbm>>
      tpu.wait_indirect_dma semaphore(%arg9 : memref<!tpu.dma_semaphore, #tpu.memory_space<semaphore_mem>>) src(%dma_wait3A_24 : memref<8192x128xf32, #tpu.memory_space<hbm>>) dst(%arg6 : memref<128x128xf32, #tpu.memory_space<vmem>>)
      "tpu.region"() ({
        %run_scoped3A = tpu.sem_alloc : memref<!tpu.dma_semaphore, #tpu.memory_space<semaphore_mem>>
        %dma_start3A_31 = arith.constant 0 : i32
        %dma_start3A_32 = tpu.memref_slice %arg4[%add3A_15, %dma_start3A_31] : memref<163840x128xf32, #tpu.memory_space<hbm>> -> memref<128x128xf32, #tpu.memory_space<hbm>>
        %dma_start3A_33 = arith.constant 0 : i32
        %dma_start3A_34 = tpu.memref_slice %arg4[%add3A_15, %dma_start3A_33] : memref<163840x128xf32, #tpu.memory_space<hbm>> -> memref<128x128xf32, #tpu.memory_space<hbm>>
        tpu.enqueue_dma source(%arg6 : memref<128x128xf32, #tpu.memory_space<vmem>>) target(%dma_start3A_34 : memref<128x128xf32, #tpu.memory_space<hbm>>) target_semaphore(%run_scoped3A : memref<!tpu.dma_semaphore, #tpu.memory_space<semaphore_mem>>)
        %dma_wait3A_35 = arith.constant 0 : i32
        %dma_wait3A_36 = tpu.memref_slice %arg4[%add3A_15, %dma_wait3A_35] : memref<163840x128xf32, #tpu.memory_space<hbm>> -> memref<128x128xf32, #tpu.memory_space<hbm>>
        %dma_wait3A_37 = arith.constant 0 : i32
        %dma_wait3A_38 = tpu.memref_slice %arg4[%add3A_15, %dma_wait3A_37] : memref<163840x128xf32, #tpu.memory_space<hbm>> -> memref<128x128xf32, #tpu.memory_space<hbm>>
        tpu.wait_dma2 semaphore(%run_scoped3A : memref<!tpu.dma_semaphore, #tpu.memory_space<semaphore_mem>>) src(%arg6 : memref<128x128xf32, #tpu.memory_space<vmem>>) dst(%dma_wait3A_38 : memref<128x128xf32, #tpu.memory_space<hbm>>)
        tpu.yield
      }) : () -> ()
      %dma_wait3A_25 = arith.constant 0 : i32
      %dma_wait3A_26 = arith.constant 0 : i32
      %dma_wait3A_27 = tpu.memref_slice %arg2[%dma_wait3A_25, %dma_wait3A_26] : memref<8192x128xf32, #tpu.memory_space<hbm>> -> memref<8192x128xf32, #tpu.memory_space<hbm>>
      tpu.wait_indirect_dma semaphore(%arg10 : memref<!tpu.dma_semaphore, #tpu.memory_space<semaphore_mem>>) src(%dma_wait3A_27 : memref<8192x128xf32, #tpu.memory_space<hbm>>) dst(%arg8 : memref<128x128xf32, #tpu.memory_space<vmem>>)
      %add3A_28 = arith.constant 128 : i32
      %add3A_29 = arith.addi %add3A_15, %add3A_28 : i32
      "tpu.region"() ({
        %run_scoped3A = tpu.sem_alloc : memref<!tpu.dma_semaphore, #tpu.memory_space<semaphore_mem>>
        %dma_start3A_31 = arith.constant 0 : i32
        %dma_start3A_32 = tpu.memref_slice %arg4[%add3A_29, %dma_start3A_31] : memref<163840x128xf32, #tpu.memory_space<hbm>> -> memref<128x128xf32, #tpu.memory_space<hbm>>
        %dma_start3A_33 = arith.constant 0 : i32
        %dma_start3A_34 = tpu.memref_slice %arg4[%add3A_29, %dma_start3A_33] : memref<163840x128xf32, #tpu.memory_space<hbm>> -> memref<128x128xf32, #tpu.memory_space<hbm>>
        tpu.enqueue_dma source(%arg8 : memref<128x128xf32, #tpu.memory_space<vmem>>) target(%dma_start3A_34 : memref<128x128xf32, #tpu.memory_space<hbm>>) target_semaphore(%run_scoped3A : memref<!tpu.dma_semaphore, #tpu.memory_space<semaphore_mem>>)
        %dma_wait3A_35 = arith.constant 0 : i32
        %dma_wait3A_36 = tpu.memref_slice %arg4[%add3A_29, %dma_wait3A_35] : memref<163840x128xf32, #tpu.memory_space<hbm>> -> memref<128x128xf32, #tpu.memory_space<hbm>>
        %dma_wait3A_37 = arith.constant 0 : i32
        %dma_wait3A_38 = tpu.memref_slice %arg4[%add3A_29, %dma_wait3A_37] : memref<163840x128xf32, #tpu.memory_space<hbm>> -> memref<128x128xf32, #tpu.memory_space<hbm>>
        tpu.wait_dma2 semaphore(%run_scoped3A : memref<!tpu.dma_semaphore, #tpu.memory_space<semaphore_mem>>) src(%arg8 : memref<128x128xf32, #tpu.memory_space<vmem>>) dst(%dma_wait3A_38 : memref<128x128xf32, #tpu.memory_space<hbm>>)
        tpu.yield
      }) : () -> ()
      %scan3A_30 = arith.constant 0 : i32
      scf.yield %scan3A_30 : i32
    }
    %scan3A_8 = arith.constant 20 : i32
    return
  }
}

module attributes {stable_mosaic.version = 14 : i64} {
  func.func @_knn_kernel(%arg0: i32, %arg1: i32, %arg2: memref<1x1024x16xf32, #tpu.memory_space<vmem>>, %arg3: memref<1x1024x16xf32, #tpu.memory_space<vmem>>, %arg4: memref<1x1024x20xi32, #tpu.memory_space<vmem>>) attributes {dimension_semantics = [#tpu.dimension_semantics<arbitrary>, #tpu.dimension_semantics<arbitrary>], iteration_bounds = array<i64: 8, 1>, scalar_prefetch = 0 : i64, scratch_operands = 0 : i64, tpu.core_type = #tpu.core_type<tc>, window_params = [{transform_indices = @transform_0, window_bounds = array<i64: 1, 1024, 16>}, {transform_indices = @transform_1, window_bounds = array<i64: 1, 1024, 16>}, {transform_indices = @transform_2, window_bounds = array<i64: 1, 1024, 20>}]} {
    %get3A = arith.constant 0 : index
    %get3A_0 = arith.constant 0 : index
    %get3A_1 = arith.constant 0 : index
    %get3A_2 = vector.load %arg2[%get3A, %get3A_0, %get3A_1] : memref<1x1024x16xf32, #tpu.memory_space<vmem>>, vector<1x1024x16xf32>
    %get3A_3 = vector.shape_cast %get3A_2 : vector<1x1024x16xf32> to vector<1024x16xf32>
    %get3A_4 = arith.constant 0 : index
    %get3A_5 = arith.constant 0 : index
    %get3A_6 = arith.constant 0 : index
    %get3A_7 = vector.load %arg3[%get3A_4, %get3A_5, %get3A_6] : memref<1x1024x16xf32, #tpu.memory_space<vmem>>, vector<1x1024x16xf32>
    %get3A_8 = vector.shape_cast %get3A_7 : vector<1x1024x16xf32> to vector<1024x16xf32>
    %dot_general3A = arith.constant dense<0.000000e+00> : vector<1024x1024xf32>
    %dot_general3A_9 = tpu.matmul %get3A_3, %get3A_8, %dot_general3A {dimension_numbers = #tpu.dot_dimension_numbers<[1], [1], [0], [0], [0, 0, 1, 0], [], []>, transpose_lhs_hint = false} : vector<1024x16xf32>, vector<1024x16xf32>, vector<1024x1024xf32> -> vector<1024x1024xf32>
    %mul3A = arith.constant -2.000000e+00 : f32
    %mul3A_10 = vector.broadcast %mul3A : f32 to vector<1024x1024xf32>
    %mul3A_11 = arith.mulf %mul3A_10, %dot_general3A_9 : vector<1024x1024xf32>
    %mul3A_12 = arith.mulf %get3A_3, %get3A_3 : vector<1024x16xf32>
    %reduce_sum3A = arith.constant dense<0.000000e+00> : vector<1024xf32>
    %reduce_sum3A_13 = vector.multi_reduction <add>, %mul3A_12, %reduce_sum3A [1] : vector<1024x16xf32> to vector<1024xf32>
    %broadcast_in_dim3A = vector.shape_cast %reduce_sum3A_13 : vector<1024xf32> to vector<1024x1xf32>
    %mul3A_14 = arith.mulf %get3A_8, %get3A_8 : vector<1024x16xf32>
    %reduce_sum3A_15 = arith.constant dense<0.000000e+00> : vector<1024xf32>
    %reduce_sum3A_16 = vector.multi_reduction <add>, %mul3A_14, %reduce_sum3A_15 [1] : vector<1024x16xf32> to vector<1024xf32>
    %neg3A = arith.constant 0.000000e+00 : f32
    %neg3A_17 = vector.broadcast %neg3A : f32 to vector<1024x1xf32>
    %neg3A_18 = arith.subf %neg3A_17, %broadcast_in_dim3A : vector<1024x1xf32>
    %sub3A = vector.broadcast %neg3A_18 : vector<1024x1xf32> to vector<1024x1024xf32>
    %sub3A_19 = arith.subf %sub3A, %mul3A_11 : vector<1024x1024xf32>
    %broadcast_in_dim3A_20 = vector.shape_cast %reduce_sum3A_16 : vector<1024xf32> to vector<1x1024xf32>
    %sub3A_21 = vector.broadcast %broadcast_in_dim3A_20 : vector<1x1024xf32> to vector<1024x1024xf32>
    %sub3A_22 = arith.subf %sub3A_19, %sub3A_21 : vector<1024x1024xf32>
    %iota3A = tpu.iota {dimensions = array<i32: 1>} : vector<1024x1024xi32>
    %mul3A_23 = arith.constant 1024 : i32
    %mul3A_24 = arith.muli %arg0, %mul3A_23 : i32
    %argmax3A = tpu.reduce_index %sub3A_22 {axis = 1 : i32, kind = #tpu.reduction_kind<arg_max>} : vector<1024x1024xf32> -> vector<1024xi32>
    %broadcast_in_dim3A_25 = vector.shape_cast %argmax3A : vector<1024xi32> to vector<1024x1xi32>
    %add3A = vector.broadcast %mul3A_24 : i32 to vector<1024x1xi32>
    %add3A_26 = arith.addi %broadcast_in_dim3A_25, %add3A : vector<1024x1xi32>
    %eq3A = vector.broadcast %broadcast_in_dim3A_25 : vector<1024x1xi32> to vector<1024x1024xi32>
    %eq3A_27 = arith.cmpi eq, %iota3A, %eq3A : vector<1024x1024xi32>
    %jit3A = arith.constant -3.400000e+38 : f32
    %broadcast_in_dim3A_28 = vector.broadcast %jit3A : f32 to vector<1024x1024xf32>
    %select_n3A = arith.select %eq3A_27, %broadcast_in_dim3A_28, %sub3A_22 : vector<1024x1024xi1>, vector<1024x1024xf32>
    %argmax3A_29 = tpu.reduce_index %select_n3A {axis = 1 : i32, kind = #tpu.reduction_kind<arg_max>} : vector<1024x1024xf32> -> vector<1024xi32>
    %broadcast_in_dim3A_30 = vector.shape_cast %argmax3A_29 : vector<1024xi32> to vector<1024x1xi32>
    %add3A_31 = vector.broadcast %mul3A_24 : i32 to vector<1024x1xi32>
    %add3A_32 = arith.addi %broadcast_in_dim3A_30, %add3A_31 : vector<1024x1xi32>
    %eq3A_33 = vector.broadcast %broadcast_in_dim3A_30 : vector<1024x1xi32> to vector<1024x1024xi32>
    %eq3A_34 = arith.cmpi eq, %iota3A, %eq3A_33 : vector<1024x1024xi32>
    %jit3A_35 = arith.constant -3.400000e+38 : f32
    %broadcast_in_dim3A_36 = vector.broadcast %jit3A_35 : f32 to vector<1024x1024xf32>
    %select_n3A_37 = arith.select %eq3A_34, %broadcast_in_dim3A_36, %select_n3A : vector<1024x1024xi1>, vector<1024x1024xf32>
    %argmax3A_38 = tpu.reduce_index %select_n3A_37 {axis = 1 : i32, kind = #tpu.reduction_kind<arg_max>} : vector<1024x1024xf32> -> vector<1024xi32>
    %broadcast_in_dim3A_39 = vector.shape_cast %argmax3A_38 : vector<1024xi32> to vector<1024x1xi32>
    %add3A_40 = vector.broadcast %mul3A_24 : i32 to vector<1024x1xi32>
    %add3A_41 = arith.addi %broadcast_in_dim3A_39, %add3A_40 : vector<1024x1xi32>
    %eq3A_42 = vector.broadcast %broadcast_in_dim3A_39 : vector<1024x1xi32> to vector<1024x1024xi32>
    %eq3A_43 = arith.cmpi eq, %iota3A, %eq3A_42 : vector<1024x1024xi32>
    %jit3A_44 = arith.constant -3.400000e+38 : f32
    %broadcast_in_dim3A_45 = vector.broadcast %jit3A_44 : f32 to vector<1024x1024xf32>
    %select_n3A_46 = arith.select %eq3A_43, %broadcast_in_dim3A_45, %select_n3A_37 : vector<1024x1024xi1>, vector<1024x1024xf32>
    %argmax3A_47 = tpu.reduce_index %select_n3A_46 {axis = 1 : i32, kind = #tpu.reduction_kind<arg_max>} : vector<1024x1024xf32> -> vector<1024xi32>
    %broadcast_in_dim3A_48 = vector.shape_cast %argmax3A_47 : vector<1024xi32> to vector<1024x1xi32>
    %add3A_49 = vector.broadcast %mul3A_24 : i32 to vector<1024x1xi32>
    %add3A_50 = arith.addi %broadcast_in_dim3A_48, %add3A_49 : vector<1024x1xi32>
    %eq3A_51 = vector.broadcast %broadcast_in_dim3A_48 : vector<1024x1xi32> to vector<1024x1024xi32>
    %eq3A_52 = arith.cmpi eq, %iota3A, %eq3A_51 : vector<1024x1024xi32>
    %jit3A_53 = arith.constant -3.400000e+38 : f32
    %broadcast_in_dim3A_54 = vector.broadcast %jit3A_53 : f32 to vector<1024x1024xf32>
    %select_n3A_55 = arith.select %eq3A_52, %broadcast_in_dim3A_54, %select_n3A_46 : vector<1024x1024xi1>, vector<1024x1024xf32>
    %argmax3A_56 = tpu.reduce_index %select_n3A_55 {axis = 1 : i32, kind = #tpu.reduction_kind<arg_max>} : vector<1024x1024xf32> -> vector<1024xi32>
    %broadcast_in_dim3A_57 = vector.shape_cast %argmax3A_56 : vector<1024xi32> to vector<1024x1xi32>
    %add3A_58 = vector.broadcast %mul3A_24 : i32 to vector<1024x1xi32>
    %add3A_59 = arith.addi %broadcast_in_dim3A_57, %add3A_58 : vector<1024x1xi32>
    %eq3A_60 = vector.broadcast %broadcast_in_dim3A_57 : vector<1024x1xi32> to vector<1024x1024xi32>
    %eq3A_61 = arith.cmpi eq, %iota3A, %eq3A_60 : vector<1024x1024xi32>
    %jit3A_62 = arith.constant -3.400000e+38 : f32
    %broadcast_in_dim3A_63 = vector.broadcast %jit3A_62 : f32 to vector<1024x1024xf32>
    %select_n3A_64 = arith.select %eq3A_61, %broadcast_in_dim3A_63, %select_n3A_55 : vector<1024x1024xi1>, vector<1024x1024xf32>
    %argmax3A_65 = tpu.reduce_index %select_n3A_64 {axis = 1 : i32, kind = #tpu.reduction_kind<arg_max>} : vector<1024x1024xf32> -> vector<1024xi32>
    %broadcast_in_dim3A_66 = vector.shape_cast %argmax3A_65 : vector<1024xi32> to vector<1024x1xi32>
    %add3A_67 = vector.broadcast %mul3A_24 : i32 to vector<1024x1xi32>
    %add3A_68 = arith.addi %broadcast_in_dim3A_66, %add3A_67 : vector<1024x1xi32>
    %eq3A_69 = vector.broadcast %broadcast_in_dim3A_66 : vector<1024x1xi32> to vector<1024x1024xi32>
    %eq3A_70 = arith.cmpi eq, %iota3A, %eq3A_69 : vector<1024x1024xi32>
    %jit3A_71 = arith.constant -3.400000e+38 : f32
    %broadcast_in_dim3A_72 = vector.broadcast %jit3A_71 : f32 to vector<1024x1024xf32>
    %select_n3A_73 = arith.select %eq3A_70, %broadcast_in_dim3A_72, %select_n3A_64 : vector<1024x1024xi1>, vector<1024x1024xf32>
    %argmax3A_74 = tpu.reduce_index %select_n3A_73 {axis = 1 : i32, kind = #tpu.reduction_kind<arg_max>} : vector<1024x1024xf32> -> vector<1024xi32>
    %broadcast_in_dim3A_75 = vector.shape_cast %argmax3A_74 : vector<1024xi32> to vector<1024x1xi32>
    %add3A_76 = vector.broadcast %mul3A_24 : i32 to vector<1024x1xi32>
    %add3A_77 = arith.addi %broadcast_in_dim3A_75, %add3A_76 : vector<1024x1xi32>
    %eq3A_78 = vector.broadcast %broadcast_in_dim3A_75 : vector<1024x1xi32> to vector<1024x1024xi32>
    %eq3A_79 = arith.cmpi eq, %iota3A, %eq3A_78 : vector<1024x1024xi32>
    %jit3A_80 = arith.constant -3.400000e+38 : f32
    %broadcast_in_dim3A_81 = vector.broadcast %jit3A_80 : f32 to vector<1024x1024xf32>
    %select_n3A_82 = arith.select %eq3A_79, %broadcast_in_dim3A_81, %select_n3A_73 : vector<1024x1024xi1>, vector<1024x1024xf32>
    %argmax3A_83 = tpu.reduce_index %select_n3A_82 {axis = 1 : i32, kind = #tpu.reduction_kind<arg_max>} : vector<1024x1024xf32> -> vector<1024xi32>
    %broadcast_in_dim3A_84 = vector.shape_cast %argmax3A_83 : vector<1024xi32> to vector<1024x1xi32>
    %add3A_85 = vector.broadcast %mul3A_24 : i32 to vector<1024x1xi32>
    %add3A_86 = arith.addi %broadcast_in_dim3A_84, %add3A_85 : vector<1024x1xi32>
    %eq3A_87 = vector.broadcast %broadcast_in_dim3A_84 : vector<1024x1xi32> to vector<1024x1024xi32>
    %eq3A_88 = arith.cmpi eq, %iota3A, %eq3A_87 : vector<1024x1024xi32>
    %jit3A_89 = arith.constant -3.400000e+38 : f32
    %broadcast_in_dim3A_90 = vector.broadcast %jit3A_89 : f32 to vector<1024x1024xf32>
    %select_n3A_91 = arith.select %eq3A_88, %broadcast_in_dim3A_90, %select_n3A_82 : vector<1024x1024xi1>, vector<1024x1024xf32>
    %argmax3A_92 = tpu.reduce_index %select_n3A_91 {axis = 1 : i32, kind = #tpu.reduction_kind<arg_max>} : vector<1024x1024xf32> -> vector<1024xi32>
    %broadcast_in_dim3A_93 = vector.shape_cast %argmax3A_92 : vector<1024xi32> to vector<1024x1xi32>
    %add3A_94 = vector.broadcast %mul3A_24 : i32 to vector<1024x1xi32>
    %add3A_95 = arith.addi %broadcast_in_dim3A_93, %add3A_94 : vector<1024x1xi32>
    %eq3A_96 = vector.broadcast %broadcast_in_dim3A_93 : vector<1024x1xi32> to vector<1024x1024xi32>
    %eq3A_97 = arith.cmpi eq, %iota3A, %eq3A_96 : vector<1024x1024xi32>
    %jit3A_98 = arith.constant -3.400000e+38 : f32
    %broadcast_in_dim3A_99 = vector.broadcast %jit3A_98 : f32 to vector<1024x1024xf32>
    %select_n3A_100 = arith.select %eq3A_97, %broadcast_in_dim3A_99, %select_n3A_91 : vector<1024x1024xi1>, vector<1024x1024xf32>
    %argmax3A_101 = tpu.reduce_index %select_n3A_100 {axis = 1 : i32, kind = #tpu.reduction_kind<arg_max>} : vector<1024x1024xf32> -> vector<1024xi32>
    %broadcast_in_dim3A_102 = vector.shape_cast %argmax3A_101 : vector<1024xi32> to vector<1024x1xi32>
    %add3A_103 = vector.broadcast %mul3A_24 : i32 to vector<1024x1xi32>
    %add3A_104 = arith.addi %broadcast_in_dim3A_102, %add3A_103 : vector<1024x1xi32>
    %eq3A_105 = vector.broadcast %broadcast_in_dim3A_102 : vector<1024x1xi32> to vector<1024x1024xi32>
    %eq3A_106 = arith.cmpi eq, %iota3A, %eq3A_105 : vector<1024x1024xi32>
    %jit3A_107 = arith.constant -3.400000e+38 : f32
    %broadcast_in_dim3A_108 = vector.broadcast %jit3A_107 : f32 to vector<1024x1024xf32>
    %select_n3A_109 = arith.select %eq3A_106, %broadcast_in_dim3A_108, %select_n3A_100 : vector<1024x1024xi1>, vector<1024x1024xf32>
    %argmax3A_110 = tpu.reduce_index %select_n3A_109 {axis = 1 : i32, kind = #tpu.reduction_kind<arg_max>} : vector<1024x1024xf32> -> vector<1024xi32>
    %broadcast_in_dim3A_111 = vector.shape_cast %argmax3A_110 : vector<1024xi32> to vector<1024x1xi32>
    %add3A_112 = vector.broadcast %mul3A_24 : i32 to vector<1024x1xi32>
    %add3A_113 = arith.addi %broadcast_in_dim3A_111, %add3A_112 : vector<1024x1xi32>
    %eq3A_114 = vector.broadcast %broadcast_in_dim3A_111 : vector<1024x1xi32> to vector<1024x1024xi32>
    %eq3A_115 = arith.cmpi eq, %iota3A, %eq3A_114 : vector<1024x1024xi32>
    %jit3A_116 = arith.constant -3.400000e+38 : f32
    %broadcast_in_dim3A_117 = vector.broadcast %jit3A_116 : f32 to vector<1024x1024xf32>
    %select_n3A_118 = arith.select %eq3A_115, %broadcast_in_dim3A_117, %select_n3A_109 : vector<1024x1024xi1>, vector<1024x1024xf32>
    %argmax3A_119 = tpu.reduce_index %select_n3A_118 {axis = 1 : i32, kind = #tpu.reduction_kind<arg_max>} : vector<1024x1024xf32> -> vector<1024xi32>
    %broadcast_in_dim3A_120 = vector.shape_cast %argmax3A_119 : vector<1024xi32> to vector<1024x1xi32>
    %add3A_121 = vector.broadcast %mul3A_24 : i32 to vector<1024x1xi32>
    %add3A_122 = arith.addi %broadcast_in_dim3A_120, %add3A_121 : vector<1024x1xi32>
    %eq3A_123 = vector.broadcast %broadcast_in_dim3A_120 : vector<1024x1xi32> to vector<1024x1024xi32>
    %eq3A_124 = arith.cmpi eq, %iota3A, %eq3A_123 : vector<1024x1024xi32>
    %jit3A_125 = arith.constant -3.400000e+38 : f32
    %broadcast_in_dim3A_126 = vector.broadcast %jit3A_125 : f32 to vector<1024x1024xf32>
    %select_n3A_127 = arith.select %eq3A_124, %broadcast_in_dim3A_126, %select_n3A_118 : vector<1024x1024xi1>, vector<1024x1024xf32>
    %argmax3A_128 = tpu.reduce_index %select_n3A_127 {axis = 1 : i32, kind = #tpu.reduction_kind<arg_max>} : vector<1024x1024xf32> -> vector<1024xi32>
    %broadcast_in_dim3A_129 = vector.shape_cast %argmax3A_128 : vector<1024xi32> to vector<1024x1xi32>
    %add3A_130 = vector.broadcast %mul3A_24 : i32 to vector<1024x1xi32>
    %add3A_131 = arith.addi %broadcast_in_dim3A_129, %add3A_130 : vector<1024x1xi32>
    %eq3A_132 = vector.broadcast %broadcast_in_dim3A_129 : vector<1024x1xi32> to vector<1024x1024xi32>
    %eq3A_133 = arith.cmpi eq, %iota3A, %eq3A_132 : vector<1024x1024xi32>
    %jit3A_134 = arith.constant -3.400000e+38 : f32
    %broadcast_in_dim3A_135 = vector.broadcast %jit3A_134 : f32 to vector<1024x1024xf32>
    %select_n3A_136 = arith.select %eq3A_133, %broadcast_in_dim3A_135, %select_n3A_127 : vector<1024x1024xi1>, vector<1024x1024xf32>
    %argmax3A_137 = tpu.reduce_index %select_n3A_136 {axis = 1 : i32, kind = #tpu.reduction_kind<arg_max>} : vector<1024x1024xf32> -> vector<1024xi32>
    %broadcast_in_dim3A_138 = vector.shape_cast %argmax3A_137 : vector<1024xi32> to vector<1024x1xi32>
    %add3A_139 = vector.broadcast %mul3A_24 : i32 to vector<1024x1xi32>
    %add3A_140 = arith.addi %broadcast_in_dim3A_138, %add3A_139 : vector<1024x1xi32>
    %eq3A_141 = vector.broadcast %broadcast_in_dim3A_138 : vector<1024x1xi32> to vector<1024x1024xi32>
    %eq3A_142 = arith.cmpi eq, %iota3A, %eq3A_141 : vector<1024x1024xi32>
    %jit3A_143 = arith.constant -3.400000e+38 : f32
    %broadcast_in_dim3A_144 = vector.broadcast %jit3A_143 : f32 to vector<1024x1024xf32>
    %select_n3A_145 = arith.select %eq3A_142, %broadcast_in_dim3A_144, %select_n3A_136 : vector<1024x1024xi1>, vector<1024x1024xf32>
    %argmax3A_146 = tpu.reduce_index %select_n3A_145 {axis = 1 : i32, kind = #tpu.reduction_kind<arg_max>} : vector<1024x1024xf32> -> vector<1024xi32>
    %broadcast_in_dim3A_147 = vector.shape_cast %argmax3A_146 : vector<1024xi32> to vector<1024x1xi32>
    %add3A_148 = vector.broadcast %mul3A_24 : i32 to vector<1024x1xi32>
    %add3A_149 = arith.addi %broadcast_in_dim3A_147, %add3A_148 : vector<1024x1xi32>
    %eq3A_150 = vector.broadcast %broadcast_in_dim3A_147 : vector<1024x1xi32> to vector<1024x1024xi32>
    %eq3A_151 = arith.cmpi eq, %iota3A, %eq3A_150 : vector<1024x1024xi32>
    %jit3A_152 = arith.constant -3.400000e+38 : f32
    %broadcast_in_dim3A_153 = vector.broadcast %jit3A_152 : f32 to vector<1024x1024xf32>
    %select_n3A_154 = arith.select %eq3A_151, %broadcast_in_dim3A_153, %select_n3A_145 : vector<1024x1024xi1>, vector<1024x1024xf32>
    %argmax3A_155 = tpu.reduce_index %select_n3A_154 {axis = 1 : i32, kind = #tpu.reduction_kind<arg_max>} : vector<1024x1024xf32> -> vector<1024xi32>
    %broadcast_in_dim3A_156 = vector.shape_cast %argmax3A_155 : vector<1024xi32> to vector<1024x1xi32>
    %add3A_157 = vector.broadcast %mul3A_24 : i32 to vector<1024x1xi32>
    %add3A_158 = arith.addi %broadcast_in_dim3A_156, %add3A_157 : vector<1024x1xi32>
    %eq3A_159 = vector.broadcast %broadcast_in_dim3A_156 : vector<1024x1xi32> to vector<1024x1024xi32>
    %eq3A_160 = arith.cmpi eq, %iota3A, %eq3A_159 : vector<1024x1024xi32>
    %jit3A_161 = arith.constant -3.400000e+38 : f32
    %broadcast_in_dim3A_162 = vector.broadcast %jit3A_161 : f32 to vector<1024x1024xf32>
    %select_n3A_163 = arith.select %eq3A_160, %broadcast_in_dim3A_162, %select_n3A_154 : vector<1024x1024xi1>, vector<1024x1024xf32>
    %argmax3A_164 = tpu.reduce_index %select_n3A_163 {axis = 1 : i32, kind = #tpu.reduction_kind<arg_max>} : vector<1024x1024xf32> -> vector<1024xi32>
    %broadcast_in_dim3A_165 = vector.shape_cast %argmax3A_164 : vector<1024xi32> to vector<1024x1xi32>
    %add3A_166 = vector.broadcast %mul3A_24 : i32 to vector<1024x1xi32>
    %add3A_167 = arith.addi %broadcast_in_dim3A_165, %add3A_166 : vector<1024x1xi32>
    %eq3A_168 = vector.broadcast %broadcast_in_dim3A_165 : vector<1024x1xi32> to vector<1024x1024xi32>
    %eq3A_169 = arith.cmpi eq, %iota3A, %eq3A_168 : vector<1024x1024xi32>
    %jit3A_170 = arith.constant -3.400000e+38 : f32
    %broadcast_in_dim3A_171 = vector.broadcast %jit3A_170 : f32 to vector<1024x1024xf32>
    %select_n3A_172 = arith.select %eq3A_169, %broadcast_in_dim3A_171, %select_n3A_163 : vector<1024x1024xi1>, vector<1024x1024xf32>
    %argmax3A_173 = tpu.reduce_index %select_n3A_172 {axis = 1 : i32, kind = #tpu.reduction_kind<arg_max>} : vector<1024x1024xf32> -> vector<1024xi32>
    %broadcast_in_dim3A_174 = vector.shape_cast %argmax3A_173 : vector<1024xi32> to vector<1024x1xi32>
    %add3A_175 = vector.broadcast %mul3A_24 : i32 to vector<1024x1xi32>
    %add3A_176 = arith.addi %broadcast_in_dim3A_174, %add3A_175 : vector<1024x1xi32>
    %eq3A_177 = vector.broadcast %broadcast_in_dim3A_174 : vector<1024x1xi32> to vector<1024x1024xi32>
    %eq3A_178 = arith.cmpi eq, %iota3A, %eq3A_177 : vector<1024x1024xi32>
    %jit3A_179 = arith.constant -3.400000e+38 : f32
    %broadcast_in_dim3A_180 = vector.broadcast %jit3A_179 : f32 to vector<1024x1024xf32>
    %select_n3A_181 = arith.select %eq3A_178, %broadcast_in_dim3A_180, %select_n3A_172 : vector<1024x1024xi1>, vector<1024x1024xf32>
    %argmax3A_182 = tpu.reduce_index %select_n3A_181 {axis = 1 : i32, kind = #tpu.reduction_kind<arg_max>} : vector<1024x1024xf32> -> vector<1024xi32>
    %broadcast_in_dim3A_183 = vector.shape_cast %argmax3A_182 : vector<1024xi32> to vector<1024x1xi32>
    %add3A_184 = vector.broadcast %mul3A_24 : i32 to vector<1024x1xi32>
    %add3A_185 = arith.addi %broadcast_in_dim3A_183, %add3A_184 : vector<1024x1xi32>
    %eq3A_186 = vector.broadcast %broadcast_in_dim3A_183 : vector<1024x1xi32> to vector<1024x1024xi32>
    %eq3A_187 = arith.cmpi eq, %iota3A, %eq3A_186 : vector<1024x1024xi32>
    %jit3A_188 = arith.constant -3.400000e+38 : f32
    %broadcast_in_dim3A_189 = vector.broadcast %jit3A_188 : f32 to vector<1024x1024xf32>
    %select_n3A_190 = arith.select %eq3A_187, %broadcast_in_dim3A_189, %select_n3A_181 : vector<1024x1024xi1>, vector<1024x1024xf32>
    %argmax3A_191 = tpu.reduce_index %select_n3A_190 {axis = 1 : i32, kind = #tpu.reduction_kind<arg_max>} : vector<1024x1024xf32> -> vector<1024xi32>
    %broadcast_in_dim3A_192 = vector.shape_cast %argmax3A_191 : vector<1024xi32> to vector<1024x1xi32>
    %add3A_193 = vector.broadcast %mul3A_24 : i32 to vector<1024x1xi32>
    %add3A_194 = arith.addi %broadcast_in_dim3A_192, %add3A_193 : vector<1024x1xi32>
    %concatenate3A = tpu.concatenate %add3A_26, %add3A_32, %add3A_41, %add3A_50, %add3A_59, %add3A_68, %add3A_77, %add3A_86, %add3A_95, %add3A_104, %add3A_113, %add3A_122, %add3A_131, %add3A_140, %add3A_149, %add3A_158, %add3A_167, %add3A_176, %add3A_185, %add3A_194 in 1 : vector<1024x1xi32>, vector<1024x1xi32>, vector<1024x1xi32>, vector<1024x1xi32>, vector<1024x1xi32>, vector<1024x1xi32>, vector<1024x1xi32>, vector<1024x1xi32>, vector<1024x1xi32>, vector<1024x1xi32>, vector<1024x1xi32>, vector<1024x1xi32>, vector<1024x1xi32>, vector<1024x1xi32>, vector<1024x1xi32>, vector<1024x1xi32>, vector<1024x1xi32>, vector<1024x1xi32>, vector<1024x1xi32>, vector<1024x1xi32> -> vector<1024x20xi32>
    %swap3A = arith.constant 0 : index
    %swap3A_195 = arith.constant 0 : index
    %swap3A_196 = arith.constant 0 : index
    %swap3A_197 = vector.load %arg4[%swap3A, %swap3A_195, %swap3A_196] : memref<1x1024x20xi32, #tpu.memory_space<vmem>>, vector<1x1024x20xi32>
    %swap3A_198 = vector.shape_cast %swap3A_197 : vector<1x1024x20xi32> to vector<1024x20xi32>
    %swap3A_199 = vector.shape_cast %concatenate3A : vector<1024x20xi32> to vector<1x1024x20xi32>
    tpu.vector_store %arg4[%swap3A, %swap3A_195, %swap3A_196], %swap3A_199 {strides = array<i32>} : memref<1x1024x20xi32, #tpu.memory_space<vmem>>, vector<1x1024x20xi32>,
    return
  }
  func.func @transform_0(%arg0: i32, %arg1: i32) -> (i32, i32, i32) {
    %add3A = arith.constant 8 : i32
    %add3A_0 = arith.addi %arg0, %add3A : i32
    %c0_i32 = arith.constant 0 : i32
    %c0_i32_1 = arith.constant 0 : i32
    return %add3A_0, %arg1, %c0_i32 : i32, i32, i32
  }
  func.func @transform_1(%arg0: i32, %arg1: i32) -> (i32, i32, i32) {
    %add3A = arith.constant 8 : i32
    %add3A_0 = arith.addi %arg0, %add3A : i32
    %c0_i32 = arith.constant 0 : i32
    %c0_i32_1 = arith.constant 0 : i32
    %c0_i32_2 = arith.constant 0 : i32
    return %add3A_0, %c0_i32, %c0_i32_1 : i32, i32, i32
  }
  func.func @transform_2(%arg0: i32, %arg1: i32) -> (i32, i32, i32) {
    %c0_i32 = arith.constant 0 : i32
    %c0_i32_0 = arith.constant 0 : i32
    return %arg0, %arg1, %c0_i32 : i32, i32, i32
  }
}

module attributes {stable_mosaic.version = 14 : i64} {
  func.func @_knn_kernel(%arg0: i32, %arg1: i32, %arg2: memref<1x1024x16xf32, #tpu.memory_space<vmem>>, %arg3: memref<1x1024x16xf32, #tpu.memory_space<vmem>>, %arg4: memref<1x1024x20xi32, #tpu.memory_space<vmem>>) attributes {dimension_semantics = [#tpu.dimension_semantics<arbitrary>, #tpu.dimension_semantics<arbitrary>], iteration_bounds = array<i64: 8, 1>, scalar_prefetch = 0 : i64, scratch_operands = 0 : i64, tpu.core_type = #tpu.core_type<tc>, window_params = [{transform_indices = @transform_0, window_bounds = array<i64: 1, 1024, 16>}, {transform_indices = @transform_1, window_bounds = array<i64: 1, 1024, 16>}, {transform_indices = @transform_2, window_bounds = array<i64: 1, 1024, 20>}]} {
    %get3A = arith.constant 0 : index
    %get3A_0 = arith.constant 0 : index
    %get3A_1 = arith.constant 0 : index
    %get3A_2 = vector.load %arg2[%get3A, %get3A_0, %get3A_1] : memref<1x1024x16xf32, #tpu.memory_space<vmem>>, vector<1x1024x16xf32>
    %get3A_3 = vector.shape_cast %get3A_2 : vector<1x1024x16xf32> to vector<1024x16xf32>
    %get3A_4 = arith.constant 0 : index
    %get3A_5 = arith.constant 0 : index
    %get3A_6 = arith.constant 0 : index
    %get3A_7 = vector.load %arg3[%get3A_4, %get3A_5, %get3A_6] : memref<1x1024x16xf32, #tpu.memory_space<vmem>>, vector<1x1024x16xf32>
    %get3A_8 = vector.shape_cast %get3A_7 : vector<1x1024x16xf32> to vector<1024x16xf32>
    %dot_general3A = arith.constant dense<0.000000e+00> : vector<1024x1024xf32>
    %dot_general3A_9 = tpu.matmul %get3A_3, %get3A_8, %dot_general3A {dimension_numbers = #tpu.dot_dimension_numbers<[1], [1], [0], [0], [0, 0, 1, 0], [], []>, transpose_lhs_hint = false} : vector<1024x16xf32>, vector<1024x16xf32>, vector<1024x1024xf32> -> vector<1024x1024xf32>
    %mul3A = arith.constant -2.000000e+00 : f32
    %mul3A_10 = vector.broadcast %mul3A : f32 to vector<1024x1024xf32>
    %mul3A_11 = arith.mulf %mul3A_10, %dot_general3A_9 : vector<1024x1024xf32>
    %mul3A_12 = arith.mulf %get3A_3, %get3A_3 : vector<1024x16xf32>
    %reduce_sum3A = arith.constant dense<0.000000e+00> : vector<1024xf32>
    %reduce_sum3A_13 = vector.multi_reduction <add>, %mul3A_12, %reduce_sum3A [1] : vector<1024x16xf32> to vector<1024xf32>
    %broadcast_in_dim3A = vector.shape_cast %reduce_sum3A_13 : vector<1024xf32> to vector<1024x1xf32>
    %mul3A_14 = arith.mulf %get3A_8, %get3A_8 : vector<1024x16xf32>
    %reduce_sum3A_15 = arith.constant dense<0.000000e+00> : vector<1024xf32>
    %reduce_sum3A_16 = vector.multi_reduction <add>, %mul3A_14, %reduce_sum3A_15 [1] : vector<1024x16xf32> to vector<1024xf32>
    %neg3A = arith.constant 0.000000e+00 : f32
    %neg3A_17 = vector.broadcast %neg3A : f32 to vector<1024x1xf32>
    %neg3A_18 = arith.subf %neg3A_17, %broadcast_in_dim3A : vector<1024x1xf32>
    %sub3A = vector.broadcast %neg3A_18 : vector<1024x1xf32> to vector<1024x1024xf32>
    %sub3A_19 = arith.subf %sub3A, %mul3A_11 : vector<1024x1024xf32>
    %broadcast_in_dim3A_20 = vector.shape_cast %reduce_sum3A_16 : vector<1024xf32> to vector<1x1024xf32>
    %sub3A_21 = vector.broadcast %broadcast_in_dim3A_20 : vector<1x1024xf32> to vector<1024x1024xf32>
    %sub3A_22 = arith.subf %sub3A_19, %sub3A_21 : vector<1024x1024xf32>
    %iota3A = tpu.iota {dimensions = array<i32: 1>} : vector<1024x1024xi32>
    %mul3A_23 = arith.constant 1024 : i32
    %mul3A_24 = arith.muli %arg0, %mul3A_23 : i32
    %argmax3A = tpu.reduce_index %sub3A_22 {axis = 1 : i32, kind = #tpu.reduction_kind<arg_max>} : vector<1024x1024xf32> -> vector<1024xi32>
    %broadcast_in_dim3A_25 = vector.shape_cast %argmax3A : vector<1024xi32> to vector<1024x1xi32>
    %add3A = vector.broadcast %mul3A_24 : i32 to vector<1024x1xi32>
    %add3A_26 = arith.addi %broadcast_in_dim3A_25, %add3A : vector<1024x1xi32>
    %eq3A = vector.broadcast %broadcast_in_dim3A_25 : vector<1024x1xi32> to vector<1024x1024xi32>
    %eq3A_27 = arith.cmpi eq, %iota3A, %eq3A : vector<1024x1024xi32>
    %jit3A = arith.constant -3.400000e+38 : f32
    %broadcast_in_dim3A_28 = vector.broadcast %jit3A : f32 to vector<1024x1024xf32>
    %select_n3A = arith.select %eq3A_27, %broadcast_in_dim3A_28, %sub3A_22 : vector<1024x1024xi1>, vector<1024x1024xf32>
    %argmax3A_29 = tpu.reduce_index %select_n3A {axis = 1 : i32, kind = #tpu.reduction_kind<arg_max>} : vector<1024x1024xf32> -> vector<1024xi32>
    %broadcast_in_dim3A_30 = vector.shape_cast %argmax3A_29 : vector<1024xi32> to vector<1024x1xi32>
    %add3A_31 = vector.broadcast %mul3A_24 : i32 to vector<1024x1xi32>
    %add3A_32 = arith.addi %broadcast_in_dim3A_30, %add3A_31 : vector<1024x1xi32>
    %eq3A_33 = vector.broadcast %broadcast_in_dim3A_30 : vector<1024x1xi32> to vector<1024x1024xi32>
    %eq3A_34 = arith.cmpi eq, %iota3A, %eq3A_33 : vector<1024x1024xi32>
    %jit3A_35 = arith.constant -3.400000e+38 : f32
    %broadcast_in_dim3A_36 = vector.broadcast %jit3A_35 : f32 to vector<1024x1024xf32>
    %select_n3A_37 = arith.select %eq3A_34, %broadcast_in_dim3A_36, %select_n3A : vector<1024x1024xi1>, vector<1024x1024xf32>
    %argmax3A_38 = tpu.reduce_index %select_n3A_37 {axis = 1 : i32, kind = #tpu.reduction_kind<arg_max>} : vector<1024x1024xf32> -> vector<1024xi32>
    %broadcast_in_dim3A_39 = vector.shape_cast %argmax3A_38 : vector<1024xi32> to vector<1024x1xi32>
    %add3A_40 = vector.broadcast %mul3A_24 : i32 to vector<1024x1xi32>
    %add3A_41 = arith.addi %broadcast_in_dim3A_39, %add3A_40 : vector<1024x1xi32>
    %eq3A_42 = vector.broadcast %broadcast_in_dim3A_39 : vector<1024x1xi32> to vector<1024x1024xi32>
    %eq3A_43 = arith.cmpi eq, %iota3A, %eq3A_42 : vector<1024x1024xi32>
    %jit3A_44 = arith.constant -3.400000e+38 : f32
    %broadcast_in_dim3A_45 = vector.broadcast %jit3A_44 : f32 to vector<1024x1024xf32>
    %select_n3A_46 = arith.select %eq3A_43, %broadcast_in_dim3A_45, %select_n3A_37 : vector<1024x1024xi1>, vector<1024x1024xf32>
    %argmax3A_47 = tpu.reduce_index %select_n3A_46 {axis = 1 : i32, kind = #tpu.reduction_kind<arg_max>} : vector<1024x1024xf32> -> vector<1024xi32>
    %broadcast_in_dim3A_48 = vector.shape_cast %argmax3A_47 : vector<1024xi32> to vector<1024x1xi32>
    %add3A_49 = vector.broadcast %mul3A_24 : i32 to vector<1024x1xi32>
    %add3A_50 = arith.addi %broadcast_in_dim3A_48, %add3A_49 : vector<1024x1xi32>
    %eq3A_51 = vector.broadcast %broadcast_in_dim3A_48 : vector<1024x1xi32> to vector<1024x1024xi32>
    %eq3A_52 = arith.cmpi eq, %iota3A, %eq3A_51 : vector<1024x1024xi32>
    %jit3A_53 = arith.constant -3.400000e+38 : f32
    %broadcast_in_dim3A_54 = vector.broadcast %jit3A_53 : f32 to vector<1024x1024xf32>
    %select_n3A_55 = arith.select %eq3A_52, %broadcast_in_dim3A_54, %select_n3A_46 : vector<1024x1024xi1>, vector<1024x1024xf32>
    %argmax3A_56 = tpu.reduce_index %select_n3A_55 {axis = 1 : i32, kind = #tpu.reduction_kind<arg_max>} : vector<1024x1024xf32> -> vector<1024xi32>
    %broadcast_in_dim3A_57 = vector.shape_cast %argmax3A_56 : vector<1024xi32> to vector<1024x1xi32>
    %add3A_58 = vector.broadcast %mul3A_24 : i32 to vector<1024x1xi32>
    %add3A_59 = arith.addi %broadcast_in_dim3A_57, %add3A_58 : vector<1024x1xi32>
    %eq3A_60 = vector.broadcast %broadcast_in_dim3A_57 : vector<1024x1xi32> to vector<1024x1024xi32>
    %eq3A_61 = arith.cmpi eq, %iota3A, %eq3A_60 : vector<1024x1024xi32>
    %jit3A_62 = arith.constant -3.400000e+38 : f32
    %broadcast_in_dim3A_63 = vector.broadcast %jit3A_62 : f32 to vector<1024x1024xf32>
    %select_n3A_64 = arith.select %eq3A_61, %broadcast_in_dim3A_63, %select_n3A_55 : vector<1024x1024xi1>, vector<1024x1024xf32>
    %argmax3A_65 = tpu.reduce_index %select_n3A_64 {axis = 1 : i32, kind = #tpu.reduction_kind<arg_max>} : vector<1024x1024xf32> -> vector<1024xi32>
    %broadcast_in_dim3A_66 = vector.shape_cast %argmax3A_65 : vector<1024xi32> to vector<1024x1xi32>
    %add3A_67 = vector.broadcast %mul3A_24 : i32 to vector<1024x1xi32>
    %add3A_68 = arith.addi %broadcast_in_dim3A_66, %add3A_67 : vector<1024x1xi32>
    %eq3A_69 = vector.broadcast %broadcast_in_dim3A_66 : vector<1024x1xi32> to vector<1024x1024xi32>
    %eq3A_70 = arith.cmpi eq, %iota3A, %eq3A_69 : vector<1024x1024xi32>
    %jit3A_71 = arith.constant -3.400000e+38 : f32
    %broadcast_in_dim3A_72 = vector.broadcast %jit3A_71 : f32 to vector<1024x1024xf32>
    %select_n3A_73 = arith.select %eq3A_70, %broadcast_in_dim3A_72, %select_n3A_64 : vector<1024x1024xi1>, vector<1024x1024xf32>
    %argmax3A_74 = tpu.reduce_index %select_n3A_73 {axis = 1 : i32, kind = #tpu.reduction_kind<arg_max>} : vector<1024x1024xf32> -> vector<1024xi32>
    %broadcast_in_dim3A_75 = vector.shape_cast %argmax3A_74 : vector<1024xi32> to vector<1024x1xi32>
    %add3A_76 = vector.broadcast %mul3A_24 : i32 to vector<1024x1xi32>
    %add3A_77 = arith.addi %broadcast_in_dim3A_75, %add3A_76 : vector<1024x1xi32>
    %eq3A_78 = vector.broadcast %broadcast_in_dim3A_75 : vector<1024x1xi32> to vector<1024x1024xi32>
    %eq3A_79 = arith.cmpi eq, %iota3A, %eq3A_78 : vector<1024x1024xi32>
    %jit3A_80 = arith.constant -3.400000e+38 : f32
    %broadcast_in_dim3A_81 = vector.broadcast %jit3A_80 : f32 to vector<1024x1024xf32>
    %select_n3A_82 = arith.select %eq3A_79, %broadcast_in_dim3A_81, %select_n3A_73 : vector<1024x1024xi1>, vector<1024x1024xf32>
    %argmax3A_83 = tpu.reduce_index %select_n3A_82 {axis = 1 : i32, kind = #tpu.reduction_kind<arg_max>} : vector<1024x1024xf32> -> vector<1024xi32>
    %broadcast_in_dim3A_84 = vector.shape_cast %argmax3A_83 : vector<1024xi32> to vector<1024x1xi32>
    %add3A_85 = vector.broadcast %mul3A_24 : i32 to vector<1024x1xi32>
    %add3A_86 = arith.addi %broadcast_in_dim3A_84, %add3A_85 : vector<1024x1xi32>
    %eq3A_87 = vector.broadcast %broadcast_in_dim3A_84 : vector<1024x1xi32> to vector<1024x1024xi32>
    %eq3A_88 = arith.cmpi eq, %iota3A, %eq3A_87 : vector<1024x1024xi32>
    %jit3A_89 = arith.constant -3.400000e+38 : f32
    %broadcast_in_dim3A_90 = vector.broadcast %jit3A_89 : f32 to vector<1024x1024xf32>
    %select_n3A_91 = arith.select %eq3A_88, %broadcast_in_dim3A_90, %select_n3A_82 : vector<1024x1024xi1>, vector<1024x1024xf32>
    %argmax3A_92 = tpu.reduce_index %select_n3A_91 {axis = 1 : i32, kind = #tpu.reduction_kind<arg_max>} : vector<1024x1024xf32> -> vector<1024xi32>
    %broadcast_in_dim3A_93 = vector.shape_cast %argmax3A_92 : vector<1024xi32> to vector<1024x1xi32>
    %add3A_94 = vector.broadcast %mul3A_24 : i32 to vector<1024x1xi32>
    %add3A_95 = arith.addi %broadcast_in_dim3A_93, %add3A_94 : vector<1024x1xi32>
    %eq3A_96 = vector.broadcast %broadcast_in_dim3A_93 : vector<1024x1xi32> to vector<1024x1024xi32>
    %eq3A_97 = arith.cmpi eq, %iota3A, %eq3A_96 : vector<1024x1024xi32>
    %jit3A_98 = arith.constant -3.400000e+38 : f32
    %broadcast_in_dim3A_99 = vector.broadcast %jit3A_98 : f32 to vector<1024x1024xf32>
    %select_n3A_100 = arith.select %eq3A_97, %broadcast_in_dim3A_99, %select_n3A_91 : vector<1024x1024xi1>, vector<1024x1024xf32>
    %argmax3A_101 = tpu.reduce_index %select_n3A_100 {axis = 1 : i32, kind = #tpu.reduction_kind<arg_max>} : vector<1024x1024xf32> -> vector<1024xi32>
    %broadcast_in_dim3A_102 = vector.shape_cast %argmax3A_101 : vector<1024xi32> to vector<1024x1xi32>
    %add3A_103 = vector.broadcast %mul3A_24 : i32 to vector<1024x1xi32>
    %add3A_104 = arith.addi %broadcast_in_dim3A_102, %add3A_103 : vector<1024x1xi32>
    %eq3A_105 = vector.broadcast %broadcast_in_dim3A_102 : vector<1024x1xi32> to vector<1024x1024xi32>
    %eq3A_106 = arith.cmpi eq, %iota3A, %eq3A_105 : vector<1024x1024xi32>
    %jit3A_107 = arith.constant -3.400000e+38 : f32
    %broadcast_in_dim3A_108 = vector.broadcast %jit3A_107 : f32 to vector<1024x1024xf32>
    %select_n3A_109 = arith.select %eq3A_106, %broadcast_in_dim3A_108, %select_n3A_100 : vector<1024x1024xi1>, vector<1024x1024xf32>
    %argmax3A_110 = tpu.reduce_index %select_n3A_109 {axis = 1 : i32, kind = #tpu.reduction_kind<arg_max>} : vector<1024x1024xf32> -> vector<1024xi32>
    %broadcast_in_dim3A_111 = vector.shape_cast %argmax3A_110 : vector<1024xi32> to vector<1024x1xi32>
    %add3A_112 = vector.broadcast %mul3A_24 : i32 to vector<1024x1xi32>
    %add3A_113 = arith.addi %broadcast_in_dim3A_111, %add3A_112 : vector<1024x1xi32>
    %eq3A_114 = vector.broadcast %broadcast_in_dim3A_111 : vector<1024x1xi32> to vector<1024x1024xi32>
    %eq3A_115 = arith.cmpi eq, %iota3A, %eq3A_114 : vector<1024x1024xi32>
    %jit3A_116 = arith.constant -3.400000e+38 : f32
    %broadcast_in_dim3A_117 = vector.broadcast %jit3A_116 : f32 to vector<1024x1024xf32>
    %select_n3A_118 = arith.select %eq3A_115, %broadcast_in_dim3A_117, %select_n3A_109 : vector<1024x1024xi1>, vector<1024x1024xf32>
    %argmax3A_119 = tpu.reduce_index %select_n3A_118 {axis = 1 : i32, kind = #tpu.reduction_kind<arg_max>} : vector<1024x1024xf32> -> vector<1024xi32>
    %broadcast_in_dim3A_120 = vector.shape_cast %argmax3A_119 : vector<1024xi32> to vector<1024x1xi32>
    %add3A_121 = vector.broadcast %mul3A_24 : i32 to vector<1024x1xi32>
    %add3A_122 = arith.addi %broadcast_in_dim3A_120, %add3A_121 : vector<1024x1xi32>
    %eq3A_123 = vector.broadcast %broadcast_in_dim3A_120 : vector<1024x1xi32> to vector<1024x1024xi32>
    %eq3A_124 = arith.cmpi eq, %iota3A, %eq3A_123 : vector<1024x1024xi32>
    %jit3A_125 = arith.constant -3.400000e+38 : f32
    %broadcast_in_dim3A_126 = vector.broadcast %jit3A_125 : f32 to vector<1024x1024xf32>
    %select_n3A_127 = arith.select %eq3A_124, %broadcast_in_dim3A_126, %select_n3A_118 : vector<1024x1024xi1>, vector<1024x1024xf32>
    %argmax3A_128 = tpu.reduce_index %select_n3A_127 {axis = 1 : i32, kind = #tpu.reduction_kind<arg_max>} : vector<1024x1024xf32> -> vector<1024xi32>
    %broadcast_in_dim3A_129 = vector.shape_cast %argmax3A_128 : vector<1024xi32> to vector<1024x1xi32>
    %add3A_130 = vector.broadcast %mul3A_24 : i32 to vector<1024x1xi32>
    %add3A_131 = arith.addi %broadcast_in_dim3A_129, %add3A_130 : vector<1024x1xi32>
    %eq3A_132 = vector.broadcast %broadcast_in_dim3A_129 : vector<1024x1xi32> to vector<1024x1024xi32>
    %eq3A_133 = arith.cmpi eq, %iota3A, %eq3A_132 : vector<1024x1024xi32>
    %jit3A_134 = arith.constant -3.400000e+38 : f32
    %broadcast_in_dim3A_135 = vector.broadcast %jit3A_134 : f32 to vector<1024x1024xf32>
    %select_n3A_136 = arith.select %eq3A_133, %broadcast_in_dim3A_135, %select_n3A_127 : vector<1024x1024xi1>, vector<1024x1024xf32>
    %argmax3A_137 = tpu.reduce_index %select_n3A_136 {axis = 1 : i32, kind = #tpu.reduction_kind<arg_max>} : vector<1024x1024xf32> -> vector<1024xi32>
    %broadcast_in_dim3A_138 = vector.shape_cast %argmax3A_137 : vector<1024xi32> to vector<1024x1xi32>
    %add3A_139 = vector.broadcast %mul3A_24 : i32 to vector<1024x1xi32>
    %add3A_140 = arith.addi %broadcast_in_dim3A_138, %add3A_139 : vector<1024x1xi32>
    %eq3A_141 = vector.broadcast %broadcast_in_dim3A_138 : vector<1024x1xi32> to vector<1024x1024xi32>
    %eq3A_142 = arith.cmpi eq, %iota3A, %eq3A_141 : vector<1024x1024xi32>
    %jit3A_143 = arith.constant -3.400000e+38 : f32
    %broadcast_in_dim3A_144 = vector.broadcast %jit3A_143 : f32 to vector<1024x1024xf32>
    %select_n3A_145 = arith.select %eq3A_142, %broadcast_in_dim3A_144, %select_n3A_136 : vector<1024x1024xi1>, vector<1024x1024xf32>
    %argmax3A_146 = tpu.reduce_index %select_n3A_145 {axis = 1 : i32, kind = #tpu.reduction_kind<arg_max>} : vector<1024x1024xf32> -> vector<1024xi32>
    %broadcast_in_dim3A_147 = vector.shape_cast %argmax3A_146 : vector<1024xi32> to vector<1024x1xi32>
    %add3A_148 = vector.broadcast %mul3A_24 : i32 to vector<1024x1xi32>
    %add3A_149 = arith.addi %broadcast_in_dim3A_147, %add3A_148 : vector<1024x1xi32>
    %eq3A_150 = vector.broadcast %broadcast_in_dim3A_147 : vector<1024x1xi32> to vector<1024x1024xi32>
    %eq3A_151 = arith.cmpi eq, %iota3A, %eq3A_150 : vector<1024x1024xi32>
    %jit3A_152 = arith.constant -3.400000e+38 : f32
    %broadcast_in_dim3A_153 = vector.broadcast %jit3A_152 : f32 to vector<1024x1024xf32>
    %select_n3A_154 = arith.select %eq3A_151, %broadcast_in_dim3A_153, %select_n3A_145 : vector<1024x1024xi1>, vector<1024x1024xf32>
    %argmax3A_155 = tpu.reduce_index %select_n3A_154 {axis = 1 : i32, kind = #tpu.reduction_kind<arg_max>} : vector<1024x1024xf32> -> vector<1024xi32>
    %broadcast_in_dim3A_156 = vector.shape_cast %argmax3A_155 : vector<1024xi32> to vector<1024x1xi32>
    %add3A_157 = vector.broadcast %mul3A_24 : i32 to vector<1024x1xi32>
    %add3A_158 = arith.addi %broadcast_in_dim3A_156, %add3A_157 : vector<1024x1xi32>
    %eq3A_159 = vector.broadcast %broadcast_in_dim3A_156 : vector<1024x1xi32> to vector<1024x1024xi32>
    %eq3A_160 = arith.cmpi eq, %iota3A, %eq3A_159 : vector<1024x1024xi32>
    %jit3A_161 = arith.constant -3.400000e+38 : f32
    %broadcast_in_dim3A_162 = vector.broadcast %jit3A_161 : f32 to vector<1024x1024xf32>
    %select_n3A_163 = arith.select %eq3A_160, %broadcast_in_dim3A_162, %select_n3A_154 : vector<1024x1024xi1>, vector<1024x1024xf32>
    %argmax3A_164 = tpu.reduce_index %select_n3A_163 {axis = 1 : i32, kind = #tpu.reduction_kind<arg_max>} : vector<1024x1024xf32> -> vector<1024xi32>
    %broadcast_in_dim3A_165 = vector.shape_cast %argmax3A_164 : vector<1024xi32> to vector<1024x1xi32>
    %add3A_166 = vector.broadcast %mul3A_24 : i32 to vector<1024x1xi32>
    %add3A_167 = arith.addi %broadcast_in_dim3A_165, %add3A_166 : vector<1024x1xi32>
    %eq3A_168 = vector.broadcast %broadcast_in_dim3A_165 : vector<1024x1xi32> to vector<1024x1024xi32>
    %eq3A_169 = arith.cmpi eq, %iota3A, %eq3A_168 : vector<1024x1024xi32>
    %jit3A_170 = arith.constant -3.400000e+38 : f32
    %broadcast_in_dim3A_171 = vector.broadcast %jit3A_170 : f32 to vector<1024x1024xf32>
    %select_n3A_172 = arith.select %eq3A_169, %broadcast_in_dim3A_171, %select_n3A_163 : vector<1024x1024xi1>, vector<1024x1024xf32>
    %argmax3A_173 = tpu.reduce_index %select_n3A_172 {axis = 1 : i32, kind = #tpu.reduction_kind<arg_max>} : vector<1024x1024xf32> -> vector<1024xi32>
    %broadcast_in_dim3A_174 = vector.shape_cast %argmax3A_173 : vector<1024xi32> to vector<1024x1xi32>
    %add3A_175 = vector.broadcast %mul3A_24 : i32 to vector<1024x1xi32>
    %add3A_176 = arith.addi %broadcast_in_dim3A_174, %add3A_175 : vector<1024x1xi32>
    %eq3A_177 = vector.broadcast %broadcast_in_dim3A_174 : vector<1024x1xi32> to vector<1024x1024xi32>
    %eq3A_178 = arith.cmpi eq, %iota3A, %eq3A_177 : vector<1024x1024xi32>
    %jit3A_179 = arith.constant -3.400000e+38 : f32
    %broadcast_in_dim3A_180 = vector.broadcast %jit3A_179 : f32 to vector<1024x1024xf32>
    %select_n3A_181 = arith.select %eq3A_178, %broadcast_in_dim3A_180, %select_n3A_172 : vector<1024x1024xi1>, vector<1024x1024xf32>
    %argmax3A_182 = tpu.reduce_index %select_n3A_181 {axis = 1 : i32, kind = #tpu.reduction_kind<arg_max>} : vector<1024x1024xf32> -> vector<1024xi32>
    %broadcast_in_dim3A_183 = vector.shape_cast %argmax3A_182 : vector<1024xi32> to vector<1024x1xi32>
    %add3A_184 = vector.broadcast %mul3A_24 : i32 to vector<1024x1xi32>
    %add3A_185 = arith.addi %broadcast_in_dim3A_183, %add3A_184 : vector<1024x1xi32>
    %eq3A_186 = vector.broadcast %broadcast_in_dim3A_183 : vector<1024x1xi32> to vector<1024x1024xi32>
    %eq3A_187 = arith.cmpi eq, %iota3A, %eq3A_186 : vector<1024x1024xi32>
    %jit3A_188 = arith.constant -3.400000e+38 : f32
    %broadcast_in_dim3A_189 = vector.broadcast %jit3A_188 : f32 to vector<1024x1024xf32>
    %select_n3A_190 = arith.select %eq3A_187, %broadcast_in_dim3A_189, %select_n3A_181 : vector<1024x1024xi1>, vector<1024x1024xf32>
    %argmax3A_191 = tpu.reduce_index %select_n3A_190 {axis = 1 : i32, kind = #tpu.reduction_kind<arg_max>} : vector<1024x1024xf32> -> vector<1024xi32>
    %broadcast_in_dim3A_192 = vector.shape_cast %argmax3A_191 : vector<1024xi32> to vector<1024x1xi32>
    %add3A_193 = vector.broadcast %mul3A_24 : i32 to vector<1024x1xi32>
    %add3A_194 = arith.addi %broadcast_in_dim3A_192, %add3A_193 : vector<1024x1xi32>
    %concatenate3A = tpu.concatenate %add3A_26, %add3A_32, %add3A_41, %add3A_50, %add3A_59, %add3A_68, %add3A_77, %add3A_86, %add3A_95, %add3A_104, %add3A_113, %add3A_122, %add3A_131, %add3A_140, %add3A_149, %add3A_158, %add3A_167, %add3A_176, %add3A_185, %add3A_194 in 1 : vector<1024x1xi32>, vector<1024x1xi32>, vector<1024x1xi32>, vector<1024x1xi32>, vector<1024x1xi32>, vector<1024x1xi32>, vector<1024x1xi32>, vector<1024x1xi32>, vector<1024x1xi32>, vector<1024x1xi32>, vector<1024x1xi32>, vector<1024x1xi32>, vector<1024x1xi32>, vector<1024x1xi32>, vector<1024x1xi32>, vector<1024x1xi32>, vector<1024x1xi32>, vector<1024x1xi32>, vector<1024x1xi32>, vector<1024x1xi32> -> vector<1024x20xi32>
    %swap3A = arith.constant 0 : index
    %swap3A_195 = arith.constant 0 : index
    %swap3A_196 = arith.constant 0 : index
    %swap3A_197 = vector.load %arg4[%swap3A, %swap3A_195, %swap3A_196] : memref<1x1024x20xi32, #tpu.memory_space<vmem>>, vector<1x1024x20xi32>
    %swap3A_198 = vector.shape_cast %swap3A_197 : vector<1x1024x20xi32> to vector<1024x20xi32>
    %swap3A_199 = vector.shape_cast %concatenate3A : vector<1024x20xi32> to vector<1x1024x20xi32>
    tpu.vector_store %arg4[%swap3A, %swap3A_195, %swap3A_196], %swap3A_199 {strides = array<i32>} : memref<1x1024x20xi32, #tpu.memory_space<vmem>>, vector<1x1024x20xi32>,
    return
  }
  func.func @transform_0(%arg0: i32, %arg1: i32) -> (i32, i32, i32) {
    %add3A = arith.constant 0 : i32
    %add3A_0 = arith.addi %arg0, %add3A : i32
    %c0_i32 = arith.constant 0 : i32
    %c0_i32_1 = arith.constant 0 : i32
    return %add3A_0, %arg1, %c0_i32 : i32, i32, i32
  }
  func.func @transform_1(%arg0: i32, %arg1: i32) -> (i32, i32, i32) {
    %add3A = arith.constant 0 : i32
    %add3A_0 = arith.addi %arg0, %add3A : i32
    %c0_i32 = arith.constant 0 : i32
    %c0_i32_1 = arith.constant 0 : i32
    %c0_i32_2 = arith.constant 0 : i32
    return %add3A_0, %c0_i32, %c0_i32_1 : i32, i32, i32
  }
  func.func @transform_2(%arg0: i32, %arg1: i32) -> (i32, i32, i32) {
    %c0_i32 = arith.constant 0 : i32
    %c0_i32_0 = arith.constant 0 : i32
    return %arg0, %arg1, %c0_i32 : i32, i32, i32
  }
}

module attributes {stable_mosaic.version = 14 : i64} {
  func.func @_edge_kernel(%arg0: i32, %arg1: i32, %arg2: memref<1x256x16xf32, #tpu.memory_space<vmem>>, %arg3: memref<1x256x20x16xf32, #tpu.memory_space<vmem>>, %arg4: memref<64x6xf32, #tpu.memory_space<vmem>>, %arg5: memref<1x256x64xf32, #tpu.memory_space<vmem>>, %arg6: memref<1x64xf32, #tpu.memory_space<vmem>>, %arg7: memref<1x64xf32, #tpu.memory_space<vmem>>) attributes {dimension_semantics = [#tpu.dimension_semantics<arbitrary>, #tpu.dimension_semantics<arbitrary>], iteration_bounds = array<i64: 8, 4>, scalar_prefetch = 0 : i64, scratch_operands = 0 : i64, tpu.core_type = #tpu.core_type<tc>, window_params = [{transform_indices = @transform_0, window_bounds = array<i64: 1, 256, 16>}, {transform_indices = @transform_1, window_bounds = array<i64: 1, 256, 20, 16>}, {pipeline_mode = #tpu.pipeline_mode<synchronous>, transform_indices = @transform_2, window_bounds = array<i64: 64, 6>}, {transform_indices = @transform_3, window_bounds = array<i64: 1, 256, 64>}, {pipeline_mode = #tpu.pipeline_mode<synchronous>, transform_indices = @transform_4, window_bounds = array<i64: 1, 64>}, {pipeline_mode = #tpu.pipeline_mode<synchronous>, transform_indices = @transform_5, window_bounds = array<i64: 1, 64>}]} {
    %eq3A = arith.constant 0 : i32
    %eq3A_0 = arith.cmpi eq, %arg0, %eq3A : i32
    %eq3A_1 = arith.constant 0 : i32
    %eq3A_2 = arith.cmpi eq, %arg1, %eq3A_1 : i32
    %and3A = arith.andi %eq3A_0, %eq3A_2 : i1
    %get3A = arith.constant 0 : index
    %get3A_3 = arith.constant 0 : index
    %get3A_4 = arith.constant 0 : index
    %get3A_5 = vector.load %arg2[%get3A, %get3A_3, %get3A_4] : memref<1x256x16xf32, #tpu.memory_space<vmem>>, vector<1x256x16xf32>
    %get3A_6 = vector.shape_cast %get3A_5 : vector<1x256x16xf32> to vector<256x16xf32>
    %slice3A = vector.extract_strided_slice %get3A_6 {offsets = [0, 0], sizes = [256, 3], strides = [1, 1]} : vector<256x16xf32> to vector<256x3xf32>
    %get3A_7 = arith.constant 0 : index
    %get3A_8 = arith.constant 0 : index
    %get3A_9 = arith.constant 0 : index
    %get3A_10 = arith.constant 0 : index
    %get3A_11 = vector.load %arg3[%get3A_7, %get3A_8, %get3A_9, %get3A_10] : memref<1x256x20x16xf32, #tpu.memory_space<vmem>>, vector<1x256x20x16xf32>
    %get3A_12 = vector.shape_cast %get3A_11 : vector<1x256x20x16xf32> to vector<256x20x16xf32>
    %slice3A_13 = vector.extract_strided_slice %get3A_12 {offsets = [0, 0, 0], sizes = [256, 20, 3], strides = [1, 1, 1]} : vector<256x20x16xf32> to vector<256x20x3xf32>
    %broadcast_in_dim3A = vector.shape_cast %slice3A : vector<256x3xf32> to vector<256x1x3xf32>
    %broadcast_in_dim3A_14 = vector.shape_cast %broadcast_in_dim3A : vector<256x1x3xf32> to vector<256x1x3xf32>
    %broadcast_in_dim3A_15 = vector.broadcast %broadcast_in_dim3A_14 : vector<256x1x3xf32> to vector<256x20x3xf32>
    %sub3A = arith.subf %slice3A_13, %broadcast_in_dim3A_15 : vector<256x20x3xf32>
    %concatenate3A = tpu.concatenate %broadcast_in_dim3A_15, %sub3A in 2 : vector<256x20x3xf32>, vector<256x20x3xf32> -> vector<256x20x6xf32>
    %reshape3A = vector.shape_cast %concatenate3A : vector<256x20x6xf32> to vector<5120x6xf32>
    %get3A_16 = arith.constant 0 : index
    %get3A_17 = arith.constant 0 : index
    %get3A_18 = vector.load %arg4[%get3A_16, %get3A_17] : memref<64x6xf32, #tpu.memory_space<vmem>>, vector<64x6xf32>
    %dot_general3A = arith.constant dense<0.000000e+00> : vector<5120x64xf32>
    %dot_general3A_19 = tpu.matmul %reshape3A, %get3A_18, %dot_general3A {dimension_numbers = #tpu.dot_dimension_numbers<[1], [1], [0], [0], [0, 0, 1, 0], [], []>, transpose_lhs_hint = false} : vector<5120x6xf32>, vector<64x6xf32>, vector<5120x64xf32> -> vector<5120x64xf32>
    %reduce_sum3A = arith.constant dense<0.000000e+00> : vector<64xf32>
    %reduce_sum3A_20 = vector.multi_reduction <add>, %dot_general3A_19, %reduce_sum3A [0] : vector<5120x64xf32> to vector<64xf32>
    %mul3A = arith.mulf %dot_general3A_19, %dot_general3A_19 : vector<5120x64xf32>
    %reduce_sum3A_21 = arith.constant dense<0.000000e+00> : vector<64xf32>
    %reduce_sum3A_22 = vector.multi_reduction <add>, %mul3A, %reduce_sum3A_21 [0] : vector<5120x64xf32> to vector<64xf32>
    %reshape3A_23 = vector.shape_cast %dot_general3A_19 : vector<5120x64xf32> to vector<256x20x64xf32>
    %reduce_max3A = arith.constant dense<0xFF800000> : vector<256x64xf32>
    %reduce_max3A_24 = vector.multi_reduction <maximumf>, %reshape3A_23, %reduce_max3A [1] : vector<256x20x64xf32> to vector<256x64xf32>
    %convert_element_type3A = arith.extui %and3A : i1 to i32
    %cond3A = arith.constant 0 : i32
    %cond3A_25 = arith.cmpi ne, %convert_element_type3A, %cond3A : i32
    scf.if %cond3A_25 {
      %broadcast_in_dim3A_46 = arith.constant 0.000000e+00 : f32
      %broadcast_in_dim3A_47 = vector.broadcast %broadcast_in_dim3A_46 : f32 to vector<1x64xf32>
      %swap3A_48 = arith.constant 0 : index
      %swap3A_49 = arith.constant 0 : index
      %swap3A_50 = vector.load %arg6[%swap3A_48, %swap3A_49] : memref<1x64xf32, #tpu.memory_space<vmem>>, vector<1x64xf32>
      tpu.vector_store %arg6[%swap3A_48, %swap3A_49], %broadcast_in_dim3A_47 {strides = array<i32>} : memref<1x64xf32, #tpu.memory_space<vmem>>, vector<1x64xf32>,
      %broadcast_in_dim3A_51 = arith.constant 0.000000e+00 : f32
      %broadcast_in_dim3A_52 = vector.broadcast %broadcast_in_dim3A_51 : f32 to vector<1x64xf32>
      %swap3A_53 = arith.constant 0 : index
      %swap3A_54 = arith.constant 0 : index
      %swap3A_55 = vector.load %arg7[%swap3A_53, %swap3A_54] : memref<1x64xf32, #tpu.memory_space<vmem>>, vector<1x64xf32>
      tpu.vector_store %arg7[%swap3A_53, %swap3A_54], %broadcast_in_dim3A_52 {strides = array<i32>} : memref<1x64xf32, #tpu.memory_space<vmem>>, vector<1x64xf32>,
    } else {
    }
    %get3A_26 = arith.constant 0 : index
    %get3A_27 = arith.constant 0 : index
    %get3A_28 = vector.load %arg6[%get3A_26, %get3A_27] : memref<1x64xf32, #tpu.memory_space<vmem>>, vector<1x64xf32>
    %broadcast_in_dim3A_29 = vector.shape_cast %reduce_sum3A_20 : vector<64xf32> to vector<1x64xf32>
    %add3A = arith.addf %get3A_28, %broadcast_in_dim3A_29 : vector<1x64xf32>
    %swap3A = arith.constant 0 : index
    %swap3A_30 = arith.constant 0 : index
    %swap3A_31 = vector.load %arg6[%swap3A, %swap3A_30] : memref<1x64xf32, #tpu.memory_space<vmem>>, vector<1x64xf32>
    tpu.vector_store %arg6[%swap3A, %swap3A_30], %add3A {strides = array<i32>} : memref<1x64xf32, #tpu.memory_space<vmem>>, vector<1x64xf32>,
    %get3A_32 = arith.constant 0 : index
    %get3A_33 = arith.constant 0 : index
    %get3A_34 = vector.load %arg7[%get3A_32, %get3A_33] : memref<1x64xf32, #tpu.memory_space<vmem>>, vector<1x64xf32>
    %broadcast_in_dim3A_35 = vector.shape_cast %reduce_sum3A_22 : vector<64xf32> to vector<1x64xf32>
    %add3A_36 = arith.addf %get3A_34, %broadcast_in_dim3A_35 : vector<1x64xf32>
    %swap3A_37 = arith.constant 0 : index
    %swap3A_38 = arith.constant 0 : index
    %swap3A_39 = vector.load %arg7[%swap3A_37, %swap3A_38] : memref<1x64xf32, #tpu.memory_space<vmem>>, vector<1x64xf32>
    tpu.vector_store %arg7[%swap3A_37, %swap3A_38], %add3A_36 {strides = array<i32>} : memref<1x64xf32, #tpu.memory_space<vmem>>, vector<1x64xf32>,
    %swap3A_40 = arith.constant 0 : index
    %swap3A_41 = arith.constant 0 : index
    %swap3A_42 = arith.constant 0 : index
    %swap3A_43 = vector.load %arg5[%swap3A_40, %swap3A_41, %swap3A_42] : memref<1x256x64xf32, #tpu.memory_space<vmem>>, vector<1x256x64xf32>
    %swap3A_44 = vector.shape_cast %swap3A_43 : vector<1x256x64xf32> to vector<256x64xf32>
    %swap3A_45 = vector.shape_cast %reduce_max3A_24 : vector<256x64xf32> to vector<1x256x64xf32>
    tpu.vector_store %arg5[%swap3A_40, %swap3A_41, %swap3A_42], %swap3A_45 {strides = array<i32>} : memref<1x256x64xf32, #tpu.memory_space<vmem>>, vector<1x256x64xf32>,
    return
  }
  func.func @transform_0(%arg0: i32, %arg1: i32) -> (i32, i32, i32) {
    %add3A = arith.constant 0 : i32
    %add3A_0 = arith.addi %arg0, %add3A : i32
    %c0_i32 = arith.constant 0 : i32
    %c0_i32_1 = arith.constant 0 : i32
    return %add3A_0, %arg1, %c0_i32 : i32, i32, i32
  }
  func.func @transform_1(%arg0: i32, %arg1: i32) -> (i32, i32, i32, i32) {
    %c0_i32 = arith.constant 0 : i32
    %c0_i32_0 = arith.constant 0 : i32
    %c0_i32_1 = arith.constant 0 : i32
    return %arg0, %arg1, %c0_i32, %c0_i32_0 : i32, i32, i32, i32
  }
  func.func @transform_2(%arg0: i32, %arg1: i32) -> (i32, i32) {
    %c0_i32 = arith.constant 0 : i32
    %c0_i32_0 = arith.constant 0 : i32
    %c0_i32_1 = arith.constant 0 : i32
    return %c0_i32, %c0_i32_0 : i32, i32
  }
  func.func @transform_3(%arg0: i32, %arg1: i32) -> (i32, i32, i32) {
    %c0_i32 = arith.constant 0 : i32
    %c0_i32_0 = arith.constant 0 : i32
    return %arg0, %arg1, %c0_i32 : i32, i32, i32
  }
  func.func @transform_4(%arg0: i32, %arg1: i32) -> (i32, i32) {
    %c0_i32 = arith.constant 0 : i32
    %c0_i32_0 = arith.constant 0 : i32
    %c0_i32_1 = arith.constant 0 : i32
    return %c0_i32, %c0_i32_0 : i32, i32
  }
  func.func @transform_5(%arg0: i32, %arg1: i32) -> (i32, i32) {
    %c0_i32 = arith.constant 0 : i32
    %c0_i32_0 = arith.constant 0 : i32
    %c0_i32_1 = arith.constant 0 : i32
    return %c0_i32, %c0_i32_0 : i32, i32
  }
}

module attributes {stable_mosaic.version = 14 : i64} {
  func.func @_knn_kernel(%arg0: i32, %arg1: i32, %arg2: memref<1x1024x64xf32, #tpu.memory_space<vmem>>, %arg3: memref<1x1024x64xf32, #tpu.memory_space<vmem>>, %arg4: memref<1x64xf32, #tpu.memory_space<vmem>>, %arg5: memref<1x64xf32, #tpu.memory_space<vmem>>, %arg6: memref<64xf32, #tpu.memory_space<vmem>>, %arg7: memref<64xf32, #tpu.memory_space<vmem>>, %arg8: memref<1x1024x20xi32, #tpu.memory_space<vmem>>, %arg9: memref<1x1024x64xf32, #tpu.memory_space<vmem>>) attributes {dimension_semantics = [#tpu.dimension_semantics<arbitrary>, #tpu.dimension_semantics<arbitrary>], iteration_bounds = array<i64: 8, 1>, scalar_prefetch = 0 : i64, scratch_operands = 0 : i64, tpu.core_type = #tpu.core_type<tc>, window_params = [{transform_indices = @transform_0, window_bounds = array<i64: 1, 1024, 64>}, {transform_indices = @transform_1, window_bounds = array<i64: 1, 1024, 64>}, {pipeline_mode = #tpu.pipeline_mode<synchronous>, transform_indices = @transform_2, window_bounds = array<i64: 1, 64>}, {pipeline_mode = #tpu.pipeline_mode<synchronous>, transform_indices = @transform_3, window_bounds = array<i64: 1, 64>}, {pipeline_mode = #tpu.pipeline_mode<synchronous>, transform_indices = @transform_4, window_bounds = array<i64: 64>}, {pipeline_mode = #tpu.pipeline_mode<synchronous>, transform_indices = @transform_5, window_bounds = array<i64: 64>}, {transform_indices = @transform_6, window_bounds = array<i64: 1, 1024, 20>}, {transform_indices = @transform_7, window_bounds = array<i64: 1, 1024, 64>}]} {
    %get3A = arith.constant 0 : index
    %get3A_0 = arith.constant 0 : index
    %get3A_1 = vector.load %arg4[%get3A, %get3A_0] : memref<1x64xf32, #tpu.memory_space<vmem>>, vector<1x64xf32>
    %get3A_2 = vector.shape_cast %get3A_1 : vector<1x64xf32> to vector<64xf32>
    %get3A_3 = arith.constant 0 : index
    %get3A_4 = arith.constant 0 : index
    %get3A_5 = vector.load %arg5[%get3A_3, %get3A_4] : memref<1x64xf32, #tpu.memory_space<vmem>>, vector<1x64xf32>
    %get3A_6 = vector.shape_cast %get3A_5 : vector<1x64xf32> to vector<64xf32>
    %get3A_7 = arith.constant 0 : index
    %get3A_8 = vector.load %arg6[%get3A_7] : memref<64xf32, #tpu.memory_space<vmem>>, vector<64xf32>
    %get3A_9 = arith.constant 0 : index
    %get3A_10 = vector.load %arg7[%get3A_9] : memref<64xf32, #tpu.memory_space<vmem>>, vector<64xf32>
    %get3A_11 = arith.constant 0 : index
    %get3A_12 = arith.constant 0 : index
    %get3A_13 = arith.constant 0 : index
    %get3A_14 = vector.load %arg2[%get3A_11, %get3A_12, %get3A_13] : memref<1x1024x64xf32, #tpu.memory_space<vmem>>, vector<1x1024x64xf32>
    %get3A_15 = vector.shape_cast %get3A_14 : vector<1x1024x64xf32> to vector<1024x64xf32>
    %div3A = arith.constant 3.276800e+05 : f32
    %div3A_16 = vector.broadcast %div3A : f32 to vector<64xf32>
    %div3A_17 = arith.divf %get3A_2, %div3A_16 : vector<64xf32>
    %div3A_18 = arith.constant 3.276800e+05 : f32
    %div3A_19 = vector.broadcast %div3A_18 : f32 to vector<64xf32>
    %div3A_20 = arith.divf %get3A_6, %div3A_19 : vector<64xf32>
    %mul3A = arith.mulf %div3A_17, %div3A_17 : vector<64xf32>
    %sub3A = arith.subf %div3A_20, %mul3A : vector<64xf32>
    %broadcast_in_dim3A = vector.shape_cast %div3A_17 : vector<64xf32> to vector<1x64xf32>
    %sub3A_21 = vector.broadcast %broadcast_in_dim3A : vector<1x64xf32> to vector<1024x64xf32>
    %sub3A_22 = arith.subf %get3A_15, %sub3A_21 : vector<1024x64xf32>
    %add3A = arith.constant 9.99999974E-6 : f32
    %add3A_23 = vector.broadcast %add3A : f32 to vector<64xf32>
    %add3A_24 = arith.addf %sub3A, %add3A_23 : vector<64xf32>
    %sqrt3A = math.sqrt %add3A_24 : vector<64xf32>
    %broadcast_in_dim3A_25 = vector.shape_cast %sqrt3A : vector<64xf32> to vector<1x64xf32>
    %div3A_26 = vector.broadcast %broadcast_in_dim3A_25 : vector<1x64xf32> to vector<1024x64xf32>
    %div3A_27 = arith.divf %sub3A_22, %div3A_26 : vector<1024x64xf32>
    %broadcast_in_dim3A_28 = vector.shape_cast %get3A_8 : vector<64xf32> to vector<1x64xf32>
    %mul3A_29 = vector.broadcast %broadcast_in_dim3A_28 : vector<1x64xf32> to vector<1024x64xf32>
    %mul3A_30 = arith.mulf %div3A_27, %mul3A_29 : vector<1024x64xf32>
    %broadcast_in_dim3A_31 = vector.shape_cast %get3A_10 : vector<64xf32> to vector<1x64xf32>
    %add3A_32 = vector.broadcast %broadcast_in_dim3A_31 : vector<1x64xf32> to vector<1024x64xf32>
    %add3A_33 = arith.addf %mul3A_30, %add3A_32 : vector<1024x64xf32>
    %ge3A = arith.constant 0.000000e+00 : f32
    %ge3A_34 = vector.broadcast %ge3A : f32 to vector<1024x64xf32>
    %ge3A_35 = arith.cmpf oge, %add3A_33, %ge3A_34 : vector<1024x64xf32>
    %mul3A_36 = arith.constant 2.000000e-01 : f32
    %mul3A_37 = vector.broadcast %mul3A_36 : f32 to vector<1024x64xf32>
    %mul3A_38 = arith.mulf %mul3A_37, %add3A_33 : vector<1024x64xf32>
    %select_n3A = arith.select %ge3A_35, %add3A_33, %mul3A_38 : vector<1024x64xi1>, vector<1024x64xf32>
    %get3A_39 = arith.constant 0 : index
    %get3A_40 = arith.constant 0 : index
    %get3A_41 = arith.constant 0 : index
    %get3A_42 = vector.load %arg3[%get3A_39, %get3A_40, %get3A_41] : memref<1x1024x64xf32, #tpu.memory_space<vmem>>, vector<1x1024x64xf32>
    %get3A_43 = vector.shape_cast %get3A_42 : vector<1x1024x64xf32> to vector<1024x64xf32>
    %div3A_44 = arith.constant 3.276800e+05 : f32
    %div3A_45 = vector.broadcast %div3A_44 : f32 to vector<64xf32>
    %div3A_46 = arith.divf %get3A_2, %div3A_45 : vector<64xf32>
    %div3A_47 = arith.constant 3.276800e+05 : f32
    %div3A_48 = vector.broadcast %div3A_47 : f32 to vector<64xf32>
    %div3A_49 = arith.divf %get3A_6, %div3A_48 : vector<64xf32>
    %mul3A_50 = arith.mulf %div3A_46, %div3A_46 : vector<64xf32>
    %sub3A_51 = arith.subf %div3A_49, %mul3A_50 : vector<64xf32>
    %broadcast_in_dim3A_52 = vector.shape_cast %div3A_46 : vector<64xf32> to vector<1x64xf32>
    %sub3A_53 = vector.broadcast %broadcast_in_dim3A_52 : vector<1x64xf32> to vector<1024x64xf32>
    %sub3A_54 = arith.subf %get3A_43, %sub3A_53 : vector<1024x64xf32>
    %add3A_55 = arith.constant 9.99999974E-6 : f32
    %add3A_56 = vector.broadcast %add3A_55 : f32 to vector<64xf32>
    %add3A_57 = arith.addf %sub3A_51, %add3A_56 : vector<64xf32>
    %sqrt3A_58 = math.sqrt %add3A_57 : vector<64xf32>
    %broadcast_in_dim3A_59 = vector.shape_cast %sqrt3A_58 : vector<64xf32> to vector<1x64xf32>
    %div3A_60 = vector.broadcast %broadcast_in_dim3A_59 : vector<1x64xf32> to vector<1024x64xf32>
    %div3A_61 = arith.divf %sub3A_54, %div3A_60 : vector<1024x64xf32>
    %broadcast_in_dim3A_62 = vector.shape_cast %get3A_8 : vector<64xf32> to vector<1x64xf32>
    %mul3A_63 = vector.broadcast %broadcast_in_dim3A_62 : vector<1x64xf32> to vector<1024x64xf32>
    %mul3A_64 = arith.mulf %div3A_61, %mul3A_63 : vector<1024x64xf32>
    %broadcast_in_dim3A_65 = vector.shape_cast %get3A_10 : vector<64xf32> to vector<1x64xf32>
    %add3A_66 = vector.broadcast %broadcast_in_dim3A_65 : vector<1x64xf32> to vector<1024x64xf32>
    %add3A_67 = arith.addf %mul3A_64, %add3A_66 : vector<1024x64xf32>
    %ge3A_68 = arith.constant 0.000000e+00 : f32
    %ge3A_69 = vector.broadcast %ge3A_68 : f32 to vector<1024x64xf32>
    %ge3A_70 = arith.cmpf oge, %add3A_67, %ge3A_69 : vector<1024x64xf32>
    %mul3A_71 = arith.constant 2.000000e-01 : f32
    %mul3A_72 = vector.broadcast %mul3A_71 : f32 to vector<1024x64xf32>
    %mul3A_73 = arith.mulf %mul3A_72, %add3A_67 : vector<1024x64xf32>
    %select_n3A_74 = arith.select %ge3A_70, %add3A_67, %mul3A_73 : vector<1024x64xi1>, vector<1024x64xf32>
    %swap3A = arith.constant 0 : index
    %swap3A_75 = arith.constant 0 : index
    %swap3A_76 = arith.constant 0 : index
    %swap3A_77 = vector.load %arg9[%swap3A, %swap3A_75, %swap3A_76] : memref<1x1024x64xf32, #tpu.memory_space<vmem>>, vector<1x1024x64xf32>
    %swap3A_78 = vector.shape_cast %swap3A_77 : vector<1x1024x64xf32> to vector<1024x64xf32>
    %swap3A_79 = vector.shape_cast %select_n3A : vector<1024x64xf32> to vector<1x1024x64xf32>
    tpu.vector_store %arg9[%swap3A, %swap3A_75, %swap3A_76], %swap3A_79 {strides = array<i32>} : memref<1x1024x64xf32, #tpu.memory_space<vmem>>, vector<1x1024x64xf32>,
    %dot_general3A = arith.constant dense<0.000000e+00> : vector<1024x1024xf32>
    %dot_general3A_80 = tpu.matmul %select_n3A, %select_n3A_74, %dot_general3A {dimension_numbers = #tpu.dot_dimension_numbers<[1], [1], [0], [0], [0, 0, 1, 0], [], []>, transpose_lhs_hint = false} : vector<1024x64xf32>, vector<1024x64xf32>, vector<1024x1024xf32> -> vector<1024x1024xf32>
    %mul3A_81 = arith.constant -2.000000e+00 : f32
    %mul3A_82 = vector.broadcast %mul3A_81 : f32 to vector<1024x1024xf32>
    %mul3A_83 = arith.mulf %mul3A_82, %dot_general3A_80 : vector<1024x1024xf32>
    %mul3A_84 = arith.mulf %select_n3A, %select_n3A : vector<1024x64xf32>
    %reduce_sum3A = arith.constant dense<0.000000e+00> : vector<1024xf32>
    %reduce_sum3A_85 = vector.multi_reduction <add>, %mul3A_84, %reduce_sum3A [1] : vector<1024x64xf32> to vector<1024xf32>
    %broadcast_in_dim3A_86 = vector.shape_cast %reduce_sum3A_85 : vector<1024xf32> to vector<1024x1xf32>
    %mul3A_87 = arith.mulf %select_n3A_74, %select_n3A_74 : vector<1024x64xf32>
    %reduce_sum3A_88 = arith.constant dense<0.000000e+00> : vector<1024xf32>
    %reduce_sum3A_89 = vector.multi_reduction <add>, %mul3A_87, %reduce_sum3A_88 [1] : vector<1024x64xf32> to vector<1024xf32>
    %neg3A = arith.constant 0.000000e+00 : f32
    %neg3A_90 = vector.broadcast %neg3A : f32 to vector<1024x1xf32>
    %neg3A_91 = arith.subf %neg3A_90, %broadcast_in_dim3A_86 : vector<1024x1xf32>
    %sub3A_92 = vector.broadcast %neg3A_91 : vector<1024x1xf32> to vector<1024x1024xf32>
    %sub3A_93 = arith.subf %sub3A_92, %mul3A_83 : vector<1024x1024xf32>
    %broadcast_in_dim3A_94 = vector.shape_cast %reduce_sum3A_89 : vector<1024xf32> to vector<1x1024xf32>
    %sub3A_95 = vector.broadcast %broadcast_in_dim3A_94 : vector<1x1024xf32> to vector<1024x1024xf32>
    %sub3A_96 = arith.subf %sub3A_93, %sub3A_95 : vector<1024x1024xf32>
    %iota3A = tpu.iota {dimensions = array<i32: 1>} : vector<1024x1024xi32>
    %mul3A_97 = arith.constant 1024 : i32
    %mul3A_98 = arith.muli %arg0, %mul3A_97 : i32
    %argmax3A = tpu.reduce_index %sub3A_96 {axis = 1 : i32, kind = #tpu.reduction_kind<arg_max>} : vector<1024x1024xf32> -> vector<1024xi32>
    %broadcast_in_dim3A_99 = vector.shape_cast %argmax3A : vector<1024xi32> to vector<1024x1xi32>
    %add3A_100 = vector.broadcast %mul3A_98 : i32 to vector<1024x1xi32>
    %add3A_101 = arith.addi %broadcast_in_dim3A_99, %add3A_100 : vector<1024x1xi32>
    %eq3A = vector.broadcast %broadcast_in_dim3A_99 : vector<1024x1xi32> to vector<1024x1024xi32>
    %eq3A_102 = arith.cmpi eq, %iota3A, %eq3A : vector<1024x1024xi32>
    %jit3A = arith.constant -3.400000e+38 : f32
    %broadcast_in_dim3A_103 = vector.broadcast %jit3A : f32 to vector<1024x1024xf32>
    %select_n3A_104 = arith.select %eq3A_102, %broadcast_in_dim3A_103, %sub3A_96 : vector<1024x1024xi1>, vector<1024x1024xf32>
    %argmax3A_105 = tpu.reduce_index %select_n3A_104 {axis = 1 : i32, kind = #tpu.reduction_kind<arg_max>} : vector<1024x1024xf32> -> vector<1024xi32>
    %broadcast_in_dim3A_106 = vector.shape_cast %argmax3A_105 : vector<1024xi32> to vector<1024x1xi32>
    %add3A_107 = vector.broadcast %mul3A_98 : i32 to vector<1024x1xi32>
    %add3A_108 = arith.addi %broadcast_in_dim3A_106, %add3A_107 : vector<1024x1xi32>
    %eq3A_109 = vector.broadcast %broadcast_in_dim3A_106 : vector<1024x1xi32> to vector<1024x1024xi32>
    %eq3A_110 = arith.cmpi eq, %iota3A, %eq3A_109 : vector<1024x1024xi32>
    %jit3A_111 = arith.constant -3.400000e+38 : f32
    %broadcast_in_dim3A_112 = vector.broadcast %jit3A_111 : f32 to vector<1024x1024xf32>
    %select_n3A_113 = arith.select %eq3A_110, %broadcast_in_dim3A_112, %select_n3A_104 : vector<1024x1024xi1>, vector<1024x1024xf32>
    %argmax3A_114 = tpu.reduce_index %select_n3A_113 {axis = 1 : i32, kind = #tpu.reduction_kind<arg_max>} : vector<1024x1024xf32> -> vector<1024xi32>
    %broadcast_in_dim3A_115 = vector.shape_cast %argmax3A_114 : vector<1024xi32> to vector<1024x1xi32>
    %add3A_116 = vector.broadcast %mul3A_98 : i32 to vector<1024x1xi32>
    %add3A_117 = arith.addi %broadcast_in_dim3A_115, %add3A_116 : vector<1024x1xi32>
    %eq3A_118 = vector.broadcast %broadcast_in_dim3A_115 : vector<1024x1xi32> to vector<1024x1024xi32>
    %eq3A_119 = arith.cmpi eq, %iota3A, %eq3A_118 : vector<1024x1024xi32>
    %jit3A_120 = arith.constant -3.400000e+38 : f32
    %broadcast_in_dim3A_121 = vector.broadcast %jit3A_120 : f32 to vector<1024x1024xf32>
    %select_n3A_122 = arith.select %eq3A_119, %broadcast_in_dim3A_121, %select_n3A_113 : vector<1024x1024xi1>, vector<1024x1024xf32>
    %argmax3A_123 = tpu.reduce_index %select_n3A_122 {axis = 1 : i32, kind = #tpu.reduction_kind<arg_max>} : vector<1024x1024xf32> -> vector<1024xi32>
    %broadcast_in_dim3A_124 = vector.shape_cast %argmax3A_123 : vector<1024xi32> to vector<1024x1xi32>
    %add3A_125 = vector.broadcast %mul3A_98 : i32 to vector<1024x1xi32>
    %add3A_126 = arith.addi %broadcast_in_dim3A_124, %add3A_125 : vector<1024x1xi32>
    %eq3A_127 = vector.broadcast %broadcast_in_dim3A_124 : vector<1024x1xi32> to vector<1024x1024xi32>
    %eq3A_128 = arith.cmpi eq, %iota3A, %eq3A_127 : vector<1024x1024xi32>
    %jit3A_129 = arith.constant -3.400000e+38 : f32
    %broadcast_in_dim3A_130 = vector.broadcast %jit3A_129 : f32 to vector<1024x1024xf32>
    %select_n3A_131 = arith.select %eq3A_128, %broadcast_in_dim3A_130, %select_n3A_122 : vector<1024x1024xi1>, vector<1024x1024xf32>
    %argmax3A_132 = tpu.reduce_index %select_n3A_131 {axis = 1 : i32, kind = #tpu.reduction_kind<arg_max>} : vector<1024x1024xf32> -> vector<1024xi32>
    %broadcast_in_dim3A_133 = vector.shape_cast %argmax3A_132 : vector<1024xi32> to vector<1024x1xi32>
    %add3A_134 = vector.broadcast %mul3A_98 : i32 to vector<1024x1xi32>
    %add3A_135 = arith.addi %broadcast_in_dim3A_133, %add3A_134 : vector<1024x1xi32>
    %eq3A_136 = vector.broadcast %broadcast_in_dim3A_133 : vector<1024x1xi32> to vector<1024x1024xi32>
    %eq3A_137 = arith.cmpi eq, %iota3A, %eq3A_136 : vector<1024x1024xi32>
    %jit3A_138 = arith.constant -3.400000e+38 : f32
    %broadcast_in_dim3A_139 = vector.broadcast %jit3A_138 : f32 to vector<1024x1024xf32>
    %select_n3A_140 = arith.select %eq3A_137, %broadcast_in_dim3A_139, %select_n3A_131 : vector<1024x1024xi1>, vector<1024x1024xf32>
    %argmax3A_141 = tpu.reduce_index %select_n3A_140 {axis = 1 : i32, kind = #tpu.reduction_kind<arg_max>} : vector<1024x1024xf32> -> vector<1024xi32>
    %broadcast_in_dim3A_142 = vector.shape_cast %argmax3A_141 : vector<1024xi32> to vector<1024x1xi32>
    %add3A_143 = vector.broadcast %mul3A_98 : i32 to vector<1024x1xi32>
    %add3A_144 = arith.addi %broadcast_in_dim3A_142, %add3A_143 : vector<1024x1xi32>
    %eq3A_145 = vector.broadcast %broadcast_in_dim3A_142 : vector<1024x1xi32> to vector<1024x1024xi32>
    %eq3A_146 = arith.cmpi eq, %iota3A, %eq3A_145 : vector<1024x1024xi32>
    %jit3A_147 = arith.constant -3.400000e+38 : f32
    %broadcast_in_dim3A_148 = vector.broadcast %jit3A_147 : f32 to vector<1024x1024xf32>
    %select_n3A_149 = arith.select %eq3A_146, %broadcast_in_dim3A_148, %select_n3A_140 : vector<1024x1024xi1>, vector<1024x1024xf32>
    %argmax3A_150 = tpu.reduce_index %select_n3A_149 {axis = 1 : i32, kind = #tpu.reduction_kind<arg_max>} : vector<1024x1024xf32> -> vector<1024xi32>
    %broadcast_in_dim3A_151 = vector.shape_cast %argmax3A_150 : vector<1024xi32> to vector<1024x1xi32>
    %add3A_152 = vector.broadcast %mul3A_98 : i32 to vector<1024x1xi32>
    %add3A_153 = arith.addi %broadcast_in_dim3A_151, %add3A_152 : vector<1024x1xi32>
    %eq3A_154 = vector.broadcast %broadcast_in_dim3A_151 : vector<1024x1xi32> to vector<1024x1024xi32>
    %eq3A_155 = arith.cmpi eq, %iota3A, %eq3A_154 : vector<1024x1024xi32>
    %jit3A_156 = arith.constant -3.400000e+38 : f32
    %broadcast_in_dim3A_157 = vector.broadcast %jit3A_156 : f32 to vector<1024x1024xf32>
    %select_n3A_158 = arith.select %eq3A_155, %broadcast_in_dim3A_157, %select_n3A_149 : vector<1024x1024xi1>, vector<1024x1024xf32>
    %argmax3A_159 = tpu.reduce_index %select_n3A_158 {axis = 1 : i32, kind = #tpu.reduction_kind<arg_max>} : vector<1024x1024xf32> -> vector<1024xi32>
    %broadcast_in_dim3A_160 = vector.shape_cast %argmax3A_159 : vector<1024xi32> to vector<1024x1xi32>
    %add3A_161 = vector.broadcast %mul3A_98 : i32 to vector<1024x1xi32>
    %add3A_162 = arith.addi %broadcast_in_dim3A_160, %add3A_161 : vector<1024x1xi32>
    %eq3A_163 = vector.broadcast %broadcast_in_dim3A_160 : vector<1024x1xi32> to vector<1024x1024xi32>
    %eq3A_164 = arith.cmpi eq, %iota3A, %eq3A_163 : vector<1024x1024xi32>
    %jit3A_165 = arith.constant -3.400000e+38 : f32
    %broadcast_in_dim3A_166 = vector.broadcast %jit3A_165 : f32 to vector<1024x1024xf32>
    %select_n3A_167 = arith.select %eq3A_164, %broadcast_in_dim3A_166, %select_n3A_158 : vector<1024x1024xi1>, vector<1024x1024xf32>
    %argmax3A_168 = tpu.reduce_index %select_n3A_167 {axis = 1 : i32, kind = #tpu.reduction_kind<arg_max>} : vector<1024x1024xf32> -> vector<1024xi32>
    %broadcast_in_dim3A_169 = vector.shape_cast %argmax3A_168 : vector<1024xi32> to vector<1024x1xi32>
    %add3A_170 = vector.broadcast %mul3A_98 : i32 to vector<1024x1xi32>
    %add3A_171 = arith.addi %broadcast_in_dim3A_169, %add3A_170 : vector<1024x1xi32>
    %eq3A_172 = vector.broadcast %broadcast_in_dim3A_169 : vector<1024x1xi32> to vector<1024x1024xi32>
    %eq3A_173 = arith.cmpi eq, %iota3A, %eq3A_172 : vector<1024x1024xi32>
    %jit3A_174 = arith.constant -3.400000e+38 : f32
    %broadcast_in_dim3A_175 = vector.broadcast %jit3A_174 : f32 to vector<1024x1024xf32>
    %select_n3A_176 = arith.select %eq3A_173, %broadcast_in_dim3A_175, %select_n3A_167 : vector<1024x1024xi1>, vector<1024x1024xf32>
    %argmax3A_177 = tpu.reduce_index %select_n3A_176 {axis = 1 : i32, kind = #tpu.reduction_kind<arg_max>} : vector<1024x1024xf32> -> vector<1024xi32>
    %broadcast_in_dim3A_178 = vector.shape_cast %argmax3A_177 : vector<1024xi32> to vector<1024x1xi32>
    %add3A_179 = vector.broadcast %mul3A_98 : i32 to vector<1024x1xi32>
    %add3A_180 = arith.addi %broadcast_in_dim3A_178, %add3A_179 : vector<1024x1xi32>
    %eq3A_181 = vector.broadcast %broadcast_in_dim3A_178 : vector<1024x1xi32> to vector<1024x1024xi32>
    %eq3A_182 = arith.cmpi eq, %iota3A, %eq3A_181 : vector<1024x1024xi32>
    %jit3A_183 = arith.constant -3.400000e+38 : f32
    %broadcast_in_dim3A_184 = vector.broadcast %jit3A_183 : f32 to vector<1024x1024xf32>
    %select_n3A_185 = arith.select %eq3A_182, %broadcast_in_dim3A_184, %select_n3A_176 : vector<1024x1024xi1>, vector<1024x1024xf32>
    %argmax3A_186 = tpu.reduce_index %select_n3A_185 {axis = 1 : i32, kind = #tpu.reduction_kind<arg_max>} : vector<1024x1024xf32> -> vector<1024xi32>
    %broadcast_in_dim3A_187 = vector.shape_cast %argmax3A_186 : vector<1024xi32> to vector<1024x1xi32>
    %add3A_188 = vector.broadcast %mul3A_98 : i32 to vector<1024x1xi32>
    %add3A_189 = arith.addi %broadcast_in_dim3A_187, %add3A_188 : vector<1024x1xi32>
    %eq3A_190 = vector.broadcast %broadcast_in_dim3A_187 : vector<1024x1xi32> to vector<1024x1024xi32>
    %eq3A_191 = arith.cmpi eq, %iota3A, %eq3A_190 : vector<1024x1024xi32>
    %jit3A_192 = arith.constant -3.400000e+38 : f32
    %broadcast_in_dim3A_193 = vector.broadcast %jit3A_192 : f32 to vector<1024x1024xf32>
    %select_n3A_194 = arith.select %eq3A_191, %broadcast_in_dim3A_193, %select_n3A_185 : vector<1024x1024xi1>, vector<1024x1024xf32>
    %argmax3A_195 = tpu.reduce_index %select_n3A_194 {axis = 1 : i32, kind = #tpu.reduction_kind<arg_max>} : vector<1024x1024xf32> -> vector<1024xi32>
    %broadcast_in_dim3A_196 = vector.shape_cast %argmax3A_195 : vector<1024xi32> to vector<1024x1xi32>
    %add3A_197 = vector.broadcast %mul3A_98 : i32 to vector<1024x1xi32>
    %add3A_198 = arith.addi %broadcast_in_dim3A_196, %add3A_197 : vector<1024x1xi32>
    %eq3A_199 = vector.broadcast %broadcast_in_dim3A_196 : vector<1024x1xi32> to vector<1024x1024xi32>
    %eq3A_200 = arith.cmpi eq, %iota3A, %eq3A_199 : vector<1024x1024xi32>
    %jit3A_201 = arith.constant -3.400000e+38 : f32
    %broadcast_in_dim3A_202 = vector.broadcast %jit3A_201 : f32 to vector<1024x1024xf32>
    %select_n3A_203 = arith.select %eq3A_200, %broadcast_in_dim3A_202, %select_n3A_194 : vector<1024x1024xi1>, vector<1024x1024xf32>
    %argmax3A_204 = tpu.reduce_index %select_n3A_203 {axis = 1 : i32, kind = #tpu.reduction_kind<arg_max>} : vector<1024x1024xf32> -> vector<1024xi32>
    %broadcast_in_dim3A_205 = vector.shape_cast %argmax3A_204 : vector<1024xi32> to vector<1024x1xi32>
    %add3A_206 = vector.broadcast %mul3A_98 : i32 to vector<1024x1xi32>
    %add3A_207 = arith.addi %broadcast_in_dim3A_205, %add3A_206 : vector<1024x1xi32>
    %eq3A_208 = vector.broadcast %broadcast_in_dim3A_205 : vector<1024x1xi32> to vector<1024x1024xi32>
    %eq3A_209 = arith.cmpi eq, %iota3A, %eq3A_208 : vector<1024x1024xi32>
    %jit3A_210 = arith.constant -3.400000e+38 : f32
    %broadcast_in_dim3A_211 = vector.broadcast %jit3A_210 : f32 to vector<1024x1024xf32>
    %select_n3A_212 = arith.select %eq3A_209, %broadcast_in_dim3A_211, %select_n3A_203 : vector<1024x1024xi1>, vector<1024x1024xf32>
    %argmax3A_213 = tpu.reduce_index %select_n3A_212 {axis = 1 : i32, kind = #tpu.reduction_kind<arg_max>} : vector<1024x1024xf32> -> vector<1024xi32>
    %broadcast_in_dim3A_214 = vector.shape_cast %argmax3A_213 : vector<1024xi32> to vector<1024x1xi32>
    %add3A_215 = vector.broadcast %mul3A_98 : i32 to vector<1024x1xi32>
    %add3A_216 = arith.addi %broadcast_in_dim3A_214, %add3A_215 : vector<1024x1xi32>
    %eq3A_217 = vector.broadcast %broadcast_in_dim3A_214 : vector<1024x1xi32> to vector<1024x1024xi32>
    %eq3A_218 = arith.cmpi eq, %iota3A, %eq3A_217 : vector<1024x1024xi32>
    %jit3A_219 = arith.constant -3.400000e+38 : f32
    %broadcast_in_dim3A_220 = vector.broadcast %jit3A_219 : f32 to vector<1024x1024xf32>
    %select_n3A_221 = arith.select %eq3A_218, %broadcast_in_dim3A_220, %select_n3A_212 : vector<1024x1024xi1>, vector<1024x1024xf32>
    %argmax3A_222 = tpu.reduce_index %select_n3A_221 {axis = 1 : i32, kind = #tpu.reduction_kind<arg_max>} : vector<1024x1024xf32> -> vector<1024xi32>
    %broadcast_in_dim3A_223 = vector.shape_cast %argmax3A_222 : vector<1024xi32> to vector<1024x1xi32>
    %add3A_224 = vector.broadcast %mul3A_98 : i32 to vector<1024x1xi32>
    %add3A_225 = arith.addi %broadcast_in_dim3A_223, %add3A_224 : vector<1024x1xi32>
    %eq3A_226 = vector.broadcast %broadcast_in_dim3A_223 : vector<1024x1xi32> to vector<1024x1024xi32>
    %eq3A_227 = arith.cmpi eq, %iota3A, %eq3A_226 : vector<1024x1024xi32>
    %jit3A_228 = arith.constant -3.400000e+38 : f32
    %broadcast_in_dim3A_229 = vector.broadcast %jit3A_228 : f32 to vector<1024x1024xf32>
    %select_n3A_230 = arith.select %eq3A_227, %broadcast_in_dim3A_229, %select_n3A_221 : vector<1024x1024xi1>, vector<1024x1024xf32>
    %argmax3A_231 = tpu.reduce_index %select_n3A_230 {axis = 1 : i32, kind = #tpu.reduction_kind<arg_max>} : vector<1024x1024xf32> -> vector<1024xi32>
    %broadcast_in_dim3A_232 = vector.shape_cast %argmax3A_231 : vector<1024xi32> to vector<1024x1xi32>
    %add3A_233 = vector.broadcast %mul3A_98 : i32 to vector<1024x1xi32>
    %add3A_234 = arith.addi %broadcast_in_dim3A_232, %add3A_233 : vector<1024x1xi32>
    %eq3A_235 = vector.broadcast %broadcast_in_dim3A_232 : vector<1024x1xi32> to vector<1024x1024xi32>
    %eq3A_236 = arith.cmpi eq, %iota3A, %eq3A_235 : vector<1024x1024xi32>
    %jit3A_237 = arith.constant -3.400000e+38 : f32
    %broadcast_in_dim3A_238 = vector.broadcast %jit3A_237 : f32 to vector<1024x1024xf32>
    %select_n3A_239 = arith.select %eq3A_236, %broadcast_in_dim3A_238, %select_n3A_230 : vector<1024x1024xi1>, vector<1024x1024xf32>
    %argmax3A_240 = tpu.reduce_index %select_n3A_239 {axis = 1 : i32, kind = #tpu.reduction_kind<arg_max>} : vector<1024x1024xf32> -> vector<1024xi32>
    %broadcast_in_dim3A_241 = vector.shape_cast %argmax3A_240 : vector<1024xi32> to vector<1024x1xi32>
    %add3A_242 = vector.broadcast %mul3A_98 : i32 to vector<1024x1xi32>
    %add3A_243 = arith.addi %broadcast_in_dim3A_241, %add3A_242 : vector<1024x1xi32>
    %eq3A_244 = vector.broadcast %broadcast_in_dim3A_241 : vector<1024x1xi32> to vector<1024x1024xi32>
    %eq3A_245 = arith.cmpi eq, %iota3A, %eq3A_244 : vector<1024x1024xi32>
    %jit3A_246 = arith.constant -3.400000e+38 : f32
    %broadcast_in_dim3A_247 = vector.broadcast %jit3A_246 : f32 to vector<1024x1024xf32>
    %select_n3A_248 = arith.select %eq3A_245, %broadcast_in_dim3A_247, %select_n3A_239 : vector<1024x1024xi1>, vector<1024x1024xf32>
    %argmax3A_249 = tpu.reduce_index %select_n3A_248 {axis = 1 : i32, kind = #tpu.reduction_kind<arg_max>} : vector<1024x1024xf32> -> vector<1024xi32>
    %broadcast_in_dim3A_250 = vector.shape_cast %argmax3A_249 : vector<1024xi32> to vector<1024x1xi32>
    %add3A_251 = vector.broadcast %mul3A_98 : i32 to vector<1024x1xi32>
    %add3A_252 = arith.addi %broadcast_in_dim3A_250, %add3A_251 : vector<1024x1xi32>
    %eq3A_253 = vector.broadcast %broadcast_in_dim3A_250 : vector<1024x1xi32> to vector<1024x1024xi32>
    %eq3A_254 = arith.cmpi eq, %iota3A, %eq3A_253 : vector<1024x1024xi32>
    %jit3A_255 = arith.constant -3.400000e+38 : f32
    %broadcast_in_dim3A_256 = vector.broadcast %jit3A_255 : f32 to vector<1024x1024xf32>
    %select_n3A_257 = arith.select %eq3A_254, %broadcast_in_dim3A_256, %select_n3A_248 : vector<1024x1024xi1>, vector<1024x1024xf32>
    %argmax3A_258 = tpu.reduce_index %select_n3A_257 {axis = 1 : i32, kind = #tpu.reduction_kind<arg_max>} : vector<1024x1024xf32> -> vector<1024xi32>
    %broadcast_in_dim3A_259 = vector.shape_cast %argmax3A_258 : vector<1024xi32> to vector<1024x1xi32>
    %add3A_260 = vector.broadcast %mul3A_98 : i32 to vector<1024x1xi32>
    %add3A_261 = arith.addi %broadcast_in_dim3A_259, %add3A_260 : vector<1024x1xi32>
    %eq3A_262 = vector.broadcast %broadcast_in_dim3A_259 : vector<1024x1xi32> to vector<1024x1024xi32>
    %eq3A_263 = arith.cmpi eq, %iota3A, %eq3A_262 : vector<1024x1024xi32>
    %jit3A_264 = arith.constant -3.400000e+38 : f32
    %broadcast_in_dim3A_265 = vector.broadcast %jit3A_264 : f32 to vector<1024x1024xf32>
    %select_n3A_266 = arith.select %eq3A_263, %broadcast_in_dim3A_265, %select_n3A_257 : vector<1024x1024xi1>, vector<1024x1024xf32>
    %argmax3A_267 = tpu.reduce_index %select_n3A_266 {axis = 1 : i32, kind = #tpu.reduction_kind<arg_max>} : vector<1024x1024xf32> -> vector<1024xi32>
    %broadcast_in_dim3A_268 = vector.shape_cast %argmax3A_267 : vector<1024xi32> to vector<1024x1xi32>
    %add3A_269 = vector.broadcast %mul3A_98 : i32 to vector<1024x1xi32>
    %add3A_270 = arith.addi %broadcast_in_dim3A_268, %add3A_269 : vector<1024x1xi32>
    %concatenate3A = tpu.concatenate %add3A_101, %add3A_108, %add3A_117, %add3A_126, %add3A_135, %add3A_144, %add3A_153, %add3A_162, %add3A_171, %add3A_180, %add3A_189, %add3A_198, %add3A_207, %add3A_216, %add3A_225, %add3A_234, %add3A_243, %add3A_252, %add3A_261, %add3A_270 in 1 : vector<1024x1xi32>, vector<1024x1xi32>, vector<1024x1xi32>, vector<1024x1xi32>, vector<1024x1xi32>, vector<1024x1xi32>, vector<1024x1xi32>, vector<1024x1xi32>, vector<1024x1xi32>, vector<1024x1xi32>, vector<1024x1xi32>, vector<1024x1xi32>, vector<1024x1xi32>, vector<1024x1xi32>, vector<1024x1xi32>, vector<1024x1xi32>, vector<1024x1xi32>, vector<1024x1xi32>, vector<1024x1xi32>, vector<1024x1xi32> -> vector<1024x20xi32>
    %swap3A_271 = arith.constant 0 : index
    %swap3A_272 = arith.constant 0 : index
    %swap3A_273 = arith.constant 0 : index
    %swap3A_274 = vector.load %arg8[%swap3A_271, %swap3A_272, %swap3A_273] : memref<1x1024x20xi32, #tpu.memory_space<vmem>>, vector<1x1024x20xi32>
    %swap3A_275 = vector.shape_cast %swap3A_274 : vector<1x1024x20xi32> to vector<1024x20xi32>
    %swap3A_276 = vector.shape_cast %concatenate3A : vector<1024x20xi32> to vector<1x1024x20xi32>
    tpu.vector_store %arg8[%swap3A_271, %swap3A_272, %swap3A_273], %swap3A_276 {strides = array<i32>} : memref<1x1024x20xi32, #tpu.memory_space<vmem>>, vector<1x1024x20xi32>,
    return
  }
  func.func @transform_0(%arg0: i32, %arg1: i32) -> (i32, i32, i32) {
    %add3A = arith.constant 8 : i32
    %add3A_0 = arith.addi %arg0, %add3A : i32
    %c0_i32 = arith.constant 0 : i32
    %c0_i32_1 = arith.constant 0 : i32
    return %add3A_0, %arg1, %c0_i32 : i32, i32, i32
  }
  func.func @transform_1(%arg0: i32, %arg1: i32) -> (i32, i32, i32) {
    %add3A = arith.constant 8 : i32
    %add3A_0 = arith.addi %arg0, %add3A : i32
    %c0_i32 = arith.constant 0 : i32
    %c0_i32_1 = arith.constant 0 : i32
    %c0_i32_2 = arith.constant 0 : i32
    return %add3A_0, %c0_i32, %c0_i32_1 : i32, i32, i32
  }
  func.func @transform_2(%arg0: i32, %arg1: i32) -> (i32, i32) {
    %c0_i32 = arith.constant 0 : i32
    %c0_i32_0 = arith.constant 0 : i32
    %c0_i32_1 = arith.constant 0 : i32
    return %c0_i32, %c0_i32_0 : i32, i32
  }
  func.func @transform_3(%arg0: i32, %arg1: i32) -> (i32, i32) {
    %c0_i32 = arith.constant 0 : i32
    %c0_i32_0 = arith.constant 0 : i32
    %c0_i32_1 = arith.constant 0 : i32
    return %c0_i32, %c0_i32_0 : i32, i32
  }
  func.func @transform_4(%arg0: i32, %arg1: i32) -> i32 {
    %c0_i32 = arith.constant 0 : i32
    %c0_i32_0 = arith.constant 0 : i32
    return %c0_i32 : i32
  }
  func.func @transform_5(%arg0: i32, %arg1: i32) -> i32 {
    %c0_i32 = arith.constant 0 : i32
    %c0_i32_0 = arith.constant 0 : i32
    return %c0_i32 : i32
  }
  func.func @transform_6(%arg0: i32, %arg1: i32) -> (i32, i32, i32) {
    %c0_i32 = arith.constant 0 : i32
    %c0_i32_0 = arith.constant 0 : i32
    return %arg0, %arg1, %c0_i32 : i32, i32, i32
  }
  func.func @transform_7(%arg0: i32, %arg1: i32) -> (i32, i32, i32) {
    %c0_i32 = arith.constant 0 : i32
    %c0_i32_0 = arith.constant 0 : i32
    return %arg0, %arg1, %c0_i32 : i32, i32, i32
  }
}

module attributes {stable_mosaic.version = 14 : i64} {
  func.func @_knn_kernel(%arg0: i32, %arg1: i32, %arg2: memref<1x1024x64xf32, #tpu.memory_space<vmem>>, %arg3: memref<1x1024x64xf32, #tpu.memory_space<vmem>>, %arg4: memref<1x64xf32, #tpu.memory_space<vmem>>, %arg5: memref<1x64xf32, #tpu.memory_space<vmem>>, %arg6: memref<64xf32, #tpu.memory_space<vmem>>, %arg7: memref<64xf32, #tpu.memory_space<vmem>>, %arg8: memref<1x1024x20xi32, #tpu.memory_space<vmem>>, %arg9: memref<1x1024x64xf32, #tpu.memory_space<vmem>>) attributes {dimension_semantics = [#tpu.dimension_semantics<arbitrary>, #tpu.dimension_semantics<arbitrary>], iteration_bounds = array<i64: 8, 1>, scalar_prefetch = 0 : i64, scratch_operands = 0 : i64, tpu.core_type = #tpu.core_type<tc>, window_params = [{transform_indices = @transform_0, window_bounds = array<i64: 1, 1024, 64>}, {transform_indices = @transform_1, window_bounds = array<i64: 1, 1024, 64>}, {pipeline_mode = #tpu.pipeline_mode<synchronous>, transform_indices = @transform_2, window_bounds = array<i64: 1, 64>}, {pipeline_mode = #tpu.pipeline_mode<synchronous>, transform_indices = @transform_3, window_bounds = array<i64: 1, 64>}, {pipeline_mode = #tpu.pipeline_mode<synchronous>, transform_indices = @transform_4, window_bounds = array<i64: 64>}, {pipeline_mode = #tpu.pipeline_mode<synchronous>, transform_indices = @transform_5, window_bounds = array<i64: 64>}, {transform_indices = @transform_6, window_bounds = array<i64: 1, 1024, 20>}, {transform_indices = @transform_7, window_bounds = array<i64: 1, 1024, 64>}]} {
    %get3A = arith.constant 0 : index
    %get3A_0 = arith.constant 0 : index
    %get3A_1 = vector.load %arg4[%get3A, %get3A_0] : memref<1x64xf32, #tpu.memory_space<vmem>>, vector<1x64xf32>
    %get3A_2 = vector.shape_cast %get3A_1 : vector<1x64xf32> to vector<64xf32>
    %get3A_3 = arith.constant 0 : index
    %get3A_4 = arith.constant 0 : index
    %get3A_5 = vector.load %arg5[%get3A_3, %get3A_4] : memref<1x64xf32, #tpu.memory_space<vmem>>, vector<1x64xf32>
    %get3A_6 = vector.shape_cast %get3A_5 : vector<1x64xf32> to vector<64xf32>
    %get3A_7 = arith.constant 0 : index
    %get3A_8 = vector.load %arg6[%get3A_7] : memref<64xf32, #tpu.memory_space<vmem>>, vector<64xf32>
    %get3A_9 = arith.constant 0 : index
    %get3A_10 = vector.load %arg7[%get3A_9] : memref<64xf32, #tpu.memory_space<vmem>>, vector<64xf32>
    %get3A_11 = arith.constant 0 : index
    %get3A_12 = arith.constant 0 : index
    %get3A_13 = arith.constant 0 : index
    %get3A_14 = vector.load %arg2[%get3A_11, %get3A_12, %get3A_13] : memref<1x1024x64xf32, #tpu.memory_space<vmem>>, vector<1x1024x64xf32>
    %get3A_15 = vector.shape_cast %get3A_14 : vector<1x1024x64xf32> to vector<1024x64xf32>
    %div3A = arith.constant 3.276800e+05 : f32
    %div3A_16 = vector.broadcast %div3A : f32 to vector<64xf32>
    %div3A_17 = arith.divf %get3A_2, %div3A_16 : vector<64xf32>
    %div3A_18 = arith.constant 3.276800e+05 : f32
    %div3A_19 = vector.broadcast %div3A_18 : f32 to vector<64xf32>
    %div3A_20 = arith.divf %get3A_6, %div3A_19 : vector<64xf32>
    %mul3A = arith.mulf %div3A_17, %div3A_17 : vector<64xf32>
    %sub3A = arith.subf %div3A_20, %mul3A : vector<64xf32>
    %broadcast_in_dim3A = vector.shape_cast %div3A_17 : vector<64xf32> to vector<1x64xf32>
    %sub3A_21 = vector.broadcast %broadcast_in_dim3A : vector<1x64xf32> to vector<1024x64xf32>
    %sub3A_22 = arith.subf %get3A_15, %sub3A_21 : vector<1024x64xf32>
    %add3A = arith.constant 9.99999974E-6 : f32
    %add3A_23 = vector.broadcast %add3A : f32 to vector<64xf32>
    %add3A_24 = arith.addf %sub3A, %add3A_23 : vector<64xf32>
    %sqrt3A = math.sqrt %add3A_24 : vector<64xf32>
    %broadcast_in_dim3A_25 = vector.shape_cast %sqrt3A : vector<64xf32> to vector<1x64xf32>
    %div3A_26 = vector.broadcast %broadcast_in_dim3A_25 : vector<1x64xf32> to vector<1024x64xf32>
    %div3A_27 = arith.divf %sub3A_22, %div3A_26 : vector<1024x64xf32>
    %broadcast_in_dim3A_28 = vector.shape_cast %get3A_8 : vector<64xf32> to vector<1x64xf32>
    %mul3A_29 = vector.broadcast %broadcast_in_dim3A_28 : vector<1x64xf32> to vector<1024x64xf32>
    %mul3A_30 = arith.mulf %div3A_27, %mul3A_29 : vector<1024x64xf32>
    %broadcast_in_dim3A_31 = vector.shape_cast %get3A_10 : vector<64xf32> to vector<1x64xf32>
    %add3A_32 = vector.broadcast %broadcast_in_dim3A_31 : vector<1x64xf32> to vector<1024x64xf32>
    %add3A_33 = arith.addf %mul3A_30, %add3A_32 : vector<1024x64xf32>
    %ge3A = arith.constant 0.000000e+00 : f32
    %ge3A_34 = vector.broadcast %ge3A : f32 to vector<1024x64xf32>
    %ge3A_35 = arith.cmpf oge, %add3A_33, %ge3A_34 : vector<1024x64xf32>
    %mul3A_36 = arith.constant 2.000000e-01 : f32
    %mul3A_37 = vector.broadcast %mul3A_36 : f32 to vector<1024x64xf32>
    %mul3A_38 = arith.mulf %mul3A_37, %add3A_33 : vector<1024x64xf32>
    %select_n3A = arith.select %ge3A_35, %add3A_33, %mul3A_38 : vector<1024x64xi1>, vector<1024x64xf32>
    %get3A_39 = arith.constant 0 : index
    %get3A_40 = arith.constant 0 : index
    %get3A_41 = arith.constant 0 : index
    %get3A_42 = vector.load %arg3[%get3A_39, %get3A_40, %get3A_41] : memref<1x1024x64xf32, #tpu.memory_space<vmem>>, vector<1x1024x64xf32>
    %get3A_43 = vector.shape_cast %get3A_42 : vector<1x1024x64xf32> to vector<1024x64xf32>
    %div3A_44 = arith.constant 3.276800e+05 : f32
    %div3A_45 = vector.broadcast %div3A_44 : f32 to vector<64xf32>
    %div3A_46 = arith.divf %get3A_2, %div3A_45 : vector<64xf32>
    %div3A_47 = arith.constant 3.276800e+05 : f32
    %div3A_48 = vector.broadcast %div3A_47 : f32 to vector<64xf32>
    %div3A_49 = arith.divf %get3A_6, %div3A_48 : vector<64xf32>
    %mul3A_50 = arith.mulf %div3A_46, %div3A_46 : vector<64xf32>
    %sub3A_51 = arith.subf %div3A_49, %mul3A_50 : vector<64xf32>
    %broadcast_in_dim3A_52 = vector.shape_cast %div3A_46 : vector<64xf32> to vector<1x64xf32>
    %sub3A_53 = vector.broadcast %broadcast_in_dim3A_52 : vector<1x64xf32> to vector<1024x64xf32>
    %sub3A_54 = arith.subf %get3A_43, %sub3A_53 : vector<1024x64xf32>
    %add3A_55 = arith.constant 9.99999974E-6 : f32
    %add3A_56 = vector.broadcast %add3A_55 : f32 to vector<64xf32>
    %add3A_57 = arith.addf %sub3A_51, %add3A_56 : vector<64xf32>
    %sqrt3A_58 = math.sqrt %add3A_57 : vector<64xf32>
    %broadcast_in_dim3A_59 = vector.shape_cast %sqrt3A_58 : vector<64xf32> to vector<1x64xf32>
    %div3A_60 = vector.broadcast %broadcast_in_dim3A_59 : vector<1x64xf32> to vector<1024x64xf32>
    %div3A_61 = arith.divf %sub3A_54, %div3A_60 : vector<1024x64xf32>
    %broadcast_in_dim3A_62 = vector.shape_cast %get3A_8 : vector<64xf32> to vector<1x64xf32>
    %mul3A_63 = vector.broadcast %broadcast_in_dim3A_62 : vector<1x64xf32> to vector<1024x64xf32>
    %mul3A_64 = arith.mulf %div3A_61, %mul3A_63 : vector<1024x64xf32>
    %broadcast_in_dim3A_65 = vector.shape_cast %get3A_10 : vector<64xf32> to vector<1x64xf32>
    %add3A_66 = vector.broadcast %broadcast_in_dim3A_65 : vector<1x64xf32> to vector<1024x64xf32>
    %add3A_67 = arith.addf %mul3A_64, %add3A_66 : vector<1024x64xf32>
    %ge3A_68 = arith.constant 0.000000e+00 : f32
    %ge3A_69 = vector.broadcast %ge3A_68 : f32 to vector<1024x64xf32>
    %ge3A_70 = arith.cmpf oge, %add3A_67, %ge3A_69 : vector<1024x64xf32>
    %mul3A_71 = arith.constant 2.000000e-01 : f32
    %mul3A_72 = vector.broadcast %mul3A_71 : f32 to vector<1024x64xf32>
    %mul3A_73 = arith.mulf %mul3A_72, %add3A_67 : vector<1024x64xf32>
    %select_n3A_74 = arith.select %ge3A_70, %add3A_67, %mul3A_73 : vector<1024x64xi1>, vector<1024x64xf32>
    %swap3A = arith.constant 0 : index
    %swap3A_75 = arith.constant 0 : index
    %swap3A_76 = arith.constant 0 : index
    %swap3A_77 = vector.load %arg9[%swap3A, %swap3A_75, %swap3A_76] : memref<1x1024x64xf32, #tpu.memory_space<vmem>>, vector<1x1024x64xf32>
    %swap3A_78 = vector.shape_cast %swap3A_77 : vector<1x1024x64xf32> to vector<1024x64xf32>
    %swap3A_79 = vector.shape_cast %select_n3A : vector<1024x64xf32> to vector<1x1024x64xf32>
    tpu.vector_store %arg9[%swap3A, %swap3A_75, %swap3A_76], %swap3A_79 {strides = array<i32>} : memref<1x1024x64xf32, #tpu.memory_space<vmem>>, vector<1x1024x64xf32>,
    %dot_general3A = arith.constant dense<0.000000e+00> : vector<1024x1024xf32>
    %dot_general3A_80 = tpu.matmul %select_n3A, %select_n3A_74, %dot_general3A {dimension_numbers = #tpu.dot_dimension_numbers<[1], [1], [0], [0], [0, 0, 1, 0], [], []>, transpose_lhs_hint = false} : vector<1024x64xf32>, vector<1024x64xf32>, vector<1024x1024xf32> -> vector<1024x1024xf32>
    %mul3A_81 = arith.constant -2.000000e+00 : f32
    %mul3A_82 = vector.broadcast %mul3A_81 : f32 to vector<1024x1024xf32>
    %mul3A_83 = arith.mulf %mul3A_82, %dot_general3A_80 : vector<1024x1024xf32>
    %mul3A_84 = arith.mulf %select_n3A, %select_n3A : vector<1024x64xf32>
    %reduce_sum3A = arith.constant dense<0.000000e+00> : vector<1024xf32>
    %reduce_sum3A_85 = vector.multi_reduction <add>, %mul3A_84, %reduce_sum3A [1] : vector<1024x64xf32> to vector<1024xf32>
    %broadcast_in_dim3A_86 = vector.shape_cast %reduce_sum3A_85 : vector<1024xf32> to vector<1024x1xf32>
    %mul3A_87 = arith.mulf %select_n3A_74, %select_n3A_74 : vector<1024x64xf32>
    %reduce_sum3A_88 = arith.constant dense<0.000000e+00> : vector<1024xf32>
    %reduce_sum3A_89 = vector.multi_reduction <add>, %mul3A_87, %reduce_sum3A_88 [1] : vector<1024x64xf32> to vector<1024xf32>
    %neg3A = arith.constant 0.000000e+00 : f32
    %neg3A_90 = vector.broadcast %neg3A : f32 to vector<1024x1xf32>
    %neg3A_91 = arith.subf %neg3A_90, %broadcast_in_dim3A_86 : vector<1024x1xf32>
    %sub3A_92 = vector.broadcast %neg3A_91 : vector<1024x1xf32> to vector<1024x1024xf32>
    %sub3A_93 = arith.subf %sub3A_92, %mul3A_83 : vector<1024x1024xf32>
    %broadcast_in_dim3A_94 = vector.shape_cast %reduce_sum3A_89 : vector<1024xf32> to vector<1x1024xf32>
    %sub3A_95 = vector.broadcast %broadcast_in_dim3A_94 : vector<1x1024xf32> to vector<1024x1024xf32>
    %sub3A_96 = arith.subf %sub3A_93, %sub3A_95 : vector<1024x1024xf32>
    %iota3A = tpu.iota {dimensions = array<i32: 1>} : vector<1024x1024xi32>
    %mul3A_97 = arith.constant 1024 : i32
    %mul3A_98 = arith.muli %arg0, %mul3A_97 : i32
    %argmax3A = tpu.reduce_index %sub3A_96 {axis = 1 : i32, kind = #tpu.reduction_kind<arg_max>} : vector<1024x1024xf32> -> vector<1024xi32>
    %broadcast_in_dim3A_99 = vector.shape_cast %argmax3A : vector<1024xi32> to vector<1024x1xi32>
    %add3A_100 = vector.broadcast %mul3A_98 : i32 to vector<1024x1xi32>
    %add3A_101 = arith.addi %broadcast_in_dim3A_99, %add3A_100 : vector<1024x1xi32>
    %eq3A = vector.broadcast %broadcast_in_dim3A_99 : vector<1024x1xi32> to vector<1024x1024xi32>
    %eq3A_102 = arith.cmpi eq, %iota3A, %eq3A : vector<1024x1024xi32>
    %jit3A = arith.constant -3.400000e+38 : f32
    %broadcast_in_dim3A_103 = vector.broadcast %jit3A : f32 to vector<1024x1024xf32>
    %select_n3A_104 = arith.select %eq3A_102, %broadcast_in_dim3A_103, %sub3A_96 : vector<1024x1024xi1>, vector<1024x1024xf32>
    %argmax3A_105 = tpu.reduce_index %select_n3A_104 {axis = 1 : i32, kind = #tpu.reduction_kind<arg_max>} : vector<1024x1024xf32> -> vector<1024xi32>
    %broadcast_in_dim3A_106 = vector.shape_cast %argmax3A_105 : vector<1024xi32> to vector<1024x1xi32>
    %add3A_107 = vector.broadcast %mul3A_98 : i32 to vector<1024x1xi32>
    %add3A_108 = arith.addi %broadcast_in_dim3A_106, %add3A_107 : vector<1024x1xi32>
    %eq3A_109 = vector.broadcast %broadcast_in_dim3A_106 : vector<1024x1xi32> to vector<1024x1024xi32>
    %eq3A_110 = arith.cmpi eq, %iota3A, %eq3A_109 : vector<1024x1024xi32>
    %jit3A_111 = arith.constant -3.400000e+38 : f32
    %broadcast_in_dim3A_112 = vector.broadcast %jit3A_111 : f32 to vector<1024x1024xf32>
    %select_n3A_113 = arith.select %eq3A_110, %broadcast_in_dim3A_112, %select_n3A_104 : vector<1024x1024xi1>, vector<1024x1024xf32>
    %argmax3A_114 = tpu.reduce_index %select_n3A_113 {axis = 1 : i32, kind = #tpu.reduction_kind<arg_max>} : vector<1024x1024xf32> -> vector<1024xi32>
    %broadcast_in_dim3A_115 = vector.shape_cast %argmax3A_114 : vector<1024xi32> to vector<1024x1xi32>
    %add3A_116 = vector.broadcast %mul3A_98 : i32 to vector<1024x1xi32>
    %add3A_117 = arith.addi %broadcast_in_dim3A_115, %add3A_116 : vector<1024x1xi32>
    %eq3A_118 = vector.broadcast %broadcast_in_dim3A_115 : vector<1024x1xi32> to vector<1024x1024xi32>
    %eq3A_119 = arith.cmpi eq, %iota3A, %eq3A_118 : vector<1024x1024xi32>
    %jit3A_120 = arith.constant -3.400000e+38 : f32
    %broadcast_in_dim3A_121 = vector.broadcast %jit3A_120 : f32 to vector<1024x1024xf32>
    %select_n3A_122 = arith.select %eq3A_119, %broadcast_in_dim3A_121, %select_n3A_113 : vector<1024x1024xi1>, vector<1024x1024xf32>
    %argmax3A_123 = tpu.reduce_index %select_n3A_122 {axis = 1 : i32, kind = #tpu.reduction_kind<arg_max>} : vector<1024x1024xf32> -> vector<1024xi32>
    %broadcast_in_dim3A_124 = vector.shape_cast %argmax3A_123 : vector<1024xi32> to vector<1024x1xi32>
    %add3A_125 = vector.broadcast %mul3A_98 : i32 to vector<1024x1xi32>
    %add3A_126 = arith.addi %broadcast_in_dim3A_124, %add3A_125 : vector<1024x1xi32>
    %eq3A_127 = vector.broadcast %broadcast_in_dim3A_124 : vector<1024x1xi32> to vector<1024x1024xi32>
    %eq3A_128 = arith.cmpi eq, %iota3A, %eq3A_127 : vector<1024x1024xi32>
    %jit3A_129 = arith.constant -3.400000e+38 : f32
    %broadcast_in_dim3A_130 = vector.broadcast %jit3A_129 : f32 to vector<1024x1024xf32>
    %select_n3A_131 = arith.select %eq3A_128, %broadcast_in_dim3A_130, %select_n3A_122 : vector<1024x1024xi1>, vector<1024x1024xf32>
    %argmax3A_132 = tpu.reduce_index %select_n3A_131 {axis = 1 : i32, kind = #tpu.reduction_kind<arg_max>} : vector<1024x1024xf32> -> vector<1024xi32>
    %broadcast_in_dim3A_133 = vector.shape_cast %argmax3A_132 : vector<1024xi32> to vector<1024x1xi32>
    %add3A_134 = vector.broadcast %mul3A_98 : i32 to vector<1024x1xi32>
    %add3A_135 = arith.addi %broadcast_in_dim3A_133, %add3A_134 : vector<1024x1xi32>
    %eq3A_136 = vector.broadcast %broadcast_in_dim3A_133 : vector<1024x1xi32> to vector<1024x1024xi32>
    %eq3A_137 = arith.cmpi eq, %iota3A, %eq3A_136 : vector<1024x1024xi32>
    %jit3A_138 = arith.constant -3.400000e+38 : f32
    %broadcast_in_dim3A_139 = vector.broadcast %jit3A_138 : f32 to vector<1024x1024xf32>
    %select_n3A_140 = arith.select %eq3A_137, %broadcast_in_dim3A_139, %select_n3A_131 : vector<1024x1024xi1>, vector<1024x1024xf32>
    %argmax3A_141 = tpu.reduce_index %select_n3A_140 {axis = 1 : i32, kind = #tpu.reduction_kind<arg_max>} : vector<1024x1024xf32> -> vector<1024xi32>
    %broadcast_in_dim3A_142 = vector.shape_cast %argmax3A_141 : vector<1024xi32> to vector<1024x1xi32>
    %add3A_143 = vector.broadcast %mul3A_98 : i32 to vector<1024x1xi32>
    %add3A_144 = arith.addi %broadcast_in_dim3A_142, %add3A_143 : vector<1024x1xi32>
    %eq3A_145 = vector.broadcast %broadcast_in_dim3A_142 : vector<1024x1xi32> to vector<1024x1024xi32>
    %eq3A_146 = arith.cmpi eq, %iota3A, %eq3A_145 : vector<1024x1024xi32>
    %jit3A_147 = arith.constant -3.400000e+38 : f32
    %broadcast_in_dim3A_148 = vector.broadcast %jit3A_147 : f32 to vector<1024x1024xf32>
    %select_n3A_149 = arith.select %eq3A_146, %broadcast_in_dim3A_148, %select_n3A_140 : vector<1024x1024xi1>, vector<1024x1024xf32>
    %argmax3A_150 = tpu.reduce_index %select_n3A_149 {axis = 1 : i32, kind = #tpu.reduction_kind<arg_max>} : vector<1024x1024xf32> -> vector<1024xi32>
    %broadcast_in_dim3A_151 = vector.shape_cast %argmax3A_150 : vector<1024xi32> to vector<1024x1xi32>
    %add3A_152 = vector.broadcast %mul3A_98 : i32 to vector<1024x1xi32>
    %add3A_153 = arith.addi %broadcast_in_dim3A_151, %add3A_152 : vector<1024x1xi32>
    %eq3A_154 = vector.broadcast %broadcast_in_dim3A_151 : vector<1024x1xi32> to vector<1024x1024xi32>
    %eq3A_155 = arith.cmpi eq, %iota3A, %eq3A_154 : vector<1024x1024xi32>
    %jit3A_156 = arith.constant -3.400000e+38 : f32
    %broadcast_in_dim3A_157 = vector.broadcast %jit3A_156 : f32 to vector<1024x1024xf32>
    %select_n3A_158 = arith.select %eq3A_155, %broadcast_in_dim3A_157, %select_n3A_149 : vector<1024x1024xi1>, vector<1024x1024xf32>
    %argmax3A_159 = tpu.reduce_index %select_n3A_158 {axis = 1 : i32, kind = #tpu.reduction_kind<arg_max>} : vector<1024x1024xf32> -> vector<1024xi32>
    %broadcast_in_dim3A_160 = vector.shape_cast %argmax3A_159 : vector<1024xi32> to vector<1024x1xi32>
    %add3A_161 = vector.broadcast %mul3A_98 : i32 to vector<1024x1xi32>
    %add3A_162 = arith.addi %broadcast_in_dim3A_160, %add3A_161 : vector<1024x1xi32>
    %eq3A_163 = vector.broadcast %broadcast_in_dim3A_160 : vector<1024x1xi32> to vector<1024x1024xi32>
    %eq3A_164 = arith.cmpi eq, %iota3A, %eq3A_163 : vector<1024x1024xi32>
    %jit3A_165 = arith.constant -3.400000e+38 : f32
    %broadcast_in_dim3A_166 = vector.broadcast %jit3A_165 : f32 to vector<1024x1024xf32>
    %select_n3A_167 = arith.select %eq3A_164, %broadcast_in_dim3A_166, %select_n3A_158 : vector<1024x1024xi1>, vector<1024x1024xf32>
    %argmax3A_168 = tpu.reduce_index %select_n3A_167 {axis = 1 : i32, kind = #tpu.reduction_kind<arg_max>} : vector<1024x1024xf32> -> vector<1024xi32>
    %broadcast_in_dim3A_169 = vector.shape_cast %argmax3A_168 : vector<1024xi32> to vector<1024x1xi32>
    %add3A_170 = vector.broadcast %mul3A_98 : i32 to vector<1024x1xi32>
    %add3A_171 = arith.addi %broadcast_in_dim3A_169, %add3A_170 : vector<1024x1xi32>
    %eq3A_172 = vector.broadcast %broadcast_in_dim3A_169 : vector<1024x1xi32> to vector<1024x1024xi32>
    %eq3A_173 = arith.cmpi eq, %iota3A, %eq3A_172 : vector<1024x1024xi32>
    %jit3A_174 = arith.constant -3.400000e+38 : f32
    %broadcast_in_dim3A_175 = vector.broadcast %jit3A_174 : f32 to vector<1024x1024xf32>
    %select_n3A_176 = arith.select %eq3A_173, %broadcast_in_dim3A_175, %select_n3A_167 : vector<1024x1024xi1>, vector<1024x1024xf32>
    %argmax3A_177 = tpu.reduce_index %select_n3A_176 {axis = 1 : i32, kind = #tpu.reduction_kind<arg_max>} : vector<1024x1024xf32> -> vector<1024xi32>
    %broadcast_in_dim3A_178 = vector.shape_cast %argmax3A_177 : vector<1024xi32> to vector<1024x1xi32>
    %add3A_179 = vector.broadcast %mul3A_98 : i32 to vector<1024x1xi32>
    %add3A_180 = arith.addi %broadcast_in_dim3A_178, %add3A_179 : vector<1024x1xi32>
    %eq3A_181 = vector.broadcast %broadcast_in_dim3A_178 : vector<1024x1xi32> to vector<1024x1024xi32>
    %eq3A_182 = arith.cmpi eq, %iota3A, %eq3A_181 : vector<1024x1024xi32>
    %jit3A_183 = arith.constant -3.400000e+38 : f32
    %broadcast_in_dim3A_184 = vector.broadcast %jit3A_183 : f32 to vector<1024x1024xf32>
    %select_n3A_185 = arith.select %eq3A_182, %broadcast_in_dim3A_184, %select_n3A_176 : vector<1024x1024xi1>, vector<1024x1024xf32>
    %argmax3A_186 = tpu.reduce_index %select_n3A_185 {axis = 1 : i32, kind = #tpu.reduction_kind<arg_max>} : vector<1024x1024xf32> -> vector<1024xi32>
    %broadcast_in_dim3A_187 = vector.shape_cast %argmax3A_186 : vector<1024xi32> to vector<1024x1xi32>
    %add3A_188 = vector.broadcast %mul3A_98 : i32 to vector<1024x1xi32>
    %add3A_189 = arith.addi %broadcast_in_dim3A_187, %add3A_188 : vector<1024x1xi32>
    %eq3A_190 = vector.broadcast %broadcast_in_dim3A_187 : vector<1024x1xi32> to vector<1024x1024xi32>
    %eq3A_191 = arith.cmpi eq, %iota3A, %eq3A_190 : vector<1024x1024xi32>
    %jit3A_192 = arith.constant -3.400000e+38 : f32
    %broadcast_in_dim3A_193 = vector.broadcast %jit3A_192 : f32 to vector<1024x1024xf32>
    %select_n3A_194 = arith.select %eq3A_191, %broadcast_in_dim3A_193, %select_n3A_185 : vector<1024x1024xi1>, vector<1024x1024xf32>
    %argmax3A_195 = tpu.reduce_index %select_n3A_194 {axis = 1 : i32, kind = #tpu.reduction_kind<arg_max>} : vector<1024x1024xf32> -> vector<1024xi32>
    %broadcast_in_dim3A_196 = vector.shape_cast %argmax3A_195 : vector<1024xi32> to vector<1024x1xi32>
    %add3A_197 = vector.broadcast %mul3A_98 : i32 to vector<1024x1xi32>
    %add3A_198 = arith.addi %broadcast_in_dim3A_196, %add3A_197 : vector<1024x1xi32>
    %eq3A_199 = vector.broadcast %broadcast_in_dim3A_196 : vector<1024x1xi32> to vector<1024x1024xi32>
    %eq3A_200 = arith.cmpi eq, %iota3A, %eq3A_199 : vector<1024x1024xi32>
    %jit3A_201 = arith.constant -3.400000e+38 : f32
    %broadcast_in_dim3A_202 = vector.broadcast %jit3A_201 : f32 to vector<1024x1024xf32>
    %select_n3A_203 = arith.select %eq3A_200, %broadcast_in_dim3A_202, %select_n3A_194 : vector<1024x1024xi1>, vector<1024x1024xf32>
    %argmax3A_204 = tpu.reduce_index %select_n3A_203 {axis = 1 : i32, kind = #tpu.reduction_kind<arg_max>} : vector<1024x1024xf32> -> vector<1024xi32>
    %broadcast_in_dim3A_205 = vector.shape_cast %argmax3A_204 : vector<1024xi32> to vector<1024x1xi32>
    %add3A_206 = vector.broadcast %mul3A_98 : i32 to vector<1024x1xi32>
    %add3A_207 = arith.addi %broadcast_in_dim3A_205, %add3A_206 : vector<1024x1xi32>
    %eq3A_208 = vector.broadcast %broadcast_in_dim3A_205 : vector<1024x1xi32> to vector<1024x1024xi32>
    %eq3A_209 = arith.cmpi eq, %iota3A, %eq3A_208 : vector<1024x1024xi32>
    %jit3A_210 = arith.constant -3.400000e+38 : f32
    %broadcast_in_dim3A_211 = vector.broadcast %jit3A_210 : f32 to vector<1024x1024xf32>
    %select_n3A_212 = arith.select %eq3A_209, %broadcast_in_dim3A_211, %select_n3A_203 : vector<1024x1024xi1>, vector<1024x1024xf32>
    %argmax3A_213 = tpu.reduce_index %select_n3A_212 {axis = 1 : i32, kind = #tpu.reduction_kind<arg_max>} : vector<1024x1024xf32> -> vector<1024xi32>
    %broadcast_in_dim3A_214 = vector.shape_cast %argmax3A_213 : vector<1024xi32> to vector<1024x1xi32>
    %add3A_215 = vector.broadcast %mul3A_98 : i32 to vector<1024x1xi32>
    %add3A_216 = arith.addi %broadcast_in_dim3A_214, %add3A_215 : vector<1024x1xi32>
    %eq3A_217 = vector.broadcast %broadcast_in_dim3A_214 : vector<1024x1xi32> to vector<1024x1024xi32>
    %eq3A_218 = arith.cmpi eq, %iota3A, %eq3A_217 : vector<1024x1024xi32>
    %jit3A_219 = arith.constant -3.400000e+38 : f32
    %broadcast_in_dim3A_220 = vector.broadcast %jit3A_219 : f32 to vector<1024x1024xf32>
    %select_n3A_221 = arith.select %eq3A_218, %broadcast_in_dim3A_220, %select_n3A_212 : vector<1024x1024xi1>, vector<1024x1024xf32>
    %argmax3A_222 = tpu.reduce_index %select_n3A_221 {axis = 1 : i32, kind = #tpu.reduction_kind<arg_max>} : vector<1024x1024xf32> -> vector<1024xi32>
    %broadcast_in_dim3A_223 = vector.shape_cast %argmax3A_222 : vector<1024xi32> to vector<1024x1xi32>
    %add3A_224 = vector.broadcast %mul3A_98 : i32 to vector<1024x1xi32>
    %add3A_225 = arith.addi %broadcast_in_dim3A_223, %add3A_224 : vector<1024x1xi32>
    %eq3A_226 = vector.broadcast %broadcast_in_dim3A_223 : vector<1024x1xi32> to vector<1024x1024xi32>
    %eq3A_227 = arith.cmpi eq, %iota3A, %eq3A_226 : vector<1024x1024xi32>
    %jit3A_228 = arith.constant -3.400000e+38 : f32
    %broadcast_in_dim3A_229 = vector.broadcast %jit3A_228 : f32 to vector<1024x1024xf32>
    %select_n3A_230 = arith.select %eq3A_227, %broadcast_in_dim3A_229, %select_n3A_221 : vector<1024x1024xi1>, vector<1024x1024xf32>
    %argmax3A_231 = tpu.reduce_index %select_n3A_230 {axis = 1 : i32, kind = #tpu.reduction_kind<arg_max>} : vector<1024x1024xf32> -> vector<1024xi32>
    %broadcast_in_dim3A_232 = vector.shape_cast %argmax3A_231 : vector<1024xi32> to vector<1024x1xi32>
    %add3A_233 = vector.broadcast %mul3A_98 : i32 to vector<1024x1xi32>
    %add3A_234 = arith.addi %broadcast_in_dim3A_232, %add3A_233 : vector<1024x1xi32>
    %eq3A_235 = vector.broadcast %broadcast_in_dim3A_232 : vector<1024x1xi32> to vector<1024x1024xi32>
    %eq3A_236 = arith.cmpi eq, %iota3A, %eq3A_235 : vector<1024x1024xi32>
    %jit3A_237 = arith.constant -3.400000e+38 : f32
    %broadcast_in_dim3A_238 = vector.broadcast %jit3A_237 : f32 to vector<1024x1024xf32>
    %select_n3A_239 = arith.select %eq3A_236, %broadcast_in_dim3A_238, %select_n3A_230 : vector<1024x1024xi1>, vector<1024x1024xf32>
    %argmax3A_240 = tpu.reduce_index %select_n3A_239 {axis = 1 : i32, kind = #tpu.reduction_kind<arg_max>} : vector<1024x1024xf32> -> vector<1024xi32>
    %broadcast_in_dim3A_241 = vector.shape_cast %argmax3A_240 : vector<1024xi32> to vector<1024x1xi32>
    %add3A_242 = vector.broadcast %mul3A_98 : i32 to vector<1024x1xi32>
    %add3A_243 = arith.addi %broadcast_in_dim3A_241, %add3A_242 : vector<1024x1xi32>
    %eq3A_244 = vector.broadcast %broadcast_in_dim3A_241 : vector<1024x1xi32> to vector<1024x1024xi32>
    %eq3A_245 = arith.cmpi eq, %iota3A, %eq3A_244 : vector<1024x1024xi32>
    %jit3A_246 = arith.constant -3.400000e+38 : f32
    %broadcast_in_dim3A_247 = vector.broadcast %jit3A_246 : f32 to vector<1024x1024xf32>
    %select_n3A_248 = arith.select %eq3A_245, %broadcast_in_dim3A_247, %select_n3A_239 : vector<1024x1024xi1>, vector<1024x1024xf32>
    %argmax3A_249 = tpu.reduce_index %select_n3A_248 {axis = 1 : i32, kind = #tpu.reduction_kind<arg_max>} : vector<1024x1024xf32> -> vector<1024xi32>
    %broadcast_in_dim3A_250 = vector.shape_cast %argmax3A_249 : vector<1024xi32> to vector<1024x1xi32>
    %add3A_251 = vector.broadcast %mul3A_98 : i32 to vector<1024x1xi32>
    %add3A_252 = arith.addi %broadcast_in_dim3A_250, %add3A_251 : vector<1024x1xi32>
    %eq3A_253 = vector.broadcast %broadcast_in_dim3A_250 : vector<1024x1xi32> to vector<1024x1024xi32>
    %eq3A_254 = arith.cmpi eq, %iota3A, %eq3A_253 : vector<1024x1024xi32>
    %jit3A_255 = arith.constant -3.400000e+38 : f32
    %broadcast_in_dim3A_256 = vector.broadcast %jit3A_255 : f32 to vector<1024x1024xf32>
    %select_n3A_257 = arith.select %eq3A_254, %broadcast_in_dim3A_256, %select_n3A_248 : vector<1024x1024xi1>, vector<1024x1024xf32>
    %argmax3A_258 = tpu.reduce_index %select_n3A_257 {axis = 1 : i32, kind = #tpu.reduction_kind<arg_max>} : vector<1024x1024xf32> -> vector<1024xi32>
    %broadcast_in_dim3A_259 = vector.shape_cast %argmax3A_258 : vector<1024xi32> to vector<1024x1xi32>
    %add3A_260 = vector.broadcast %mul3A_98 : i32 to vector<1024x1xi32>
    %add3A_261 = arith.addi %broadcast_in_dim3A_259, %add3A_260 : vector<1024x1xi32>
    %eq3A_262 = vector.broadcast %broadcast_in_dim3A_259 : vector<1024x1xi32> to vector<1024x1024xi32>
    %eq3A_263 = arith.cmpi eq, %iota3A, %eq3A_262 : vector<1024x1024xi32>
    %jit3A_264 = arith.constant -3.400000e+38 : f32
    %broadcast_in_dim3A_265 = vector.broadcast %jit3A_264 : f32 to vector<1024x1024xf32>
    %select_n3A_266 = arith.select %eq3A_263, %broadcast_in_dim3A_265, %select_n3A_257 : vector<1024x1024xi1>, vector<1024x1024xf32>
    %argmax3A_267 = tpu.reduce_index %select_n3A_266 {axis = 1 : i32, kind = #tpu.reduction_kind<arg_max>} : vector<1024x1024xf32> -> vector<1024xi32>
    %broadcast_in_dim3A_268 = vector.shape_cast %argmax3A_267 : vector<1024xi32> to vector<1024x1xi32>
    %add3A_269 = vector.broadcast %mul3A_98 : i32 to vector<1024x1xi32>
    %add3A_270 = arith.addi %broadcast_in_dim3A_268, %add3A_269 : vector<1024x1xi32>
    %concatenate3A = tpu.concatenate %add3A_101, %add3A_108, %add3A_117, %add3A_126, %add3A_135, %add3A_144, %add3A_153, %add3A_162, %add3A_171, %add3A_180, %add3A_189, %add3A_198, %add3A_207, %add3A_216, %add3A_225, %add3A_234, %add3A_243, %add3A_252, %add3A_261, %add3A_270 in 1 : vector<1024x1xi32>, vector<1024x1xi32>, vector<1024x1xi32>, vector<1024x1xi32>, vector<1024x1xi32>, vector<1024x1xi32>, vector<1024x1xi32>, vector<1024x1xi32>, vector<1024x1xi32>, vector<1024x1xi32>, vector<1024x1xi32>, vector<1024x1xi32>, vector<1024x1xi32>, vector<1024x1xi32>, vector<1024x1xi32>, vector<1024x1xi32>, vector<1024x1xi32>, vector<1024x1xi32>, vector<1024x1xi32>, vector<1024x1xi32> -> vector<1024x20xi32>
    %swap3A_271 = arith.constant 0 : index
    %swap3A_272 = arith.constant 0 : index
    %swap3A_273 = arith.constant 0 : index
    %swap3A_274 = vector.load %arg8[%swap3A_271, %swap3A_272, %swap3A_273] : memref<1x1024x20xi32, #tpu.memory_space<vmem>>, vector<1x1024x20xi32>
    %swap3A_275 = vector.shape_cast %swap3A_274 : vector<1x1024x20xi32> to vector<1024x20xi32>
    %swap3A_276 = vector.shape_cast %concatenate3A : vector<1024x20xi32> to vector<1x1024x20xi32>
    tpu.vector_store %arg8[%swap3A_271, %swap3A_272, %swap3A_273], %swap3A_276 {strides = array<i32>} : memref<1x1024x20xi32, #tpu.memory_space<vmem>>, vector<1x1024x20xi32>,
    return
  }
  func.func @transform_0(%arg0: i32, %arg1: i32) -> (i32, i32, i32) {
    %add3A = arith.constant 0 : i32
    %add3A_0 = arith.addi %arg0, %add3A : i32
    %c0_i32 = arith.constant 0 : i32
    %c0_i32_1 = arith.constant 0 : i32
    return %add3A_0, %arg1, %c0_i32 : i32, i32, i32
  }
  func.func @transform_1(%arg0: i32, %arg1: i32) -> (i32, i32, i32) {
    %add3A = arith.constant 0 : i32
    %add3A_0 = arith.addi %arg0, %add3A : i32
    %c0_i32 = arith.constant 0 : i32
    %c0_i32_1 = arith.constant 0 : i32
    %c0_i32_2 = arith.constant 0 : i32
    return %add3A_0, %c0_i32, %c0_i32_1 : i32, i32, i32
  }
  func.func @transform_2(%arg0: i32, %arg1: i32) -> (i32, i32) {
    %c0_i32 = arith.constant 0 : i32
    %c0_i32_0 = arith.constant 0 : i32
    %c0_i32_1 = arith.constant 0 : i32
    return %c0_i32, %c0_i32_0 : i32, i32
  }
  func.func @transform_3(%arg0: i32, %arg1: i32) -> (i32, i32) {
    %c0_i32 = arith.constant 0 : i32
    %c0_i32_0 = arith.constant 0 : i32
    %c0_i32_1 = arith.constant 0 : i32
    return %c0_i32, %c0_i32_0 : i32, i32
  }
  func.func @transform_4(%arg0: i32, %arg1: i32) -> i32 {
    %c0_i32 = arith.constant 0 : i32
    %c0_i32_0 = arith.constant 0 : i32
    return %c0_i32 : i32
  }
  func.func @transform_5(%arg0: i32, %arg1: i32) -> i32 {
    %c0_i32 = arith.constant 0 : i32
    %c0_i32_0 = arith.constant 0 : i32
    return %c0_i32 : i32
  }
  func.func @transform_6(%arg0: i32, %arg1: i32) -> (i32, i32, i32) {
    %c0_i32 = arith.constant 0 : i32
    %c0_i32_0 = arith.constant 0 : i32
    return %arg0, %arg1, %c0_i32 : i32, i32, i32
  }
  func.func @transform_7(%arg0: i32, %arg1: i32) -> (i32, i32, i32) {
    %c0_i32 = arith.constant 0 : i32
    %c0_i32_0 = arith.constant 0 : i32
    return %arg0, %arg1, %c0_i32 : i32, i32, i32
  }
}

module attributes {stable_mosaic.version = 14 : i64} {
  func.func @_edge_kernel(%arg0: i32, %arg1: i32, %arg2: memref<1x256x64xf32, #tpu.memory_space<vmem>>, %arg3: memref<1x256x20x64xf32, #tpu.memory_space<vmem>>, %arg4: memref<64x128xf32, #tpu.memory_space<vmem>>, %arg5: memref<1x256x64xf32, #tpu.memory_space<vmem>>, %arg6: memref<1x64xf32, #tpu.memory_space<vmem>>, %arg7: memref<1x64xf32, #tpu.memory_space<vmem>>) attributes {dimension_semantics = [#tpu.dimension_semantics<arbitrary>, #tpu.dimension_semantics<arbitrary>], iteration_bounds = array<i64: 8, 4>, scalar_prefetch = 0 : i64, scratch_operands = 0 : i64, tpu.core_type = #tpu.core_type<tc>, window_params = [{transform_indices = @transform_0, window_bounds = array<i64: 1, 256, 64>}, {transform_indices = @transform_1, window_bounds = array<i64: 1, 256, 20, 64>}, {pipeline_mode = #tpu.pipeline_mode<synchronous>, transform_indices = @transform_2, window_bounds = array<i64: 64, 128>}, {transform_indices = @transform_3, window_bounds = array<i64: 1, 256, 64>}, {pipeline_mode = #tpu.pipeline_mode<synchronous>, transform_indices = @transform_4, window_bounds = array<i64: 1, 64>}, {pipeline_mode = #tpu.pipeline_mode<synchronous>, transform_indices = @transform_5, window_bounds = array<i64: 1, 64>}]} {
    %eq3A = arith.constant 0 : i32
    %eq3A_0 = arith.cmpi eq, %arg0, %eq3A : i32
    %eq3A_1 = arith.constant 0 : i32
    %eq3A_2 = arith.cmpi eq, %arg1, %eq3A_1 : i32
    %and3A = arith.andi %eq3A_0, %eq3A_2 : i1
    %get3A = arith.constant 0 : index
    %get3A_3 = arith.constant 0 : index
    %get3A_4 = arith.constant 0 : index
    %get3A_5 = vector.load %arg2[%get3A, %get3A_3, %get3A_4] : memref<1x256x64xf32, #tpu.memory_space<vmem>>, vector<1x256x64xf32>
    %get3A_6 = vector.shape_cast %get3A_5 : vector<1x256x64xf32> to vector<256x64xf32>
    %get3A_7 = arith.constant 0 : index
    %get3A_8 = arith.constant 0 : index
    %get3A_9 = arith.constant 0 : index
    %get3A_10 = arith.constant 0 : index
    %get3A_11 = vector.load %arg3[%get3A_7, %get3A_8, %get3A_9, %get3A_10] : memref<1x256x20x64xf32, #tpu.memory_space<vmem>>, vector<1x256x20x64xf32>
    %get3A_12 = vector.shape_cast %get3A_11 : vector<1x256x20x64xf32> to vector<256x20x64xf32>
    %broadcast_in_dim3A = vector.shape_cast %get3A_6 : vector<256x64xf32> to vector<256x1x64xf32>
    %broadcast_in_dim3A_13 = vector.shape_cast %broadcast_in_dim3A : vector<256x1x64xf32> to vector<256x1x64xf32>
    %broadcast_in_dim3A_14 = vector.broadcast %broadcast_in_dim3A_13 : vector<256x1x64xf32> to vector<256x20x64xf32>
    %sub3A = arith.subf %get3A_12, %broadcast_in_dim3A_14 : vector<256x20x64xf32>
    %concatenate3A = tpu.concatenate %broadcast_in_dim3A_14, %sub3A in 2 : vector<256x20x64xf32>, vector<256x20x64xf32> -> vector<256x20x128xf32>
    %reshape3A = vector.shape_cast %concatenate3A : vector<256x20x128xf32> to vector<5120x128xf32>
    %get3A_15 = arith.constant 0 : index
    %get3A_16 = arith.constant 0 : index
    %get3A_17 = vector.load %arg4[%get3A_15, %get3A_16] : memref<64x128xf32, #tpu.memory_space<vmem>>, vector<64x128xf32>
    %dot_general3A = arith.constant dense<0.000000e+00> : vector<5120x64xf32>
    %dot_general3A_18 = tpu.matmul %reshape3A, %get3A_17, %dot_general3A {dimension_numbers = #tpu.dot_dimension_numbers<[1], [1], [0], [0], [0, 0, 1, 0], [], []>, transpose_lhs_hint = false} : vector<5120x128xf32>, vector<64x128xf32>, vector<5120x64xf32> -> vector<5120x64xf32>
    %reduce_sum3A = arith.constant dense<0.000000e+00> : vector<64xf32>
    %reduce_sum3A_19 = vector.multi_reduction <add>, %dot_general3A_18, %reduce_sum3A [0] : vector<5120x64xf32> to vector<64xf32>
    %mul3A = arith.mulf %dot_general3A_18, %dot_general3A_18 : vector<5120x64xf32>
    %reduce_sum3A_20 = arith.constant dense<0.000000e+00> : vector<64xf32>
    %reduce_sum3A_21 = vector.multi_reduction <add>, %mul3A, %reduce_sum3A_20 [0] : vector<5120x64xf32> to vector<64xf32>
    %reshape3A_22 = vector.shape_cast %dot_general3A_18 : vector<5120x64xf32> to vector<256x20x64xf32>
    %reduce_max3A = arith.constant dense<0xFF800000> : vector<256x64xf32>
    %reduce_max3A_23 = vector.multi_reduction <maximumf>, %reshape3A_22, %reduce_max3A [1] : vector<256x20x64xf32> to vector<256x64xf32>
    %convert_element_type3A = arith.extui %and3A : i1 to i32
    %cond3A = arith.constant 0 : i32
    %cond3A_24 = arith.cmpi ne, %convert_element_type3A, %cond3A : i32
    scf.if %cond3A_24 {
      %broadcast_in_dim3A_45 = arith.constant 0.000000e+00 : f32
      %broadcast_in_dim3A_46 = vector.broadcast %broadcast_in_dim3A_45 : f32 to vector<1x64xf32>
      %swap3A_47 = arith.constant 0 : index
      %swap3A_48 = arith.constant 0 : index
      %swap3A_49 = vector.load %arg6[%swap3A_47, %swap3A_48] : memref<1x64xf32, #tpu.memory_space<vmem>>, vector<1x64xf32>
      tpu.vector_store %arg6[%swap3A_47, %swap3A_48], %broadcast_in_dim3A_46 {strides = array<i32>} : memref<1x64xf32, #tpu.memory_space<vmem>>, vector<1x64xf32>,
      %broadcast_in_dim3A_50 = arith.constant 0.000000e+00 : f32
      %broadcast_in_dim3A_51 = vector.broadcast %broadcast_in_dim3A_50 : f32 to vector<1x64xf32>
      %swap3A_52 = arith.constant 0 : index
      %swap3A_53 = arith.constant 0 : index
      %swap3A_54 = vector.load %arg7[%swap3A_52, %swap3A_53] : memref<1x64xf32, #tpu.memory_space<vmem>>, vector<1x64xf32>
      tpu.vector_store %arg7[%swap3A_52, %swap3A_53], %broadcast_in_dim3A_51 {strides = array<i32>} : memref<1x64xf32, #tpu.memory_space<vmem>>, vector<1x64xf32>,
    } else {
    }
    %get3A_25 = arith.constant 0 : index
    %get3A_26 = arith.constant 0 : index
    %get3A_27 = vector.load %arg6[%get3A_25, %get3A_26] : memref<1x64xf32, #tpu.memory_space<vmem>>, vector<1x64xf32>
    %broadcast_in_dim3A_28 = vector.shape_cast %reduce_sum3A_19 : vector<64xf32> to vector<1x64xf32>
    %add3A = arith.addf %get3A_27, %broadcast_in_dim3A_28 : vector<1x64xf32>
    %swap3A = arith.constant 0 : index
    %swap3A_29 = arith.constant 0 : index
    %swap3A_30 = vector.load %arg6[%swap3A, %swap3A_29] : memref<1x64xf32, #tpu.memory_space<vmem>>, vector<1x64xf32>
    tpu.vector_store %arg6[%swap3A, %swap3A_29], %add3A {strides = array<i32>} : memref<1x64xf32, #tpu.memory_space<vmem>>, vector<1x64xf32>,
    %get3A_31 = arith.constant 0 : index
    %get3A_32 = arith.constant 0 : index
    %get3A_33 = vector.load %arg7[%get3A_31, %get3A_32] : memref<1x64xf32, #tpu.memory_space<vmem>>, vector<1x64xf32>
    %broadcast_in_dim3A_34 = vector.shape_cast %reduce_sum3A_21 : vector<64xf32> to vector<1x64xf32>
    %add3A_35 = arith.addf %get3A_33, %broadcast_in_dim3A_34 : vector<1x64xf32>
    %swap3A_36 = arith.constant 0 : index
    %swap3A_37 = arith.constant 0 : index
    %swap3A_38 = vector.load %arg7[%swap3A_36, %swap3A_37] : memref<1x64xf32, #tpu.memory_space<vmem>>, vector<1x64xf32>
    tpu.vector_store %arg7[%swap3A_36, %swap3A_37], %add3A_35 {strides = array<i32>} : memref<1x64xf32, #tpu.memory_space<vmem>>, vector<1x64xf32>,
    %swap3A_39 = arith.constant 0 : index
    %swap3A_40 = arith.constant 0 : index
    %swap3A_41 = arith.constant 0 : index
    %swap3A_42 = vector.load %arg5[%swap3A_39, %swap3A_40, %swap3A_41] : memref<1x256x64xf32, #tpu.memory_space<vmem>>, vector<1x256x64xf32>
    %swap3A_43 = vector.shape_cast %swap3A_42 : vector<1x256x64xf32> to vector<256x64xf32>
    %swap3A_44 = vector.shape_cast %reduce_max3A_23 : vector<256x64xf32> to vector<1x256x64xf32>
    tpu.vector_store %arg5[%swap3A_39, %swap3A_40, %swap3A_41], %swap3A_44 {strides = array<i32>} : memref<1x256x64xf32, #tpu.memory_space<vmem>>, vector<1x256x64xf32>,
    return
  }
  func.func @transform_0(%arg0: i32, %arg1: i32) -> (i32, i32, i32) {
    %add3A = arith.constant 0 : i32
    %add3A_0 = arith.addi %arg0, %add3A : i32
    %c0_i32 = arith.constant 0 : i32
    %c0_i32_1 = arith.constant 0 : i32
    return %add3A_0, %arg1, %c0_i32 : i32, i32, i32
  }
  func.func @transform_1(%arg0: i32, %arg1: i32) -> (i32, i32, i32, i32) {
    %c0_i32 = arith.constant 0 : i32
    %c0_i32_0 = arith.constant 0 : i32
    %c0_i32_1 = arith.constant 0 : i32
    return %arg0, %arg1, %c0_i32, %c0_i32_0 : i32, i32, i32, i32
  }
  func.func @transform_2(%arg0: i32, %arg1: i32) -> (i32, i32) {
    %c0_i32 = arith.constant 0 : i32
    %c0_i32_0 = arith.constant 0 : i32
    %c0_i32_1 = arith.constant 0 : i32
    return %c0_i32, %c0_i32_0 : i32, i32
  }
  func.func @transform_3(%arg0: i32, %arg1: i32) -> (i32, i32, i32) {
    %c0_i32 = arith.constant 0 : i32
    %c0_i32_0 = arith.constant 0 : i32
    return %arg0, %arg1, %c0_i32 : i32, i32, i32
  }
  func.func @transform_4(%arg0: i32, %arg1: i32) -> (i32, i32) {
    %c0_i32 = arith.constant 0 : i32
    %c0_i32_0 = arith.constant 0 : i32
    %c0_i32_1 = arith.constant 0 : i32
    return %c0_i32, %c0_i32_0 : i32, i32
  }
  func.func @transform_5(%arg0: i32, %arg1: i32) -> (i32, i32) {
    %c0_i32 = arith.constant 0 : i32
    %c0_i32_0 = arith.constant 0 : i32
    %c0_i32_1 = arith.constant 0 : i32
    return %c0_i32, %c0_i32_0 : i32, i32
  }
}

module attributes {stable_mosaic.version = 14 : i64} {
  func.func @_edge_kernel(%arg0: i32, %arg1: i32, %arg2: memref<1x256x64xf32, #tpu.memory_space<vmem>>, %arg3: memref<1x256x20x64xf32, #tpu.memory_space<vmem>>, %arg4: memref<128x128xf32, #tpu.memory_space<vmem>>, %arg5: memref<1x256x128xf32, #tpu.memory_space<vmem>>, %arg6: memref<1x128xf32, #tpu.memory_space<vmem>>, %arg7: memref<1x128xf32, #tpu.memory_space<vmem>>) attributes {dimension_semantics = [#tpu.dimension_semantics<arbitrary>, #tpu.dimension_semantics<arbitrary>], iteration_bounds = array<i64: 8, 4>, scalar_prefetch = 0 : i64, scratch_operands = 0 : i64, tpu.core_type = #tpu.core_type<tc>, window_params = [{transform_indices = @transform_0, window_bounds = array<i64: 1, 256, 64>}, {transform_indices = @transform_1, window_bounds = array<i64: 1, 256, 20, 64>}, {pipeline_mode = #tpu.pipeline_mode<synchronous>, transform_indices = @transform_2, window_bounds = array<i64: 128, 128>}, {transform_indices = @transform_3, window_bounds = array<i64: 1, 256, 128>}, {pipeline_mode = #tpu.pipeline_mode<synchronous>, transform_indices = @transform_4, window_bounds = array<i64: 1, 128>}, {pipeline_mode = #tpu.pipeline_mode<synchronous>, transform_indices = @transform_5, window_bounds = array<i64: 1, 128>}]} {
    %eq3A = arith.constant 0 : i32
    %eq3A_0 = arith.cmpi eq, %arg0, %eq3A : i32
    %eq3A_1 = arith.constant 0 : i32
    %eq3A_2 = arith.cmpi eq, %arg1, %eq3A_1 : i32
    %and3A = arith.andi %eq3A_0, %eq3A_2 : i1
    %get3A = arith.constant 0 : index
    %get3A_3 = arith.constant 0 : index
    %get3A_4 = arith.constant 0 : index
    %get3A_5 = vector.load %arg2[%get3A, %get3A_3, %get3A_4] : memref<1x256x64xf32, #tpu.memory_space<vmem>>, vector<1x256x64xf32>
    %get3A_6 = vector.shape_cast %get3A_5 : vector<1x256x64xf32> to vector<256x64xf32>
    %get3A_7 = arith.constant 0 : index
    %get3A_8 = arith.constant 0 : index
    %get3A_9 = arith.constant 0 : index
    %get3A_10 = arith.constant 0 : index
    %get3A_11 = vector.load %arg3[%get3A_7, %get3A_8, %get3A_9, %get3A_10] : memref<1x256x20x64xf32, #tpu.memory_space<vmem>>, vector<1x256x20x64xf32>
    %get3A_12 = vector.shape_cast %get3A_11 : vector<1x256x20x64xf32> to vector<256x20x64xf32>
    %broadcast_in_dim3A = vector.shape_cast %get3A_6 : vector<256x64xf32> to vector<256x1x64xf32>
    %broadcast_in_dim3A_13 = vector.shape_cast %broadcast_in_dim3A : vector<256x1x64xf32> to vector<256x1x64xf32>
    %broadcast_in_dim3A_14 = vector.broadcast %broadcast_in_dim3A_13 : vector<256x1x64xf32> to vector<256x20x64xf32>
    %sub3A = arith.subf %get3A_12, %broadcast_in_dim3A_14 : vector<256x20x64xf32>
    %concatenate3A = tpu.concatenate %broadcast_in_dim3A_14, %sub3A in 2 : vector<256x20x64xf32>, vector<256x20x64xf32> -> vector<256x20x128xf32>
    %reshape3A = vector.shape_cast %concatenate3A : vector<256x20x128xf32> to vector<5120x128xf32>
    %get3A_15 = arith.constant 0 : index
    %get3A_16 = arith.constant 0 : index
    %get3A_17 = vector.load %arg4[%get3A_15, %get3A_16] : memref<128x128xf32, #tpu.memory_space<vmem>>, vector<128x128xf32>
    %dot_general3A = arith.constant dense<0.000000e+00> : vector<5120x128xf32>
    %dot_general3A_18 = tpu.matmul %reshape3A, %get3A_17, %dot_general3A {dimension_numbers = #tpu.dot_dimension_numbers<[1], [1], [0], [0], [0, 0, 1, 0], [], []>, transpose_lhs_hint = false} : vector<5120x128xf32>, vector<128x128xf32>, vector<5120x128xf32> -> vector<5120x128xf32>
    %reduce_sum3A = arith.constant dense<0.000000e+00> : vector<128xf32>
    %reduce_sum3A_19 = vector.multi_reduction <add>, %dot_general3A_18, %reduce_sum3A [0] : vector<5120x128xf32> to vector<128xf32>
    %mul3A = arith.mulf %dot_general3A_18, %dot_general3A_18 : vector<5120x128xf32>
    %reduce_sum3A_20 = arith.constant dense<0.000000e+00> : vector<128xf32>
    %reduce_sum3A_21 = vector.multi_reduction <add>, %mul3A, %reduce_sum3A_20 [0] : vector<5120x128xf32> to vector<128xf32>
    %reshape3A_22 = vector.shape_cast %dot_general3A_18 : vector<5120x128xf32> to vector<256x20x128xf32>
    %reduce_max3A = arith.constant dense<0xFF800000> : vector<256x128xf32>
    %reduce_max3A_23 = vector.multi_reduction <maximumf>, %reshape3A_22, %reduce_max3A [1] : vector<256x20x128xf32> to vector<256x128xf32>
    %convert_element_type3A = arith.extui %and3A : i1 to i32
    %cond3A = arith.constant 0 : i32
    %cond3A_24 = arith.cmpi ne, %convert_element_type3A, %cond3A : i32
    scf.if %cond3A_24 {
      %broadcast_in_dim3A_45 = arith.constant 0.000000e+00 : f32
      %broadcast_in_dim3A_46 = vector.broadcast %broadcast_in_dim3A_45 : f32 to vector<1x128xf32>
      %swap3A_47 = arith.constant 0 : index
      %swap3A_48 = arith.constant 0 : index
      %swap3A_49 = vector.load %arg6[%swap3A_47, %swap3A_48] : memref<1x128xf32, #tpu.memory_space<vmem>>, vector<1x128xf32>
      tpu.vector_store %arg6[%swap3A_47, %swap3A_48], %broadcast_in_dim3A_46 {strides = array<i32>} : memref<1x128xf32, #tpu.memory_space<vmem>>, vector<1x128xf32>,
      %broadcast_in_dim3A_50 = arith.constant 0.000000e+00 : f32
      %broadcast_in_dim3A_51 = vector.broadcast %broadcast_in_dim3A_50 : f32 to vector<1x128xf32>
      %swap3A_52 = arith.constant 0 : index
      %swap3A_53 = arith.constant 0 : index
      %swap3A_54 = vector.load %arg7[%swap3A_52, %swap3A_53] : memref<1x128xf32, #tpu.memory_space<vmem>>, vector<1x128xf32>
      tpu.vector_store %arg7[%swap3A_52, %swap3A_53], %broadcast_in_dim3A_51 {strides = array<i32>} : memref<1x128xf32, #tpu.memory_space<vmem>>, vector<1x128xf32>,
    } else {
    }
    %get3A_25 = arith.constant 0 : index
    %get3A_26 = arith.constant 0 : index
    %get3A_27 = vector.load %arg6[%get3A_25, %get3A_26] : memref<1x128xf32, #tpu.memory_space<vmem>>, vector<1x128xf32>
    %broadcast_in_dim3A_28 = vector.shape_cast %reduce_sum3A_19 : vector<128xf32> to vector<1x128xf32>
    %add3A = arith.addf %get3A_27, %broadcast_in_dim3A_28 : vector<1x128xf32>
    %swap3A = arith.constant 0 : index
    %swap3A_29 = arith.constant 0 : index
    %swap3A_30 = vector.load %arg6[%swap3A, %swap3A_29] : memref<1x128xf32, #tpu.memory_space<vmem>>, vector<1x128xf32>
    tpu.vector_store %arg6[%swap3A, %swap3A_29], %add3A {strides = array<i32>} : memref<1x128xf32, #tpu.memory_space<vmem>>, vector<1x128xf32>,
    %get3A_31 = arith.constant 0 : index
    %get3A_32 = arith.constant 0 : index
    %get3A_33 = vector.load %arg7[%get3A_31, %get3A_32] : memref<1x128xf32, #tpu.memory_space<vmem>>, vector<1x128xf32>
    %broadcast_in_dim3A_34 = vector.shape_cast %reduce_sum3A_21 : vector<128xf32> to vector<1x128xf32>
    %add3A_35 = arith.addf %get3A_33, %broadcast_in_dim3A_34 : vector<1x128xf32>
    %swap3A_36 = arith.constant 0 : index
    %swap3A_37 = arith.constant 0 : index
    %swap3A_38 = vector.load %arg7[%swap3A_36, %swap3A_37] : memref<1x128xf32, #tpu.memory_space<vmem>>, vector<1x128xf32>
    tpu.vector_store %arg7[%swap3A_36, %swap3A_37], %add3A_35 {strides = array<i32>} : memref<1x128xf32, #tpu.memory_space<vmem>>, vector<1x128xf32>,
    %swap3A_39 = arith.constant 0 : index
    %swap3A_40 = arith.constant 0 : index
    %swap3A_41 = arith.constant 0 : index
    %swap3A_42 = vector.load %arg5[%swap3A_39, %swap3A_40, %swap3A_41] : memref<1x256x128xf32, #tpu.memory_space<vmem>>, vector<1x256x128xf32>
    %swap3A_43 = vector.shape_cast %swap3A_42 : vector<1x256x128xf32> to vector<256x128xf32>
    %swap3A_44 = vector.shape_cast %reduce_max3A_23 : vector<256x128xf32> to vector<1x256x128xf32>
    tpu.vector_store %arg5[%swap3A_39, %swap3A_40, %swap3A_41], %swap3A_44 {strides = array<i32>} : memref<1x256x128xf32, #tpu.memory_space<vmem>>, vector<1x256x128xf32>,
    return
  }
  func.func @transform_0(%arg0: i32, %arg1: i32) -> (i32, i32, i32) {
    %add3A = arith.constant 0 : i32
    %add3A_0 = arith.addi %arg0, %add3A : i32
    %c0_i32 = arith.constant 0 : i32
    %c0_i32_1 = arith.constant 0 : i32
    return %add3A_0, %arg1, %c0_i32 : i32, i32, i32
  }
  func.func @transform_1(%arg0: i32, %arg1: i32) -> (i32, i32, i32, i32) {
    %c0_i32 = arith.constant 0 : i32
    %c0_i32_0 = arith.constant 0 : i32
    %c0_i32_1 = arith.constant 0 : i32
    return %arg0, %arg1, %c0_i32, %c0_i32_0 : i32, i32, i32, i32
  }
  func.func @transform_2(%arg0: i32, %arg1: i32) -> (i32, i32) {
    %c0_i32 = arith.constant 0 : i32
    %c0_i32_0 = arith.constant 0 : i32
    %c0_i32_1 = arith.constant 0 : i32
    return %c0_i32, %c0_i32_0 : i32, i32
  }
  func.func @transform_3(%arg0: i32, %arg1: i32) -> (i32, i32, i32) {
    %c0_i32 = arith.constant 0 : i32
    %c0_i32_0 = arith.constant 0 : i32
    return %arg0, %arg1, %c0_i32 : i32, i32, i32
  }
  func.func @transform_4(%arg0: i32, %arg1: i32) -> (i32, i32) {
    %c0_i32 = arith.constant 0 : i32
    %c0_i32_0 = arith.constant 0 : i32
    %c0_i32_1 = arith.constant 0 : i32
    return %c0_i32, %c0_i32_0 : i32, i32
  }
  func.func @transform_5(%arg0: i32, %arg1: i32) -> (i32, i32) {
    %c0_i32 = arith.constant 0 : i32
    %c0_i32_0 = arith.constant 0 : i32
    %c0_i32_1 = arith.constant 0 : i32
    return %c0_i32, %c0_i32_0 : i32, i32
  }
}

module attributes {stable_mosaic.version = 14 : i64} {
  func.func @_knn_kernel(%arg0: i32, %arg1: i32, %arg2: memref<1x1024x128xf32, #tpu.memory_space<vmem>>, %arg3: memref<1x1024x128xf32, #tpu.memory_space<vmem>>, %arg4: memref<1x128xf32, #tpu.memory_space<vmem>>, %arg5: memref<1x128xf32, #tpu.memory_space<vmem>>, %arg6: memref<128xf32, #tpu.memory_space<vmem>>, %arg7: memref<128xf32, #tpu.memory_space<vmem>>, %arg8: memref<1x1024x20xi32, #tpu.memory_space<vmem>>, %arg9: memref<1x1024x128xf32, #tpu.memory_space<vmem>>) attributes {dimension_semantics = [#tpu.dimension_semantics<arbitrary>, #tpu.dimension_semantics<arbitrary>], iteration_bounds = array<i64: 8, 1>, scalar_prefetch = 0 : i64, scratch_operands = 0 : i64, tpu.core_type = #tpu.core_type<tc>, window_params = [{transform_indices = @transform_0, window_bounds = array<i64: 1, 1024, 128>}, {transform_indices = @transform_1, window_bounds = array<i64: 1, 1024, 128>}, {pipeline_mode = #tpu.pipeline_mode<synchronous>, transform_indices = @transform_2, window_bounds = array<i64: 1, 128>}, {pipeline_mode = #tpu.pipeline_mode<synchronous>, transform_indices = @transform_3, window_bounds = array<i64: 1, 128>}, {pipeline_mode = #tpu.pipeline_mode<synchronous>, transform_indices = @transform_4, window_bounds = array<i64: 128>}, {pipeline_mode = #tpu.pipeline_mode<synchronous>, transform_indices = @transform_5, window_bounds = array<i64: 128>}, {transform_indices = @transform_6, window_bounds = array<i64: 1, 1024, 20>}, {transform_indices = @transform_7, window_bounds = array<i64: 1, 1024, 128>}]} {
    %get3A = arith.constant 0 : index
    %get3A_0 = arith.constant 0 : index
    %get3A_1 = vector.load %arg4[%get3A, %get3A_0] : memref<1x128xf32, #tpu.memory_space<vmem>>, vector<1x128xf32>
    %get3A_2 = vector.shape_cast %get3A_1 : vector<1x128xf32> to vector<128xf32>
    %get3A_3 = arith.constant 0 : index
    %get3A_4 = arith.constant 0 : index
    %get3A_5 = vector.load %arg5[%get3A_3, %get3A_4] : memref<1x128xf32, #tpu.memory_space<vmem>>, vector<1x128xf32>
    %get3A_6 = vector.shape_cast %get3A_5 : vector<1x128xf32> to vector<128xf32>
    %get3A_7 = arith.constant 0 : index
    %get3A_8 = vector.load %arg6[%get3A_7] : memref<128xf32, #tpu.memory_space<vmem>>, vector<128xf32>
    %get3A_9 = arith.constant 0 : index
    %get3A_10 = vector.load %arg7[%get3A_9] : memref<128xf32, #tpu.memory_space<vmem>>, vector<128xf32>
    %get3A_11 = arith.constant 0 : index
    %get3A_12 = arith.constant 0 : index
    %get3A_13 = arith.constant 0 : index
    %get3A_14 = vector.load %arg2[%get3A_11, %get3A_12, %get3A_13] : memref<1x1024x128xf32, #tpu.memory_space<vmem>>, vector<1x1024x128xf32>
    %get3A_15 = vector.shape_cast %get3A_14 : vector<1x1024x128xf32> to vector<1024x128xf32>
    %div3A = arith.constant 3.276800e+05 : f32
    %div3A_16 = vector.broadcast %div3A : f32 to vector<128xf32>
    %div3A_17 = arith.divf %get3A_2, %div3A_16 : vector<128xf32>
    %div3A_18 = arith.constant 3.276800e+05 : f32
    %div3A_19 = vector.broadcast %div3A_18 : f32 to vector<128xf32>
    %div3A_20 = arith.divf %get3A_6, %div3A_19 : vector<128xf32>
    %mul3A = arith.mulf %div3A_17, %div3A_17 : vector<128xf32>
    %sub3A = arith.subf %div3A_20, %mul3A : vector<128xf32>
    %broadcast_in_dim3A = vector.shape_cast %div3A_17 : vector<128xf32> to vector<1x128xf32>
    %sub3A_21 = vector.broadcast %broadcast_in_dim3A : vector<1x128xf32> to vector<1024x128xf32>
    %sub3A_22 = arith.subf %get3A_15, %sub3A_21 : vector<1024x128xf32>
    %add3A = arith.constant 9.99999974E-6 : f32
    %add3A_23 = vector.broadcast %add3A : f32 to vector<128xf32>
    %add3A_24 = arith.addf %sub3A, %add3A_23 : vector<128xf32>
    %sqrt3A = math.sqrt %add3A_24 : vector<128xf32>
    %broadcast_in_dim3A_25 = vector.shape_cast %sqrt3A : vector<128xf32> to vector<1x128xf32>
    %div3A_26 = vector.broadcast %broadcast_in_dim3A_25 : vector<1x128xf32> to vector<1024x128xf32>
    %div3A_27 = arith.divf %sub3A_22, %div3A_26 : vector<1024x128xf32>
    %broadcast_in_dim3A_28 = vector.shape_cast %get3A_8 : vector<128xf32> to vector<1x128xf32>
    %mul3A_29 = vector.broadcast %broadcast_in_dim3A_28 : vector<1x128xf32> to vector<1024x128xf32>
    %mul3A_30 = arith.mulf %div3A_27, %mul3A_29 : vector<1024x128xf32>
    %broadcast_in_dim3A_31 = vector.shape_cast %get3A_10 : vector<128xf32> to vector<1x128xf32>
    %add3A_32 = vector.broadcast %broadcast_in_dim3A_31 : vector<1x128xf32> to vector<1024x128xf32>
    %add3A_33 = arith.addf %mul3A_30, %add3A_32 : vector<1024x128xf32>
    %ge3A = arith.constant 0.000000e+00 : f32
    %ge3A_34 = vector.broadcast %ge3A : f32 to vector<1024x128xf32>
    %ge3A_35 = arith.cmpf oge, %add3A_33, %ge3A_34 : vector<1024x128xf32>
    %mul3A_36 = arith.constant 2.000000e-01 : f32
    %mul3A_37 = vector.broadcast %mul3A_36 : f32 to vector<1024x128xf32>
    %mul3A_38 = arith.mulf %mul3A_37, %add3A_33 : vector<1024x128xf32>
    %select_n3A = arith.select %ge3A_35, %add3A_33, %mul3A_38 : vector<1024x128xi1>, vector<1024x128xf32>
    %get3A_39 = arith.constant 0 : index
    %get3A_40 = arith.constant 0 : index
    %get3A_41 = arith.constant 0 : index
    %get3A_42 = vector.load %arg3[%get3A_39, %get3A_40, %get3A_41] : memref<1x1024x128xf32, #tpu.memory_space<vmem>>, vector<1x1024x128xf32>
    %get3A_43 = vector.shape_cast %get3A_42 : vector<1x1024x128xf32> to vector<1024x128xf32>
    %div3A_44 = arith.constant 3.276800e+05 : f32
    %div3A_45 = vector.broadcast %div3A_44 : f32 to vector<128xf32>
    %div3A_46 = arith.divf %get3A_2, %div3A_45 : vector<128xf32>
    %div3A_47 = arith.constant 3.276800e+05 : f32
    %div3A_48 = vector.broadcast %div3A_47 : f32 to vector<128xf32>
    %div3A_49 = arith.divf %get3A_6, %div3A_48 : vector<128xf32>
    %mul3A_50 = arith.mulf %div3A_46, %div3A_46 : vector<128xf32>
    %sub3A_51 = arith.subf %div3A_49, %mul3A_50 : vector<128xf32>
    %broadcast_in_dim3A_52 = vector.shape_cast %div3A_46 : vector<128xf32> to vector<1x128xf32>
    %sub3A_53 = vector.broadcast %broadcast_in_dim3A_52 : vector<1x128xf32> to vector<1024x128xf32>
    %sub3A_54 = arith.subf %get3A_43, %sub3A_53 : vector<1024x128xf32>
    %add3A_55 = arith.constant 9.99999974E-6 : f32
    %add3A_56 = vector.broadcast %add3A_55 : f32 to vector<128xf32>
    %add3A_57 = arith.addf %sub3A_51, %add3A_56 : vector<128xf32>
    %sqrt3A_58 = math.sqrt %add3A_57 : vector<128xf32>
    %broadcast_in_dim3A_59 = vector.shape_cast %sqrt3A_58 : vector<128xf32> to vector<1x128xf32>
    %div3A_60 = vector.broadcast %broadcast_in_dim3A_59 : vector<1x128xf32> to vector<1024x128xf32>
    %div3A_61 = arith.divf %sub3A_54, %div3A_60 : vector<1024x128xf32>
    %broadcast_in_dim3A_62 = vector.shape_cast %get3A_8 : vector<128xf32> to vector<1x128xf32>
    %mul3A_63 = vector.broadcast %broadcast_in_dim3A_62 : vector<1x128xf32> to vector<1024x128xf32>
    %mul3A_64 = arith.mulf %div3A_61, %mul3A_63 : vector<1024x128xf32>
    %broadcast_in_dim3A_65 = vector.shape_cast %get3A_10 : vector<128xf32> to vector<1x128xf32>
    %add3A_66 = vector.broadcast %broadcast_in_dim3A_65 : vector<1x128xf32> to vector<1024x128xf32>
    %add3A_67 = arith.addf %mul3A_64, %add3A_66 : vector<1024x128xf32>
    %ge3A_68 = arith.constant 0.000000e+00 : f32
    %ge3A_69 = vector.broadcast %ge3A_68 : f32 to vector<1024x128xf32>
    %ge3A_70 = arith.cmpf oge, %add3A_67, %ge3A_69 : vector<1024x128xf32>
    %mul3A_71 = arith.constant 2.000000e-01 : f32
    %mul3A_72 = vector.broadcast %mul3A_71 : f32 to vector<1024x128xf32>
    %mul3A_73 = arith.mulf %mul3A_72, %add3A_67 : vector<1024x128xf32>
    %select_n3A_74 = arith.select %ge3A_70, %add3A_67, %mul3A_73 : vector<1024x128xi1>, vector<1024x128xf32>
    %swap3A = arith.constant 0 : index
    %swap3A_75 = arith.constant 0 : index
    %swap3A_76 = arith.constant 0 : index
    %swap3A_77 = vector.load %arg9[%swap3A, %swap3A_75, %swap3A_76] : memref<1x1024x128xf32, #tpu.memory_space<vmem>>, vector<1x1024x128xf32>
    %swap3A_78 = vector.shape_cast %swap3A_77 : vector<1x1024x128xf32> to vector<1024x128xf32>
    %swap3A_79 = vector.shape_cast %select_n3A : vector<1024x128xf32> to vector<1x1024x128xf32>
    tpu.vector_store %arg9[%swap3A, %swap3A_75, %swap3A_76], %swap3A_79 {strides = array<i32>} : memref<1x1024x128xf32, #tpu.memory_space<vmem>>, vector<1x1024x128xf32>,
    %dot_general3A = arith.constant dense<0.000000e+00> : vector<1024x1024xf32>
    %dot_general3A_80 = tpu.matmul %select_n3A, %select_n3A_74, %dot_general3A {dimension_numbers = #tpu.dot_dimension_numbers<[1], [1], [0], [0], [0, 0, 1, 0], [], []>, transpose_lhs_hint = false} : vector<1024x128xf32>, vector<1024x128xf32>, vector<1024x1024xf32> -> vector<1024x1024xf32>
    %mul3A_81 = arith.constant -2.000000e+00 : f32
    %mul3A_82 = vector.broadcast %mul3A_81 : f32 to vector<1024x1024xf32>
    %mul3A_83 = arith.mulf %mul3A_82, %dot_general3A_80 : vector<1024x1024xf32>
    %mul3A_84 = arith.mulf %select_n3A, %select_n3A : vector<1024x128xf32>
    %reduce_sum3A = arith.constant dense<0.000000e+00> : vector<1024xf32>
    %reduce_sum3A_85 = vector.multi_reduction <add>, %mul3A_84, %reduce_sum3A [1] : vector<1024x128xf32> to vector<1024xf32>
    %broadcast_in_dim3A_86 = vector.shape_cast %reduce_sum3A_85 : vector<1024xf32> to vector<1024x1xf32>
    %mul3A_87 = arith.mulf %select_n3A_74, %select_n3A_74 : vector<1024x128xf32>
    %reduce_sum3A_88 = arith.constant dense<0.000000e+00> : vector<1024xf32>
    %reduce_sum3A_89 = vector.multi_reduction <add>, %mul3A_87, %reduce_sum3A_88 [1] : vector<1024x128xf32> to vector<1024xf32>
    %neg3A = arith.constant 0.000000e+00 : f32
    %neg3A_90 = vector.broadcast %neg3A : f32 to vector<1024x1xf32>
    %neg3A_91 = arith.subf %neg3A_90, %broadcast_in_dim3A_86 : vector<1024x1xf32>
    %sub3A_92 = vector.broadcast %neg3A_91 : vector<1024x1xf32> to vector<1024x1024xf32>
    %sub3A_93 = arith.subf %sub3A_92, %mul3A_83 : vector<1024x1024xf32>
    %broadcast_in_dim3A_94 = vector.shape_cast %reduce_sum3A_89 : vector<1024xf32> to vector<1x1024xf32>
    %sub3A_95 = vector.broadcast %broadcast_in_dim3A_94 : vector<1x1024xf32> to vector<1024x1024xf32>
    %sub3A_96 = arith.subf %sub3A_93, %sub3A_95 : vector<1024x1024xf32>
    %iota3A = tpu.iota {dimensions = array<i32: 1>} : vector<1024x1024xi32>
    %mul3A_97 = arith.constant 1024 : i32
    %mul3A_98 = arith.muli %arg0, %mul3A_97 : i32
    %argmax3A = tpu.reduce_index %sub3A_96 {axis = 1 : i32, kind = #tpu.reduction_kind<arg_max>} : vector<1024x1024xf32> -> vector<1024xi32>
    %broadcast_in_dim3A_99 = vector.shape_cast %argmax3A : vector<1024xi32> to vector<1024x1xi32>
    %add3A_100 = vector.broadcast %mul3A_98 : i32 to vector<1024x1xi32>
    %add3A_101 = arith.addi %broadcast_in_dim3A_99, %add3A_100 : vector<1024x1xi32>
    %eq3A = vector.broadcast %broadcast_in_dim3A_99 : vector<1024x1xi32> to vector<1024x1024xi32>
    %eq3A_102 = arith.cmpi eq, %iota3A, %eq3A : vector<1024x1024xi32>
    %jit3A = arith.constant -3.400000e+38 : f32
    %broadcast_in_dim3A_103 = vector.broadcast %jit3A : f32 to vector<1024x1024xf32>
    %select_n3A_104 = arith.select %eq3A_102, %broadcast_in_dim3A_103, %sub3A_96 : vector<1024x1024xi1>, vector<1024x1024xf32>
    %argmax3A_105 = tpu.reduce_index %select_n3A_104 {axis = 1 : i32, kind = #tpu.reduction_kind<arg_max>} : vector<1024x1024xf32> -> vector<1024xi32>
    %broadcast_in_dim3A_106 = vector.shape_cast %argmax3A_105 : vector<1024xi32> to vector<1024x1xi32>
    %add3A_107 = vector.broadcast %mul3A_98 : i32 to vector<1024x1xi32>
    %add3A_108 = arith.addi %broadcast_in_dim3A_106, %add3A_107 : vector<1024x1xi32>
    %eq3A_109 = vector.broadcast %broadcast_in_dim3A_106 : vector<1024x1xi32> to vector<1024x1024xi32>
    %eq3A_110 = arith.cmpi eq, %iota3A, %eq3A_109 : vector<1024x1024xi32>
    %jit3A_111 = arith.constant -3.400000e+38 : f32
    %broadcast_in_dim3A_112 = vector.broadcast %jit3A_111 : f32 to vector<1024x1024xf32>
    %select_n3A_113 = arith.select %eq3A_110, %broadcast_in_dim3A_112, %select_n3A_104 : vector<1024x1024xi1>, vector<1024x1024xf32>
    %argmax3A_114 = tpu.reduce_index %select_n3A_113 {axis = 1 : i32, kind = #tpu.reduction_kind<arg_max>} : vector<1024x1024xf32> -> vector<1024xi32>
    %broadcast_in_dim3A_115 = vector.shape_cast %argmax3A_114 : vector<1024xi32> to vector<1024x1xi32>
    %add3A_116 = vector.broadcast %mul3A_98 : i32 to vector<1024x1xi32>
    %add3A_117 = arith.addi %broadcast_in_dim3A_115, %add3A_116 : vector<1024x1xi32>
    %eq3A_118 = vector.broadcast %broadcast_in_dim3A_115 : vector<1024x1xi32> to vector<1024x1024xi32>
    %eq3A_119 = arith.cmpi eq, %iota3A, %eq3A_118 : vector<1024x1024xi32>
    %jit3A_120 = arith.constant -3.400000e+38 : f32
    %broadcast_in_dim3A_121 = vector.broadcast %jit3A_120 : f32 to vector<1024x1024xf32>
    %select_n3A_122 = arith.select %eq3A_119, %broadcast_in_dim3A_121, %select_n3A_113 : vector<1024x1024xi1>, vector<1024x1024xf32>
    %argmax3A_123 = tpu.reduce_index %select_n3A_122 {axis = 1 : i32, kind = #tpu.reduction_kind<arg_max>} : vector<1024x1024xf32> -> vector<1024xi32>
    %broadcast_in_dim3A_124 = vector.shape_cast %argmax3A_123 : vector<1024xi32> to vector<1024x1xi32>
    %add3A_125 = vector.broadcast %mul3A_98 : i32 to vector<1024x1xi32>
    %add3A_126 = arith.addi %broadcast_in_dim3A_124, %add3A_125 : vector<1024x1xi32>
    %eq3A_127 = vector.broadcast %broadcast_in_dim3A_124 : vector<1024x1xi32> to vector<1024x1024xi32>
    %eq3A_128 = arith.cmpi eq, %iota3A, %eq3A_127 : vector<1024x1024xi32>
    %jit3A_129 = arith.constant -3.400000e+38 : f32
    %broadcast_in_dim3A_130 = vector.broadcast %jit3A_129 : f32 to vector<1024x1024xf32>
    %select_n3A_131 = arith.select %eq3A_128, %broadcast_in_dim3A_130, %select_n3A_122 : vector<1024x1024xi1>, vector<1024x1024xf32>
    %argmax3A_132 = tpu.reduce_index %select_n3A_131 {axis = 1 : i32, kind = #tpu.reduction_kind<arg_max>} : vector<1024x1024xf32> -> vector<1024xi32>
    %broadcast_in_dim3A_133 = vector.shape_cast %argmax3A_132 : vector<1024xi32> to vector<1024x1xi32>
    %add3A_134 = vector.broadcast %mul3A_98 : i32 to vector<1024x1xi32>
    %add3A_135 = arith.addi %broadcast_in_dim3A_133, %add3A_134 : vector<1024x1xi32>
    %eq3A_136 = vector.broadcast %broadcast_in_dim3A_133 : vector<1024x1xi32> to vector<1024x1024xi32>
    %eq3A_137 = arith.cmpi eq, %iota3A, %eq3A_136 : vector<1024x1024xi32>
    %jit3A_138 = arith.constant -3.400000e+38 : f32
    %broadcast_in_dim3A_139 = vector.broadcast %jit3A_138 : f32 to vector<1024x1024xf32>
    %select_n3A_140 = arith.select %eq3A_137, %broadcast_in_dim3A_139, %select_n3A_131 : vector<1024x1024xi1>, vector<1024x1024xf32>
    %argmax3A_141 = tpu.reduce_index %select_n3A_140 {axis = 1 : i32, kind = #tpu.reduction_kind<arg_max>} : vector<1024x1024xf32> -> vector<1024xi32>
    %broadcast_in_dim3A_142 = vector.shape_cast %argmax3A_141 : vector<1024xi32> to vector<1024x1xi32>
    %add3A_143 = vector.broadcast %mul3A_98 : i32 to vector<1024x1xi32>
    %add3A_144 = arith.addi %broadcast_in_dim3A_142, %add3A_143 : vector<1024x1xi32>
    %eq3A_145 = vector.broadcast %broadcast_in_dim3A_142 : vector<1024x1xi32> to vector<1024x1024xi32>
    %eq3A_146 = arith.cmpi eq, %iota3A, %eq3A_145 : vector<1024x1024xi32>
    %jit3A_147 = arith.constant -3.400000e+38 : f32
    %broadcast_in_dim3A_148 = vector.broadcast %jit3A_147 : f32 to vector<1024x1024xf32>
    %select_n3A_149 = arith.select %eq3A_146, %broadcast_in_dim3A_148, %select_n3A_140 : vector<1024x1024xi1>, vector<1024x1024xf32>
    %argmax3A_150 = tpu.reduce_index %select_n3A_149 {axis = 1 : i32, kind = #tpu.reduction_kind<arg_max>} : vector<1024x1024xf32> -> vector<1024xi32>
    %broadcast_in_dim3A_151 = vector.shape_cast %argmax3A_150 : vector<1024xi32> to vector<1024x1xi32>
    %add3A_152 = vector.broadcast %mul3A_98 : i32 to vector<1024x1xi32>
    %add3A_153 = arith.addi %broadcast_in_dim3A_151, %add3A_152 : vector<1024x1xi32>
    %eq3A_154 = vector.broadcast %broadcast_in_dim3A_151 : vector<1024x1xi32> to vector<1024x1024xi32>
    %eq3A_155 = arith.cmpi eq, %iota3A, %eq3A_154 : vector<1024x1024xi32>
    %jit3A_156 = arith.constant -3.400000e+38 : f32
    %broadcast_in_dim3A_157 = vector.broadcast %jit3A_156 : f32 to vector<1024x1024xf32>
    %select_n3A_158 = arith.select %eq3A_155, %broadcast_in_dim3A_157, %select_n3A_149 : vector<1024x1024xi1>, vector<1024x1024xf32>
    %argmax3A_159 = tpu.reduce_index %select_n3A_158 {axis = 1 : i32, kind = #tpu.reduction_kind<arg_max>} : vector<1024x1024xf32> -> vector<1024xi32>
    %broadcast_in_dim3A_160 = vector.shape_cast %argmax3A_159 : vector<1024xi32> to vector<1024x1xi32>
    %add3A_161 = vector.broadcast %mul3A_98 : i32 to vector<1024x1xi32>
    %add3A_162 = arith.addi %broadcast_in_dim3A_160, %add3A_161 : vector<1024x1xi32>
    %eq3A_163 = vector.broadcast %broadcast_in_dim3A_160 : vector<1024x1xi32> to vector<1024x1024xi32>
    %eq3A_164 = arith.cmpi eq, %iota3A, %eq3A_163 : vector<1024x1024xi32>
    %jit3A_165 = arith.constant -3.400000e+38 : f32
    %broadcast_in_dim3A_166 = vector.broadcast %jit3A_165 : f32 to vector<1024x1024xf32>
    %select_n3A_167 = arith.select %eq3A_164, %broadcast_in_dim3A_166, %select_n3A_158 : vector<1024x1024xi1>, vector<1024x1024xf32>
    %argmax3A_168 = tpu.reduce_index %select_n3A_167 {axis = 1 : i32, kind = #tpu.reduction_kind<arg_max>} : vector<1024x1024xf32> -> vector<1024xi32>
    %broadcast_in_dim3A_169 = vector.shape_cast %argmax3A_168 : vector<1024xi32> to vector<1024x1xi32>
    %add3A_170 = vector.broadcast %mul3A_98 : i32 to vector<1024x1xi32>
    %add3A_171 = arith.addi %broadcast_in_dim3A_169, %add3A_170 : vector<1024x1xi32>
    %eq3A_172 = vector.broadcast %broadcast_in_dim3A_169 : vector<1024x1xi32> to vector<1024x1024xi32>
    %eq3A_173 = arith.cmpi eq, %iota3A, %eq3A_172 : vector<1024x1024xi32>
    %jit3A_174 = arith.constant -3.400000e+38 : f32
    %broadcast_in_dim3A_175 = vector.broadcast %jit3A_174 : f32 to vector<1024x1024xf32>
    %select_n3A_176 = arith.select %eq3A_173, %broadcast_in_dim3A_175, %select_n3A_167 : vector<1024x1024xi1>, vector<1024x1024xf32>
    %argmax3A_177 = tpu.reduce_index %select_n3A_176 {axis = 1 : i32, kind = #tpu.reduction_kind<arg_max>} : vector<1024x1024xf32> -> vector<1024xi32>
    %broadcast_in_dim3A_178 = vector.shape_cast %argmax3A_177 : vector<1024xi32> to vector<1024x1xi32>
    %add3A_179 = vector.broadcast %mul3A_98 : i32 to vector<1024x1xi32>
    %add3A_180 = arith.addi %broadcast_in_dim3A_178, %add3A_179 : vector<1024x1xi32>
    %eq3A_181 = vector.broadcast %broadcast_in_dim3A_178 : vector<1024x1xi32> to vector<1024x1024xi32>
    %eq3A_182 = arith.cmpi eq, %iota3A, %eq3A_181 : vector<1024x1024xi32>
    %jit3A_183 = arith.constant -3.400000e+38 : f32
    %broadcast_in_dim3A_184 = vector.broadcast %jit3A_183 : f32 to vector<1024x1024xf32>
    %select_n3A_185 = arith.select %eq3A_182, %broadcast_in_dim3A_184, %select_n3A_176 : vector<1024x1024xi1>, vector<1024x1024xf32>
    %argmax3A_186 = tpu.reduce_index %select_n3A_185 {axis = 1 : i32, kind = #tpu.reduction_kind<arg_max>} : vector<1024x1024xf32> -> vector<1024xi32>
    %broadcast_in_dim3A_187 = vector.shape_cast %argmax3A_186 : vector<1024xi32> to vector<1024x1xi32>
    %add3A_188 = vector.broadcast %mul3A_98 : i32 to vector<1024x1xi32>
    %add3A_189 = arith.addi %broadcast_in_dim3A_187, %add3A_188 : vector<1024x1xi32>
    %eq3A_190 = vector.broadcast %broadcast_in_dim3A_187 : vector<1024x1xi32> to vector<1024x1024xi32>
    %eq3A_191 = arith.cmpi eq, %iota3A, %eq3A_190 : vector<1024x1024xi32>
    %jit3A_192 = arith.constant -3.400000e+38 : f32
    %broadcast_in_dim3A_193 = vector.broadcast %jit3A_192 : f32 to vector<1024x1024xf32>
    %select_n3A_194 = arith.select %eq3A_191, %broadcast_in_dim3A_193, %select_n3A_185 : vector<1024x1024xi1>, vector<1024x1024xf32>
    %argmax3A_195 = tpu.reduce_index %select_n3A_194 {axis = 1 : i32, kind = #tpu.reduction_kind<arg_max>} : vector<1024x1024xf32> -> vector<1024xi32>
    %broadcast_in_dim3A_196 = vector.shape_cast %argmax3A_195 : vector<1024xi32> to vector<1024x1xi32>
    %add3A_197 = vector.broadcast %mul3A_98 : i32 to vector<1024x1xi32>
    %add3A_198 = arith.addi %broadcast_in_dim3A_196, %add3A_197 : vector<1024x1xi32>
    %eq3A_199 = vector.broadcast %broadcast_in_dim3A_196 : vector<1024x1xi32> to vector<1024x1024xi32>
    %eq3A_200 = arith.cmpi eq, %iota3A, %eq3A_199 : vector<1024x1024xi32>
    %jit3A_201 = arith.constant -3.400000e+38 : f32
    %broadcast_in_dim3A_202 = vector.broadcast %jit3A_201 : f32 to vector<1024x1024xf32>
    %select_n3A_203 = arith.select %eq3A_200, %broadcast_in_dim3A_202, %select_n3A_194 : vector<1024x1024xi1>, vector<1024x1024xf32>
    %argmax3A_204 = tpu.reduce_index %select_n3A_203 {axis = 1 : i32, kind = #tpu.reduction_kind<arg_max>} : vector<1024x1024xf32> -> vector<1024xi32>
    %broadcast_in_dim3A_205 = vector.shape_cast %argmax3A_204 : vector<1024xi32> to vector<1024x1xi32>
    %add3A_206 = vector.broadcast %mul3A_98 : i32 to vector<1024x1xi32>
    %add3A_207 = arith.addi %broadcast_in_dim3A_205, %add3A_206 : vector<1024x1xi32>
    %eq3A_208 = vector.broadcast %broadcast_in_dim3A_205 : vector<1024x1xi32> to vector<1024x1024xi32>
    %eq3A_209 = arith.cmpi eq, %iota3A, %eq3A_208 : vector<1024x1024xi32>
    %jit3A_210 = arith.constant -3.400000e+38 : f32
    %broadcast_in_dim3A_211 = vector.broadcast %jit3A_210 : f32 to vector<1024x1024xf32>
    %select_n3A_212 = arith.select %eq3A_209, %broadcast_in_dim3A_211, %select_n3A_203 : vector<1024x1024xi1>, vector<1024x1024xf32>
    %argmax3A_213 = tpu.reduce_index %select_n3A_212 {axis = 1 : i32, kind = #tpu.reduction_kind<arg_max>} : vector<1024x1024xf32> -> vector<1024xi32>
    %broadcast_in_dim3A_214 = vector.shape_cast %argmax3A_213 : vector<1024xi32> to vector<1024x1xi32>
    %add3A_215 = vector.broadcast %mul3A_98 : i32 to vector<1024x1xi32>
    %add3A_216 = arith.addi %broadcast_in_dim3A_214, %add3A_215 : vector<1024x1xi32>
    %eq3A_217 = vector.broadcast %broadcast_in_dim3A_214 : vector<1024x1xi32> to vector<1024x1024xi32>
    %eq3A_218 = arith.cmpi eq, %iota3A, %eq3A_217 : vector<1024x1024xi32>
    %jit3A_219 = arith.constant -3.400000e+38 : f32
    %broadcast_in_dim3A_220 = vector.broadcast %jit3A_219 : f32 to vector<1024x1024xf32>
    %select_n3A_221 = arith.select %eq3A_218, %broadcast_in_dim3A_220, %select_n3A_212 : vector<1024x1024xi1>, vector<1024x1024xf32>
    %argmax3A_222 = tpu.reduce_index %select_n3A_221 {axis = 1 : i32, kind = #tpu.reduction_kind<arg_max>} : vector<1024x1024xf32> -> vector<1024xi32>
    %broadcast_in_dim3A_223 = vector.shape_cast %argmax3A_222 : vector<1024xi32> to vector<1024x1xi32>
    %add3A_224 = vector.broadcast %mul3A_98 : i32 to vector<1024x1xi32>
    %add3A_225 = arith.addi %broadcast_in_dim3A_223, %add3A_224 : vector<1024x1xi32>
    %eq3A_226 = vector.broadcast %broadcast_in_dim3A_223 : vector<1024x1xi32> to vector<1024x1024xi32>
    %eq3A_227 = arith.cmpi eq, %iota3A, %eq3A_226 : vector<1024x1024xi32>
    %jit3A_228 = arith.constant -3.400000e+38 : f32
    %broadcast_in_dim3A_229 = vector.broadcast %jit3A_228 : f32 to vector<1024x1024xf32>
    %select_n3A_230 = arith.select %eq3A_227, %broadcast_in_dim3A_229, %select_n3A_221 : vector<1024x1024xi1>, vector<1024x1024xf32>
    %argmax3A_231 = tpu.reduce_index %select_n3A_230 {axis = 1 : i32, kind = #tpu.reduction_kind<arg_max>} : vector<1024x1024xf32> -> vector<1024xi32>
    %broadcast_in_dim3A_232 = vector.shape_cast %argmax3A_231 : vector<1024xi32> to vector<1024x1xi32>
    %add3A_233 = vector.broadcast %mul3A_98 : i32 to vector<1024x1xi32>
    %add3A_234 = arith.addi %broadcast_in_dim3A_232, %add3A_233 : vector<1024x1xi32>
    %eq3A_235 = vector.broadcast %broadcast_in_dim3A_232 : vector<1024x1xi32> to vector<1024x1024xi32>
    %eq3A_236 = arith.cmpi eq, %iota3A, %eq3A_235 : vector<1024x1024xi32>
    %jit3A_237 = arith.constant -3.400000e+38 : f32
    %broadcast_in_dim3A_238 = vector.broadcast %jit3A_237 : f32 to vector<1024x1024xf32>
    %select_n3A_239 = arith.select %eq3A_236, %broadcast_in_dim3A_238, %select_n3A_230 : vector<1024x1024xi1>, vector<1024x1024xf32>
    %argmax3A_240 = tpu.reduce_index %select_n3A_239 {axis = 1 : i32, kind = #tpu.reduction_kind<arg_max>} : vector<1024x1024xf32> -> vector<1024xi32>
    %broadcast_in_dim3A_241 = vector.shape_cast %argmax3A_240 : vector<1024xi32> to vector<1024x1xi32>
    %add3A_242 = vector.broadcast %mul3A_98 : i32 to vector<1024x1xi32>
    %add3A_243 = arith.addi %broadcast_in_dim3A_241, %add3A_242 : vector<1024x1xi32>
    %eq3A_244 = vector.broadcast %broadcast_in_dim3A_241 : vector<1024x1xi32> to vector<1024x1024xi32>
    %eq3A_245 = arith.cmpi eq, %iota3A, %eq3A_244 : vector<1024x1024xi32>
    %jit3A_246 = arith.constant -3.400000e+38 : f32
    %broadcast_in_dim3A_247 = vector.broadcast %jit3A_246 : f32 to vector<1024x1024xf32>
    %select_n3A_248 = arith.select %eq3A_245, %broadcast_in_dim3A_247, %select_n3A_239 : vector<1024x1024xi1>, vector<1024x1024xf32>
    %argmax3A_249 = tpu.reduce_index %select_n3A_248 {axis = 1 : i32, kind = #tpu.reduction_kind<arg_max>} : vector<1024x1024xf32> -> vector<1024xi32>
    %broadcast_in_dim3A_250 = vector.shape_cast %argmax3A_249 : vector<1024xi32> to vector<1024x1xi32>
    %add3A_251 = vector.broadcast %mul3A_98 : i32 to vector<1024x1xi32>
    %add3A_252 = arith.addi %broadcast_in_dim3A_250, %add3A_251 : vector<1024x1xi32>
    %eq3A_253 = vector.broadcast %broadcast_in_dim3A_250 : vector<1024x1xi32> to vector<1024x1024xi32>
    %eq3A_254 = arith.cmpi eq, %iota3A, %eq3A_253 : vector<1024x1024xi32>
    %jit3A_255 = arith.constant -3.400000e+38 : f32
    %broadcast_in_dim3A_256 = vector.broadcast %jit3A_255 : f32 to vector<1024x1024xf32>
    %select_n3A_257 = arith.select %eq3A_254, %broadcast_in_dim3A_256, %select_n3A_248 : vector<1024x1024xi1>, vector<1024x1024xf32>
    %argmax3A_258 = tpu.reduce_index %select_n3A_257 {axis = 1 : i32, kind = #tpu.reduction_kind<arg_max>} : vector<1024x1024xf32> -> vector<1024xi32>
    %broadcast_in_dim3A_259 = vector.shape_cast %argmax3A_258 : vector<1024xi32> to vector<1024x1xi32>
    %add3A_260 = vector.broadcast %mul3A_98 : i32 to vector<1024x1xi32>
    %add3A_261 = arith.addi %broadcast_in_dim3A_259, %add3A_260 : vector<1024x1xi32>
    %eq3A_262 = vector.broadcast %broadcast_in_dim3A_259 : vector<1024x1xi32> to vector<1024x1024xi32>
    %eq3A_263 = arith.cmpi eq, %iota3A, %eq3A_262 : vector<1024x1024xi32>
    %jit3A_264 = arith.constant -3.400000e+38 : f32
    %broadcast_in_dim3A_265 = vector.broadcast %jit3A_264 : f32 to vector<1024x1024xf32>
    %select_n3A_266 = arith.select %eq3A_263, %broadcast_in_dim3A_265, %select_n3A_257 : vector<1024x1024xi1>, vector<1024x1024xf32>
    %argmax3A_267 = tpu.reduce_index %select_n3A_266 {axis = 1 : i32, kind = #tpu.reduction_kind<arg_max>} : vector<1024x1024xf32> -> vector<1024xi32>
    %broadcast_in_dim3A_268 = vector.shape_cast %argmax3A_267 : vector<1024xi32> to vector<1024x1xi32>
    %add3A_269 = vector.broadcast %mul3A_98 : i32 to vector<1024x1xi32>
    %add3A_270 = arith.addi %broadcast_in_dim3A_268, %add3A_269 : vector<1024x1xi32>
    %concatenate3A = tpu.concatenate %add3A_101, %add3A_108, %add3A_117, %add3A_126, %add3A_135, %add3A_144, %add3A_153, %add3A_162, %add3A_171, %add3A_180, %add3A_189, %add3A_198, %add3A_207, %add3A_216, %add3A_225, %add3A_234, %add3A_243, %add3A_252, %add3A_261, %add3A_270 in 1 : vector<1024x1xi32>, vector<1024x1xi32>, vector<1024x1xi32>, vector<1024x1xi32>, vector<1024x1xi32>, vector<1024x1xi32>, vector<1024x1xi32>, vector<1024x1xi32>, vector<1024x1xi32>, vector<1024x1xi32>, vector<1024x1xi32>, vector<1024x1xi32>, vector<1024x1xi32>, vector<1024x1xi32>, vector<1024x1xi32>, vector<1024x1xi32>, vector<1024x1xi32>, vector<1024x1xi32>, vector<1024x1xi32>, vector<1024x1xi32> -> vector<1024x20xi32>
    %swap3A_271 = arith.constant 0 : index
    %swap3A_272 = arith.constant 0 : index
    %swap3A_273 = arith.constant 0 : index
    %swap3A_274 = vector.load %arg8[%swap3A_271, %swap3A_272, %swap3A_273] : memref<1x1024x20xi32, #tpu.memory_space<vmem>>, vector<1x1024x20xi32>
    %swap3A_275 = vector.shape_cast %swap3A_274 : vector<1x1024x20xi32> to vector<1024x20xi32>
    %swap3A_276 = vector.shape_cast %concatenate3A : vector<1024x20xi32> to vector<1x1024x20xi32>
    tpu.vector_store %arg8[%swap3A_271, %swap3A_272, %swap3A_273], %swap3A_276 {strides = array<i32>} : memref<1x1024x20xi32, #tpu.memory_space<vmem>>, vector<1x1024x20xi32>,
    return
  }
  func.func @transform_0(%arg0: i32, %arg1: i32) -> (i32, i32, i32) {
    %add3A = arith.constant 0 : i32
    %add3A_0 = arith.addi %arg0, %add3A : i32
    %c0_i32 = arith.constant 0 : i32
    %c0_i32_1 = arith.constant 0 : i32
    return %add3A_0, %arg1, %c0_i32 : i32, i32, i32
  }
  func.func @transform_1(%arg0: i32, %arg1: i32) -> (i32, i32, i32) {
    %add3A = arith.constant 0 : i32
    %add3A_0 = arith.addi %arg0, %add3A : i32
    %c0_i32 = arith.constant 0 : i32
    %c0_i32_1 = arith.constant 0 : i32
    %c0_i32_2 = arith.constant 0 : i32
    return %add3A_0, %c0_i32, %c0_i32_1 : i32, i32, i32
  }
  func.func @transform_2(%arg0: i32, %arg1: i32) -> (i32, i32) {
    %c0_i32 = arith.constant 0 : i32
    %c0_i32_0 = arith.constant 0 : i32
    %c0_i32_1 = arith.constant 0 : i32
    return %c0_i32, %c0_i32_0 : i32, i32
  }
  func.func @transform_3(%arg0: i32, %arg1: i32) -> (i32, i32) {
    %c0_i32 = arith.constant 0 : i32
    %c0_i32_0 = arith.constant 0 : i32
    %c0_i32_1 = arith.constant 0 : i32
    return %c0_i32, %c0_i32_0 : i32, i32
  }
  func.func @transform_4(%arg0: i32, %arg1: i32) -> i32 {
    %c0_i32 = arith.constant 0 : i32
    %c0_i32_0 = arith.constant 0 : i32
    return %c0_i32 : i32
  }
  func.func @transform_5(%arg0: i32, %arg1: i32) -> i32 {
    %c0_i32 = arith.constant 0 : i32
    %c0_i32_0 = arith.constant 0 : i32
    return %c0_i32 : i32
  }
  func.func @transform_6(%arg0: i32, %arg1: i32) -> (i32, i32, i32) {
    %c0_i32 = arith.constant 0 : i32
    %c0_i32_0 = arith.constant 0 : i32
    return %arg0, %arg1, %c0_i32 : i32, i32, i32
  }
  func.func @transform_7(%arg0: i32, %arg1: i32) -> (i32, i32, i32) {
    %c0_i32 = arith.constant 0 : i32
    %c0_i32_0 = arith.constant 0 : i32
    return %arg0, %arg1, %c0_i32 : i32, i32, i32
  }
}

module attributes {stable_mosaic.version = 14 : i64} {
  func.func @_knn_kernel(%arg0: i32, %arg1: i32, %arg2: memref<1x1024x128xf32, #tpu.memory_space<vmem>>, %arg3: memref<1x1024x128xf32, #tpu.memory_space<vmem>>, %arg4: memref<1x128xf32, #tpu.memory_space<vmem>>, %arg5: memref<1x128xf32, #tpu.memory_space<vmem>>, %arg6: memref<128xf32, #tpu.memory_space<vmem>>, %arg7: memref<128xf32, #tpu.memory_space<vmem>>, %arg8: memref<1x1024x20xi32, #tpu.memory_space<vmem>>, %arg9: memref<1x1024x128xf32, #tpu.memory_space<vmem>>) attributes {dimension_semantics = [#tpu.dimension_semantics<arbitrary>, #tpu.dimension_semantics<arbitrary>], iteration_bounds = array<i64: 8, 1>, scalar_prefetch = 0 : i64, scratch_operands = 0 : i64, tpu.core_type = #tpu.core_type<tc>, window_params = [{transform_indices = @transform_0, window_bounds = array<i64: 1, 1024, 128>}, {transform_indices = @transform_1, window_bounds = array<i64: 1, 1024, 128>}, {pipeline_mode = #tpu.pipeline_mode<synchronous>, transform_indices = @transform_2, window_bounds = array<i64: 1, 128>}, {pipeline_mode = #tpu.pipeline_mode<synchronous>, transform_indices = @transform_3, window_bounds = array<i64: 1, 128>}, {pipeline_mode = #tpu.pipeline_mode<synchronous>, transform_indices = @transform_4, window_bounds = array<i64: 128>}, {pipeline_mode = #tpu.pipeline_mode<synchronous>, transform_indices = @transform_5, window_bounds = array<i64: 128>}, {transform_indices = @transform_6, window_bounds = array<i64: 1, 1024, 20>}, {transform_indices = @transform_7, window_bounds = array<i64: 1, 1024, 128>}]} {
    %get3A = arith.constant 0 : index
    %get3A_0 = arith.constant 0 : index
    %get3A_1 = vector.load %arg4[%get3A, %get3A_0] : memref<1x128xf32, #tpu.memory_space<vmem>>, vector<1x128xf32>
    %get3A_2 = vector.shape_cast %get3A_1 : vector<1x128xf32> to vector<128xf32>
    %get3A_3 = arith.constant 0 : index
    %get3A_4 = arith.constant 0 : index
    %get3A_5 = vector.load %arg5[%get3A_3, %get3A_4] : memref<1x128xf32, #tpu.memory_space<vmem>>, vector<1x128xf32>
    %get3A_6 = vector.shape_cast %get3A_5 : vector<1x128xf32> to vector<128xf32>
    %get3A_7 = arith.constant 0 : index
    %get3A_8 = vector.load %arg6[%get3A_7] : memref<128xf32, #tpu.memory_space<vmem>>, vector<128xf32>
    %get3A_9 = arith.constant 0 : index
    %get3A_10 = vector.load %arg7[%get3A_9] : memref<128xf32, #tpu.memory_space<vmem>>, vector<128xf32>
    %get3A_11 = arith.constant 0 : index
    %get3A_12 = arith.constant 0 : index
    %get3A_13 = arith.constant 0 : index
    %get3A_14 = vector.load %arg2[%get3A_11, %get3A_12, %get3A_13] : memref<1x1024x128xf32, #tpu.memory_space<vmem>>, vector<1x1024x128xf32>
    %get3A_15 = vector.shape_cast %get3A_14 : vector<1x1024x128xf32> to vector<1024x128xf32>
    %div3A = arith.constant 3.276800e+05 : f32
    %div3A_16 = vector.broadcast %div3A : f32 to vector<128xf32>
    %div3A_17 = arith.divf %get3A_2, %div3A_16 : vector<128xf32>
    %div3A_18 = arith.constant 3.276800e+05 : f32
    %div3A_19 = vector.broadcast %div3A_18 : f32 to vector<128xf32>
    %div3A_20 = arith.divf %get3A_6, %div3A_19 : vector<128xf32>
    %mul3A = arith.mulf %div3A_17, %div3A_17 : vector<128xf32>
    %sub3A = arith.subf %div3A_20, %mul3A : vector<128xf32>
    %broadcast_in_dim3A = vector.shape_cast %div3A_17 : vector<128xf32> to vector<1x128xf32>
    %sub3A_21 = vector.broadcast %broadcast_in_dim3A : vector<1x128xf32> to vector<1024x128xf32>
    %sub3A_22 = arith.subf %get3A_15, %sub3A_21 : vector<1024x128xf32>
    %add3A = arith.constant 9.99999974E-6 : f32
    %add3A_23 = vector.broadcast %add3A : f32 to vector<128xf32>
    %add3A_24 = arith.addf %sub3A, %add3A_23 : vector<128xf32>
    %sqrt3A = math.sqrt %add3A_24 : vector<128xf32>
    %broadcast_in_dim3A_25 = vector.shape_cast %sqrt3A : vector<128xf32> to vector<1x128xf32>
    %div3A_26 = vector.broadcast %broadcast_in_dim3A_25 : vector<1x128xf32> to vector<1024x128xf32>
    %div3A_27 = arith.divf %sub3A_22, %div3A_26 : vector<1024x128xf32>
    %broadcast_in_dim3A_28 = vector.shape_cast %get3A_8 : vector<128xf32> to vector<1x128xf32>
    %mul3A_29 = vector.broadcast %broadcast_in_dim3A_28 : vector<1x128xf32> to vector<1024x128xf32>
    %mul3A_30 = arith.mulf %div3A_27, %mul3A_29 : vector<1024x128xf32>
    %broadcast_in_dim3A_31 = vector.shape_cast %get3A_10 : vector<128xf32> to vector<1x128xf32>
    %add3A_32 = vector.broadcast %broadcast_in_dim3A_31 : vector<1x128xf32> to vector<1024x128xf32>
    %add3A_33 = arith.addf %mul3A_30, %add3A_32 : vector<1024x128xf32>
    %ge3A = arith.constant 0.000000e+00 : f32
    %ge3A_34 = vector.broadcast %ge3A : f32 to vector<1024x128xf32>
    %ge3A_35 = arith.cmpf oge, %add3A_33, %ge3A_34 : vector<1024x128xf32>
    %mul3A_36 = arith.constant 2.000000e-01 : f32
    %mul3A_37 = vector.broadcast %mul3A_36 : f32 to vector<1024x128xf32>
    %mul3A_38 = arith.mulf %mul3A_37, %add3A_33 : vector<1024x128xf32>
    %select_n3A = arith.select %ge3A_35, %add3A_33, %mul3A_38 : vector<1024x128xi1>, vector<1024x128xf32>
    %get3A_39 = arith.constant 0 : index
    %get3A_40 = arith.constant 0 : index
    %get3A_41 = arith.constant 0 : index
    %get3A_42 = vector.load %arg3[%get3A_39, %get3A_40, %get3A_41] : memref<1x1024x128xf32, #tpu.memory_space<vmem>>, vector<1x1024x128xf32>
    %get3A_43 = vector.shape_cast %get3A_42 : vector<1x1024x128xf32> to vector<1024x128xf32>
    %div3A_44 = arith.constant 3.276800e+05 : f32
    %div3A_45 = vector.broadcast %div3A_44 : f32 to vector<128xf32>
    %div3A_46 = arith.divf %get3A_2, %div3A_45 : vector<128xf32>
    %div3A_47 = arith.constant 3.276800e+05 : f32
    %div3A_48 = vector.broadcast %div3A_47 : f32 to vector<128xf32>
    %div3A_49 = arith.divf %get3A_6, %div3A_48 : vector<128xf32>
    %mul3A_50 = arith.mulf %div3A_46, %div3A_46 : vector<128xf32>
    %sub3A_51 = arith.subf %div3A_49, %mul3A_50 : vector<128xf32>
    %broadcast_in_dim3A_52 = vector.shape_cast %div3A_46 : vector<128xf32> to vector<1x128xf32>
    %sub3A_53 = vector.broadcast %broadcast_in_dim3A_52 : vector<1x128xf32> to vector<1024x128xf32>
    %sub3A_54 = arith.subf %get3A_43, %sub3A_53 : vector<1024x128xf32>
    %add3A_55 = arith.constant 9.99999974E-6 : f32
    %add3A_56 = vector.broadcast %add3A_55 : f32 to vector<128xf32>
    %add3A_57 = arith.addf %sub3A_51, %add3A_56 : vector<128xf32>
    %sqrt3A_58 = math.sqrt %add3A_57 : vector<128xf32>
    %broadcast_in_dim3A_59 = vector.shape_cast %sqrt3A_58 : vector<128xf32> to vector<1x128xf32>
    %div3A_60 = vector.broadcast %broadcast_in_dim3A_59 : vector<1x128xf32> to vector<1024x128xf32>
    %div3A_61 = arith.divf %sub3A_54, %div3A_60 : vector<1024x128xf32>
    %broadcast_in_dim3A_62 = vector.shape_cast %get3A_8 : vector<128xf32> to vector<1x128xf32>
    %mul3A_63 = vector.broadcast %broadcast_in_dim3A_62 : vector<1x128xf32> to vector<1024x128xf32>
    %mul3A_64 = arith.mulf %div3A_61, %mul3A_63 : vector<1024x128xf32>
    %broadcast_in_dim3A_65 = vector.shape_cast %get3A_10 : vector<128xf32> to vector<1x128xf32>
    %add3A_66 = vector.broadcast %broadcast_in_dim3A_65 : vector<1x128xf32> to vector<1024x128xf32>
    %add3A_67 = arith.addf %mul3A_64, %add3A_66 : vector<1024x128xf32>
    %ge3A_68 = arith.constant 0.000000e+00 : f32
    %ge3A_69 = vector.broadcast %ge3A_68 : f32 to vector<1024x128xf32>
    %ge3A_70 = arith.cmpf oge, %add3A_67, %ge3A_69 : vector<1024x128xf32>
    %mul3A_71 = arith.constant 2.000000e-01 : f32
    %mul3A_72 = vector.broadcast %mul3A_71 : f32 to vector<1024x128xf32>
    %mul3A_73 = arith.mulf %mul3A_72, %add3A_67 : vector<1024x128xf32>
    %select_n3A_74 = arith.select %ge3A_70, %add3A_67, %mul3A_73 : vector<1024x128xi1>, vector<1024x128xf32>
    %swap3A = arith.constant 0 : index
    %swap3A_75 = arith.constant 0 : index
    %swap3A_76 = arith.constant 0 : index
    %swap3A_77 = vector.load %arg9[%swap3A, %swap3A_75, %swap3A_76] : memref<1x1024x128xf32, #tpu.memory_space<vmem>>, vector<1x1024x128xf32>
    %swap3A_78 = vector.shape_cast %swap3A_77 : vector<1x1024x128xf32> to vector<1024x128xf32>
    %swap3A_79 = vector.shape_cast %select_n3A : vector<1024x128xf32> to vector<1x1024x128xf32>
    tpu.vector_store %arg9[%swap3A, %swap3A_75, %swap3A_76], %swap3A_79 {strides = array<i32>} : memref<1x1024x128xf32, #tpu.memory_space<vmem>>, vector<1x1024x128xf32>,
    %dot_general3A = arith.constant dense<0.000000e+00> : vector<1024x1024xf32>
    %dot_general3A_80 = tpu.matmul %select_n3A, %select_n3A_74, %dot_general3A {dimension_numbers = #tpu.dot_dimension_numbers<[1], [1], [0], [0], [0, 0, 1, 0], [], []>, transpose_lhs_hint = false} : vector<1024x128xf32>, vector<1024x128xf32>, vector<1024x1024xf32> -> vector<1024x1024xf32>
    %mul3A_81 = arith.constant -2.000000e+00 : f32
    %mul3A_82 = vector.broadcast %mul3A_81 : f32 to vector<1024x1024xf32>
    %mul3A_83 = arith.mulf %mul3A_82, %dot_general3A_80 : vector<1024x1024xf32>
    %mul3A_84 = arith.mulf %select_n3A, %select_n3A : vector<1024x128xf32>
    %reduce_sum3A = arith.constant dense<0.000000e+00> : vector<1024xf32>
    %reduce_sum3A_85 = vector.multi_reduction <add>, %mul3A_84, %reduce_sum3A [1] : vector<1024x128xf32> to vector<1024xf32>
    %broadcast_in_dim3A_86 = vector.shape_cast %reduce_sum3A_85 : vector<1024xf32> to vector<1024x1xf32>
    %mul3A_87 = arith.mulf %select_n3A_74, %select_n3A_74 : vector<1024x128xf32>
    %reduce_sum3A_88 = arith.constant dense<0.000000e+00> : vector<1024xf32>
    %reduce_sum3A_89 = vector.multi_reduction <add>, %mul3A_87, %reduce_sum3A_88 [1] : vector<1024x128xf32> to vector<1024xf32>
    %neg3A = arith.constant 0.000000e+00 : f32
    %neg3A_90 = vector.broadcast %neg3A : f32 to vector<1024x1xf32>
    %neg3A_91 = arith.subf %neg3A_90, %broadcast_in_dim3A_86 : vector<1024x1xf32>
    %sub3A_92 = vector.broadcast %neg3A_91 : vector<1024x1xf32> to vector<1024x1024xf32>
    %sub3A_93 = arith.subf %sub3A_92, %mul3A_83 : vector<1024x1024xf32>
    %broadcast_in_dim3A_94 = vector.shape_cast %reduce_sum3A_89 : vector<1024xf32> to vector<1x1024xf32>
    %sub3A_95 = vector.broadcast %broadcast_in_dim3A_94 : vector<1x1024xf32> to vector<1024x1024xf32>
    %sub3A_96 = arith.subf %sub3A_93, %sub3A_95 : vector<1024x1024xf32>
    %iota3A = tpu.iota {dimensions = array<i32: 1>} : vector<1024x1024xi32>
    %mul3A_97 = arith.constant 1024 : i32
    %mul3A_98 = arith.muli %arg0, %mul3A_97 : i32
    %argmax3A = tpu.reduce_index %sub3A_96 {axis = 1 : i32, kind = #tpu.reduction_kind<arg_max>} : vector<1024x1024xf32> -> vector<1024xi32>
    %broadcast_in_dim3A_99 = vector.shape_cast %argmax3A : vector<1024xi32> to vector<1024x1xi32>
    %add3A_100 = vector.broadcast %mul3A_98 : i32 to vector<1024x1xi32>
    %add3A_101 = arith.addi %broadcast_in_dim3A_99, %add3A_100 : vector<1024x1xi32>
    %eq3A = vector.broadcast %broadcast_in_dim3A_99 : vector<1024x1xi32> to vector<1024x1024xi32>
    %eq3A_102 = arith.cmpi eq, %iota3A, %eq3A : vector<1024x1024xi32>
    %jit3A = arith.constant -3.400000e+38 : f32
    %broadcast_in_dim3A_103 = vector.broadcast %jit3A : f32 to vector<1024x1024xf32>
    %select_n3A_104 = arith.select %eq3A_102, %broadcast_in_dim3A_103, %sub3A_96 : vector<1024x1024xi1>, vector<1024x1024xf32>
    %argmax3A_105 = tpu.reduce_index %select_n3A_104 {axis = 1 : i32, kind = #tpu.reduction_kind<arg_max>} : vector<1024x1024xf32> -> vector<1024xi32>
    %broadcast_in_dim3A_106 = vector.shape_cast %argmax3A_105 : vector<1024xi32> to vector<1024x1xi32>
    %add3A_107 = vector.broadcast %mul3A_98 : i32 to vector<1024x1xi32>
    %add3A_108 = arith.addi %broadcast_in_dim3A_106, %add3A_107 : vector<1024x1xi32>
    %eq3A_109 = vector.broadcast %broadcast_in_dim3A_106 : vector<1024x1xi32> to vector<1024x1024xi32>
    %eq3A_110 = arith.cmpi eq, %iota3A, %eq3A_109 : vector<1024x1024xi32>
    %jit3A_111 = arith.constant -3.400000e+38 : f32
    %broadcast_in_dim3A_112 = vector.broadcast %jit3A_111 : f32 to vector<1024x1024xf32>
    %select_n3A_113 = arith.select %eq3A_110, %broadcast_in_dim3A_112, %select_n3A_104 : vector<1024x1024xi1>, vector<1024x1024xf32>
    %argmax3A_114 = tpu.reduce_index %select_n3A_113 {axis = 1 : i32, kind = #tpu.reduction_kind<arg_max>} : vector<1024x1024xf32> -> vector<1024xi32>
    %broadcast_in_dim3A_115 = vector.shape_cast %argmax3A_114 : vector<1024xi32> to vector<1024x1xi32>
    %add3A_116 = vector.broadcast %mul3A_98 : i32 to vector<1024x1xi32>
    %add3A_117 = arith.addi %broadcast_in_dim3A_115, %add3A_116 : vector<1024x1xi32>
    %eq3A_118 = vector.broadcast %broadcast_in_dim3A_115 : vector<1024x1xi32> to vector<1024x1024xi32>
    %eq3A_119 = arith.cmpi eq, %iota3A, %eq3A_118 : vector<1024x1024xi32>
    %jit3A_120 = arith.constant -3.400000e+38 : f32
    %broadcast_in_dim3A_121 = vector.broadcast %jit3A_120 : f32 to vector<1024x1024xf32>
    %select_n3A_122 = arith.select %eq3A_119, %broadcast_in_dim3A_121, %select_n3A_113 : vector<1024x1024xi1>, vector<1024x1024xf32>
    %argmax3A_123 = tpu.reduce_index %select_n3A_122 {axis = 1 : i32, kind = #tpu.reduction_kind<arg_max>} : vector<1024x1024xf32> -> vector<1024xi32>
    %broadcast_in_dim3A_124 = vector.shape_cast %argmax3A_123 : vector<1024xi32> to vector<1024x1xi32>
    %add3A_125 = vector.broadcast %mul3A_98 : i32 to vector<1024x1xi32>
    %add3A_126 = arith.addi %broadcast_in_dim3A_124, %add3A_125 : vector<1024x1xi32>
    %eq3A_127 = vector.broadcast %broadcast_in_dim3A_124 : vector<1024x1xi32> to vector<1024x1024xi32>
    %eq3A_128 = arith.cmpi eq, %iota3A, %eq3A_127 : vector<1024x1024xi32>
    %jit3A_129 = arith.constant -3.400000e+38 : f32
    %broadcast_in_dim3A_130 = vector.broadcast %jit3A_129 : f32 to vector<1024x1024xf32>
    %select_n3A_131 = arith.select %eq3A_128, %broadcast_in_dim3A_130, %select_n3A_122 : vector<1024x1024xi1>, vector<1024x1024xf32>
    %argmax3A_132 = tpu.reduce_index %select_n3A_131 {axis = 1 : i32, kind = #tpu.reduction_kind<arg_max>} : vector<1024x1024xf32> -> vector<1024xi32>
    %broadcast_in_dim3A_133 = vector.shape_cast %argmax3A_132 : vector<1024xi32> to vector<1024x1xi32>
    %add3A_134 = vector.broadcast %mul3A_98 : i32 to vector<1024x1xi32>
    %add3A_135 = arith.addi %broadcast_in_dim3A_133, %add3A_134 : vector<1024x1xi32>
    %eq3A_136 = vector.broadcast %broadcast_in_dim3A_133 : vector<1024x1xi32> to vector<1024x1024xi32>
    %eq3A_137 = arith.cmpi eq, %iota3A, %eq3A_136 : vector<1024x1024xi32>
    %jit3A_138 = arith.constant -3.400000e+38 : f32
    %broadcast_in_dim3A_139 = vector.broadcast %jit3A_138 : f32 to vector<1024x1024xf32>
    %select_n3A_140 = arith.select %eq3A_137, %broadcast_in_dim3A_139, %select_n3A_131 : vector<1024x1024xi1>, vector<1024x1024xf32>
    %argmax3A_141 = tpu.reduce_index %select_n3A_140 {axis = 1 : i32, kind = #tpu.reduction_kind<arg_max>} : vector<1024x1024xf32> -> vector<1024xi32>
    %broadcast_in_dim3A_142 = vector.shape_cast %argmax3A_141 : vector<1024xi32> to vector<1024x1xi32>
    %add3A_143 = vector.broadcast %mul3A_98 : i32 to vector<1024x1xi32>
    %add3A_144 = arith.addi %broadcast_in_dim3A_142, %add3A_143 : vector<1024x1xi32>
    %eq3A_145 = vector.broadcast %broadcast_in_dim3A_142 : vector<1024x1xi32> to vector<1024x1024xi32>
    %eq3A_146 = arith.cmpi eq, %iota3A, %eq3A_145 : vector<1024x1024xi32>
    %jit3A_147 = arith.constant -3.400000e+38 : f32
    %broadcast_in_dim3A_148 = vector.broadcast %jit3A_147 : f32 to vector<1024x1024xf32>
    %select_n3A_149 = arith.select %eq3A_146, %broadcast_in_dim3A_148, %select_n3A_140 : vector<1024x1024xi1>, vector<1024x1024xf32>
    %argmax3A_150 = tpu.reduce_index %select_n3A_149 {axis = 1 : i32, kind = #tpu.reduction_kind<arg_max>} : vector<1024x1024xf32> -> vector<1024xi32>
    %broadcast_in_dim3A_151 = vector.shape_cast %argmax3A_150 : vector<1024xi32> to vector<1024x1xi32>
    %add3A_152 = vector.broadcast %mul3A_98 : i32 to vector<1024x1xi32>
    %add3A_153 = arith.addi %broadcast_in_dim3A_151, %add3A_152 : vector<1024x1xi32>
    %eq3A_154 = vector.broadcast %broadcast_in_dim3A_151 : vector<1024x1xi32> to vector<1024x1024xi32>
    %eq3A_155 = arith.cmpi eq, %iota3A, %eq3A_154 : vector<1024x1024xi32>
    %jit3A_156 = arith.constant -3.400000e+38 : f32
    %broadcast_in_dim3A_157 = vector.broadcast %jit3A_156 : f32 to vector<1024x1024xf32>
    %select_n3A_158 = arith.select %eq3A_155, %broadcast_in_dim3A_157, %select_n3A_149 : vector<1024x1024xi1>, vector<1024x1024xf32>
    %argmax3A_159 = tpu.reduce_index %select_n3A_158 {axis = 1 : i32, kind = #tpu.reduction_kind<arg_max>} : vector<1024x1024xf32> -> vector<1024xi32>
    %broadcast_in_dim3A_160 = vector.shape_cast %argmax3A_159 : vector<1024xi32> to vector<1024x1xi32>
    %add3A_161 = vector.broadcast %mul3A_98 : i32 to vector<1024x1xi32>
    %add3A_162 = arith.addi %broadcast_in_dim3A_160, %add3A_161 : vector<1024x1xi32>
    %eq3A_163 = vector.broadcast %broadcast_in_dim3A_160 : vector<1024x1xi32> to vector<1024x1024xi32>
    %eq3A_164 = arith.cmpi eq, %iota3A, %eq3A_163 : vector<1024x1024xi32>
    %jit3A_165 = arith.constant -3.400000e+38 : f32
    %broadcast_in_dim3A_166 = vector.broadcast %jit3A_165 : f32 to vector<1024x1024xf32>
    %select_n3A_167 = arith.select %eq3A_164, %broadcast_in_dim3A_166, %select_n3A_158 : vector<1024x1024xi1>, vector<1024x1024xf32>
    %argmax3A_168 = tpu.reduce_index %select_n3A_167 {axis = 1 : i32, kind = #tpu.reduction_kind<arg_max>} : vector<1024x1024xf32> -> vector<1024xi32>
    %broadcast_in_dim3A_169 = vector.shape_cast %argmax3A_168 : vector<1024xi32> to vector<1024x1xi32>
    %add3A_170 = vector.broadcast %mul3A_98 : i32 to vector<1024x1xi32>
    %add3A_171 = arith.addi %broadcast_in_dim3A_169, %add3A_170 : vector<1024x1xi32>
    %eq3A_172 = vector.broadcast %broadcast_in_dim3A_169 : vector<1024x1xi32> to vector<1024x1024xi32>
    %eq3A_173 = arith.cmpi eq, %iota3A, %eq3A_172 : vector<1024x1024xi32>
    %jit3A_174 = arith.constant -3.400000e+38 : f32
    %broadcast_in_dim3A_175 = vector.broadcast %jit3A_174 : f32 to vector<1024x1024xf32>
    %select_n3A_176 = arith.select %eq3A_173, %broadcast_in_dim3A_175, %select_n3A_167 : vector<1024x1024xi1>, vector<1024x1024xf32>
    %argmax3A_177 = tpu.reduce_index %select_n3A_176 {axis = 1 : i32, kind = #tpu.reduction_kind<arg_max>} : vector<1024x1024xf32> -> vector<1024xi32>
    %broadcast_in_dim3A_178 = vector.shape_cast %argmax3A_177 : vector<1024xi32> to vector<1024x1xi32>
    %add3A_179 = vector.broadcast %mul3A_98 : i32 to vector<1024x1xi32>
    %add3A_180 = arith.addi %broadcast_in_dim3A_178, %add3A_179 : vector<1024x1xi32>
    %eq3A_181 = vector.broadcast %broadcast_in_dim3A_178 : vector<1024x1xi32> to vector<1024x1024xi32>
    %eq3A_182 = arith.cmpi eq, %iota3A, %eq3A_181 : vector<1024x1024xi32>
    %jit3A_183 = arith.constant -3.400000e+38 : f32
    %broadcast_in_dim3A_184 = vector.broadcast %jit3A_183 : f32 to vector<1024x1024xf32>
    %select_n3A_185 = arith.select %eq3A_182, %broadcast_in_dim3A_184, %select_n3A_176 : vector<1024x1024xi1>, vector<1024x1024xf32>
    %argmax3A_186 = tpu.reduce_index %select_n3A_185 {axis = 1 : i32, kind = #tpu.reduction_kind<arg_max>} : vector<1024x1024xf32> -> vector<1024xi32>
    %broadcast_in_dim3A_187 = vector.shape_cast %argmax3A_186 : vector<1024xi32> to vector<1024x1xi32>
    %add3A_188 = vector.broadcast %mul3A_98 : i32 to vector<1024x1xi32>
    %add3A_189 = arith.addi %broadcast_in_dim3A_187, %add3A_188 : vector<1024x1xi32>
    %eq3A_190 = vector.broadcast %broadcast_in_dim3A_187 : vector<1024x1xi32> to vector<1024x1024xi32>
    %eq3A_191 = arith.cmpi eq, %iota3A, %eq3A_190 : vector<1024x1024xi32>
    %jit3A_192 = arith.constant -3.400000e+38 : f32
    %broadcast_in_dim3A_193 = vector.broadcast %jit3A_192 : f32 to vector<1024x1024xf32>
    %select_n3A_194 = arith.select %eq3A_191, %broadcast_in_dim3A_193, %select_n3A_185 : vector<1024x1024xi1>, vector<1024x1024xf32>
    %argmax3A_195 = tpu.reduce_index %select_n3A_194 {axis = 1 : i32, kind = #tpu.reduction_kind<arg_max>} : vector<1024x1024xf32> -> vector<1024xi32>
    %broadcast_in_dim3A_196 = vector.shape_cast %argmax3A_195 : vector<1024xi32> to vector<1024x1xi32>
    %add3A_197 = vector.broadcast %mul3A_98 : i32 to vector<1024x1xi32>
    %add3A_198 = arith.addi %broadcast_in_dim3A_196, %add3A_197 : vector<1024x1xi32>
    %eq3A_199 = vector.broadcast %broadcast_in_dim3A_196 : vector<1024x1xi32> to vector<1024x1024xi32>
    %eq3A_200 = arith.cmpi eq, %iota3A, %eq3A_199 : vector<1024x1024xi32>
    %jit3A_201 = arith.constant -3.400000e+38 : f32
    %broadcast_in_dim3A_202 = vector.broadcast %jit3A_201 : f32 to vector<1024x1024xf32>
    %select_n3A_203 = arith.select %eq3A_200, %broadcast_in_dim3A_202, %select_n3A_194 : vector<1024x1024xi1>, vector<1024x1024xf32>
    %argmax3A_204 = tpu.reduce_index %select_n3A_203 {axis = 1 : i32, kind = #tpu.reduction_kind<arg_max>} : vector<1024x1024xf32> -> vector<1024xi32>
    %broadcast_in_dim3A_205 = vector.shape_cast %argmax3A_204 : vector<1024xi32> to vector<1024x1xi32>
    %add3A_206 = vector.broadcast %mul3A_98 : i32 to vector<1024x1xi32>
    %add3A_207 = arith.addi %broadcast_in_dim3A_205, %add3A_206 : vector<1024x1xi32>
    %eq3A_208 = vector.broadcast %broadcast_in_dim3A_205 : vector<1024x1xi32> to vector<1024x1024xi32>
    %eq3A_209 = arith.cmpi eq, %iota3A, %eq3A_208 : vector<1024x1024xi32>
    %jit3A_210 = arith.constant -3.400000e+38 : f32
    %broadcast_in_dim3A_211 = vector.broadcast %jit3A_210 : f32 to vector<1024x1024xf32>
    %select_n3A_212 = arith.select %eq3A_209, %broadcast_in_dim3A_211, %select_n3A_203 : vector<1024x1024xi1>, vector<1024x1024xf32>
    %argmax3A_213 = tpu.reduce_index %select_n3A_212 {axis = 1 : i32, kind = #tpu.reduction_kind<arg_max>} : vector<1024x1024xf32> -> vector<1024xi32>
    %broadcast_in_dim3A_214 = vector.shape_cast %argmax3A_213 : vector<1024xi32> to vector<1024x1xi32>
    %add3A_215 = vector.broadcast %mul3A_98 : i32 to vector<1024x1xi32>
    %add3A_216 = arith.addi %broadcast_in_dim3A_214, %add3A_215 : vector<1024x1xi32>
    %eq3A_217 = vector.broadcast %broadcast_in_dim3A_214 : vector<1024x1xi32> to vector<1024x1024xi32>
    %eq3A_218 = arith.cmpi eq, %iota3A, %eq3A_217 : vector<1024x1024xi32>
    %jit3A_219 = arith.constant -3.400000e+38 : f32
    %broadcast_in_dim3A_220 = vector.broadcast %jit3A_219 : f32 to vector<1024x1024xf32>
    %select_n3A_221 = arith.select %eq3A_218, %broadcast_in_dim3A_220, %select_n3A_212 : vector<1024x1024xi1>, vector<1024x1024xf32>
    %argmax3A_222 = tpu.reduce_index %select_n3A_221 {axis = 1 : i32, kind = #tpu.reduction_kind<arg_max>} : vector<1024x1024xf32> -> vector<1024xi32>
    %broadcast_in_dim3A_223 = vector.shape_cast %argmax3A_222 : vector<1024xi32> to vector<1024x1xi32>
    %add3A_224 = vector.broadcast %mul3A_98 : i32 to vector<1024x1xi32>
    %add3A_225 = arith.addi %broadcast_in_dim3A_223, %add3A_224 : vector<1024x1xi32>
    %eq3A_226 = vector.broadcast %broadcast_in_dim3A_223 : vector<1024x1xi32> to vector<1024x1024xi32>
    %eq3A_227 = arith.cmpi eq, %iota3A, %eq3A_226 : vector<1024x1024xi32>
    %jit3A_228 = arith.constant -3.400000e+38 : f32
    %broadcast_in_dim3A_229 = vector.broadcast %jit3A_228 : f32 to vector<1024x1024xf32>
    %select_n3A_230 = arith.select %eq3A_227, %broadcast_in_dim3A_229, %select_n3A_221 : vector<1024x1024xi1>, vector<1024x1024xf32>
    %argmax3A_231 = tpu.reduce_index %select_n3A_230 {axis = 1 : i32, kind = #tpu.reduction_kind<arg_max>} : vector<1024x1024xf32> -> vector<1024xi32>
    %broadcast_in_dim3A_232 = vector.shape_cast %argmax3A_231 : vector<1024xi32> to vector<1024x1xi32>
    %add3A_233 = vector.broadcast %mul3A_98 : i32 to vector<1024x1xi32>
    %add3A_234 = arith.addi %broadcast_in_dim3A_232, %add3A_233 : vector<1024x1xi32>
    %eq3A_235 = vector.broadcast %broadcast_in_dim3A_232 : vector<1024x1xi32> to vector<1024x1024xi32>
    %eq3A_236 = arith.cmpi eq, %iota3A, %eq3A_235 : vector<1024x1024xi32>
    %jit3A_237 = arith.constant -3.400000e+38 : f32
    %broadcast_in_dim3A_238 = vector.broadcast %jit3A_237 : f32 to vector<1024x1024xf32>
    %select_n3A_239 = arith.select %eq3A_236, %broadcast_in_dim3A_238, %select_n3A_230 : vector<1024x1024xi1>, vector<1024x1024xf32>
    %argmax3A_240 = tpu.reduce_index %select_n3A_239 {axis = 1 : i32, kind = #tpu.reduction_kind<arg_max>} : vector<1024x1024xf32> -> vector<1024xi32>
    %broadcast_in_dim3A_241 = vector.shape_cast %argmax3A_240 : vector<1024xi32> to vector<1024x1xi32>
    %add3A_242 = vector.broadcast %mul3A_98 : i32 to vector<1024x1xi32>
    %add3A_243 = arith.addi %broadcast_in_dim3A_241, %add3A_242 : vector<1024x1xi32>
    %eq3A_244 = vector.broadcast %broadcast_in_dim3A_241 : vector<1024x1xi32> to vector<1024x1024xi32>
    %eq3A_245 = arith.cmpi eq, %iota3A, %eq3A_244 : vector<1024x1024xi32>
    %jit3A_246 = arith.constant -3.400000e+38 : f32
    %broadcast_in_dim3A_247 = vector.broadcast %jit3A_246 : f32 to vector<1024x1024xf32>
    %select_n3A_248 = arith.select %eq3A_245, %broadcast_in_dim3A_247, %select_n3A_239 : vector<1024x1024xi1>, vector<1024x1024xf32>
    %argmax3A_249 = tpu.reduce_index %select_n3A_248 {axis = 1 : i32, kind = #tpu.reduction_kind<arg_max>} : vector<1024x1024xf32> -> vector<1024xi32>
    %broadcast_in_dim3A_250 = vector.shape_cast %argmax3A_249 : vector<1024xi32> to vector<1024x1xi32>
    %add3A_251 = vector.broadcast %mul3A_98 : i32 to vector<1024x1xi32>
    %add3A_252 = arith.addi %broadcast_in_dim3A_250, %add3A_251 : vector<1024x1xi32>
    %eq3A_253 = vector.broadcast %broadcast_in_dim3A_250 : vector<1024x1xi32> to vector<1024x1024xi32>
    %eq3A_254 = arith.cmpi eq, %iota3A, %eq3A_253 : vector<1024x1024xi32>
    %jit3A_255 = arith.constant -3.400000e+38 : f32
    %broadcast_in_dim3A_256 = vector.broadcast %jit3A_255 : f32 to vector<1024x1024xf32>
    %select_n3A_257 = arith.select %eq3A_254, %broadcast_in_dim3A_256, %select_n3A_248 : vector<1024x1024xi1>, vector<1024x1024xf32>
    %argmax3A_258 = tpu.reduce_index %select_n3A_257 {axis = 1 : i32, kind = #tpu.reduction_kind<arg_max>} : vector<1024x1024xf32> -> vector<1024xi32>
    %broadcast_in_dim3A_259 = vector.shape_cast %argmax3A_258 : vector<1024xi32> to vector<1024x1xi32>
    %add3A_260 = vector.broadcast %mul3A_98 : i32 to vector<1024x1xi32>
    %add3A_261 = arith.addi %broadcast_in_dim3A_259, %add3A_260 : vector<1024x1xi32>
    %eq3A_262 = vector.broadcast %broadcast_in_dim3A_259 : vector<1024x1xi32> to vector<1024x1024xi32>
    %eq3A_263 = arith.cmpi eq, %iota3A, %eq3A_262 : vector<1024x1024xi32>
    %jit3A_264 = arith.constant -3.400000e+38 : f32
    %broadcast_in_dim3A_265 = vector.broadcast %jit3A_264 : f32 to vector<1024x1024xf32>
    %select_n3A_266 = arith.select %eq3A_263, %broadcast_in_dim3A_265, %select_n3A_257 : vector<1024x1024xi1>, vector<1024x1024xf32>
    %argmax3A_267 = tpu.reduce_index %select_n3A_266 {axis = 1 : i32, kind = #tpu.reduction_kind<arg_max>} : vector<1024x1024xf32> -> vector<1024xi32>
    %broadcast_in_dim3A_268 = vector.shape_cast %argmax3A_267 : vector<1024xi32> to vector<1024x1xi32>
    %add3A_269 = vector.broadcast %mul3A_98 : i32 to vector<1024x1xi32>
    %add3A_270 = arith.addi %broadcast_in_dim3A_268, %add3A_269 : vector<1024x1xi32>
    %concatenate3A = tpu.concatenate %add3A_101, %add3A_108, %add3A_117, %add3A_126, %add3A_135, %add3A_144, %add3A_153, %add3A_162, %add3A_171, %add3A_180, %add3A_189, %add3A_198, %add3A_207, %add3A_216, %add3A_225, %add3A_234, %add3A_243, %add3A_252, %add3A_261, %add3A_270 in 1 : vector<1024x1xi32>, vector<1024x1xi32>, vector<1024x1xi32>, vector<1024x1xi32>, vector<1024x1xi32>, vector<1024x1xi32>, vector<1024x1xi32>, vector<1024x1xi32>, vector<1024x1xi32>, vector<1024x1xi32>, vector<1024x1xi32>, vector<1024x1xi32>, vector<1024x1xi32>, vector<1024x1xi32>, vector<1024x1xi32>, vector<1024x1xi32>, vector<1024x1xi32>, vector<1024x1xi32>, vector<1024x1xi32>, vector<1024x1xi32> -> vector<1024x20xi32>
    %swap3A_271 = arith.constant 0 : index
    %swap3A_272 = arith.constant 0 : index
    %swap3A_273 = arith.constant 0 : index
    %swap3A_274 = vector.load %arg8[%swap3A_271, %swap3A_272, %swap3A_273] : memref<1x1024x20xi32, #tpu.memory_space<vmem>>, vector<1x1024x20xi32>
    %swap3A_275 = vector.shape_cast %swap3A_274 : vector<1x1024x20xi32> to vector<1024x20xi32>
    %swap3A_276 = vector.shape_cast %concatenate3A : vector<1024x20xi32> to vector<1x1024x20xi32>
    tpu.vector_store %arg8[%swap3A_271, %swap3A_272, %swap3A_273], %swap3A_276 {strides = array<i32>} : memref<1x1024x20xi32, #tpu.memory_space<vmem>>, vector<1x1024x20xi32>,
    return
  }
  func.func @transform_0(%arg0: i32, %arg1: i32) -> (i32, i32, i32) {
    %add3A = arith.constant 8 : i32
    %add3A_0 = arith.addi %arg0, %add3A : i32
    %c0_i32 = arith.constant 0 : i32
    %c0_i32_1 = arith.constant 0 : i32
    return %add3A_0, %arg1, %c0_i32 : i32, i32, i32
  }
  func.func @transform_1(%arg0: i32, %arg1: i32) -> (i32, i32, i32) {
    %add3A = arith.constant 8 : i32
    %add3A_0 = arith.addi %arg0, %add3A : i32
    %c0_i32 = arith.constant 0 : i32
    %c0_i32_1 = arith.constant 0 : i32
    %c0_i32_2 = arith.constant 0 : i32
    return %add3A_0, %c0_i32, %c0_i32_1 : i32, i32, i32
  }
  func.func @transform_2(%arg0: i32, %arg1: i32) -> (i32, i32) {
    %c0_i32 = arith.constant 0 : i32
    %c0_i32_0 = arith.constant 0 : i32
    %c0_i32_1 = arith.constant 0 : i32
    return %c0_i32, %c0_i32_0 : i32, i32
  }
  func.func @transform_3(%arg0: i32, %arg1: i32) -> (i32, i32) {
    %c0_i32 = arith.constant 0 : i32
    %c0_i32_0 = arith.constant 0 : i32
    %c0_i32_1 = arith.constant 0 : i32
    return %c0_i32, %c0_i32_0 : i32, i32
  }
  func.func @transform_4(%arg0: i32, %arg1: i32) -> i32 {
    %c0_i32 = arith.constant 0 : i32
    %c0_i32_0 = arith.constant 0 : i32
    return %c0_i32 : i32
  }
  func.func @transform_5(%arg0: i32, %arg1: i32) -> i32 {
    %c0_i32 = arith.constant 0 : i32
    %c0_i32_0 = arith.constant 0 : i32
    return %c0_i32 : i32
  }
  func.func @transform_6(%arg0: i32, %arg1: i32) -> (i32, i32, i32) {
    %c0_i32 = arith.constant 0 : i32
    %c0_i32_0 = arith.constant 0 : i32
    return %arg0, %arg1, %c0_i32 : i32, i32, i32
  }
  func.func @transform_7(%arg0: i32, %arg1: i32) -> (i32, i32, i32) {
    %c0_i32 = arith.constant 0 : i32
    %c0_i32_0 = arith.constant 0 : i32
    return %arg0, %arg1, %c0_i32 : i32, i32, i32
  }
}

module attributes {stable_mosaic.version = 14 : i64} {
  func.func @_edge_kernel(%arg0: i32, %arg1: i32, %arg2: memref<1x256x128xf32, #tpu.memory_space<vmem>>, %arg3: memref<1x256x20x128xf32, #tpu.memory_space<vmem>>, %arg4: memref<256x256xf32, #tpu.memory_space<vmem>>, %arg5: memref<1x256x256xf32, #tpu.memory_space<vmem>>, %arg6: memref<1x256xf32, #tpu.memory_space<vmem>>, %arg7: memref<1x256xf32, #tpu.memory_space<vmem>>) attributes {dimension_semantics = [#tpu.dimension_semantics<arbitrary>, #tpu.dimension_semantics<arbitrary>], iteration_bounds = array<i64: 8, 4>, scalar_prefetch = 0 : i64, scratch_operands = 0 : i64, tpu.core_type = #tpu.core_type<tc>, window_params = [{transform_indices = @transform_0, window_bounds = array<i64: 1, 256, 128>}, {transform_indices = @transform_1, window_bounds = array<i64: 1, 256, 20, 128>}, {pipeline_mode = #tpu.pipeline_mode<synchronous>, transform_indices = @transform_2, window_bounds = array<i64: 256, 256>}, {transform_indices = @transform_3, window_bounds = array<i64: 1, 256, 256>}, {pipeline_mode = #tpu.pipeline_mode<synchronous>, transform_indices = @transform_4, window_bounds = array<i64: 1, 256>}, {pipeline_mode = #tpu.pipeline_mode<synchronous>, transform_indices = @transform_5, window_bounds = array<i64: 1, 256>}]} {
    %eq3A = arith.constant 0 : i32
    %eq3A_0 = arith.cmpi eq, %arg0, %eq3A : i32
    %eq3A_1 = arith.constant 0 : i32
    %eq3A_2 = arith.cmpi eq, %arg1, %eq3A_1 : i32
    %and3A = arith.andi %eq3A_0, %eq3A_2 : i1
    %get3A = arith.constant 0 : index
    %get3A_3 = arith.constant 0 : index
    %get3A_4 = arith.constant 0 : index
    %get3A_5 = vector.load %arg2[%get3A, %get3A_3, %get3A_4] : memref<1x256x128xf32, #tpu.memory_space<vmem>>, vector<1x256x128xf32>
    %get3A_6 = vector.shape_cast %get3A_5 : vector<1x256x128xf32> to vector<256x128xf32>
    %get3A_7 = arith.constant 0 : index
    %get3A_8 = arith.constant 0 : index
    %get3A_9 = arith.constant 0 : index
    %get3A_10 = arith.constant 0 : index
    %get3A_11 = vector.load %arg3[%get3A_7, %get3A_8, %get3A_9, %get3A_10] : memref<1x256x20x128xf32, #tpu.memory_space<vmem>>, vector<1x256x20x128xf32>
    %get3A_12 = vector.shape_cast %get3A_11 : vector<1x256x20x128xf32> to vector<256x20x128xf32>
    %broadcast_in_dim3A = vector.shape_cast %get3A_6 : vector<256x128xf32> to vector<256x1x128xf32>
    %broadcast_in_dim3A_13 = vector.shape_cast %broadcast_in_dim3A : vector<256x1x128xf32> to vector<256x1x128xf32>
    %broadcast_in_dim3A_14 = vector.broadcast %broadcast_in_dim3A_13 : vector<256x1x128xf32> to vector<256x20x128xf32>
    %sub3A = arith.subf %get3A_12, %broadcast_in_dim3A_14 : vector<256x20x128xf32>
    %concatenate3A = tpu.concatenate %broadcast_in_dim3A_14, %sub3A in 2 : vector<256x20x128xf32>, vector<256x20x128xf32> -> vector<256x20x256xf32>
    %reshape3A = vector.shape_cast %concatenate3A : vector<256x20x256xf32> to vector<5120x256xf32>
    %get3A_15 = arith.constant 0 : index
    %get3A_16 = arith.constant 0 : index
    %get3A_17 = vector.load %arg4[%get3A_15, %get3A_16] : memref<256x256xf32, #tpu.memory_space<vmem>>, vector<256x256xf32>
    %dot_general3A = arith.constant dense<0.000000e+00> : vector<5120x256xf32>
    %dot_general3A_18 = tpu.matmul %reshape3A, %get3A_17, %dot_general3A {dimension_numbers = #tpu.dot_dimension_numbers<[1], [1], [0], [0], [0, 0, 1, 0], [], []>, transpose_lhs_hint = false} : vector<5120x256xf32>, vector<256x256xf32>, vector<5120x256xf32> -> vector<5120x256xf32>
    %reduce_sum3A = arith.constant dense<0.000000e+00> : vector<256xf32>
    %reduce_sum3A_19 = vector.multi_reduction <add>, %dot_general3A_18, %reduce_sum3A [0] : vector<5120x256xf32> to vector<256xf32>
    %mul3A = arith.mulf %dot_general3A_18, %dot_general3A_18 : vector<5120x256xf32>
    %reduce_sum3A_20 = arith.constant dense<0.000000e+00> : vector<256xf32>
    %reduce_sum3A_21 = vector.multi_reduction <add>, %mul3A, %reduce_sum3A_20 [0] : vector<5120x256xf32> to vector<256xf32>
    %reshape3A_22 = vector.shape_cast %dot_general3A_18 : vector<5120x256xf32> to vector<256x20x256xf32>
    %reduce_max3A = arith.constant dense<0xFF800000> : vector<256x256xf32>
    %reduce_max3A_23 = vector.multi_reduction <maximumf>, %reshape3A_22, %reduce_max3A [1] : vector<256x20x256xf32> to vector<256x256xf32>
    %convert_element_type3A = arith.extui %and3A : i1 to i32
    %cond3A = arith.constant 0 : i32
    %cond3A_24 = arith.cmpi ne, %convert_element_type3A, %cond3A : i32
    scf.if %cond3A_24 {
      %broadcast_in_dim3A_45 = arith.constant 0.000000e+00 : f32
      %broadcast_in_dim3A_46 = vector.broadcast %broadcast_in_dim3A_45 : f32 to vector<1x256xf32>
      %swap3A_47 = arith.constant 0 : index
      %swap3A_48 = arith.constant 0 : index
      %swap3A_49 = vector.load %arg6[%swap3A_47, %swap3A_48] : memref<1x256xf32, #tpu.memory_space<vmem>>, vector<1x256xf32>
      tpu.vector_store %arg6[%swap3A_47, %swap3A_48], %broadcast_in_dim3A_46 {strides = array<i32>} : memref<1x256xf32, #tpu.memory_space<vmem>>, vector<1x256xf32>,
      %broadcast_in_dim3A_50 = arith.constant 0.000000e+00 : f32
      %broadcast_in_dim3A_51 = vector.broadcast %broadcast_in_dim3A_50 : f32 to vector<1x256xf32>
      %swap3A_52 = arith.constant 0 : index
      %swap3A_53 = arith.constant 0 : index
      %swap3A_54 = vector.load %arg7[%swap3A_52, %swap3A_53] : memref<1x256xf32, #tpu.memory_space<vmem>>, vector<1x256xf32>
      tpu.vector_store %arg7[%swap3A_52, %swap3A_53], %broadcast_in_dim3A_51 {strides = array<i32>} : memref<1x256xf32, #tpu.memory_space<vmem>>, vector<1x256xf32>,
    } else {
    }
    %get3A_25 = arith.constant 0 : index
    %get3A_26 = arith.constant 0 : index
    %get3A_27 = vector.load %arg6[%get3A_25, %get3A_26] : memref<1x256xf32, #tpu.memory_space<vmem>>, vector<1x256xf32>
    %broadcast_in_dim3A_28 = vector.shape_cast %reduce_sum3A_19 : vector<256xf32> to vector<1x256xf32>
    %add3A = arith.addf %get3A_27, %broadcast_in_dim3A_28 : vector<1x256xf32>
    %swap3A = arith.constant 0 : index
    %swap3A_29 = arith.constant 0 : index
    %swap3A_30 = vector.load %arg6[%swap3A, %swap3A_29] : memref<1x256xf32, #tpu.memory_space<vmem>>, vector<1x256xf32>
    tpu.vector_store %arg6[%swap3A, %swap3A_29], %add3A {strides = array<i32>} : memref<1x256xf32, #tpu.memory_space<vmem>>, vector<1x256xf32>,
    %get3A_31 = arith.constant 0 : index
    %get3A_32 = arith.constant 0 : index
    %get3A_33 = vector.load %arg7[%get3A_31, %get3A_32] : memref<1x256xf32, #tpu.memory_space<vmem>>, vector<1x256xf32>
    %broadcast_in_dim3A_34 = vector.shape_cast %reduce_sum3A_21 : vector<256xf32> to vector<1x256xf32>
    %add3A_35 = arith.addf %get3A_33, %broadcast_in_dim3A_34 : vector<1x256xf32>
    %swap3A_36 = arith.constant 0 : index
    %swap3A_37 = arith.constant 0 : index
    %swap3A_38 = vector.load %arg7[%swap3A_36, %swap3A_37] : memref<1x256xf32, #tpu.memory_space<vmem>>, vector<1x256xf32>
    tpu.vector_store %arg7[%swap3A_36, %swap3A_37], %add3A_35 {strides = array<i32>} : memref<1x256xf32, #tpu.memory_space<vmem>>, vector<1x256xf32>,
    %swap3A_39 = arith.constant 0 : index
    %swap3A_40 = arith.constant 0 : index
    %swap3A_41 = arith.constant 0 : index
    %swap3A_42 = vector.load %arg5[%swap3A_39, %swap3A_40, %swap3A_41] : memref<1x256x256xf32, #tpu.memory_space<vmem>>, vector<1x256x256xf32>
    %swap3A_43 = vector.shape_cast %swap3A_42 : vector<1x256x256xf32> to vector<256x256xf32>
    %swap3A_44 = vector.shape_cast %reduce_max3A_23 : vector<256x256xf32> to vector<1x256x256xf32>
    tpu.vector_store %arg5[%swap3A_39, %swap3A_40, %swap3A_41], %swap3A_44 {strides = array<i32>} : memref<1x256x256xf32, #tpu.memory_space<vmem>>, vector<1x256x256xf32>,
    return
  }
  func.func @transform_0(%arg0: i32, %arg1: i32) -> (i32, i32, i32) {
    %add3A = arith.constant 0 : i32
    %add3A_0 = arith.addi %arg0, %add3A : i32
    %c0_i32 = arith.constant 0 : i32
    %c0_i32_1 = arith.constant 0 : i32
    return %add3A_0, %arg1, %c0_i32 : i32, i32, i32
  }
  func.func @transform_1(%arg0: i32, %arg1: i32) -> (i32, i32, i32, i32) {
    %c0_i32 = arith.constant 0 : i32
    %c0_i32_0 = arith.constant 0 : i32
    %c0_i32_1 = arith.constant 0 : i32
    return %arg0, %arg1, %c0_i32, %c0_i32_0 : i32, i32, i32, i32
  }
  func.func @transform_2(%arg0: i32, %arg1: i32) -> (i32, i32) {
    %c0_i32 = arith.constant 0 : i32
    %c0_i32_0 = arith.constant 0 : i32
    %c0_i32_1 = arith.constant 0 : i32
    return %c0_i32, %c0_i32_0 : i32, i32
  }
  func.func @transform_3(%arg0: i32, %arg1: i32) -> (i32, i32, i32) {
    %c0_i32 = arith.constant 0 : i32
    %c0_i32_0 = arith.constant 0 : i32
    return %arg0, %arg1, %c0_i32 : i32, i32, i32
  }
  func.func @transform_4(%arg0: i32, %arg1: i32) -> (i32, i32) {
    %c0_i32 = arith.constant 0 : i32
    %c0_i32_0 = arith.constant 0 : i32
    %c0_i32_1 = arith.constant 0 : i32
    return %c0_i32, %c0_i32_0 : i32, i32
  }
  func.func @transform_5(%arg0: i32, %arg1: i32) -> (i32, i32) {
    %c0_i32 = arith.constant 0 : i32
    %c0_i32_0 = arith.constant 0 : i32
    %c0_i32_1 = arith.constant 0 : i32
    return %c0_i32, %c0_i32_0 : i32, i32
  }
}

module attributes {stable_mosaic.version = 14 : i64} {
  func.func @_norm_kernel(%arg0: i32, %arg1: memref<1x1024x256xf32, #tpu.memory_space<vmem>>, %arg2: memref<1x256xf32, #tpu.memory_space<vmem>>, %arg3: memref<1x256xf32, #tpu.memory_space<vmem>>, %arg4: memref<256xf32, #tpu.memory_space<vmem>>, %arg5: memref<256xf32, #tpu.memory_space<vmem>>, %arg6: memref<1x1024x256xf32, #tpu.memory_space<vmem>>) attributes {dimension_semantics = [#tpu.dimension_semantics<arbitrary>], iteration_bounds = array<i64: 16>, scalar_prefetch = 0 : i64, scratch_operands = 0 : i64, tpu.core_type = #tpu.core_type<tc>, window_params = [{transform_indices = @transform_0, window_bounds = array<i64: 1, 1024, 256>}, {pipeline_mode = #tpu.pipeline_mode<synchronous>, transform_indices = @transform_1, window_bounds = array<i64: 1, 256>}, {pipeline_mode = #tpu.pipeline_mode<synchronous>, transform_indices = @transform_2, window_bounds = array<i64: 1, 256>}, {pipeline_mode = #tpu.pipeline_mode<synchronous>, transform_indices = @transform_3, window_bounds = array<i64: 256>}, {pipeline_mode = #tpu.pipeline_mode<synchronous>, transform_indices = @transform_4, window_bounds = array<i64: 256>}, {transform_indices = @transform_5, window_bounds = array<i64: 1, 1024, 256>}]} {
    %get3A = arith.constant 0 : index
    %get3A_0 = arith.constant 0 : index
    %get3A_1 = vector.load %arg2[%get3A, %get3A_0] : memref<1x256xf32, #tpu.memory_space<vmem>>, vector<1x256xf32>
    %get3A_2 = vector.shape_cast %get3A_1 : vector<1x256xf32> to vector<256xf32>
    %div3A = arith.constant 3.276800e+05 : f32
    %div3A_3 = vector.broadcast %div3A : f32 to vector<256xf32>
    %div3A_4 = arith.divf %get3A_2, %div3A_3 : vector<256xf32>
    %get3A_5 = arith.constant 0 : index
    %get3A_6 = arith.constant 0 : index
    %get3A_7 = vector.load %arg3[%get3A_5, %get3A_6] : memref<1x256xf32, #tpu.memory_space<vmem>>, vector<1x256xf32>
    %get3A_8 = vector.shape_cast %get3A_7 : vector<1x256xf32> to vector<256xf32>
    %div3A_9 = arith.constant 3.276800e+05 : f32
    %div3A_10 = vector.broadcast %div3A_9 : f32 to vector<256xf32>
    %div3A_11 = arith.divf %get3A_8, %div3A_10 : vector<256xf32>
    %mul3A = arith.mulf %div3A_4, %div3A_4 : vector<256xf32>
    %sub3A = arith.subf %div3A_11, %mul3A : vector<256xf32>
    %get3A_12 = arith.constant 0 : index
    %get3A_13 = arith.constant 0 : index
    %get3A_14 = arith.constant 0 : index
    %get3A_15 = vector.load %arg1[%get3A_12, %get3A_13, %get3A_14] : memref<1x1024x256xf32, #tpu.memory_space<vmem>>, vector<1x1024x256xf32>
    %get3A_16 = vector.shape_cast %get3A_15 : vector<1x1024x256xf32> to vector<1024x256xf32>
    %broadcast_in_dim3A = vector.shape_cast %div3A_4 : vector<256xf32> to vector<1x256xf32>
    %sub3A_17 = vector.broadcast %broadcast_in_dim3A : vector<1x256xf32> to vector<1024x256xf32>
    %sub3A_18 = arith.subf %get3A_16, %sub3A_17 : vector<1024x256xf32>
    %add3A = arith.constant 9.99999974E-6 : f32
    %add3A_19 = vector.broadcast %add3A : f32 to vector<256xf32>
    %add3A_20 = arith.addf %sub3A, %add3A_19 : vector<256xf32>
    %sqrt3A = math.sqrt %add3A_20 : vector<256xf32>
    %broadcast_in_dim3A_21 = vector.shape_cast %sqrt3A : vector<256xf32> to vector<1x256xf32>
    %div3A_22 = vector.broadcast %broadcast_in_dim3A_21 : vector<1x256xf32> to vector<1024x256xf32>
    %div3A_23 = arith.divf %sub3A_18, %div3A_22 : vector<1024x256xf32>
    %get3A_24 = arith.constant 0 : index
    %get3A_25 = vector.load %arg4[%get3A_24] : memref<256xf32, #tpu.memory_space<vmem>>, vector<256xf32>
    %broadcast_in_dim3A_26 = vector.shape_cast %get3A_25 : vector<256xf32> to vector<1x256xf32>
    %mul3A_27 = vector.broadcast %broadcast_in_dim3A_26 : vector<1x256xf32> to vector<1024x256xf32>
    %mul3A_28 = arith.mulf %div3A_23, %mul3A_27 : vector<1024x256xf32>
    %get3A_29 = arith.constant 0 : index
    %get3A_30 = vector.load %arg5[%get3A_29] : memref<256xf32, #tpu.memory_space<vmem>>, vector<256xf32>
    %broadcast_in_dim3A_31 = vector.shape_cast %get3A_30 : vector<256xf32> to vector<1x256xf32>
    %add3A_32 = vector.broadcast %broadcast_in_dim3A_31 : vector<1x256xf32> to vector<1024x256xf32>
    %add3A_33 = arith.addf %mul3A_28, %add3A_32 : vector<1024x256xf32>
    %ge3A = arith.constant 0.000000e+00 : f32
    %ge3A_34 = vector.broadcast %ge3A : f32 to vector<1024x256xf32>
    %ge3A_35 = arith.cmpf oge, %add3A_33, %ge3A_34 : vector<1024x256xf32>
    %mul3A_36 = arith.constant 2.000000e-01 : f32
    %mul3A_37 = vector.broadcast %mul3A_36 : f32 to vector<1024x256xf32>
    %mul3A_38 = arith.mulf %mul3A_37, %add3A_33 : vector<1024x256xf32>
    %select_n3A = arith.select %ge3A_35, %add3A_33, %mul3A_38 : vector<1024x256xi1>, vector<1024x256xf32>
    %swap3A = arith.constant 0 : index
    %swap3A_39 = arith.constant 0 : index
    %swap3A_40 = arith.constant 0 : index
    %swap3A_41 = vector.load %arg6[%swap3A, %swap3A_39, %swap3A_40] : memref<1x1024x256xf32, #tpu.memory_space<vmem>>, vector<1x1024x256xf32>
    %swap3A_42 = vector.shape_cast %swap3A_41 : vector<1x1024x256xf32> to vector<1024x256xf32>
    %swap3A_43 = vector.shape_cast %select_n3A : vector<1024x256xf32> to vector<1x1024x256xf32>
    tpu.vector_store %arg6[%swap3A, %swap3A_39, %swap3A_40], %swap3A_43 {strides = array<i32>} : memref<1x1024x256xf32, #tpu.memory_space<vmem>>, vector<1x1024x256xf32>,
    return
  }
  func.func @transform_0(%arg0: i32) -> (i32, i32, i32) {
    %c0_i32 = arith.constant 0 : i32
    %c0_i32_0 = arith.constant 0 : i32
    %c0_i32_1 = arith.constant 0 : i32
    return %arg0, %c0_i32, %c0_i32_0 : i32, i32, i32
  }
  func.func @transform_1(%arg0: i32) -> (i32, i32) {
    %c0_i32 = arith.constant 0 : i32
    %c0_i32_0 = arith.constant 0 : i32
    %c0_i32_1 = arith.constant 0 : i32
    return %c0_i32, %c0_i32_0 : i32, i32
  }
  func.func @transform_2(%arg0: i32) -> (i32, i32) {
    %c0_i32 = arith.constant 0 : i32
    %c0_i32_0 = arith.constant 0 : i32
    %c0_i32_1 = arith.constant 0 : i32
    return %c0_i32, %c0_i32_0 : i32, i32
  }
  func.func @transform_3(%arg0: i32) -> i32 {
    %c0_i32 = arith.constant 0 : i32
    %c0_i32_0 = arith.constant 0 : i32
    return %c0_i32 : i32
  }
  func.func @transform_4(%arg0: i32) -> i32 {
    %c0_i32 = arith.constant 0 : i32
    %c0_i32_0 = arith.constant 0 : i32
    return %c0_i32 : i32
  }
  func.func @transform_5(%arg0: i32) -> (i32, i32, i32) {
    %c0_i32 = arith.constant 0 : i32
    %c0_i32_0 = arith.constant 0 : i32
    %c0_i32_1 = arith.constant 0 : i32
    return %arg0, %c0_i32, %c0_i32_0 : i32, i32, i32
  }
}

module attributes {stable_mosaic.version = 14 : i64} {
  func.func @_final_kernel(%arg0: i32, %arg1: memref<1x1024x64xf32, #tpu.memory_space<vmem>>, %arg2: memref<1x1024x64xf32, #tpu.memory_space<vmem>>, %arg3: memref<1x1024x128xf32, #tpu.memory_space<vmem>>, %arg4: memref<1x1024x256xf32, #tpu.memory_space<vmem>>, %arg5: memref<1024x512xf32, #tpu.memory_space<vmem>>, %arg6: memref<1x1024xf32, #tpu.memory_space<vmem>>, %arg7: memref<1x1024xf32, #tpu.memory_space<vmem>>, %arg8: memref<16x1024xf32, #tpu.memory_space<vmem>>) attributes {dimension_semantics = [#tpu.dimension_semantics<arbitrary>], iteration_bounds = array<i64: 16>, scalar_prefetch = 0 : i64, scratch_operands = 0 : i64, tpu.core_type = #tpu.core_type<tc>, window_params = [{transform_indices = @transform_0, window_bounds = array<i64: 1, 1024, 64>}, {transform_indices = @transform_1, window_bounds = array<i64: 1, 1024, 64>}, {transform_indices = @transform_2, window_bounds = array<i64: 1, 1024, 128>}, {transform_indices = @transform_3, window_bounds = array<i64: 1, 1024, 256>}, {pipeline_mode = #tpu.pipeline_mode<synchronous>, transform_indices = @transform_4, window_bounds = array<i64: 1024, 512>}, {pipeline_mode = #tpu.pipeline_mode<synchronous>, transform_indices = @transform_5, window_bounds = array<i64: 1, 1024>}, {pipeline_mode = #tpu.pipeline_mode<synchronous>, transform_indices = @transform_6, window_bounds = array<i64: 1, 1024>}, {pipeline_mode = #tpu.pipeline_mode<synchronous>, transform_indices = @transform_7, window_bounds = array<i64: 16, 1024>}]} {
    %get3A = arith.constant 0 : index
    %get3A_0 = arith.constant 0 : index
    %get3A_1 = vector.load %arg5[%get3A, %get3A_0] : memref<1024x512xf32, #tpu.memory_space<vmem>>, vector<1024x512xf32>
    %get3A_2 = arith.constant 0 : index
    %get3A_3 = arith.constant 0 : index
    %get3A_4 = arith.constant 0 : index
    %get3A_5 = vector.load %arg1[%get3A_2, %get3A_3, %get3A_4] : memref<1x1024x64xf32, #tpu.memory_space<vmem>>, vector<1x1024x64xf32>
    %get3A_6 = vector.shape_cast %get3A_5 : vector<1x1024x64xf32> to vector<1024x64xf32>
    %slice3A = vector.extract_strided_slice %get3A_1 {offsets = [0, 0], sizes = [1024, 64], strides = [1, 1]} : vector<1024x512xf32> to vector<1024x64xf32>
    %dot_general3A = arith.constant dense<0.000000e+00> : vector<1024x1024xf32>
    %dot_general3A_7 = tpu.matmul %get3A_6, %slice3A, %dot_general3A {dimension_numbers = #tpu.dot_dimension_numbers<[1], [1], [0], [0], [0, 0, 1, 0], [], []>, transpose_lhs_hint = false} : vector<1024x64xf32>, vector<1024x64xf32>, vector<1024x1024xf32> -> vector<1024x1024xf32>
    %get3A_8 = arith.constant 0 : index
    %get3A_9 = arith.constant 0 : index
    %get3A_10 = arith.constant 0 : index
    %get3A_11 = vector.load %arg2[%get3A_8, %get3A_9, %get3A_10] : memref<1x1024x64xf32, #tpu.memory_space<vmem>>, vector<1x1024x64xf32>
    %get3A_12 = vector.shape_cast %get3A_11 : vector<1x1024x64xf32> to vector<1024x64xf32>
    %slice3A_13 = vector.extract_strided_slice %get3A_1 {offsets = [0, 64], sizes = [1024, 64], strides = [1, 1]} : vector<1024x512xf32> to vector<1024x64xf32>
    %dot_general3A_14 = arith.constant dense<0.000000e+00> : vector<1024x1024xf32>
    %dot_general3A_15 = tpu.matmul %get3A_12, %slice3A_13, %dot_general3A_14 {dimension_numbers = #tpu.dot_dimension_numbers<[1], [1], [0], [0], [0, 0, 1, 0], [], []>, transpose_lhs_hint = false} : vector<1024x64xf32>, vector<1024x64xf32>, vector<1024x1024xf32> -> vector<1024x1024xf32>
    %add3A = arith.addf %dot_general3A_7, %dot_general3A_15 : vector<1024x1024xf32>
    %get3A_16 = arith.constant 0 : index
    %get3A_17 = arith.constant 0 : index
    %get3A_18 = arith.constant 0 : index
    %get3A_19 = vector.load %arg3[%get3A_16, %get3A_17, %get3A_18] : memref<1x1024x128xf32, #tpu.memory_space<vmem>>, vector<1x1024x128xf32>
    %get3A_20 = vector.shape_cast %get3A_19 : vector<1x1024x128xf32> to vector<1024x128xf32>
    %slice3A_21 = vector.extract_strided_slice %get3A_1 {offsets = [0, 128], sizes = [1024, 128], strides = [1, 1]} : vector<1024x512xf32> to vector<1024x128xf32>
    %dot_general3A_22 = arith.constant dense<0.000000e+00> : vector<1024x1024xf32>
    %dot_general3A_23 = tpu.matmul %get3A_20, %slice3A_21, %dot_general3A_22 {dimension_numbers = #tpu.dot_dimension_numbers<[1], [1], [0], [0], [0, 0, 1, 0], [], []>, transpose_lhs_hint = false} : vector<1024x128xf32>, vector<1024x128xf32>, vector<1024x1024xf32> -> vector<1024x1024xf32>
    %add3A_24 = arith.addf %add3A, %dot_general3A_23 : vector<1024x1024xf32>
    %get3A_25 = arith.constant 0 : index
    %get3A_26 = arith.constant 0 : index
    %get3A_27 = arith.constant 0 : index
    %get3A_28 = vector.load %arg4[%get3A_25, %get3A_26, %get3A_27] : memref<1x1024x256xf32, #tpu.memory_space<vmem>>, vector<1x1024x256xf32>
    %get3A_29 = vector.shape_cast %get3A_28 : vector<1x1024x256xf32> to vector<1024x256xf32>
    %slice3A_30 = vector.extract_strided_slice %get3A_1 {offsets = [0, 256], sizes = [1024, 256], strides = [1, 1]} : vector<1024x512xf32> to vector<1024x256xf32>
    %dot_general3A_31 = arith.constant dense<0.000000e+00> : vector<1024x1024xf32>
    %dot_general3A_32 = tpu.matmul %get3A_29, %slice3A_30, %dot_general3A_31 {dimension_numbers = #tpu.dot_dimension_numbers<[1], [1], [0], [0], [0, 0, 1, 0], [], []>, transpose_lhs_hint = false} : vector<1024x256xf32>, vector<1024x256xf32>, vector<1024x1024xf32> -> vector<1024x1024xf32>
    %add3A_33 = arith.addf %add3A_24, %dot_general3A_32 : vector<1024x1024xf32>
    %reduce_sum3A = arith.constant dense<0.000000e+00> : vector<1024xf32>
    %reduce_sum3A_34 = vector.multi_reduction <add>, %add3A_33, %reduce_sum3A [0] : vector<1024x1024xf32> to vector<1024xf32>
    %mul3A = arith.mulf %add3A_33, %add3A_33 : vector<1024x1024xf32>
    %reduce_sum3A_35 = arith.constant dense<0.000000e+00> : vector<1024xf32>
    %reduce_sum3A_36 = vector.multi_reduction <add>, %mul3A, %reduce_sum3A_35 [0] : vector<1024x1024xf32> to vector<1024xf32>
    %reduce_max3A = arith.constant dense<0xFF800000> : vector<1024xf32>
    %reduce_max3A_37 = vector.multi_reduction <maximumf>, %add3A_33, %reduce_max3A [0] : vector<1024x1024xf32> to vector<1024xf32>
    %eq3A = arith.constant 0 : i32
    %eq3A_38 = arith.cmpi eq, %arg0, %eq3A : i32
    %convert_element_type3A = arith.extui %eq3A_38 : i1 to i32
    %cond3A = arith.constant 0 : i32
    %cond3A_39 = arith.cmpi ne, %convert_element_type3A, %cond3A : i32
    scf.if %cond3A_39 {
      %broadcast_in_dim3A_58 = arith.constant 0.000000e+00 : f32
      %broadcast_in_dim3A_59 = vector.broadcast %broadcast_in_dim3A_58 : f32 to vector<1x1024xf32>
      %swap3A_60 = arith.constant 0 : index
      %swap3A_61 = arith.constant 0 : index
      %swap3A_62 = vector.load %arg6[%swap3A_60, %swap3A_61] : memref<1x1024xf32, #tpu.memory_space<vmem>>, vector<1x1024xf32>
      tpu.vector_store %arg6[%swap3A_60, %swap3A_61], %broadcast_in_dim3A_59 {strides = array<i32>} : memref<1x1024xf32, #tpu.memory_space<vmem>>, vector<1x1024xf32>,
      %broadcast_in_dim3A_63 = arith.constant 0.000000e+00 : f32
      %broadcast_in_dim3A_64 = vector.broadcast %broadcast_in_dim3A_63 : f32 to vector<1x1024xf32>
      %swap3A_65 = arith.constant 0 : index
      %swap3A_66 = arith.constant 0 : index
      %swap3A_67 = vector.load %arg7[%swap3A_65, %swap3A_66] : memref<1x1024xf32, #tpu.memory_space<vmem>>, vector<1x1024xf32>
      tpu.vector_store %arg7[%swap3A_65, %swap3A_66], %broadcast_in_dim3A_64 {strides = array<i32>} : memref<1x1024xf32, #tpu.memory_space<vmem>>, vector<1x1024xf32>,
    } else {
    }
    %get3A_40 = arith.constant 0 : index
    %get3A_41 = arith.constant 0 : index
    %get3A_42 = vector.load %arg6[%get3A_40, %get3A_41] : memref<1x1024xf32, #tpu.memory_space<vmem>>, vector<1x1024xf32>
    %broadcast_in_dim3A = vector.shape_cast %reduce_sum3A_34 : vector<1024xf32> to vector<1x1024xf32>
    %add3A_43 = arith.addf %get3A_42, %broadcast_in_dim3A : vector<1x1024xf32>
    %swap3A = arith.constant 0 : index
    %swap3A_44 = arith.constant 0 : index
    %swap3A_45 = vector.load %arg6[%swap3A, %swap3A_44] : memref<1x1024xf32, #tpu.memory_space<vmem>>, vector<1x1024xf32>
    tpu.vector_store %arg6[%swap3A, %swap3A_44], %add3A_43 {strides = array<i32>} : memref<1x1024xf32, #tpu.memory_space<vmem>>, vector<1x1024xf32>,
    %get3A_46 = arith.constant 0 : index
    %get3A_47 = arith.constant 0 : index
    %get3A_48 = vector.load %arg7[%get3A_46, %get3A_47] : memref<1x1024xf32, #tpu.memory_space<vmem>>, vector<1x1024xf32>
    %broadcast_in_dim3A_49 = vector.shape_cast %reduce_sum3A_36 : vector<1024xf32> to vector<1x1024xf32>
    %add3A_50 = arith.addf %get3A_48, %broadcast_in_dim3A_49 : vector<1x1024xf32>
    %swap3A_51 = arith.constant 0 : index
    %swap3A_52 = arith.constant 0 : index
    %swap3A_53 = vector.load %arg7[%swap3A_51, %swap3A_52] : memref<1x1024xf32, #tpu.memory_space<vmem>>, vector<1x1024xf32>
    tpu.vector_store %arg7[%swap3A_51, %swap3A_52], %add3A_50 {strides = array<i32>} : memref<1x1024xf32, #tpu.memory_space<vmem>>, vector<1x1024xf32>,
    %broadcast_in_dim3A_54 = vector.shape_cast %reduce_max3A_37 : vector<1024xf32> to vector<1x1024xf32>
    %swap3A_55 = arith.index_cast %arg0 : i32 to index
    %swap3A_56 = arith.constant 0 : index
    %swap3A_57 = vector.load %arg8[%swap3A_55, %swap3A_56] : memref<16x1024xf32, #tpu.memory_space<vmem>>, vector<1x1024xf32>
    tpu.vector_store %arg8[%swap3A_55, %swap3A_56], %broadcast_in_dim3A_54 {strides = array<i32>} : memref<16x1024xf32, #tpu.memory_space<vmem>>, vector<1x1024xf32>,
    return
  }
  func.func @transform_0(%arg0: i32) -> (i32, i32, i32) {
    %c0_i32 = arith.constant 0 : i32
    %c0_i32_0 = arith.constant 0 : i32
    %c0_i32_1 = arith.constant 0 : i32
    return %arg0, %c0_i32, %c0_i32_0 : i32, i32, i32
  }
  func.func @transform_1(%arg0: i32) -> (i32, i32, i32) {
    %c0_i32 = arith.constant 0 : i32
    %c0_i32_0 = arith.constant 0 : i32
    %c0_i32_1 = arith.constant 0 : i32
    return %arg0, %c0_i32, %c0_i32_0 : i32, i32, i32
  }
  func.func @transform_2(%arg0: i32) -> (i32, i32, i32) {
    %c0_i32 = arith.constant 0 : i32
    %c0_i32_0 = arith.constant 0 : i32
    %c0_i32_1 = arith.constant 0 : i32
    return %arg0, %c0_i32, %c0_i32_0 : i32, i32, i32
  }
  func.func @transform_3(%arg0: i32) -> (i32, i32, i32) {
    %c0_i32 = arith.constant 0 : i32
    %c0_i32_0 = arith.constant 0 : i32
    %c0_i32_1 = arith.constant 0 : i32
    return %arg0, %c0_i32, %c0_i32_0 : i32, i32, i32
  }
  func.func @transform_4(%arg0: i32) -> (i32, i32) {
    %c0_i32 = arith.constant 0 : i32
    %c0_i32_0 = arith.constant 0 : i32
    %c0_i32_1 = arith.constant 0 : i32
    return %c0_i32, %c0_i32_0 : i32, i32
  }
  func.func @transform_5(%arg0: i32) -> (i32, i32) {
    %c0_i32 = arith.constant 0 : i32
    %c0_i32_0 = arith.constant 0 : i32
    %c0_i32_1 = arith.constant 0 : i32
    return %c0_i32, %c0_i32_0 : i32, i32
  }
  func.func @transform_6(%arg0: i32) -> (i32, i32) {
    %c0_i32 = arith.constant 0 : i32
    %c0_i32_0 = arith.constant 0 : i32
    %c0_i32_1 = arith.constant 0 : i32
    return %c0_i32, %c0_i32_0 : i32, i32
  }
  func.func @transform_7(%arg0: i32) -> (i32, i32) {
    %c0_i32 = arith.constant 0 : i32
    %c0_i32_0 = arith.constant 0 : i32
    %c0_i32_1 = arith.constant 0 : i32
    return %c0_i32, %c0_i32_0 : i32, i32
  }
}

module attributes {stable_mosaic.version = 14 : i64} {
  func.func @_final_norm_kernel(%arg0: memref<1x1024xf32, #tpu.memory_space<vmem>>, %arg1: memref<1x1024xf32, #tpu.memory_space<vmem>>, %arg2: memref<16x1024xf32, #tpu.memory_space<vmem>>, %arg3: memref<1024xf32, #tpu.memory_space<vmem>>, %arg4: memref<1024xf32, #tpu.memory_space<vmem>>, %arg5: memref<16x1024xf32, #tpu.memory_space<vmem>>) attributes {dimension_semantics = [], scalar_prefetch = 0 : i64, scratch_operands = 0 : i64, tpu.core_type = #tpu.core_type<tc>} {
    %get3A = arith.constant 0 : index
    %get3A_0 = arith.constant 0 : index
    %get3A_1 = vector.load %arg0[%get3A, %get3A_0] : memref<1x1024xf32, #tpu.memory_space<vmem>>, vector<1x1024xf32>
    %get3A_2 = vector.shape_cast %get3A_1 : vector<1x1024xf32> to vector<1024xf32>
    %div3A = arith.constant 1.638400e+04 : f32
    %div3A_3 = vector.broadcast %div3A : f32 to vector<1024xf32>
    %div3A_4 = arith.divf %get3A_2, %div3A_3 : vector<1024xf32>
    %get3A_5 = arith.constant 0 : index
    %get3A_6 = arith.constant 0 : index
    %get3A_7 = vector.load %arg1[%get3A_5, %get3A_6] : memref<1x1024xf32, #tpu.memory_space<vmem>>, vector<1x1024xf32>
    %get3A_8 = vector.shape_cast %get3A_7 : vector<1x1024xf32> to vector<1024xf32>
    %div3A_9 = arith.constant 1.638400e+04 : f32
    %div3A_10 = vector.broadcast %div3A_9 : f32 to vector<1024xf32>
    %div3A_11 = arith.divf %get3A_8, %div3A_10 : vector<1024xf32>
    %mul3A = arith.mulf %div3A_4, %div3A_4 : vector<1024xf32>
    %sub3A = arith.subf %div3A_11, %mul3A : vector<1024xf32>
    %get3A_12 = arith.constant 0 : index
    %get3A_13 = arith.constant 0 : index
    %get3A_14 = vector.load %arg2[%get3A_12, %get3A_13] : memref<16x1024xf32, #tpu.memory_space<vmem>>, vector<16x1024xf32>
    %broadcast_in_dim3A = vector.shape_cast %div3A_4 : vector<1024xf32> to vector<1x1024xf32>
    %sub3A_15 = vector.broadcast %broadcast_in_dim3A : vector<1x1024xf32> to vector<16x1024xf32>
    %sub3A_16 = arith.subf %get3A_14, %sub3A_15 : vector<16x1024xf32>
    %add3A = arith.constant 9.99999974E-6 : f32
    %add3A_17 = vector.broadcast %add3A : f32 to vector<1024xf32>
    %add3A_18 = arith.addf %sub3A, %add3A_17 : vector<1024xf32>
    %sqrt3A = math.sqrt %add3A_18 : vector<1024xf32>
    %broadcast_in_dim3A_19 = vector.shape_cast %sqrt3A : vector<1024xf32> to vector<1x1024xf32>
    %div3A_20 = vector.broadcast %broadcast_in_dim3A_19 : vector<1x1024xf32> to vector<16x1024xf32>
    %div3A_21 = arith.divf %sub3A_16, %div3A_20 : vector<16x1024xf32>
    %get3A_22 = arith.constant 0 : index
    %get3A_23 = vector.load %arg3[%get3A_22] : memref<1024xf32, #tpu.memory_space<vmem>>, vector<1024xf32>
    %broadcast_in_dim3A_24 = vector.shape_cast %get3A_23 : vector<1024xf32> to vector<1x1024xf32>
    %mul3A_25 = vector.broadcast %broadcast_in_dim3A_24 : vector<1x1024xf32> to vector<16x1024xf32>
    %mul3A_26 = arith.mulf %div3A_21, %mul3A_25 : vector<16x1024xf32>
    %get3A_27 = arith.constant 0 : index
    %get3A_28 = vector.load %arg4[%get3A_27] : memref<1024xf32, #tpu.memory_space<vmem>>, vector<1024xf32>
    %broadcast_in_dim3A_29 = vector.shape_cast %get3A_28 : vector<1024xf32> to vector<1x1024xf32>
    %add3A_30 = vector.broadcast %broadcast_in_dim3A_29 : vector<1x1024xf32> to vector<16x1024xf32>
    %add3A_31 = arith.addf %mul3A_26, %add3A_30 : vector<16x1024xf32>
    %ge3A = arith.constant 0.000000e+00 : f32
    %ge3A_32 = vector.broadcast %ge3A : f32 to vector<16x1024xf32>
    %ge3A_33 = arith.cmpf oge, %add3A_31, %ge3A_32 : vector<16x1024xf32>
    %mul3A_34 = arith.constant 2.000000e-01 : f32
    %mul3A_35 = vector.broadcast %mul3A_34 : f32 to vector<16x1024xf32>
    %mul3A_36 = arith.mulf %mul3A_35, %add3A_31 : vector<16x1024xf32>
    %select_n3A = arith.select %ge3A_33, %add3A_31, %mul3A_36 : vector<16x1024xi1>, vector<16x1024xf32>
    %swap3A = arith.constant 0 : index
    %swap3A_37 = arith.constant 0 : index
    %swap3A_38 = vector.load %arg5[%swap3A, %swap3A_37] : memref<16x1024xf32, #tpu.memory_space<vmem>>, vector<16x1024xf32>
    tpu.vector_store %arg5[%swap3A, %swap3A_37], %select_n3A {strides = array<i32>} : memref<16x1024xf32, #tpu.memory_space<vmem>>, vector<16x1024xf32>,
    return
  }
}

</mosaic_0001>

<sc_bundles>
// kernel: kernel.29.cloned.1.call-start
scs
__scs_entry_jumppad:
0x0: {  	(pc) =	sbr.rel $0x88, $3  }
0x1: {  	(tag) =	ssettag $0x0;
	lr =	simm.s32 $0x1  }
0x2: {  	[smem:$0x3F91] =	sst lr;
	_ =	strace $0xD0000000  }
0x3: {  	_ = 	snop  }
0x4: {  	_ = 	snop  }
0x5: {  	_ = 	snop  }
0x6: {  	_ = 	snop  }
0x7: {  	_ = 	snop  }
__scs_overlays_trampoline_lowered:
0x8: {  	[smem:$0x3FA0] =	sst s0  }
0x9: {  	[smem:$0x3FA1] =	sst s1  }
0xa: {  	[smem:$0x3FA2] =	sst s2  }
0xb: {  	[smem:$0x3FA3] =	sst s3  }
0xc: {  	[smem:$0x3FA4] =	sst s4  }
0xd: {  	[smem:$0x3FA5] =	sst s5  }
0xe: {  	[smem:$0x3FA6] =	sst s6  }
0xf: {  	[smem:$0x3FA7] =	sst s7  }
0x10: {  	[smem:$0x3FA8] =	sst s8  }
0x11: {  	[smem:$0x3FA9] =	sst s9;
	s0 =	simm.s32 @!p0 $0x0  }
0x12: {  	s1 =	sld [smem:$0x3F8F];
	s0 =	simm.s32 @p0 $0x1  }
0x13: {  	[smem:$0x3FAA] =	sst s0;
	s0 =	simm.s32 @!p1 $0x0  }
0x14: {  	s2 =	sld [smem:$0x3F8E];
	s0 =	simm.s32 @p1 $0x1  }
0x15: {  	[smem:$0x3FAB] =	sst s0;
	s0 =	simm.s32 @!p2 $0x0  }
0x16: {  	s3 =	sld [smem:$0x3FDB];
	s0 =	simm.s32 @p2 $0x1  }
0x17: {  	s4 =	simm.s32 $0x1BF5;
	[smem:$0x3FAD] =	sst s0  }
0x18: {  	s0 =	sld [smem:$0x3F90];
	_ =	swait.ge [sflag:s4], $0x0  }
0x19: {  	s7 =	sld [smem:$0x3F91]  }
0x1a: {  	s8 =	sadd.s32 $0xFFFFE003, lr  }
0x1b: {  	s9 =	sadd.s32 $0xFFFFFEF7, lr;
	s5 =	simm.s32 $0xFFFFFFFF;
	p2 =	slt.u32 s8, $0xFFFFF086  }
0x1c: {  	p1 =	slt.u32 s9, $0xF7A;
	s5 =	simm.s32 @!p2 $0x0  }
0x1d: {  	s5 =	simm.s32 @p1 $0x1;
	p0 =	seq.s32 s7, s2  }
0x1e: {  	s7 =	smul.u32 @!p0 $0xF7A, s2;
	p2 =	seq.s32 @!p0 s5, $0x0  }
0x1f: {  	s9 =	smul.u32 $0xF7A, s1;
	s8 =	simm.s32 @!p0 $0x1BF5;
	p2 =	por !p2, p0  }
0x20: {  	[sflag:s8] =	ssyncset.s32 @!p0 $0xFFFFF086;
	s6 =	sadd.s32 @!p0 s3, s7;
	s7 =	simm.s32 @!p0 $0x108  }
0x21: {  	s3 =	sadd.s32 s3, s9;
	s6 =	sadd.s32 @!p0 $0x88, s6;
	s7 =	simm.s32 @p2 $0x1082  }
0x22: {  	[simem:s7], [sflag:s8] =	dma.local @!p0 [hbm:s6], $0xF7A  }
0x23: {  	s9 =	sor.u32 $0xD0000000, s2;
	s6 =	simm.s32 $0x108;
	_ =	swait.ge @!p0 [sflag:s8], $0x0  }
0x24: {  	s3 =	sadd.s32 $0x88, s3;
	s6 =	simm.s32 @!p1 $0x1082;
	[sflag:s4] =	ssyncset.s32 $0xFFFFF086  }
0x25: {  	[simem:s6], [sflag:s4] =	dma.local [hbm:s3], $0xF7A  }
0x26: {  	[smem:$0x3F91] =	sst s1;
	(tag) =	ssettag s2;
	_ =	strace s9  }
0x27: {  	s1 =	sld [smem:$0x3FA1]  }
0x28: {  	s2 =	sld [smem:$0x3FA2]  }
0x29: {  	s4 =	sld [smem:$0x3FA4]  }
0x2a: {  	p0 =	seq.s32 s5, $0x0;
	s5 =	sld [smem:$0x3FA5]  }
0x2b: {  	s6 =	sld [smem:$0x3FA6]  }
0x2c: {  	s7 =	sld [smem:$0x3FA7]  }
0x2d: {  	s3 =	simm.s32 $0x108;
	s8 =	sld [smem:$0x3FA8]  }
0x2e: {  	s3 =	simm.s32 @!p0 $0x1082;
	s9 =	sld [smem:$0x3FA9]  }
0x2f: {  	lr =	sadd.s32 s0, s3;
	s0 =	sld [smem:$0x3FA0]  }
0x30: {  	s3 =	sld [smem:$0x3FA3]  }
0x31: {  	[smem:$0x3FAC] =	sst s10  }
0x32: {  	s10 =	sld [smem:$0x3FAA];
	_ =	sdelay $0x3  }
0x33: {  	p0 =	seq.s32 s10, $0x1;
	s10 =	sld [smem:$0x3FAC];
	_ =	sdelay $0x3  }
0x34: {  	[smem:$0x3FAC] =	sst s10  }
0x35: {  	s10 =	sld [smem:$0x3FAB];
	_ =	sdelay $0x3  }
0x36: {  	p1 =	seq.s32 s10, $0x1;
	s10 =	sld [smem:$0x3FAC];
	_ =	sdelay $0x3  }
0x37: {  	[smem:$0x3FAC] =	sst s10  }
0x38: {  	s10 =	sld [smem:$0x3FAD]  }
0x39: {  	_ = 	snop;
	(pc) =	sbr.ind lr, $3  }
0x3a: {  	_ = 	snop  }
0x3b: {  	_ = 	snop  }
0x3c: {  	p2 =	seq.s32 s10, $0x1;
	s10 =	sld [smem:$0x3FAC]  }
0x3d: {  	_ =	shalt  }
0x3e: {  	_ =	shalt  }
0x3f: {  	_ =	shalt  }
0x40: {  	_ =	shalt  }
0x41: {  	_ =	shalt  }
0x42: {  	_ =	shalt  }
0x43: {  	_ =	shalt  }
0x44: {  	_ =	shalt  }
0x45: {  	_ =	shalt  }
0x46: {  	_ =	shalt  }
0x47: {  	_ =	shalt  }
0x48: {  	_ =	shalt  }
0x49: {  	_ =	shalt  }
0x4a: {  	_ =	shalt  }
0x4b: {  	_ =	shalt  }
0x4c: {  	_ =	shalt  }
0x4d: {  	_ =	shalt  }
0x4e: {  	_ =	shalt  }
0x4f: {  	_ =	shalt  }
0x50: {  	_ =	shalt  }
0x51: {  	_ =	shalt  }
0x52: {  	_ =	shalt  }
0x53: {  	_ =	shalt  }
0x54: {  	_ =	shalt  }
0x55: {  	_ =	shalt  }
0x56: {  	_ =	shalt  }
0x57: {  	_ =	shalt  }
0x58: {  	_ =	shalt  }
0x59: {  	_ =	shalt  }
0x5a: {  	_ =	shalt  }
0x5b: {  	_ =	shalt  }
0x5c: {  	_ =	shalt  }
0x5d: {  	_ =	shalt  }
0x5e: {  	_ =	shalt  }
0x5f: {  	_ =	shalt  }
0x60: {  	_ =	shalt  }
0x61: {  	_ =	shalt  }
0x62: {  	_ =	shalt  }
0x63: {  	_ =	shalt  }
0x64: {  	_ =	shalt  }
0x65: {  	_ =	shalt  }
0x66: {  	_ =	shalt  }
0x67: {  	_ =	shalt  }
0x68: {  	_ =	shalt  }
0x69: {  	_ =	shalt  }
0x6a: {  	_ =	shalt  }
0x6b: {  	_ =	shalt  }
0x6c: {  	_ =	shalt  }
0x6d: {  	_ =	shalt  }
0x6e: {  	_ =	shalt  }
0x6f: {  	_ =	shalt  }
0x70: {  	_ =	shalt  }
0x71: {  	_ =	shalt  }
0x72: {  	_ =	shalt  }
0x73: {  	_ =	shalt  }
0x74: {  	_ =	shalt  }
0x75: {  	_ =	shalt  }
0x76: {  	_ =	shalt  }
0x77: {  	_ =	shalt  }
0x78: {  	_ =	shalt  }
0x79: {  	_ =	shalt  }
0x7a: {  	_ =	shalt  }
0x7b: {  	_ =	shalt  }
0x7c: {  	_ =	shalt  }
0x7d: {  	_ =	shalt  }
0x7e: {  	_ =	shalt  }
0x7f: {  	_ =	shalt  }
0x80: {  	_ =	shalt  }
0x81: {  	_ =	shalt  }
0x82: {  	_ =	shalt  }
0x83: {  	_ =	shalt  }
0x84: {  	_ =	shalt  }
0x85: {  	_ =	shalt  }
0x86: {  	_ =	shalt  }
0x87: {  	_ =	shalt  }
.Lfunc_end0:
.L_simem_size_0:
called_computation_lowered:
.L_overlay_start_0:
0x88: {  	s2 =	sld [smem:$0x3FD9]  }
0x89: {  	s3 =	sld [smem:$0x3FFE];
	_ =	sdelay $0x1  }
0x8a: {  	s1 =	srdreg.scid  }
0x8b: {  	s0 =	sand.u32 $0x1, s1  }
0x8c: {  	s17 =	sshll.u32 s0, $0xA;
	s2 =	sadd.s32 s3, s2  }
0x8d: {  	s2 =	sadd.s32 s2, s17  }
0x8e: {  	[smem:$0x3FB8] =	sst s2  }
0x8f: {  	_ = 	snop  }
0x90: {  	(tm) =	ssettm $0x1  }
0x91: {  	s18 =	sld [smem:$0x3FFB];
	_ =	sdelay $0x3  }
0x92: {  	_ =	strace s18  }
0x93: {  	s2 =	sld [smem:$0x3FFC];
	_ =	sdelay $0x3  }
0x94: {  	_ =	strace s2  }
0x95: {  	s2 =	sld [smem:$0x3FFD];
	_ =	sdelay $0x3  }
0x96: {  	_ =	strace s2  }
0x97: {  	_ =	strace $0x8FFFFFFF  }
0x98: {  	s19 =	sld [smem:$0x3FDB];
	_ =	sdelay $0x1  }
0x99: {  	s20 =	simm.s32 $_scs_section_size  }
0x9a: {  	s4 =	simm.s32 $_size__tile_overlayer_lowered;
	s5 =	simm.s32 $_tile_overlayer_lowered  }
0x9b: {  	s6 =	simm.s32 $0x1BFF;
	s21 =	sshll.u32 s5, $0x1;
	s3 =	sadd.s32 s20, s19  }
0x9c: {  	s22 =	simm.s32 $0x0;
	s4 =	sshll.u32 s4, $0x1;
	s5 =	sadd.s32 s21, s3  }
0x9d: {  	[timem:s22], [sflag:s6] =	dma.local [hbm:s5], s4  }
0x9e: {  	_ =	swait.ge [sflag:s6], s4  }
0x9f: {  	s4 =	ssub.s32 $0x0, s4;
	[sflag:s6] =	ssyncset.done $0x0  }
0xa0: {  	[sflag:s6] =	ssyncadd.s32 s4;
	_ =	sdelay $0x1  }
0xa1: {  	s23 =	simm.s32 $0x1B8B  }
0xa2: {  	_ =	swait.ge [sflag:s23], $0x1  }
0xa3: {  	[sflag:s23] =	ssyncset.done $0x0  }
0xa4: {  	[sflag:s23] =	ssyncadd.s32 $0xFFFFFFFF  }
0xa5: {  	s4 =	sld [smem:$0x0]  }
0xa6: {  	s5 =	sand.u32 $0xFFFFFFFE, s1  }
0xa7: {  	p0 =	sne.s32 s1, s5  }
0xa8: {  	s5 =	sshll.u32 @p0 s5, $0xE  }
0xa9: {  	s5 =	sadd.s32 @p0 $0x11B8D, s5;
	s6 =	sshll.u32 @p0 s4, $0x11  }
0xaa: {  	s5 =	sor.u32 @p0 s6, s5  }
0xab: {  	[sflag:s5] =	ssyncadd.remote.s32 @p0 $0x1;
	_ =	sdelay $0x1  }
0xac: {  	s5 =	simm.s32 @p0 $0x1B8D  }
0xad: {  	_ =	swait.eq @p0 [sflag:s5], $0x1  }
0xae: {  	[sflag:s5] =	ssyncadd.s32 @p0 $0xFFFFFFFF  }
0xaf: {  	s6 =	sshll.u32 @!p0 s1, $0xE  }
0xb0: {  	s6 =	sor.u32 @!p0 $0x4000, s6;
	s5 =	simm.s32 @!p0 $0x1B8D  }
0xb1: {  	s4 =	sshll.u32 @!p0 s4, $0x11;
	s6 =	sadd.s32 @!p0 $0x11B8D, s6;
	_ =	swait.eq @!p0 [sflag:s5], $0x1  }
0xb2: {  	s4 =	sor.u32 @!p0 s4, s6;
	[sflag:s5] =	ssyncadd.s32 @!p0 $0xFFFFFFFF  }
0xb3: {  	s25 =	simm.s32 $0x1B8E;
	s24 =	sld [smem:$0x3FFE];
	[sflag:s4] =	ssyncadd.remote.s32 @!p0 $0x1  }
0xb4: {  	s26 =	simm.s32 $execute0_lowered;
	[smem:$0x3FD2] =	sst s25  }
0xb5: {  	s5 =	sshll.u32 s26, $0x1;
	_ =	strace $0x80000049;
	[dreg:$0x1] =	wrdreg $0xFFFFFFFF  }
0xb6: {  	s28 =	simm.s32 $_size_execute0_lowered;
	s3 =	sadd.s32 s3, s5;
	[dreg:$0x0] =	wrdreg $0x0  }
0xb7: {  	s5 =	sshll.u32 s28, $0x1;
	[dreg:$0x2] =	wrdreg s3  }
0xb8: {  	[dreg:$0x3] =	wrdreg s5  }
0xb9: {  	[dreg:$0x4] =	wrdreg $0xC0  }
0xba: {  	_ =	task [dreg:s22], $0x5FFFF  }
0xbb: {  	[dreg:$0x1] =	wrdreg $0xFFFFFFFF  }
0xbc: {  	[dreg:$0x0] =	wrdreg $0x60  }
0xbd: {  	[dreg:$0x2] =	wrdreg s24  }
0xbe: {  	[dreg:$0x3] =	wrdreg $0x9  }
0xbf: {  	_ =	task.clear_ibuf [dreg:s22], $0x4FFFF;
	_ =	strace $0x90000049  }
0xc0: {  	s29 =	simm.s32 $0x9;
	_ =	strace $0x8000004B  }
0xc1: {  	_ =	swait.ge [sflag:s29], $0x1  }
0xc2: {  	[sflag:s29] =	ssyncadd.s32 $0xFFFFFFFF  }
0xc3: {  	_ =	strace $0x9000004B  }
0xc4: {  	_ =	sfence  }
0xc5: {  	s30 =	sld [smem:$0x0];
	_ =	sdelay $0x2  }
0xc6: {  	s31 =	sshll.u32 s1, $0xD;
	s1 =	sshrl.u32 s1, $0x2  }
0xc7: {  	s4 =	sand.u32 $0x4000, s31;
	s1 =	sadd.s32 s1, s30  }
0xc8: {  	s0 =	sor.u32 s4, s0;
	s1 =	sshll.u32 s1, $0x11  }
0xc9: {  	s0 =	sor.u32 s1, s0  }
0xca: {  	s0 =	sadd.s32 $0x8F2B, s0  }
0xcb: {  	[sflag:s0] =	ssyncadd.remote.s32 $0x1  }
0xcc: {  	_ =	sfence.sel $0xFFFF  }
0xcd: {  	[dreg:$0x0] =	wrdreg $0xFFFFFFFF;
	(pc) =	sbr.abs _section_cstart, $3  }
0xce: {  	[dreg:$0x1] =	wrdreg $0xFFFFFFFF  }
0xcf: {  	_ =	task.clear_ibuf [dreg:s22], $0x2FFFF;
	_ =	strace $0x9FFFFFFF  }
0xd0: {  	(tm) =	ssettm $0x7FFFFFFF  }
0xd1: {  	_ =	shalt  }
tec
execute0_lowered:
.L_overlay_start_1:
0x0: {  	(tag) =	ssettag $0x1  }
0x1: {  	s4 =	rddreg [dreg:$0x0]  }
0x2: {  	s0 =	rddreg [dreg:$0x1];
	s2 =	simm.s32 $0x0  }
0x3: {  	s3 =	srdreg.scid;
	s1 =	stileid.u32;
	s12 =	simm.s32 $0x900  }
0x4: {  	s13 =	simm.s32 $0x1;
	s14 =	simm.s32 $0x2;
	s15 =	simm.s32 $0x0  }
0x5: {  	[smem:$0x7FF] =	sst s2;
	s5 =	sand.u32 $0x1, s3;
	s6 =	smul.u32 $0x2800, s1  }
0x6: {  	s3 =	sadd.s32 $0x61C00, s4;
	s8 =	sadd.s32 $0x65C00, s4;
	s10 =	smul.u32 $0x5000, s1  }
0x7: {  	s9 =	sadd.s32 $0x6AC00, s4;
	s7 =	smul.u32 $0x1400, s5;
	s25 =	ssub.s32 $0x2, s5  }
0x8: {  	_ =	strace $0x8000004A;
	s5 =	smul.u32 $0x2800, s5;
	s11 =	sshrl.u32 s25, $0x1  }
0x9: {  	s26 =	sadd.s32 s10, s9;
	s10 =	simm.s32 $0x80;
	s7 =	sadd.s32 s7, s6  }
0xa: {  	s4 =	ssub.s32 s25, s11;
	s5 =	sadd.s32 s5, s26;
	s28 =	sor.u32 $0x80, s7  }
0xb: {  	s11 =	simm.s32 $0x880;
	s4 =	smax.u32 s4, $0x1;
	s29 =	sshll.u32 s28, $0x1  }
0xc: {  	s31 =	sshrl.u32 s7, $0x3;
	s30 =	sshrl.u32 s28, $0x3;
	s6 =	sadd.s32 s29, s9  }
0xd: {  	s7 =	sadd.s32 s30, s8;
	s8 =	sadd.s32 s31, s8;
	s9 =	simm.s32 $0x3  }
.LBB2_1:
0xe: {  	s16 =	sadd.s32 $0x0, s8  }
0xf: {  	[tilespmem:s2], [sflag:$0x3] =	stream.linear.gather [hbm4b:s16+s2], $0x80, $0x38;
	[tilespmem:$0x1100] =	vst v63  }
0x10: {  	_ =	swait.ge [sflag:s9], $0x80  }
0x11: {  	[sflag:s9] =	ssyncset.done $0x0  }
0x12: {  	[sflag:s9] =	ssyncadd.s32 $0xFFFFFF80  }
0x13: {  	[tilespmem:s10], [sflag:$0x1] =	stream.indirect.gather [hbm4b:s3+s10], $0x10, s2, s10, $0xb8;
	[tilespmem:$0x1100] =	vst v63  }
0x14: {  	s31 =	sadd.s32 $0x0, s7  }
0x15: {  	[tilespmem:s11], [sflag:$0x3] =	stream.linear.gather [hbm4b:s31+s2], $0x80, $0x38;
	[tilespmem:$0x1100] =	vst v63  }
0x16: {  	_ =	swait.ge [sflag:s9], $0x80  }
0x17: {  	[sflag:s9] =	ssyncset.done $0x0  }
0x18: {  	[sflag:s9] =	ssyncadd.s32 $0xFFFFFF80  }
0x19: {  	[tilespmem:s12], [sflag:$0x2] =	stream.indirect.gather [hbm4b:s3+s10], $0x10, s11, s10, $0xb8;
	[tilespmem:$0x1100] =	vst v63  }
0x1a: {  	_ =	swait.ge [sflag:s13], $0x800  }
0x1b: {  	[sflag:s13] =	ssyncset.done $0x0  }
0x1c: {  	[sflag:s13] =	ssyncadd.s32 $0xFFFFF800  }
0x1d: {  	[hbm4b:s5+s2] =	stream.linear.scatter [tilespmem:s10], [sflag:$0x3], $0x800, $0x38;
	[tilespmem:$0x1100] =	vst v63  }
0x1e: {  	_ =	swait.ge [sflag:s9], $0x800  }
0x1f: {  	[sflag:s9] =	ssyncset.done $0x0  }
0x20: {  	[sflag:s9] =	ssyncadd.s32 $0xFFFFF800  }
0x21: {  	_ =	swait.ge [sflag:s14], $0x800  }
0x22: {  	[sflag:s14] =	ssyncset.done $0x0  }
0x23: {  	[sflag:s14] =	ssyncadd.s32 $0xFFFFF800  }
0x24: {  	[hbm4b:s6+s2] =	stream.linear.scatter [tilespmem:s12], [sflag:$0x3], $0x800, $0x38;
	[tilespmem:$0x1100] =	vst v63  }
0x25: {  	s18 =	simm.s32 $0x20;
	s19 =	simm.s32 $0x40;
	_ =	swait.ge [sflag:s9], $0x800  }
0x26: {  	s17 =	sadd.s32 $0x200, s5;
	s16 =	sadd.s32 $0x200, s6;
	[sflag:s9] =	ssyncset.done $0x0  }
.LBB2_2:
0x27: {  	s20 =	sadd.s32 s18, s8  }
0x28: {  	[sflag:s9] =	ssyncadd.s32 $0xFFFFF800;
	s21 =	smov.u32 s19;
	s22 =	sadd.s32 $0x20, s19  }
0x29: {  	[tilespmem:s2], [sflag:$0x3] =	stream.linear.gather [hbm4b:s20+s2], $0x80, $0x38;
	[tilespmem:$0x1100] =	vst v63  }
0x2a: {  	p0 =	sne.s32 s19, $0x260;
	_ =	swait.ge [sflag:s9], $0x80  }
0x2b: {  	[sflag:s9] =	ssyncset.done $0x0  }
0x2c: {  	[sflag:s9] =	ssyncadd.s32 $0xFFFFFF80  }
0x2d: {  	[tilespmem:s10], [sflag:$0x1] =	stream.indirect.gather [hbm4b:s3+s10], $0x10, s2, s10, $0xb8;
	[tilespmem:$0x1100] =	vst v63  }
0x2e: {  	s19 =	sadd.s32 s18, s7;
	s18 =	smov.u32 s21  }
0x2f: {  	[tilespmem:s11], [sflag:$0x3] =	stream.linear.gather [hbm4b:s19+s2], $0x80, $0x38;
	[tilespmem:$0x1100] =	vst v63  }
0x30: {  	_ =	swait.ge [sflag:s9], $0x80  }
0x31: {  	[sflag:s9] =	ssyncset.done $0x0  }
0x32: {  	[sflag:s9] =	ssyncadd.s32 $0xFFFFFF80  }
0x33: {  	[tilespmem:s12], [sflag:$0x2] =	stream.indirect.gather [hbm4b:s3+s10], $0x10, s11, s10, $0xb8;
	[tilespmem:$0x1100] =	vst v63  }
0x34: {  	_ =	swait.ge [sflag:s13], $0x800  }
0x35: {  	[sflag:s13] =	ssyncset.done $0x0  }
0x36: {  	[sflag:s13] =	ssyncadd.s32 $0xFFFFF800  }
0x37: {  	[hbm4b:s17+s2] =	stream.linear.scatter [tilespmem:s10], [sflag:$0x3], $0x800, $0x38;
	[tilespmem:$0x1100] =	vst v63  }
0x38: {  	_ =	swait.ge [sflag:s9], $0x800  }
0x39: {  	[sflag:s9] =	ssyncset.done $0x0  }
0x3a: {  	[sflag:s9] =	ssyncadd.s32 $0xFFFFF800  }
0x3b: {  	_ =	swait.ge [sflag:s14], $0x800  }
.Ltmp0:
0x3c: {  	[sflag:s14] =	ssyncset.done $0x0;
	(pc) =	sbr.rel @p0 .LBB2_2-.Ltmp0, $4  }
0x3d: {  	[sflag:s14] =	ssyncadd.s32 $0xFFFFF800  }
0x3e: {  	[hbm4b:s16+s2] =	stream.linear.scatter [tilespmem:s12], [sflag:$0x3], $0x800, $0x38;
	[tilespmem:$0x1100] =	vst v63  }
0x3f: {  	s19 =	smov.u32 s22;
	_ =	swait.ge [sflag:s9], $0x800  }
0x40: {  	s17 =	sadd.s32 $0x200, s17;
	s16 =	sadd.s32 $0x200, s16;
	[sflag:s9] =	ssyncset.done $0x0  }
0x41: {  	s19 =	sadd.s32 s18, s8;
	[sflag:s9] =	ssyncadd.s32 $0xFFFFF800  }
0x42: {  	[tilespmem:s2], [sflag:$0x3] =	stream.linear.gather [hbm4b:s19+s2], $0x80, $0x38;
	[tilespmem:$0x1100] =	vst v63  }
0x43: {  	_ =	swait.ge [sflag:s9], $0x80  }
0x44: {  	[sflag:s9] =	ssyncset.done $0x0  }
0x45: {  	[sflag:s9] =	ssyncadd.s32 $0xFFFFFF80  }
0x46: {  	[tilespmem:s10], [sflag:$0x1] =	stream.indirect.gather [hbm4b:s3+s10], $0x10, s2, s10, $0xb8;
	[tilespmem:$0x1100] =	vst v63  }
0x47: {  	s31 =	sadd.s32 s18, s7  }
0x48: {  	[tilespmem:s11], [sflag:$0x3] =	stream.linear.gather [hbm4b:s31+s2], $0x80, $0x38;
	[tilespmem:$0x1100] =	vst v63  }
0x49: {  	_ =	swait.ge [sflag:s9], $0x80  }
0x4a: {  	[sflag:s9] =	ssyncset.done $0x0  }
0x4b: {  	[sflag:s9] =	ssyncadd.s32 $0xFFFFFF80  }
0x4c: {  	[tilespmem:s12], [sflag:$0x2] =	stream.indirect.gather [hbm4b:s3+s10], $0x10, s11, s10, $0xb8;
	[tilespmem:$0x1100] =	vst v63  }
0x4d: {  	_ =	swait.ge [sflag:s13], $0x800  }
0x4e: {  	[sflag:s13] =	ssyncset.done $0x0  }
0x4f: {  	[sflag:s13] =	ssyncadd.s32 $0xFFFFF800  }
0x50: {  	[hbm4b:s17+s2] =	stream.linear.scatter [tilespmem:s10], [sflag:$0x3], $0x800, $0x38;
	[tilespmem:$0x1100] =	vst v63  }
0x51: {  	_ =	swait.ge [sflag:s9], $0x800  }
0x52: {  	[sflag:s9] =	ssyncset.done $0x0  }
0x53: {  	[sflag:s9] =	ssyncadd.s32 $0xFFFFF800  }
0x54: {  	s15 =	sadd.s32 $0x1, s15;
	_ =	swait.ge [sflag:s14], $0x800  }
0x55: {  	p0 =	sne.s32 s15, s4;
	[sflag:s14] =	ssyncset.done $0x0  }
.Ltmp1:
0x56: {  	[sflag:s14] =	ssyncadd.s32 $0xFFFFF800;
	(pc) =	sbr.rel @p0 .LBB2_1-.Ltmp1, $4  }
0x57: {  	[hbm4b:s16+s2] =	stream.linear.scatter [tilespmem:s12], [sflag:$0x3], $0x800, $0x38;
	[tilespmem:$0x1100] =	vst v63  }
0x58: {  	_ =	swait.ge [sflag:s9], $0x800  }
0x59: {  	[sflag:s9] =	ssyncset.done $0x0  }
0x5a: {  	[sflag:s9] =	ssyncadd.s32 $0xFFFFF800  }
0x5b: {  	_ =	sfence.sel $0x180000  }
0x5c: {  	[bflag:$0x0] =	sbarrier.arrive $0xFFFF  }
0x5d: {  	p0 =	sne.s32 s1, $0x0;
	_ =	strace $0x9000004A  }
0x5e: {  	s0 =	sadd.s32 @!p0 $0x100000, s0;
	[bflag:$0x2] =	sbarrier.arrive $0xFFFF  }
0x5f: {  	[sflag:s0] =	ssyncadd.tile.s32 @!p0 $0x1;
	_ =	shalt  }
.Lfunc_end2:
_tile_overlayer_lowered:
.L_overlay_start_2:
0x60: {  	(tag) =	ssettag $0x2  }
0x61: {  	s0 =	rddreg [dreg:$0x0];
	s2 =	stileid.u32  }
0x62: {  	s1 =	rddreg [dreg:$0x1];
	p0 =	sne.s32 s2, $0x0  }
0x63: {  	s3 =	rddreg [dreg:$0x2];
	[bflag:$0x3] =	sbarrier.arrive $0xFFFF;
	s2 =	simm.s32 @!p0 $0x1C03  }
0x64: {  	[timem:s3], [sflag:s2] =	dma.local @!p0 [hbm:s0], s1  }
0x65: {  	s0 =	simm.s32 @!p0 $0x3  }
0x66: {  	_ =	swait.ge @!p0 [sflag:s0], s1  }
0x67: {  	s1 =	ssub.s32 @!p0 $0x0, s1;
	[sflag:s0] =	ssyncset.done @!p0 $0x0  }
0x68: {  	[sflag:s0] =	ssyncadd.s32 @!p0 s1  }
0x69: {  	[bflag:$0x3] =	sbarrier.arrive $0xFFFF  }
0x6a: {  	_ =	shalt  }

// kernel: kernel.32.cloned.1.call-start
scs
__scs_entry_jumppad:
0x0: {  	(pc) =	sbr.rel $0x88, $3  }
0x1: {  	(tag) =	ssettag $0x0;
	lr =	simm.s32 $0x1  }
0x2: {  	[smem:$0x3F91] =	sst lr;
	_ =	strace $0xD0000000  }
0x3: {  	_ = 	snop  }
0x4: {  	_ = 	snop  }
0x5: {  	_ = 	snop  }
0x6: {  	_ = 	snop  }
0x7: {  	_ = 	snop  }
__scs_overlays_trampoline_lowered:
0x8: {  	[smem:$0x3FA0] =	sst s0  }
0x9: {  	[smem:$0x3FA1] =	sst s1  }
0xa: {  	[smem:$0x3FA2] =	sst s2  }
0xb: {  	[smem:$0x3FA3] =	sst s3  }
0xc: {  	[smem:$0x3FA4] =	sst s4  }
0xd: {  	[smem:$0x3FA5] =	sst s5  }
0xe: {  	[smem:$0x3FA6] =	sst s6  }
0xf: {  	[smem:$0x3FA7] =	sst s7  }
0x10: {  	[smem:$0x3FA8] =	sst s8  }
0x11: {  	[smem:$0x3FA9] =	sst s9;
	s0 =	simm.s32 @!p0 $0x0  }
0x12: {  	s1 =	sld [smem:$0x3F8F];
	s0 =	simm.s32 @p0 $0x1  }
0x13: {  	[smem:$0x3FAA] =	sst s0;
	s0 =	simm.s32 @!p1 $0x0  }
0x14: {  	s2 =	sld [smem:$0x3F8E];
	s0 =	simm.s32 @p1 $0x1  }
0x15: {  	[smem:$0x3FAB] =	sst s0;
	s0 =	simm.s32 @!p2 $0x0  }
0x16: {  	s3 =	sld [smem:$0x3FDB];
	s0 =	simm.s32 @p2 $0x1  }
0x17: {  	s4 =	simm.s32 $0x1BF5;
	[smem:$0x3FAD] =	sst s0  }
0x18: {  	s0 =	sld [smem:$0x3F90];
	_ =	swait.ge [sflag:s4], $0x0  }
0x19: {  	s7 =	sld [smem:$0x3F91]  }
0x1a: {  	s8 =	sadd.s32 $0xFFFFE003, lr  }
0x1b: {  	s9 =	sadd.s32 $0xFFFFFEF7, lr;
	s5 =	simm.s32 $0xFFFFFFFF;
	p2 =	slt.u32 s8, $0xFFFFF086  }
0x1c: {  	p1 =	slt.u32 s9, $0xF7A;
	s5 =	simm.s32 @!p2 $0x0  }
0x1d: {  	s5 =	simm.s32 @p1 $0x1;
	p0 =	seq.s32 s7, s2  }
0x1e: {  	s7 =	smul.u32 @!p0 $0xF7A, s2;
	p2 =	seq.s32 @!p0 s5, $0x0  }
0x1f: {  	s9 =	smul.u32 $0xF7A, s1;
	s8 =	simm.s32 @!p0 $0x1BF5;
	p2 =	por !p2, p0  }
0x20: {  	[sflag:s8] =	ssyncset.s32 @!p0 $0xFFFFF086;
	s6 =	sadd.s32 @!p0 s3, s7;
	s7 =	simm.s32 @!p0 $0x108  }
0x21: {  	s3 =	sadd.s32 s3, s9;
	s6 =	sadd.s32 @!p0 $0x88, s6;
	s7 =	simm.s32 @p2 $0x1082  }
0x22: {  	[simem:s7], [sflag:s8] =	dma.local @!p0 [hbm:s6], $0xF7A  }
0x23: {  	s9 =	sor.u32 $0xD0000000, s2;
	s6 =	simm.s32 $0x108;
	_ =	swait.ge @!p0 [sflag:s8], $0x0  }
0x24: {  	s3 =	sadd.s32 $0x88, s3;
	s6 =	simm.s32 @!p1 $0x1082;
	[sflag:s4] =	ssyncset.s32 $0xFFFFF086  }
0x25: {  	[simem:s6], [sflag:s4] =	dma.local [hbm:s3], $0xF7A  }
0x26: {  	[smem:$0x3F91] =	sst s1;
	(tag) =	ssettag s2;
	_ =	strace s9  }
0x27: {  	s1 =	sld [smem:$0x3FA1]  }
0x28: {  	s2 =	sld [smem:$0x3FA2]  }
0x29: {  	s4 =	sld [smem:$0x3FA4]  }
0x2a: {  	p0 =	seq.s32 s5, $0x0;
	s5 =	sld [smem:$0x3FA5]  }
0x2b: {  	s6 =	sld [smem:$0x3FA6]  }
0x2c: {  	s7 =	sld [smem:$0x3FA7]  }
0x2d: {  	s3 =	simm.s32 $0x108;
	s8 =	sld [smem:$0x3FA8]  }
0x2e: {  	s3 =	simm.s32 @!p0 $0x1082;
	s9 =	sld [smem:$0x3FA9]  }
0x2f: {  	lr =	sadd.s32 s0, s3;
	s0 =	sld [smem:$0x3FA0]  }
0x30: {  	s3 =	sld [smem:$0x3FA3]  }
0x31: {  	[smem:$0x3FAC] =	sst s10  }
0x32: {  	s10 =	sld [smem:$0x3FAA];
	_ =	sdelay $0x3  }
0x33: {  	p0 =	seq.s32 s10, $0x1;
	s10 =	sld [smem:$0x3FAC];
	_ =	sdelay $0x3  }
0x34: {  	[smem:$0x3FAC] =	sst s10  }
0x35: {  	s10 =	sld [smem:$0x3FAB];
	_ =	sdelay $0x3  }
0x36: {  	p1 =	seq.s32 s10, $0x1;
	s10 =	sld [smem:$0x3FAC];
	_ =	sdelay $0x3  }
0x37: {  	[smem:$0x3FAC] =	sst s10  }
0x38: {  	s10 =	sld [smem:$0x3FAD]  }
0x39: {  	_ = 	snop;
	(pc) =	sbr.ind lr, $3  }
0x3a: {  	_ = 	snop  }
0x3b: {  	_ = 	snop  }
0x3c: {  	p2 =	seq.s32 s10, $0x1;
	s10 =	sld [smem:$0x3FAC]  }
0x3d: {  	_ =	shalt  }
0x3e: {  	_ =	shalt  }
0x3f: {  	_ =	shalt  }
0x40: {  	_ =	shalt  }
0x41: {  	_ =	shalt  }
0x42: {  	_ =	shalt  }
0x43: {  	_ =	shalt  }
0x44: {  	_ =	shalt  }
0x45: {  	_ =	shalt  }
0x46: {  	_ =	shalt  }
0x47: {  	_ =	shalt  }
0x48: {  	_ =	shalt  }
0x49: {  	_ =	shalt  }
0x4a: {  	_ =	shalt  }
0x4b: {  	_ =	shalt  }
0x4c: {  	_ =	shalt  }
0x4d: {  	_ =	shalt  }
0x4e: {  	_ =	shalt  }
0x4f: {  	_ =	shalt  }
0x50: {  	_ =	shalt  }
0x51: {  	_ =	shalt  }
0x52: {  	_ =	shalt  }
0x53: {  	_ =	shalt  }
0x54: {  	_ =	shalt  }
0x55: {  	_ =	shalt  }
0x56: {  	_ =	shalt  }
0x57: {  	_ =	shalt  }
0x58: {  	_ =	shalt  }
0x59: {  	_ =	shalt  }
0x5a: {  	_ =	shalt  }
0x5b: {  	_ =	shalt  }
0x5c: {  	_ =	shalt  }
0x5d: {  	_ =	shalt  }
0x5e: {  	_ =	shalt  }
0x5f: {  	_ =	shalt  }
0x60: {  	_ =	shalt  }
0x61: {  	_ =	shalt  }
0x62: {  	_ =	shalt  }
0x63: {  	_ =	shalt  }
0x64: {  	_ =	shalt  }
0x65: {  	_ =	shalt  }
0x66: {  	_ =	shalt  }
0x67: {  	_ =	shalt  }
0x68: {  	_ =	shalt  }
0x69: {  	_ =	shalt  }
0x6a: {  	_ =	shalt  }
0x6b: {  	_ =	shalt  }
0x6c: {  	_ =	shalt  }
0x6d: {  	_ =	shalt  }
0x6e: {  	_ =	shalt  }
0x6f: {  	_ =	shalt  }
0x70: {  	_ =	shalt  }
0x71: {  	_ =	shalt  }
0x72: {  	_ =	shalt  }
0x73: {  	_ =	shalt  }
0x74: {  	_ =	shalt  }
0x75: {  	_ =	shalt  }
0x76: {  	_ =	shalt  }
0x77: {  	_ =	shalt  }
0x78: {  	_ =	shalt  }
0x79: {  	_ =	shalt  }
0x7a: {  	_ =	shalt  }
0x7b: {  	_ =	shalt  }
0x7c: {  	_ =	shalt  }
0x7d: {  	_ =	shalt  }
0x7e: {  	_ =	shalt  }
0x7f: {  	_ =	shalt  }
0x80: {  	_ =	shalt  }
0x81: {  	_ =	shalt  }
0x82: {  	_ =	shalt  }
0x83: {  	_ =	shalt  }
0x84: {  	_ =	shalt  }
0x85: {  	_ =	shalt  }
0x86: {  	_ =	shalt  }
0x87: {  	_ =	shalt  }
.Lfunc_end0:
.L_simem_size_0:
called_computation.1_lowered:
.L_overlay_start_0:
0x88: {  	s2 =	sld [smem:$0x3FD9]  }
0x89: {  	s3 =	sld [smem:$0x3FFE];
	_ =	sdelay $0x1  }
0x8a: {  	s1 =	srdreg.scid  }
0x8b: {  	s0 =	sand.u32 $0x1, s1  }
0x8c: {  	s16 =	sshll.u32 s0, $0xA;
	s2 =	sadd.s32 s3, s2  }
0x8d: {  	s2 =	sadd.s32 s2, s16  }
0x8e: {  	[smem:$0x3FB8] =	sst s2  }
0x8f: {  	_ = 	snop  }
0x90: {  	(tm) =	ssettm $0x1  }
0x91: {  	s17 =	sld [smem:$0x3FFB];
	_ =	sdelay $0x3  }
0x92: {  	_ =	strace s17  }
0x93: {  	s2 =	sld [smem:$0x3FFC];
	_ =	sdelay $0x3  }
0x94: {  	_ =	strace s2  }
0x95: {  	s2 =	sld [smem:$0x3FFD];
	_ =	sdelay $0x3  }
0x96: {  	_ =	strace s2  }
0x97: {  	_ =	strace $0x8FFFFFFF  }
0x98: {  	s18 =	sld [smem:$0x3FDB];
	_ =	sdelay $0x1  }
0x99: {  	s19 =	simm.s32 $_scs_section_size  }
0x9a: {  	s4 =	simm.s32 $_size__tile_overlayer_lowered;
	s5 =	simm.s32 $_tile_overlayer_lowered  }
0x9b: {  	s22 =	simm.s32 $0x1BFF;
	s21 =	sshll.u32 s5, $0x1;
	s2 =	sadd.s32 s19, s18  }
0x9c: {  	s6 =	simm.s32 $0x0;
	s20 =	sshll.u32 s4, $0x1;
	s4 =	sadd.s32 s21, s2  }
0x9d: {  	[timem:s6], [sflag:s22] =	dma.local [hbm:s4], s20  }
0x9e: {  	_ =	swait.ge [sflag:s22], s20  }
0x9f: {  	s3 =	ssub.s32 $0x0, s20;
	[sflag:s22] =	ssyncset.done $0x0  }
0xa0: {  	[sflag:s22] =	ssyncadd.s32 s3;
	_ =	sdelay $0x1  }
0xa1: {  	s23 =	simm.s32 $0x1B8B  }
0xa2: {  	_ =	swait.ge [sflag:s23], $0x1  }
0xa3: {  	[sflag:s23] =	ssyncset.done $0x0  }
0xa4: {  	s25 =	simm.s32 $0x1B8E;
	s24 =	sld [smem:$0x3FFE];
	[sflag:s23] =	ssyncadd.s32 $0xFFFFFFFF  }
0xa5: {  	s26 =	simm.s32 $execute0_lowered;
	[smem:$0x3FD2] =	sst s25  }
0xa6: {  	s4 =	sshll.u32 s26, $0x1;
	_ =	strace $0x80000046;
	[dreg:$0x1] =	wrdreg $0xFFFFFFFF  }
0xa7: {  	s28 =	simm.s32 $_size_execute0_lowered;
	s2 =	sadd.s32 s2, s4;
	[dreg:$0x0] =	wrdreg $0x0  }
0xa8: {  	s4 =	sshll.u32 s28, $0x1;
	[dreg:$0x2] =	wrdreg s2  }
0xa9: {  	[dreg:$0x3] =	wrdreg s4  }
0xaa: {  	[dreg:$0x4] =	wrdreg $0xC0  }
0xab: {  	_ =	task [dreg:s6], $0x5FFFF  }
0xac: {  	[dreg:$0x1] =	wrdreg $0xFFFFFFFF  }
0xad: {  	[dreg:$0x0] =	wrdreg $0x60  }
0xae: {  	[dreg:$0x2] =	wrdreg s24  }
0xaf: {  	[dreg:$0x3] =	wrdreg $0xA  }
0xb0: {  	_ =	task.clear_ibuf [dreg:s6], $0x4FFFF;
	_ =	strace $0x90000046  }
0xb1: {  	s29 =	simm.s32 $0xA;
	_ =	strace $0x80000048  }
0xb2: {  	_ =	swait.ge [sflag:s29], $0x1  }
0xb3: {  	[sflag:s29] =	ssyncadd.s32 $0xFFFFFFFF  }
0xb4: {  	_ =	strace $0x90000048  }
0xb5: {  	_ =	sfence  }
0xb6: {  	s30 =	sld [smem:$0x0];
	_ =	sdelay $0x2  }
0xb7: {  	s31 =	sshll.u32 s1, $0xD;
	s1 =	sshrl.u32 s1, $0x2  }
0xb8: {  	s3 =	sand.u32 $0x4000, s31;
	s1 =	sadd.s32 s1, s30  }
0xb9: {  	s0 =	sor.u32 s3, s0;
	s1 =	sshll.u32 s1, $0x11  }
0xba: {  	s0 =	sor.u32 s1, s0  }
0xbb: {  	s0 =	sadd.s32 $0x8F2B, s0  }
0xbc: {  	[sflag:s0] =	ssyncadd.remote.s32 $0x1  }
0xbd: {  	_ =	sfence.sel $0xFFFF  }
0xbe: {  	[dreg:$0x0] =	wrdreg $0xFFFFFFFF;
	(pc) =	sbr.abs _section_cstart, $3  }
0xbf: {  	[dreg:$0x1] =	wrdreg $0xFFFFFFFF  }
0xc0: {  	_ =	task.clear_ibuf [dreg:s6], $0x2FFFF;
	_ =	strace $0x9FFFFFFF  }
0xc1: {  	(tm) =	ssettm $0x7FFFFFFF  }
tec
execute0_lowered:
.L_overlay_start_1:
0x0: {  	(tag) =	ssettag $0x1  }
0x1: {  	s4 =	rddreg [dreg:$0x0]  }
0x2: {  	s0 =	rddreg [dreg:$0x1];
	s2 =	simm.s32 $0x0  }
0x3: {  	s3 =	srdreg.scid;
	s1 =	stileid.u32;
	s12 =	simm.s32 $0x900  }
0x4: {  	s13 =	simm.s32 $0x1;
	s14 =	simm.s32 $0x2;
	s15 =	simm.s32 $0x0  }
0x5: {  	[smem:$0x7FF] =	sst s2;
	s5 =	sand.u32 $0x1, s3;
	s6 =	smul.u32 $0x2800, s1  }
0x6: {  	s3 =	sadd.s32 $0x8C00, s4;
	s8 =	sadd.s32 $0xCC00, s4;
	s10 =	smul.u32 $0x5000, s1  }
0x7: {  	s9 =	sadd.s32 $0x11C00, s4;
	s7 =	smul.u32 $0x1400, s5;
	s25 =	ssub.s32 $0x2, s5  }
0x8: {  	_ =	strace $0x80000047;
	s5 =	smul.u32 $0x2800, s5;
	s11 =	sshrl.u32 s25, $0x1  }
0x9: {  	s26 =	sadd.s32 s10, s9;
	s10 =	simm.s32 $0x80;
	s7 =	sadd.s32 s7, s6  }
0xa: {  	s4 =	ssub.s32 s25, s11;
	s5 =	sadd.s32 s5, s26;
	s28 =	sor.u32 $0x80, s7  }
0xb: {  	s11 =	simm.s32 $0x880;
	s4 =	smax.u32 s4, $0x1;
	s29 =	sshll.u32 s28, $0x1  }
0xc: {  	s31 =	sshrl.u32 s7, $0x3;
	s30 =	sshrl.u32 s28, $0x3;
	s6 =	sadd.s32 s29, s9  }
0xd: {  	s7 =	sadd.s32 s30, s8;
	s8 =	sadd.s32 s31, s8;
	s9 =	simm.s32 $0x3  }
.LBB2_1:
0xe: {  	s16 =	sadd.s32 $0x0, s8  }
0xf: {  	[tilespmem:s2], [sflag:$0x3] =	stream.linear.gather [hbm4b:s16+s2], $0x80, $0x38;
	[tilespmem:$0x1100] =	vst v63  }
0x10: {  	_ =	swait.ge [sflag:s9], $0x80  }
0x11: {  	[sflag:s9] =	ssyncset.done $0x0  }
0x12: {  	[sflag:s9] =	ssyncadd.s32 $0xFFFFFF80  }
0x13: {  	[tilespmem:s10], [sflag:$0x1] =	stream.indirect.gather [hbm4b:s3+s10], $0x10, s2, s10, $0xb8;
	[tilespmem:$0x1100] =	vst v63  }
0x14: {  	s31 =	sadd.s32 $0x0, s7  }
0x15: {  	[tilespmem:s11], [sflag:$0x3] =	stream.linear.gather [hbm4b:s31+s2], $0x80, $0x38;
	[tilespmem:$0x1100] =	vst v63  }
0x16: {  	_ =	swait.ge [sflag:s9], $0x80  }
0x17: {  	[sflag:s9] =	ssyncset.done $0x0  }
0x18: {  	[sflag:s9] =	ssyncadd.s32 $0xFFFFFF80  }
0x19: {  	[tilespmem:s12], [sflag:$0x2] =	stream.indirect.gather [hbm4b:s3+s10], $0x10, s11, s10, $0xb8;
	[tilespmem:$0x1100] =	vst v63  }
0x1a: {  	_ =	swait.ge [sflag:s13], $0x800  }
0x1b: {  	[sflag:s13] =	ssyncset.done $0x0  }
0x1c: {  	[sflag:s13] =	ssyncadd.s32 $0xFFFFF800  }
0x1d: {  	[hbm4b:s5+s2] =	stream.linear.scatter [tilespmem:s10], [sflag:$0x3], $0x800, $0x38;
	[tilespmem:$0x1100] =	vst v63  }
0x1e: {  	_ =	swait.ge [sflag:s9], $0x800  }
0x1f: {  	[sflag:s9] =	ssyncset.done $0x0  }
0x20: {  	[sflag:s9] =	ssyncadd.s32 $0xFFFFF800  }
0x21: {  	_ =	swait.ge [sflag:s14], $0x800  }
0x22: {  	[sflag:s14] =	ssyncset.done $0x0  }
0x23: {  	[sflag:s14] =	ssyncadd.s32 $0xFFFFF800  }
0x24: {  	[hbm4b:s6+s2] =	stream.linear.scatter [tilespmem:s12], [sflag:$0x3], $0x800, $0x38;
	[tilespmem:$0x1100] =	vst v63  }
0x25: {  	s18 =	simm.s32 $0x20;
	s19 =	simm.s32 $0x40;
	_ =	swait.ge [sflag:s9], $0x800  }
0x26: {  	s17 =	sadd.s32 $0x200, s5;
	s16 =	sadd.s32 $0x200, s6;
	[sflag:s9] =	ssyncset.done $0x0  }
.LBB2_2:
0x27: {  	s20 =	sadd.s32 s18, s8  }
0x28: {  	[sflag:s9] =	ssyncadd.s32 $0xFFFFF800;
	s21 =	smov.u32 s19;
	s22 =	sadd.s32 $0x20, s19  }
0x29: {  	[tilespmem:s2], [sflag:$0x3] =	stream.linear.gather [hbm4b:s20+s2], $0x80, $0x38;
	[tilespmem:$0x1100] =	vst v63  }
0x2a: {  	p0 =	sne.s32 s19, $0x260;
	_ =	swait.ge [sflag:s9], $0x80  }
0x2b: {  	[sflag:s9] =	ssyncset.done $0x0  }
0x2c: {  	[sflag:s9] =	ssyncadd.s32 $0xFFFFFF80  }
0x2d: {  	[tilespmem:s10], [sflag:$0x1] =	stream.indirect.gather [hbm4b:s3+s10], $0x10, s2, s10, $0xb8;
	[tilespmem:$0x1100] =	vst v63  }
0x2e: {  	s19 =	sadd.s32 s18, s7;
	s18 =	smov.u32 s21  }
0x2f: {  	[tilespmem:s11], [sflag:$0x3] =	stream.linear.gather [hbm4b:s19+s2], $0x80, $0x38;
	[tilespmem:$0x1100] =	vst v63  }
0x30: {  	_ =	swait.ge [sflag:s9], $0x80  }
0x31: {  	[sflag:s9] =	ssyncset.done $0x0  }
0x32: {  	[sflag:s9] =	ssyncadd.s32 $0xFFFFFF80  }
0x33: {  	[tilespmem:s12], [sflag:$0x2] =	stream.indirect.gather [hbm4b:s3+s10], $0x10, s11, s10, $0xb8;
	[tilespmem:$0x1100] =	vst v63  }
0x34: {  	_ =	swait.ge [sflag:s13], $0x800  }
0x35: {  	[sflag:s13] =	ssyncset.done $0x0  }
0x36: {  	[sflag:s13] =	ssyncadd.s32 $0xFFFFF800  }
0x37: {  	[hbm4b:s17+s2] =	stream.linear.scatter [tilespmem:s10], [sflag:$0x3], $0x800, $0x38;
	[tilespmem:$0x1100] =	vst v63  }
0x38: {  	_ =	swait.ge [sflag:s9], $0x800  }
0x39: {  	[sflag:s9] =	ssyncset.done $0x0  }
0x3a: {  	[sflag:s9] =	ssyncadd.s32 $0xFFFFF800  }
0x3b: {  	_ =	swait.ge [sflag:s14], $0x800  }
.Ltmp0:
0x3c: {  	[sflag:s14] =	ssyncset.done $0x0;
	(pc) =	sbr.rel @p0 .LBB2_2-.Ltmp0, $4  }
0x3d: {  	[sflag:s14] =	ssyncadd.s32 $0xFFFFF800  }
0x3e: {  	[hbm4b:s16+s2] =	stream.linear.scatter [tilespmem:s12], [sflag:$0x3], $0x800, $0x38;
	[tilespmem:$0x1100] =	vst v63  }
0x3f: {  	s19 =	smov.u32 s22;
	_ =	swait.ge [sflag:s9], $0x800  }
0x40: {  	s17 =	sadd.s32 $0x200, s17;
	s16 =	sadd.s32 $0x200, s16;
	[sflag:s9] =	ssyncset.done $0x0  }
0x41: {  	s19 =	sadd.s32 s18, s8;
	[sflag:s9] =	ssyncadd.s32 $0xFFFFF800  }
0x42: {  	[tilespmem:s2], [sflag:$0x3] =	stream.linear.gather [hbm4b:s19+s2], $0x80, $0x38;
	[tilespmem:$0x1100] =	vst v63  }
0x43: {  	_ =	swait.ge [sflag:s9], $0x80  }
0x44: {  	[sflag:s9] =	ssyncset.done $0x0  }
0x45: {  	[sflag:s9] =	ssyncadd.s32 $0xFFFFFF80  }
0x46: {  	[tilespmem:s10], [sflag:$0x1] =	stream.indirect.gather [hbm4b:s3+s10], $0x10, s2, s10, $0xb8;
	[tilespmem:$0x1100] =	vst v63  }
0x47: {  	s31 =	sadd.s32 s18, s7  }
0x48: {  	[tilespmem:s11], [sflag:$0x3] =	stream.linear.gather [hbm4b:s31+s2], $0x80, $0x38;
	[tilespmem:$0x1100] =	vst v63  }
0x49: {  	_ =	swait.ge [sflag:s9], $0x80  }
0x4a: {  	[sflag:s9] =	ssyncset.done $0x0  }
0x4b: {  	[sflag:s9] =	ssyncadd.s32 $0xFFFFFF80  }
0x4c: {  	[tilespmem:s12], [sflag:$0x2] =	stream.indirect.gather [hbm4b:s3+s10], $0x10, s11, s10, $0xb8;
	[tilespmem:$0x1100] =	vst v63  }
0x4d: {  	_ =	swait.ge [sflag:s13], $0x800  }
0x4e: {  	[sflag:s13] =	ssyncset.done $0x0  }
0x4f: {  	[sflag:s13] =	ssyncadd.s32 $0xFFFFF800  }
0x50: {  	[hbm4b:s17+s2] =	stream.linear.scatter [tilespmem:s10], [sflag:$0x3], $0x800, $0x38;
	[tilespmem:$0x1100] =	vst v63  }
0x51: {  	_ =	swait.ge [sflag:s9], $0x800  }
0x52: {  	[sflag:s9] =	ssyncset.done $0x0  }
0x53: {  	[sflag:s9] =	ssyncadd.s32 $0xFFFFF800  }
0x54: {  	s15 =	sadd.s32 $0x1, s15;
	_ =	swait.ge [sflag:s14], $0x800  }
0x55: {  	p0 =	sne.s32 s15, s4;
	[sflag:s14] =	ssyncset.done $0x0  }
.Ltmp1:
0x56: {  	[sflag:s14] =	ssyncadd.s32 $0xFFFFF800;
	(pc) =	sbr.rel @p0 .LBB2_1-.Ltmp1, $4  }
0x57: {  	[hbm4b:s16+s2] =	stream.linear.scatter [tilespmem:s12], [sflag:$0x3], $0x800, $0x38;
	[tilespmem:$0x1100] =	vst v63  }
0x58: {  	_ =	swait.ge [sflag:s9], $0x800  }
0x59: {  	[sflag:s9] =	ssyncset.done $0x0  }
0x5a: {  	[sflag:s9] =	ssyncadd.s32 $0xFFFFF800  }
0x5b: {  	_ =	sfence.sel $0x180000  }
0x5c: {  	[bflag:$0x0] =	sbarrier.arrive $0xFFFF  }
0x5d: {  	p0 =	sne.s32 s1, $0x0;
	_ =	strace $0x90000047  }
0x5e: {  	s0 =	sadd.s32 @!p0 $0x100000, s0;
	[bflag:$0x2] =	sbarrier.arrive $0xFFFF  }
0x5f: {  	[sflag:s0] =	ssyncadd.tile.s32 @!p0 $0x1;
	_ =	shalt  }
.Lfunc_end2:
_tile_overlayer_lowered:
.L_overlay_start_2:
0x60: {  	(tag) =	ssettag $0x2  }
0x61: {  	s0 =	rddreg [dreg:$0x0];
	s2 =	stileid.u32  }
0x62: {  	s1 =	rddreg [dreg:$0x1];
	p0 =	sne.s32 s2, $0x0  }
0x63: {  	s3 =	rddreg [dreg:$0x2];
	[bflag:$0x3] =	sbarrier.arrive $0xFFFF;
	s2 =	simm.s32 @!p0 $0x1C03  }
0x64: {  	[timem:s3], [sflag:s2] =	dma.local @!p0 [hbm:s0], s1  }
0x65: {  	s0 =	simm.s32 @!p0 $0x3  }
0x66: {  	_ =	swait.ge @!p0 [sflag:s0], s1  }
0x67: {  	s1 =	ssub.s32 @!p0 $0x0, s1;
	[sflag:s0] =	ssyncset.done @!p0 $0x0  }
0x68: {  	[sflag:s0] =	ssyncadd.s32 @!p0 s1  }
0x69: {  	[bflag:$0x3] =	sbarrier.arrive $0xFFFF  }
0x6a: {  	_ =	shalt  }

// kernel: kernel.35.cloned.1.call-start
scs
__scs_entry_jumppad:
0x0: {  	(pc) =	sbr.rel $0x88, $3  }
0x1: {  	(tag) =	ssettag $0x0;
	lr =	simm.s32 $0x1  }
0x2: {  	[smem:$0x3F91] =	sst lr;
	_ =	strace $0xD0000000  }
0x3: {  	_ = 	snop  }
0x4: {  	_ = 	snop  }
0x5: {  	_ = 	snop  }
0x6: {  	_ = 	snop  }
0x7: {  	_ = 	snop  }
__scs_overlays_trampoline_lowered:
0x8: {  	[smem:$0x3FA0] =	sst s0  }
0x9: {  	[smem:$0x3FA1] =	sst s1  }
0xa: {  	[smem:$0x3FA2] =	sst s2  }
0xb: {  	[smem:$0x3FA3] =	sst s3  }
0xc: {  	[smem:$0x3FA4] =	sst s4  }
0xd: {  	[smem:$0x3FA5] =	sst s5  }
0xe: {  	[smem:$0x3FA6] =	sst s6  }
0xf: {  	[smem:$0x3FA7] =	sst s7  }
0x10: {  	[smem:$0x3FA8] =	sst s8  }
0x11: {  	[smem:$0x3FA9] =	sst s9;
	s0 =	simm.s32 @!p0 $0x0  }
0x12: {  	s1 =	sld [smem:$0x3F8F];
	s0 =	simm.s32 @p0 $0x1  }
0x13: {  	[smem:$0x3FAA] =	sst s0;
	s0 =	simm.s32 @!p1 $0x0  }
0x14: {  	s2 =	sld [smem:$0x3F8E];
	s0 =	simm.s32 @p1 $0x1  }
0x15: {  	[smem:$0x3FAB] =	sst s0;
	s0 =	simm.s32 @!p2 $0x0  }
0x16: {  	s3 =	sld [smem:$0x3FDB];
	s0 =	simm.s32 @p2 $0x1  }
0x17: {  	s4 =	simm.s32 $0x1BF5;
	[smem:$0x3FAD] =	sst s0  }
0x18: {  	s0 =	sld [smem:$0x3F90];
	_ =	swait.ge [sflag:s4], $0x0  }
0x19: {  	s7 =	sld [smem:$0x3F91]  }
0x1a: {  	s8 =	sadd.s32 $0xFFFFE003, lr  }
0x1b: {  	s9 =	sadd.s32 $0xFFFFFEF7, lr;
	s5 =	simm.s32 $0xFFFFFFFF;
	p2 =	slt.u32 s8, $0xFFFFF086  }
0x1c: {  	p1 =	slt.u32 s9, $0xF7A;
	s5 =	simm.s32 @!p2 $0x0  }
0x1d: {  	s5 =	simm.s32 @p1 $0x1;
	p0 =	seq.s32 s7, s2  }
0x1e: {  	s7 =	smul.u32 @!p0 $0xF7A, s2;
	p2 =	seq.s32 @!p0 s5, $0x0  }
0x1f: {  	s9 =	smul.u32 $0xF7A, s1;
	s8 =	simm.s32 @!p0 $0x1BF5;
	p2 =	por !p2, p0  }
0x20: {  	[sflag:s8] =	ssyncset.s32 @!p0 $0xFFFFF086;
	s6 =	sadd.s32 @!p0 s3, s7;
	s7 =	simm.s32 @!p0 $0x108  }
0x21: {  	s3 =	sadd.s32 s3, s9;
	s6 =	sadd.s32 @!p0 $0x88, s6;
	s7 =	simm.s32 @p2 $0x1082  }
0x22: {  	[simem:s7], [sflag:s8] =	dma.local @!p0 [hbm:s6], $0xF7A  }
0x23: {  	s9 =	sor.u32 $0xD0000000, s2;
	s6 =	simm.s32 $0x108;
	_ =	swait.ge @!p0 [sflag:s8], $0x0  }
0x24: {  	s3 =	sadd.s32 $0x88, s3;
	s6 =	simm.s32 @!p1 $0x1082;
	[sflag:s4] =	ssyncset.s32 $0xFFFFF086  }
0x25: {  	[simem:s6], [sflag:s4] =	dma.local [hbm:s3], $0xF7A  }
0x26: {  	[smem:$0x3F91] =	sst s1;
	(tag) =	ssettag s2;
	_ =	strace s9  }
0x27: {  	s1 =	sld [smem:$0x3FA1]  }
0x28: {  	s2 =	sld [smem:$0x3FA2]  }
0x29: {  	s4 =	sld [smem:$0x3FA4]  }
0x2a: {  	p0 =	seq.s32 s5, $0x0;
	s5 =	sld [smem:$0x3FA5]  }
0x2b: {  	s6 =	sld [smem:$0x3FA6]  }
0x2c: {  	s7 =	sld [smem:$0x3FA7]  }
0x2d: {  	s3 =	simm.s32 $0x108;
	s8 =	sld [smem:$0x3FA8]  }
0x2e: {  	s3 =	simm.s32 @!p0 $0x1082;
	s9 =	sld [smem:$0x3FA9]  }
0x2f: {  	lr =	sadd.s32 s0, s3;
	s0 =	sld [smem:$0x3FA0]  }
0x30: {  	s3 =	sld [smem:$0x3FA3]  }
0x31: {  	[smem:$0x3FAC] =	sst s10  }
0x32: {  	s10 =	sld [smem:$0x3FAA];
	_ =	sdelay $0x3  }
0x33: {  	p0 =	seq.s32 s10, $0x1;
	s10 =	sld [smem:$0x3FAC];
	_ =	sdelay $0x3  }
0x34: {  	[smem:$0x3FAC] =	sst s10  }
0x35: {  	s10 =	sld [smem:$0x3FAB];
	_ =	sdelay $0x3  }
0x36: {  	p1 =	seq.s32 s10, $0x1;
	s10 =	sld [smem:$0x3FAC];
	_ =	sdelay $0x3  }
0x37: {  	[smem:$0x3FAC] =	sst s10  }
0x38: {  	s10 =	sld [smem:$0x3FAD]  }
0x39: {  	_ = 	snop;
	(pc) =	sbr.ind lr, $3  }
0x3a: {  	_ = 	snop  }
0x3b: {  	_ = 	snop  }
0x3c: {  	p2 =	seq.s32 s10, $0x1;
	s10 =	sld [smem:$0x3FAC]  }
0x3d: {  	_ =	shalt  }
0x3e: {  	_ =	shalt  }
0x3f: {  	_ =	shalt  }
0x40: {  	_ =	shalt  }
0x41: {  	_ =	shalt  }
0x42: {  	_ =	shalt  }
0x43: {  	_ =	shalt  }
0x44: {  	_ =	shalt  }
0x45: {  	_ =	shalt  }
0x46: {  	_ =	shalt  }
0x47: {  	_ =	shalt  }
0x48: {  	_ =	shalt  }
0x49: {  	_ =	shalt  }
0x4a: {  	_ =	shalt  }
0x4b: {  	_ =	shalt  }
0x4c: {  	_ =	shalt  }
0x4d: {  	_ =	shalt  }
0x4e: {  	_ =	shalt  }
0x4f: {  	_ =	shalt  }
0x50: {  	_ =	shalt  }
0x51: {  	_ =	shalt  }
0x52: {  	_ =	shalt  }
0x53: {  	_ =	shalt  }
0x54: {  	_ =	shalt  }
0x55: {  	_ =	shalt  }
0x56: {  	_ =	shalt  }
0x57: {  	_ =	shalt  }
0x58: {  	_ =	shalt  }
0x59: {  	_ =	shalt  }
0x5a: {  	_ =	shalt  }
0x5b: {  	_ =	shalt  }
0x5c: {  	_ =	shalt  }
0x5d: {  	_ =	shalt  }
0x5e: {  	_ =	shalt  }
0x5f: {  	_ =	shalt  }
0x60: {  	_ =	shalt  }
0x61: {  	_ =	shalt  }
0x62: {  	_ =	shalt  }
0x63: {  	_ =	shalt  }
0x64: {  	_ =	shalt  }
0x65: {  	_ =	shalt  }
0x66: {  	_ =	shalt  }
0x67: {  	_ =	shalt  }
0x68: {  	_ =	shalt  }
0x69: {  	_ =	shalt  }
0x6a: {  	_ =	shalt  }
0x6b: {  	_ =	shalt  }
0x6c: {  	_ =	shalt  }
0x6d: {  	_ =	shalt  }
0x6e: {  	_ =	shalt  }
0x6f: {  	_ =	shalt  }
0x70: {  	_ =	shalt  }
0x71: {  	_ =	shalt  }
0x72: {  	_ =	shalt  }
0x73: {  	_ =	shalt  }
0x74: {  	_ =	shalt  }
0x75: {  	_ =	shalt  }
0x76: {  	_ =	shalt  }
0x77: {  	_ =	shalt  }
0x78: {  	_ =	shalt  }
0x79: {  	_ =	shalt  }
0x7a: {  	_ =	shalt  }
0x7b: {  	_ =	shalt  }
0x7c: {  	_ =	shalt  }
0x7d: {  	_ =	shalt  }
0x7e: {  	_ =	shalt  }
0x7f: {  	_ =	shalt  }
0x80: {  	_ =	shalt  }
0x81: {  	_ =	shalt  }
0x82: {  	_ =	shalt  }
0x83: {  	_ =	shalt  }
0x84: {  	_ =	shalt  }
0x85: {  	_ =	shalt  }
0x86: {  	_ =	shalt  }
0x87: {  	_ =	shalt  }
.Lfunc_end0:
.L_simem_size_0:
called_computation.2_lowered:
.L_overlay_start_0:
0x88: {  	s2 =	sld [smem:$0x3FD9]  }
0x89: {  	s3 =	sld [smem:$0x3FFE];
	_ =	sdelay $0x1  }
0x8a: {  	s1 =	srdreg.scid  }
0x8b: {  	s0 =	sand.u32 $0x1, s1  }
0x8c: {  	s17 =	sshll.u32 s0, $0xA;
	s2 =	sadd.s32 s3, s2  }
0x8d: {  	s2 =	sadd.s32 s2, s17  }
0x8e: {  	[smem:$0x3FB8] =	sst s2  }
0x8f: {  	_ = 	snop  }
0x90: {  	(tm) =	ssettm $0x1  }
0x91: {  	s18 =	sld [smem:$0x3FFB];
	_ =	sdelay $0x3  }
0x92: {  	_ =	strace s18  }
0x93: {  	s2 =	sld [smem:$0x3FFC];
	_ =	sdelay $0x3  }
0x94: {  	_ =	strace s2  }
0x95: {  	s2 =	sld [smem:$0x3FFD];
	_ =	sdelay $0x3  }
0x96: {  	_ =	strace s2  }
0x97: {  	_ =	strace $0x8FFFFFFF  }
0x98: {  	s19 =	sld [smem:$0x3FDB];
	_ =	sdelay $0x1  }
0x99: {  	s20 =	simm.s32 $_scs_section_size  }
0x9a: {  	s4 =	simm.s32 $_size__tile_overlayer_lowered;
	s5 =	simm.s32 $_tile_overlayer_lowered  }
0x9b: {  	s6 =	simm.s32 $0x1BFF;
	s21 =	sshll.u32 s5, $0x1;
	s3 =	sadd.s32 s20, s19  }
0x9c: {  	s22 =	simm.s32 $0x0;
	s4 =	sshll.u32 s4, $0x1;
	s5 =	sadd.s32 s21, s3  }
0x9d: {  	[timem:s22], [sflag:s6] =	dma.local [hbm:s5], s4  }
0x9e: {  	_ =	swait.ge [sflag:s6], s4  }
0x9f: {  	s4 =	ssub.s32 $0x0, s4;
	[sflag:s6] =	ssyncset.done $0x0  }
0xa0: {  	[sflag:s6] =	ssyncadd.s32 s4;
	_ =	sdelay $0x1  }
0xa1: {  	s23 =	simm.s32 $0x1B8B  }
0xa2: {  	_ =	swait.ge [sflag:s23], $0x1  }
0xa3: {  	[sflag:s23] =	ssyncset.done $0x0  }
0xa4: {  	[sflag:s23] =	ssyncadd.s32 $0xFFFFFFFF  }
0xa5: {  	s4 =	sld [smem:$0x0]  }
0xa6: {  	s5 =	sand.u32 $0xFFFFFFFE, s1  }
0xa7: {  	p0 =	sne.s32 s1, s5  }
0xa8: {  	s5 =	sshll.u32 @p0 s5, $0xE  }
0xa9: {  	s5 =	sadd.s32 @p0 $0x11B8D, s5;
	s6 =	sshll.u32 @p0 s4, $0x11  }
0xaa: {  	s5 =	sor.u32 @p0 s6, s5  }
0xab: {  	[sflag:s5] =	ssyncadd.remote.s32 @p0 $0x1;
	_ =	sdelay $0x1  }
0xac: {  	s5 =	simm.s32 @p0 $0x1B8D  }
0xad: {  	_ =	swait.eq @p0 [sflag:s5], $0x1  }
0xae: {  	[sflag:s5] =	ssyncadd.s32 @p0 $0xFFFFFFFF  }
0xaf: {  	s6 =	sshll.u32 @!p0 s1, $0xE  }
0xb0: {  	s6 =	sor.u32 @!p0 $0x4000, s6;
	s5 =	simm.s32 @!p0 $0x1B8D  }
0xb1: {  	s4 =	sshll.u32 @!p0 s4, $0x11;
	s6 =	sadd.s32 @!p0 $0x11B8D, s6;
	_ =	swait.eq @!p0 [sflag:s5], $0x1  }
0xb2: {  	s4 =	sor.u32 @!p0 s4, s6;
	[sflag:s5] =	ssyncadd.s32 @!p0 $0xFFFFFFFF  }
0xb3: {  	s25 =	simm.s32 $0x1B8E;
	s24 =	sld [smem:$0x3FFE];
	[sflag:s4] =	ssyncadd.remote.s32 @!p0 $0x1  }
0xb4: {  	s26 =	simm.s32 $execute0_lowered;
	[smem:$0x3FD2] =	sst s25  }
0xb5: {  	s5 =	sshll.u32 s26, $0x1;
	_ =	strace $0x8000004F;
	[dreg:$0x1] =	wrdreg $0xFFFFFFFF  }
0xb6: {  	s28 =	simm.s32 $_size_execute0_lowered;
	s3 =	sadd.s32 s3, s5;
	[dreg:$0x0] =	wrdreg $0x0  }
0xb7: {  	s5 =	sshll.u32 s28, $0x1;
	[dreg:$0x2] =	wrdreg s3  }
0xb8: {  	[dreg:$0x3] =	wrdreg s5  }
0xb9: {  	[dreg:$0x4] =	wrdreg $0xC0  }
0xba: {  	_ =	task [dreg:s22], $0x5FFFF  }
0xbb: {  	[dreg:$0x1] =	wrdreg $0xFFFFFFFF  }
0xbc: {  	[dreg:$0x0] =	wrdreg $0x60  }
0xbd: {  	[dreg:$0x2] =	wrdreg s24  }
0xbe: {  	[dreg:$0x3] =	wrdreg $0x9  }
0xbf: {  	_ =	task.clear_ibuf [dreg:s22], $0x4FFFF;
	_ =	strace $0x9000004F  }
0xc0: {  	s29 =	simm.s32 $0x9;
	_ =	strace $0x80000051  }
0xc1: {  	_ =	swait.ge [sflag:s29], $0x1  }
0xc2: {  	[sflag:s29] =	ssyncadd.s32 $0xFFFFFFFF  }
0xc3: {  	_ =	strace $0x90000051  }
0xc4: {  	_ =	sfence  }
0xc5: {  	s30 =	sld [smem:$0x0];
	_ =	sdelay $0x2  }
0xc6: {  	s31 =	sshll.u32 s1, $0xD;
	s1 =	sshrl.u32 s1, $0x2  }
0xc7: {  	s4 =	sand.u32 $0x4000, s31;
	s1 =	sadd.s32 s1, s30  }
0xc8: {  	s0 =	sor.u32 s4, s0;
	s1 =	sshll.u32 s1, $0x11  }
0xc9: {  	s0 =	sor.u32 s1, s0  }
0xca: {  	s0 =	sadd.s32 $0x8F2B, s0  }
0xcb: {  	[sflag:s0] =	ssyncadd.remote.s32 $0x1  }
0xcc: {  	_ =	sfence.sel $0xFFFF  }
0xcd: {  	[dreg:$0x0] =	wrdreg $0xFFFFFFFF;
	(pc) =	sbr.abs _section_cstart, $3  }
0xce: {  	[dreg:$0x1] =	wrdreg $0xFFFFFFFF  }
0xcf: {  	_ =	task.clear_ibuf [dreg:s22], $0x2FFFF;
	_ =	strace $0x9FFFFFFF  }
0xd0: {  	(tm) =	ssettm $0x7FFFFFFF  }
0xd1: {  	_ =	shalt  }
tec
execute0_lowered:
.L_overlay_start_1:
0x0: {  	(tag) =	ssettag $0x1  }
0x1: {  	s4 =	rddreg [dreg:$0x0]  }
0x2: {  	s0 =	rddreg [dreg:$0x1];
	s2 =	simm.s32 $0x0  }
0x3: {  	s5 =	srdreg.scid;
	s1 =	stileid.u32;
	s12 =	simm.s32 $0x2100  }
0x4: {  	s13 =	simm.s32 $0x1;
	s14 =	simm.s32 $0x2;
	s15 =	simm.s32 $0x0  }
0x5: {  	[smem:$0x7FF] =	sst s2;
	s3 =	sadd.s32 $0x19DC00, s4;
	s6 =	smul.u32 $0x2800, s1  }
0x6: {  	s5 =	sand.u32 $0x1, s5;
	s8 =	sadd.s32 $0x1ADC00, s4;
	s10 =	smul.u32 $0x14000, s1  }
0x7: {  	s9 =	sadd.s32 $0x1B2C00, s4;
	s7 =	smul.u32 $0x1400, s5;
	s25 =	ssub.s32 $0x2, s5  }
0x8: {  	_ =	strace $0x80000050;
	s5 =	smul.u32 $0xA000, s5;
	s11 =	sshrl.u32 s25, $0x1  }
0x9: {  	s26 =	sadd.s32 s10, s9;
	s10 =	simm.s32 $0x80;
	s7 =	sadd.s32 s7, s6  }
0xa: {  	s4 =	ssub.s32 s25, s11;
	s5 =	sadd.s32 s5, s26;
	s28 =	sor.u32 $0x80, s7  }
0xb: {  	s11 =	simm.s32 $0x2080;
	s4 =	smax.u32 s4, $0x1;
	s29 =	sshll.u32 s28, $0x3  }
0xc: {  	s31 =	sshrl.u32 s7, $0x3;
	s30 =	sshrl.u32 s28, $0x3;
	s6 =	sadd.s32 s29, s9  }
0xd: {  	s7 =	sadd.s32 s30, s8;
	s8 =	sadd.s32 s31, s8;
	s9 =	simm.s32 $0x3  }
.LBB2_1:
0xe: {  	s16 =	sadd.s32 $0x0, s8  }
0xf: {  	[tilespmem:s2], [sflag:$0x3] =	stream.linear.gather [hbm4b:s16+s2], $0x80, $0x38;
	[tilespmem:$0x4100] =	vst v63  }
0x10: {  	_ =	swait.ge [sflag:s9], $0x80  }
0x11: {  	[sflag:s9] =	ssyncset.done $0x0  }
0x12: {  	[sflag:s9] =	ssyncadd.s32 $0xFFFFFF80  }
0x13: {  	[tilespmem:s10], [sflag:$0x1] =	stream.indirect.gather [hbm4b:s3+s10], $0x40, s2, s10, $0xb8;
	[tilespmem:$0x4100] =	vst v63  }
0x14: {  	s31 =	sadd.s32 $0x0, s7  }
0x15: {  	[tilespmem:s11], [sflag:$0x3] =	stream.linear.gather [hbm4b:s31+s2], $0x80, $0x38;
	[tilespmem:$0x4100] =	vst v63  }
0x16: {  	_ =	swait.ge [sflag:s9], $0x80  }
0x17: {  	[sflag:s9] =	ssyncset.done $0x0  }
0x18: {  	[sflag:s9] =	ssyncadd.s32 $0xFFFFFF80  }
0x19: {  	[tilespmem:s12], [sflag:$0x2] =	stream.indirect.gather [hbm4b:s3+s10], $0x40, s11, s10, $0xb8;
	[tilespmem:$0x4100] =	vst v63  }
0x1a: {  	_ =	swait.ge [sflag:s13], $0x2000  }
0x1b: {  	[sflag:s13] =	ssyncset.done $0x0  }
0x1c: {  	[sflag:s13] =	ssyncadd.s32 $0xFFFFE000  }
0x1d: {  	[hbm4b:s5+s2] =	stream.linear.scatter [tilespmem:s10], [sflag:$0x3], $0x2000, $0x38;
	[tilespmem:$0x4100] =	vst v63  }
0x1e: {  	_ =	swait.ge [sflag:s9], $0x2000  }
0x1f: {  	[sflag:s9] =	ssyncset.done $0x0  }
0x20: {  	[sflag:s9] =	ssyncadd.s32 $0xFFFFE000  }
0x21: {  	_ =	swait.ge [sflag:s14], $0x2000  }
0x22: {  	[sflag:s14] =	ssyncset.done $0x0  }
0x23: {  	[sflag:s14] =	ssyncadd.s32 $0xFFFFE000  }
0x24: {  	[hbm4b:s6+s2] =	stream.linear.scatter [tilespmem:s12], [sflag:$0x3], $0x2000, $0x38;
	[tilespmem:$0x4100] =	vst v63  }
0x25: {  	s18 =	simm.s32 $0x20;
	s19 =	simm.s32 $0x40;
	_ =	swait.ge [sflag:s9], $0x2000  }
0x26: {  	s17 =	sadd.s32 $0x800, s5;
	s16 =	sadd.s32 $0x800, s6;
	[sflag:s9] =	ssyncset.done $0x0  }
.LBB2_2:
0x27: {  	s20 =	sadd.s32 s18, s8  }
0x28: {  	[sflag:s9] =	ssyncadd.s32 $0xFFFFE000;
	s21 =	smov.u32 s19;
	s22 =	sadd.s32 $0x20, s19  }
0x29: {  	[tilespmem:s2], [sflag:$0x3] =	stream.linear.gather [hbm4b:s20+s2], $0x80, $0x38;
	[tilespmem:$0x4100] =	vst v63  }
0x2a: {  	p0 =	sne.s32 s19, $0x260;
	_ =	swait.ge [sflag:s9], $0x80  }
0x2b: {  	[sflag:s9] =	ssyncset.done $0x0  }
0x2c: {  	[sflag:s9] =	ssyncadd.s32 $0xFFFFFF80  }
0x2d: {  	[tilespmem:s10], [sflag:$0x1] =	stream.indirect.gather [hbm4b:s3+s10], $0x40, s2, s10, $0xb8;
	[tilespmem:$0x4100] =	vst v63  }
0x2e: {  	s19 =	sadd.s32 s18, s7;
	s18 =	smov.u32 s21  }
0x2f: {  	[tilespmem:s11], [sflag:$0x3] =	stream.linear.gather [hbm4b:s19+s2], $0x80, $0x38;
	[tilespmem:$0x4100] =	vst v63  }
0x30: {  	_ =	swait.ge [sflag:s9], $0x80  }
0x31: {  	[sflag:s9] =	ssyncset.done $0x0  }
0x32: {  	[sflag:s9] =	ssyncadd.s32 $0xFFFFFF80  }
0x33: {  	[tilespmem:s12], [sflag:$0x2] =	stream.indirect.gather [hbm4b:s3+s10], $0x40, s11, s10, $0xb8;
	[tilespmem:$0x4100] =	vst v63  }
0x34: {  	_ =	swait.ge [sflag:s13], $0x2000  }
0x35: {  	[sflag:s13] =	ssyncset.done $0x0  }
0x36: {  	[sflag:s13] =	ssyncadd.s32 $0xFFFFE000  }
0x37: {  	[hbm4b:s17+s2] =	stream.linear.scatter [tilespmem:s10], [sflag:$0x3], $0x2000, $0x38;
	[tilespmem:$0x4100] =	vst v63  }
0x38: {  	_ =	swait.ge [sflag:s9], $0x2000  }
0x39: {  	[sflag:s9] =	ssyncset.done $0x0  }
0x3a: {  	[sflag:s9] =	ssyncadd.s32 $0xFFFFE000  }
0x3b: {  	_ =	swait.ge [sflag:s14], $0x2000  }
.Ltmp0:
0x3c: {  	[sflag:s14] =	ssyncset.done $0x0;
	(pc) =	sbr.rel @p0 .LBB2_2-.Ltmp0, $4  }
0x3d: {  	[sflag:s14] =	ssyncadd.s32 $0xFFFFE000  }
0x3e: {  	[hbm4b:s16+s2] =	stream.linear.scatter [tilespmem:s12], [sflag:$0x3], $0x2000, $0x38;
	[tilespmem:$0x4100] =	vst v63  }
0x3f: {  	s19 =	smov.u32 s22;
	_ =	swait.ge [sflag:s9], $0x2000  }
0x40: {  	s17 =	sadd.s32 $0x800, s17;
	s16 =	sadd.s32 $0x800, s16;
	[sflag:s9] =	ssyncset.done $0x0  }
0x41: {  	s19 =	sadd.s32 s18, s8;
	[sflag:s9] =	ssyncadd.s32 $0xFFFFE000  }
0x42: {  	[tilespmem:s2], [sflag:$0x3] =	stream.linear.gather [hbm4b:s19+s2], $0x80, $0x38;
	[tilespmem:$0x4100] =	vst v63  }
0x43: {  	_ =	swait.ge [sflag:s9], $0x80  }
0x44: {  	[sflag:s9] =	ssyncset.done $0x0  }
0x45: {  	[sflag:s9] =	ssyncadd.s32 $0xFFFFFF80  }
0x46: {  	[tilespmem:s10], [sflag:$0x1] =	stream.indirect.gather [hbm4b:s3+s10], $0x40, s2, s10, $0xb8;
	[tilespmem:$0x4100] =	vst v63  }
0x47: {  	s31 =	sadd.s32 s18, s7  }
0x48: {  	[tilespmem:s11], [sflag:$0x3] =	stream.linear.gather [hbm4b:s31+s2], $0x80, $0x38;
	[tilespmem:$0x4100] =	vst v63  }
0x49: {  	_ =	swait.ge [sflag:s9], $0x80  }
0x4a: {  	[sflag:s9] =	ssyncset.done $0x0  }
0x4b: {  	[sflag:s9] =	ssyncadd.s32 $0xFFFFFF80  }
0x4c: {  	[tilespmem:s12], [sflag:$0x2] =	stream.indirect.gather [hbm4b:s3+s10], $0x40, s11, s10, $0xb8;
	[tilespmem:$0x4100] =	vst v63  }
0x4d: {  	_ =	swait.ge [sflag:s13], $0x2000  }
0x4e: {  	[sflag:s13] =	ssyncset.done $0x0  }
0x4f: {  	[sflag:s13] =	ssyncadd.s32 $0xFFFFE000  }
0x50: {  	[hbm4b:s17+s2] =	stream.linear.scatter [tilespmem:s10], [sflag:$0x3], $0x2000, $0x38;
	[tilespmem:$0x4100] =	vst v63  }
0x51: {  	_ =	swait.ge [sflag:s9], $0x2000  }
0x52: {  	[sflag:s9] =	ssyncset.done $0x0  }
0x53: {  	[sflag:s9] =	ssyncadd.s32 $0xFFFFE000  }
0x54: {  	s15 =	sadd.s32 $0x1, s15;
	_ =	swait.ge [sflag:s14], $0x2000  }
0x55: {  	p0 =	sne.s32 s15, s4;
	[sflag:s14] =	ssyncset.done $0x0  }
.Ltmp1:
0x56: {  	[sflag:s14] =	ssyncadd.s32 $0xFFFFE000;
	(pc) =	sbr.rel @p0 .LBB2_1-.Ltmp1, $4  }
0x57: {  	[hbm4b:s16+s2] =	stream.linear.scatter [tilespmem:s12], [sflag:$0x3], $0x2000, $0x38;
	[tilespmem:$0x4100] =	vst v63  }
0x58: {  	_ =	swait.ge [sflag:s9], $0x2000  }
0x59: {  	[sflag:s9] =	ssyncset.done $0x0  }
0x5a: {  	[sflag:s9] =	ssyncadd.s32 $0xFFFFE000  }
0x5b: {  	_ =	sfence.sel $0x180000  }
0x5c: {  	[bflag:$0x0] =	sbarrier.arrive $0xFFFF  }
0x5d: {  	p0 =	sne.s32 s1, $0x0;
	_ =	strace $0x90000050  }
0x5e: {  	s0 =	sadd.s32 @!p0 $0x100000, s0;
	[bflag:$0x2] =	sbarrier.arrive $0xFFFF  }
0x5f: {  	[sflag:s0] =	ssyncadd.tile.s32 @!p0 $0x1;
	_ =	shalt  }
.Lfunc_end2:
_tile_overlayer_lowered:
.L_overlay_start_2:
0x60: {  	(tag) =	ssettag $0x2  }
0x61: {  	s0 =	rddreg [dreg:$0x0];
	s2 =	stileid.u32  }
0x62: {  	s1 =	rddreg [dreg:$0x1];
	p0 =	sne.s32 s2, $0x0  }
0x63: {  	s3 =	rddreg [dreg:$0x2];
	[bflag:$0x3] =	sbarrier.arrive $0xFFFF;
	s2 =	simm.s32 @!p0 $0x1C03  }
0x64: {  	[timem:s3], [sflag:s2] =	dma.local @!p0 [hbm:s0], s1  }
0x65: {  	s0 =	simm.s32 @!p0 $0x3  }
0x66: {  	_ =	swait.ge @!p0 [sflag:s0], s1  }
0x67: {  	s1 =	ssub.s32 @!p0 $0x0, s1;
	[sflag:s0] =	ssyncset.done @!p0 $0x0  }
0x68: {  	[sflag:s0] =	ssyncadd.s32 @!p0 s1  }
0x69: {  	[bflag:$0x3] =	sbarrier.arrive $0xFFFF  }
0x6a: {  	_ =	shalt  }

// kernel: kernel.38.cloned.1.call-start
scs
__scs_entry_jumppad:
0x0: {  	(pc) =	sbr.rel $0x88, $3  }
0x1: {  	(tag) =	ssettag $0x0;
	lr =	simm.s32 $0x1  }
0x2: {  	[smem:$0x3F91] =	sst lr;
	_ =	strace $0xD0000000  }
0x3: {  	_ = 	snop  }
0x4: {  	_ = 	snop  }
0x5: {  	_ = 	snop  }
0x6: {  	_ = 	snop  }
0x7: {  	_ = 	snop  }
__scs_overlays_trampoline_lowered:
0x8: {  	[smem:$0x3FA0] =	sst s0  }
0x9: {  	[smem:$0x3FA1] =	sst s1  }
0xa: {  	[smem:$0x3FA2] =	sst s2  }
0xb: {  	[smem:$0x3FA3] =	sst s3  }
0xc: {  	[smem:$0x3FA4] =	sst s4  }
0xd: {  	[smem:$0x3FA5] =	sst s5  }
0xe: {  	[smem:$0x3FA6] =	sst s6  }
0xf: {  	[smem:$0x3FA7] =	sst s7  }
0x10: {  	[smem:$0x3FA8] =	sst s8  }
0x11: {  	[smem:$0x3FA9] =	sst s9;
	s0 =	simm.s32 @!p0 $0x0  }
0x12: {  	s1 =	sld [smem:$0x3F8F];
	s0 =	simm.s32 @p0 $0x1  }
0x13: {  	[smem:$0x3FAA] =	sst s0;
	s0 =	simm.s32 @!p1 $0x0  }
0x14: {  	s2 =	sld [smem:$0x3F8E];
	s0 =	simm.s32 @p1 $0x1  }
0x15: {  	[smem:$0x3FAB] =	sst s0;
	s0 =	simm.s32 @!p2 $0x0  }
0x16: {  	s3 =	sld [smem:$0x3FDB];
	s0 =	simm.s32 @p2 $0x1  }
0x17: {  	s4 =	simm.s32 $0x1BF5;
	[smem:$0x3FAD] =	sst s0  }
0x18: {  	s0 =	sld [smem:$0x3F90];
	_ =	swait.ge [sflag:s4], $0x0  }
0x19: {  	s7 =	sld [smem:$0x3F91]  }
0x1a: {  	s8 =	sadd.s32 $0xFFFFE003, lr  }
0x1b: {  	s9 =	sadd.s32 $0xFFFFFEF7, lr;
	s5 =	simm.s32 $0xFFFFFFFF;
	p2 =	slt.u32 s8, $0xFFFFF086  }
0x1c: {  	p1 =	slt.u32 s9, $0xF7A;
	s5 =	simm.s32 @!p2 $0x0  }
0x1d: {  	s5 =	simm.s32 @p1 $0x1;
	p0 =	seq.s32 s7, s2  }
0x1e: {  	s7 =	smul.u32 @!p0 $0xF7A, s2;
	p2 =	seq.s32 @!p0 s5, $0x0  }
0x1f: {  	s9 =	smul.u32 $0xF7A, s1;
	s8 =	simm.s32 @!p0 $0x1BF5;
	p2 =	por !p2, p0  }
0x20: {  	[sflag:s8] =	ssyncset.s32 @!p0 $0xFFFFF086;
	s6 =	sadd.s32 @!p0 s3, s7;
	s7 =	simm.s32 @!p0 $0x108  }
0x21: {  	s3 =	sadd.s32 s3, s9;
	s6 =	sadd.s32 @!p0 $0x88, s6;
	s7 =	simm.s32 @p2 $0x1082  }
0x22: {  	[simem:s7], [sflag:s8] =	dma.local @!p0 [hbm:s6], $0xF7A  }
0x23: {  	s9 =	sor.u32 $0xD0000000, s2;
	s6 =	simm.s32 $0x108;
	_ =	swait.ge @!p0 [sflag:s8], $0x0  }
0x24: {  	s3 =	sadd.s32 $0x88, s3;
	s6 =	simm.s32 @!p1 $0x1082;
	[sflag:s4] =	ssyncset.s32 $0xFFFFF086  }
0x25: {  	[simem:s6], [sflag:s4] =	dma.local [hbm:s3], $0xF7A  }
0x26: {  	[smem:$0x3F91] =	sst s1;
	(tag) =	ssettag s2;
	_ =	strace s9  }
0x27: {  	s1 =	sld [smem:$0x3FA1]  }
0x28: {  	s2 =	sld [smem:$0x3FA2]  }
0x29: {  	s4 =	sld [smem:$0x3FA4]  }
0x2a: {  	p0 =	seq.s32 s5, $0x0;
	s5 =	sld [smem:$0x3FA5]  }
0x2b: {  	s6 =	sld [smem:$0x3FA6]  }
0x2c: {  	s7 =	sld [smem:$0x3FA7]  }
0x2d: {  	s3 =	simm.s32 $0x108;
	s8 =	sld [smem:$0x3FA8]  }
0x2e: {  	s3 =	simm.s32 @!p0 $0x1082;
	s9 =	sld [smem:$0x3FA9]  }
0x2f: {  	lr =	sadd.s32 s0, s3;
	s0 =	sld [smem:$0x3FA0]  }
0x30: {  	s3 =	sld [smem:$0x3FA3]  }
0x31: {  	[smem:$0x3FAC] =	sst s10  }
0x32: {  	s10 =	sld [smem:$0x3FAA];
	_ =	sdelay $0x3  }
0x33: {  	p0 =	seq.s32 s10, $0x1;
	s10 =	sld [smem:$0x3FAC];
	_ =	sdelay $0x3  }
0x34: {  	[smem:$0x3FAC] =	sst s10  }
0x35: {  	s10 =	sld [smem:$0x3FAB];
	_ =	sdelay $0x3  }
0x36: {  	p1 =	seq.s32 s10, $0x1;
	s10 =	sld [smem:$0x3FAC];
	_ =	sdelay $0x3  }
0x37: {  	[smem:$0x3FAC] =	sst s10  }
0x38: {  	s10 =	sld [smem:$0x3FAD]  }
0x39: {  	_ = 	snop;
	(pc) =	sbr.ind lr, $3  }
0x3a: {  	_ = 	snop  }
0x3b: {  	_ = 	snop  }
0x3c: {  	p2 =	seq.s32 s10, $0x1;
	s10 =	sld [smem:$0x3FAC]  }
0x3d: {  	_ =	shalt  }
0x3e: {  	_ =	shalt  }
0x3f: {  	_ =	shalt  }
0x40: {  	_ =	shalt  }
0x41: {  	_ =	shalt  }
0x42: {  	_ =	shalt  }
0x43: {  	_ =	shalt  }
0x44: {  	_ =	shalt  }
0x45: {  	_ =	shalt  }
0x46: {  	_ =	shalt  }
0x47: {  	_ =	shalt  }
0x48: {  	_ =	shalt  }
0x49: {  	_ =	shalt  }
0x4a: {  	_ =	shalt  }
0x4b: {  	_ =	shalt  }
0x4c: {  	_ =	shalt  }
0x4d: {  	_ =	shalt  }
0x4e: {  	_ =	shalt  }
0x4f: {  	_ =	shalt  }
0x50: {  	_ =	shalt  }
0x51: {  	_ =	shalt  }
0x52: {  	_ =	shalt  }
0x53: {  	_ =	shalt  }
0x54: {  	_ =	shalt  }
0x55: {  	_ =	shalt  }
0x56: {  	_ =	shalt  }
0x57: {  	_ =	shalt  }
0x58: {  	_ =	shalt  }
0x59: {  	_ =	shalt  }
0x5a: {  	_ =	shalt  }
0x5b: {  	_ =	shalt  }
0x5c: {  	_ =	shalt  }
0x5d: {  	_ =	shalt  }
0x5e: {  	_ =	shalt  }
0x5f: {  	_ =	shalt  }
0x60: {  	_ =	shalt  }
0x61: {  	_ =	shalt  }
0x62: {  	_ =	shalt  }
0x63: {  	_ =	shalt  }
0x64: {  	_ =	shalt  }
0x65: {  	_ =	shalt  }
0x66: {  	_ =	shalt  }
0x67: {  	_ =	shalt  }
0x68: {  	_ =	shalt  }
0x69: {  	_ =	shalt  }
0x6a: {  	_ =	shalt  }
0x6b: {  	_ =	shalt  }
0x6c: {  	_ =	shalt  }
0x6d: {  	_ =	shalt  }
0x6e: {  	_ =	shalt  }
0x6f: {  	_ =	shalt  }
0x70: {  	_ =	shalt  }
0x71: {  	_ =	shalt  }
0x72: {  	_ =	shalt  }
0x73: {  	_ =	shalt  }
0x74: {  	_ =	shalt  }
0x75: {  	_ =	shalt  }
0x76: {  	_ =	shalt  }
0x77: {  	_ =	shalt  }
0x78: {  	_ =	shalt  }
0x79: {  	_ =	shalt  }
0x7a: {  	_ =	shalt  }
0x7b: {  	_ =	shalt  }
0x7c: {  	_ =	shalt  }
0x7d: {  	_ =	shalt  }
0x7e: {  	_ =	shalt  }
0x7f: {  	_ =	shalt  }
0x80: {  	_ =	shalt  }
0x81: {  	_ =	shalt  }
0x82: {  	_ =	shalt  }
0x83: {  	_ =	shalt  }
0x84: {  	_ =	shalt  }
0x85: {  	_ =	shalt  }
0x86: {  	_ =	shalt  }
0x87: {  	_ =	shalt  }
.Lfunc_end0:
.L_simem_size_0:
called_computation.3_lowered:
.L_overlay_start_0:
0x88: {  	s2 =	sld [smem:$0x3FD9]  }
0x89: {  	s3 =	sld [smem:$0x3FFE];
	_ =	sdelay $0x1  }
0x8a: {  	s1 =	srdreg.scid  }
0x8b: {  	s0 =	sand.u32 $0x1, s1  }
0x8c: {  	s16 =	sshll.u32 s0, $0xA;
	s2 =	sadd.s32 s3, s2  }
0x8d: {  	s2 =	sadd.s32 s2, s16  }
0x8e: {  	[smem:$0x3FB8] =	sst s2  }
0x8f: {  	_ = 	snop  }
0x90: {  	(tm) =	ssettm $0x1  }
0x91: {  	s17 =	sld [smem:$0x3FFB];
	_ =	sdelay $0x3  }
0x92: {  	_ =	strace s17  }
0x93: {  	s2 =	sld [smem:$0x3FFC];
	_ =	sdelay $0x3  }
0x94: {  	_ =	strace s2  }
0x95: {  	s2 =	sld [smem:$0x3FFD];
	_ =	sdelay $0x3  }
0x96: {  	_ =	strace s2  }
0x97: {  	_ =	strace $0x8FFFFFFF  }
0x98: {  	s18 =	sld [smem:$0x3FDB];
	_ =	sdelay $0x1  }
0x99: {  	s19 =	simm.s32 $_scs_section_size  }
0x9a: {  	s4 =	simm.s32 $_size__tile_overlayer_lowered;
	s5 =	simm.s32 $_tile_overlayer_lowered  }
0x9b: {  	s22 =	simm.s32 $0x1BFF;
	s21 =	sshll.u32 s5, $0x1;
	s2 =	sadd.s32 s19, s18  }
0x9c: {  	s6 =	simm.s32 $0x0;
	s20 =	sshll.u32 s4, $0x1;
	s4 =	sadd.s32 s21, s2  }
0x9d: {  	[timem:s6], [sflag:s22] =	dma.local [hbm:s4], s20  }
0x9e: {  	_ =	swait.ge [sflag:s22], s20  }
0x9f: {  	s3 =	ssub.s32 $0x0, s20;
	[sflag:s22] =	ssyncset.done $0x0  }
0xa0: {  	[sflag:s22] =	ssyncadd.s32 s3;
	_ =	sdelay $0x1  }
0xa1: {  	s23 =	simm.s32 $0x1B8B  }
0xa2: {  	_ =	swait.ge [sflag:s23], $0x1  }
0xa3: {  	[sflag:s23] =	ssyncset.done $0x0  }
0xa4: {  	s25 =	simm.s32 $0x1B8E;
	s24 =	sld [smem:$0x3FFE];
	[sflag:s23] =	ssyncadd.s32 $0xFFFFFFFF  }
0xa5: {  	s26 =	simm.s32 $execute0_lowered;
	[smem:$0x3FD2] =	sst s25  }
0xa6: {  	s4 =	sshll.u32 s26, $0x1;
	_ =	strace $0x8000004C;
	[dreg:$0x1] =	wrdreg $0xFFFFFFFF  }
0xa7: {  	s28 =	simm.s32 $_size_execute0_lowered;
	s2 =	sadd.s32 s2, s4;
	[dreg:$0x0] =	wrdreg $0x0  }
0xa8: {  	s4 =	sshll.u32 s28, $0x1;
	[dreg:$0x2] =	wrdreg s2  }
0xa9: {  	[dreg:$0x3] =	wrdreg s4  }
0xaa: {  	[dreg:$0x4] =	wrdreg $0xC0  }
0xab: {  	_ =	task [dreg:s6], $0x5FFFF  }
0xac: {  	[dreg:$0x1] =	wrdreg $0xFFFFFFFF  }
0xad: {  	[dreg:$0x0] =	wrdreg $0x60  }
0xae: {  	[dreg:$0x2] =	wrdreg s24  }
0xaf: {  	[dreg:$0x3] =	wrdreg $0xA  }
0xb0: {  	_ =	task.clear_ibuf [dreg:s6], $0x4FFFF;
	_ =	strace $0x9000004C  }
0xb1: {  	s29 =	simm.s32 $0xA;
	_ =	strace $0x8000004E  }
0xb2: {  	_ =	swait.ge [sflag:s29], $0x1  }
0xb3: {  	[sflag:s29] =	ssyncadd.s32 $0xFFFFFFFF  }
0xb4: {  	_ =	strace $0x9000004E  }
0xb5: {  	_ =	sfence  }
0xb6: {  	s30 =	sld [smem:$0x0];
	_ =	sdelay $0x2  }
0xb7: {  	s31 =	sshll.u32 s1, $0xD;
	s1 =	sshrl.u32 s1, $0x2  }
0xb8: {  	s3 =	sand.u32 $0x4000, s31;
	s1 =	sadd.s32 s1, s30  }
0xb9: {  	s0 =	sor.u32 s3, s0;
	s1 =	sshll.u32 s1, $0x11  }
0xba: {  	s0 =	sor.u32 s1, s0  }
0xbb: {  	s0 =	sadd.s32 $0x8F2B, s0  }
0xbc: {  	[sflag:s0] =	ssyncadd.remote.s32 $0x1  }
0xbd: {  	_ =	sfence.sel $0xFFFF  }
0xbe: {  	[dreg:$0x0] =	wrdreg $0xFFFFFFFF;
	(pc) =	sbr.abs _section_cstart, $3  }
0xbf: {  	[dreg:$0x1] =	wrdreg $0xFFFFFFFF  }
0xc0: {  	_ =	task.clear_ibuf [dreg:s6], $0x2FFFF;
	_ =	strace $0x9FFFFFFF  }
0xc1: {  	(tm) =	ssettm $0x7FFFFFFF  }
tec
execute0_lowered:
.L_overlay_start_1:
0x0: {  	(tag) =	ssettag $0x1  }
0x1: {  	s4 =	rddreg [dreg:$0x0]  }
0x2: {  	s0 =	rddreg [dreg:$0x1];
	s2 =	simm.s32 $0x0  }
0x3: {  	s3 =	srdreg.scid;
	s1 =	stileid.u32;
	s12 =	simm.s32 $0x2100  }
0x4: {  	s13 =	simm.s32 $0x1;
	s14 =	simm.s32 $0x2;
	s15 =	simm.s32 $0x0  }
0x5: {  	[smem:$0x7FF] =	sst s2;
	s5 =	sand.u32 $0x1, s3;
	s6 =	smul.u32 $0x2800, s1  }
0x6: {  	s3 =	sadd.s32 $0x28C00, s4;
	s8 =	sadd.s32 $0x38C00, s4;
	s10 =	smul.u32 $0x14000, s1  }
0x7: {  	s9 =	sadd.s32 $0x3DC00, s4;
	s7 =	smul.u32 $0x1400, s5;
	s25 =	ssub.s32 $0x2, s5  }
0x8: {  	_ =	strace $0x8000004D;
	s5 =	smul.u32 $0xA000, s5;
	s11 =	sshrl.u32 s25, $0x1  }
0x9: {  	s26 =	sadd.s32 s10, s9;
	s10 =	simm.s32 $0x80;
	s7 =	sadd.s32 s7, s6  }
0xa: {  	s4 =	ssub.s32 s25, s11;
	s5 =	sadd.s32 s5, s26;
	s28 =	sor.u32 $0x80, s7  }
0xb: {  	s11 =	simm.s32 $0x2080;
	s4 =	smax.u32 s4, $0x1;
	s29 =	sshll.u32 s28, $0x3  }
0xc: {  	s31 =	sshrl.u32 s7, $0x3;
	s30 =	sshrl.u32 s28, $0x3;
	s6 =	sadd.s32 s29, s9  }
0xd: {  	s7 =	sadd.s32 s30, s8;
	s8 =	sadd.s32 s31, s8;
	s9 =	simm.s32 $0x3  }
.LBB2_1:
0xe: {  	s16 =	sadd.s32 $0x0, s8  }
0xf: {  	[tilespmem:s2], [sflag:$0x3] =	stream.linear.gather [hbm4b:s16+s2], $0x80, $0x38;
	[tilespmem:$0x4100] =	vst v63  }
0x10: {  	_ =	swait.ge [sflag:s9], $0x80  }
0x11: {  	[sflag:s9] =	ssyncset.done $0x0  }
0x12: {  	[sflag:s9] =	ssyncadd.s32 $0xFFFFFF80  }
0x13: {  	[tilespmem:s10], [sflag:$0x1] =	stream.indirect.gather [hbm4b:s3+s10], $0x40, s2, s10, $0xb8;
	[tilespmem:$0x4100] =	vst v63  }
0x14: {  	s31 =	sadd.s32 $0x0, s7  }
0x15: {  	[tilespmem:s11], [sflag:$0x3] =	stream.linear.gather [hbm4b:s31+s2], $0x80, $0x38;
	[tilespmem:$0x4100] =	vst v63  }
0x16: {  	_ =	swait.ge [sflag:s9], $0x80  }
0x17: {  	[sflag:s9] =	ssyncset.done $0x0  }
0x18: {  	[sflag:s9] =	ssyncadd.s32 $0xFFFFFF80  }
0x19: {  	[tilespmem:s12], [sflag:$0x2] =	stream.indirect.gather [hbm4b:s3+s10], $0x40, s11, s10, $0xb8;
	[tilespmem:$0x4100] =	vst v63  }
0x1a: {  	_ =	swait.ge [sflag:s13], $0x2000  }
0x1b: {  	[sflag:s13] =	ssyncset.done $0x0  }
0x1c: {  	[sflag:s13] =	ssyncadd.s32 $0xFFFFE000  }
0x1d: {  	[hbm4b:s5+s2] =	stream.linear.scatter [tilespmem:s10], [sflag:$0x3], $0x2000, $0x38;
	[tilespmem:$0x4100] =	vst v63  }
0x1e: {  	_ =	swait.ge [sflag:s9], $0x2000  }
0x1f: {  	[sflag:s9] =	ssyncset.done $0x0  }
0x20: {  	[sflag:s9] =	ssyncadd.s32 $0xFFFFE000  }
0x21: {  	_ =	swait.ge [sflag:s14], $0x2000  }
0x22: {  	[sflag:s14] =	ssyncset.done $0x0  }
0x23: {  	[sflag:s14] =	ssyncadd.s32 $0xFFFFE000  }
0x24: {  	[hbm4b:s6+s2] =	stream.linear.scatter [tilespmem:s12], [sflag:$0x3], $0x2000, $0x38;
	[tilespmem:$0x4100] =	vst v63  }
0x25: {  	s18 =	simm.s32 $0x20;
	s19 =	simm.s32 $0x40;
	_ =	swait.ge [sflag:s9], $0x2000  }
0x26: {  	s17 =	sadd.s32 $0x800, s5;
	s16 =	sadd.s32 $0x800, s6;
	[sflag:s9] =	ssyncset.done $0x0  }
.LBB2_2:
0x27: {  	s20 =	sadd.s32 s18, s8  }
0x28: {  	[sflag:s9] =	ssyncadd.s32 $0xFFFFE000;
	s21 =	smov.u32 s19;
	s22 =	sadd.s32 $0x20, s19  }
0x29: {  	[tilespmem:s2], [sflag:$0x3] =	stream.linear.gather [hbm4b:s20+s2], $0x80, $0x38;
	[tilespmem:$0x4100] =	vst v63  }
0x2a: {  	p0 =	sne.s32 s19, $0x260;
	_ =	swait.ge [sflag:s9], $0x80  }
0x2b: {  	[sflag:s9] =	ssyncset.done $0x0  }
0x2c: {  	[sflag:s9] =	ssyncadd.s32 $0xFFFFFF80  }
0x2d: {  	[tilespmem:s10], [sflag:$0x1] =	stream.indirect.gather [hbm4b:s3+s10], $0x40, s2, s10, $0xb8;
	[tilespmem:$0x4100] =	vst v63  }
0x2e: {  	s19 =	sadd.s32 s18, s7;
	s18 =	smov.u32 s21  }
0x2f: {  	[tilespmem:s11], [sflag:$0x3] =	stream.linear.gather [hbm4b:s19+s2], $0x80, $0x38;
	[tilespmem:$0x4100] =	vst v63  }
0x30: {  	_ =	swait.ge [sflag:s9], $0x80  }
0x31: {  	[sflag:s9] =	ssyncset.done $0x0  }
0x32: {  	[sflag:s9] =	ssyncadd.s32 $0xFFFFFF80  }
0x33: {  	[tilespmem:s12], [sflag:$0x2] =	stream.indirect.gather [hbm4b:s3+s10], $0x40, s11, s10, $0xb8;
	[tilespmem:$0x4100] =	vst v63  }
0x34: {  	_ =	swait.ge [sflag:s13], $0x2000  }
0x35: {  	[sflag:s13] =	ssyncset.done $0x0  }
0x36: {  	[sflag:s13] =	ssyncadd.s32 $0xFFFFE000  }
0x37: {  	[hbm4b:s17+s2] =	stream.linear.scatter [tilespmem:s10], [sflag:$0x3], $0x2000, $0x38;
	[tilespmem:$0x4100] =	vst v63  }
0x38: {  	_ =	swait.ge [sflag:s9], $0x2000  }
0x39: {  	[sflag:s9] =	ssyncset.done $0x0  }
0x3a: {  	[sflag:s9] =	ssyncadd.s32 $0xFFFFE000  }
0x3b: {  	_ =	swait.ge [sflag:s14], $0x2000  }
.Ltmp0:
0x3c: {  	[sflag:s14] =	ssyncset.done $0x0;
	(pc) =	sbr.rel @p0 .LBB2_2-.Ltmp0, $4  }
0x3d: {  	[sflag:s14] =	ssyncadd.s32 $0xFFFFE000  }
0x3e: {  	[hbm4b:s16+s2] =	stream.linear.scatter [tilespmem:s12], [sflag:$0x3], $0x2000, $0x38;
	[tilespmem:$0x4100] =	vst v63  }
0x3f: {  	s19 =	smov.u32 s22;
	_ =	swait.ge [sflag:s9], $0x2000  }
0x40: {  	s17 =	sadd.s32 $0x800, s17;
	s16 =	sadd.s32 $0x800, s16;
	[sflag:s9] =	ssyncset.done $0x0  }
0x41: {  	s19 =	sadd.s32 s18, s8;
	[sflag:s9] =	ssyncadd.s32 $0xFFFFE000  }
0x42: {  	[tilespmem:s2], [sflag:$0x3] =	stream.linear.gather [hbm4b:s19+s2], $0x80, $0x38;
	[tilespmem:$0x4100] =	vst v63  }
0x43: {  	_ =	swait.ge [sflag:s9], $0x80  }
0x44: {  	[sflag:s9] =	ssyncset.done $0x0  }
0x45: {  	[sflag:s9] =	ssyncadd.s32 $0xFFFFFF80  }
0x46: {  	[tilespmem:s10], [sflag:$0x1] =	stream.indirect.gather [hbm4b:s3+s10], $0x40, s2, s10, $0xb8;
	[tilespmem:$0x4100] =	vst v63  }
0x47: {  	s31 =	sadd.s32 s18, s7  }
0x48: {  	[tilespmem:s11], [sflag:$0x3] =	stream.linear.gather [hbm4b:s31+s2], $0x80, $0x38;
	[tilespmem:$0x4100] =	vst v63  }
0x49: {  	_ =	swait.ge [sflag:s9], $0x80  }
0x4a: {  	[sflag:s9] =	ssyncset.done $0x0  }
0x4b: {  	[sflag:s9] =	ssyncadd.s32 $0xFFFFFF80  }
0x4c: {  	[tilespmem:s12], [sflag:$0x2] =	stream.indirect.gather [hbm4b:s3+s10], $0x40, s11, s10, $0xb8;
	[tilespmem:$0x4100] =	vst v63  }
0x4d: {  	_ =	swait.ge [sflag:s13], $0x2000  }
0x4e: {  	[sflag:s13] =	ssyncset.done $0x0  }
0x4f: {  	[sflag:s13] =	ssyncadd.s32 $0xFFFFE000  }
0x50: {  	[hbm4b:s17+s2] =	stream.linear.scatter [tilespmem:s10], [sflag:$0x3], $0x2000, $0x38;
	[tilespmem:$0x4100] =	vst v63  }
0x51: {  	_ =	swait.ge [sflag:s9], $0x2000  }
0x52: {  	[sflag:s9] =	ssyncset.done $0x0  }
0x53: {  	[sflag:s9] =	ssyncadd.s32 $0xFFFFE000  }
0x54: {  	s15 =	sadd.s32 $0x1, s15;
	_ =	swait.ge [sflag:s14], $0x2000  }
0x55: {  	p0 =	sne.s32 s15, s4;
	[sflag:s14] =	ssyncset.done $0x0  }
.Ltmp1:
0x56: {  	[sflag:s14] =	ssyncadd.s32 $0xFFFFE000;
	(pc) =	sbr.rel @p0 .LBB2_1-.Ltmp1, $4  }
0x57: {  	[hbm4b:s16+s2] =	stream.linear.scatter [tilespmem:s12], [sflag:$0x3], $0x2000, $0x38;
	[tilespmem:$0x4100] =	vst v63  }
0x58: {  	_ =	swait.ge [sflag:s9], $0x2000  }
0x59: {  	[sflag:s9] =	ssyncset.done $0x0  }
0x5a: {  	[sflag:s9] =	ssyncadd.s32 $0xFFFFE000  }
0x5b: {  	_ =	sfence.sel $0x180000  }
0x5c: {  	[bflag:$0x0] =	sbarrier.arrive $0xFFFF  }
0x5d: {  	p0 =	sne.s32 s1, $0x0;
	_ =	strace $0x9000004D  }
0x5e: {  	s0 =	sadd.s32 @!p0 $0x100000, s0;
	[bflag:$0x2] =	sbarrier.arrive $0xFFFF  }
0x5f: {  	[sflag:s0] =	ssyncadd.tile.s32 @!p0 $0x1;
	_ =	shalt  }
.Lfunc_end2:
_tile_overlayer_lowered:
.L_overlay_start_2:
0x60: {  	(tag) =	ssettag $0x2  }
0x61: {  	s0 =	rddreg [dreg:$0x0];
	s2 =	stileid.u32  }
0x62: {  	s1 =	rddreg [dreg:$0x1];
	p0 =	sne.s32 s2, $0x0  }
0x63: {  	s3 =	rddreg [dreg:$0x2];
	[bflag:$0x3] =	sbarrier.arrive $0xFFFF;
	s2 =	simm.s32 @!p0 $0x1C03  }
0x64: {  	[timem:s3], [sflag:s2] =	dma.local @!p0 [hbm:s0], s1  }
0x65: {  	s0 =	simm.s32 @!p0 $0x3  }
0x66: {  	_ =	swait.ge @!p0 [sflag:s0], s1  }
0x67: {  	s1 =	ssub.s32 @!p0 $0x0, s1;
	[sflag:s0] =	ssyncset.done @!p0 $0x0  }
0x68: {  	[sflag:s0] =	ssyncadd.s32 @!p0 s1  }
0x69: {  	[bflag:$0x3] =	sbarrier.arrive $0xFFFF  }
0x6a: {  	_ =	shalt  }

// kernel: kernel.41.cloned.1.call-start
scs
__scs_entry_jumppad:
0x0: {  	(pc) =	sbr.rel $0x88, $3  }
0x1: {  	(tag) =	ssettag $0x0;
	lr =	simm.s32 $0x1  }
0x2: {  	[smem:$0x3F91] =	sst lr;
	_ =	strace $0xD0000000  }
0x3: {  	_ = 	snop  }
0x4: {  	_ = 	snop  }
0x5: {  	_ = 	snop  }
0x6: {  	_ = 	snop  }
0x7: {  	_ = 	snop  }
__scs_overlays_trampoline_lowered:
0x8: {  	[smem:$0x3FA0] =	sst s0  }
0x9: {  	[smem:$0x3FA1] =	sst s1  }
0xa: {  	[smem:$0x3FA2] =	sst s2  }
0xb: {  	[smem:$0x3FA3] =	sst s3  }
0xc: {  	[smem:$0x3FA4] =	sst s4  }
0xd: {  	[smem:$0x3FA5] =	sst s5  }
0xe: {  	[smem:$0x3FA6] =	sst s6  }
0xf: {  	[smem:$0x3FA7] =	sst s7  }
0x10: {  	[smem:$0x3FA8] =	sst s8  }
0x11: {  	[smem:$0x3FA9] =	sst s9;
	s0 =	simm.s32 @!p0 $0x0  }
0x12: {  	s1 =	sld [smem:$0x3F8F];
	s0 =	simm.s32 @p0 $0x1  }
0x13: {  	[smem:$0x3FAA] =	sst s0;
	s0 =	simm.s32 @!p1 $0x0  }
0x14: {  	s2 =	sld [smem:$0x3F8E];
	s0 =	simm.s32 @p1 $0x1  }
0x15: {  	[smem:$0x3FAB] =	sst s0;
	s0 =	simm.s32 @!p2 $0x0  }
0x16: {  	s3 =	sld [smem:$0x3FDB];
	s0 =	simm.s32 @p2 $0x1  }
0x17: {  	s4 =	simm.s32 $0x1BF5;
	[smem:$0x3FAD] =	sst s0  }
0x18: {  	s0 =	sld [smem:$0x3F90];
	_ =	swait.ge [sflag:s4], $0x0  }
0x19: {  	s7 =	sld [smem:$0x3F91]  }
0x1a: {  	s8 =	sadd.s32 $0xFFFFE003, lr  }
0x1b: {  	s9 =	sadd.s32 $0xFFFFFEF7, lr;
	s5 =	simm.s32 $0xFFFFFFFF;
	p2 =	slt.u32 s8, $0xFFFFF086  }
0x1c: {  	p1 =	slt.u32 s9, $0xF7A;
	s5 =	simm.s32 @!p2 $0x0  }
0x1d: {  	s5 =	simm.s32 @p1 $0x1;
	p0 =	seq.s32 s7, s2  }
0x1e: {  	s7 =	smul.u32 @!p0 $0xF7A, s2;
	p2 =	seq.s32 @!p0 s5, $0x0  }
0x1f: {  	s9 =	smul.u32 $0xF7A, s1;
	s8 =	simm.s32 @!p0 $0x1BF5;
	p2 =	por !p2, p0  }
0x20: {  	[sflag:s8] =	ssyncset.s32 @!p0 $0xFFFFF086;
	s6 =	sadd.s32 @!p0 s3, s7;
	s7 =	simm.s32 @!p0 $0x108  }
0x21: {  	s3 =	sadd.s32 s3, s9;
	s6 =	sadd.s32 @!p0 $0x88, s6;
	s7 =	simm.s32 @p2 $0x1082  }
0x22: {  	[simem:s7], [sflag:s8] =	dma.local @!p0 [hbm:s6], $0xF7A  }
0x23: {  	s9 =	sor.u32 $0xD0000000, s2;
	s6 =	simm.s32 $0x108;
	_ =	swait.ge @!p0 [sflag:s8], $0x0  }
0x24: {  	s3 =	sadd.s32 $0x88, s3;
	s6 =	simm.s32 @!p1 $0x1082;
	[sflag:s4] =	ssyncset.s32 $0xFFFFF086  }
0x25: {  	[simem:s6], [sflag:s4] =	dma.local [hbm:s3], $0xF7A  }
0x26: {  	[smem:$0x3F91] =	sst s1;
	(tag) =	ssettag s2;
	_ =	strace s9  }
0x27: {  	s1 =	sld [smem:$0x3FA1]  }
0x28: {  	s2 =	sld [smem:$0x3FA2]  }
0x29: {  	s4 =	sld [smem:$0x3FA4]  }
0x2a: {  	p0 =	seq.s32 s5, $0x0;
	s5 =	sld [smem:$0x3FA5]  }
0x2b: {  	s6 =	sld [smem:$0x3FA6]  }
0x2c: {  	s7 =	sld [smem:$0x3FA7]  }
0x2d: {  	s3 =	simm.s32 $0x108;
	s8 =	sld [smem:$0x3FA8]  }
0x2e: {  	s3 =	simm.s32 @!p0 $0x1082;
	s9 =	sld [smem:$0x3FA9]  }
0x2f: {  	lr =	sadd.s32 s0, s3;
	s0 =	sld [smem:$0x3FA0]  }
0x30: {  	s3 =	sld [smem:$0x3FA3]  }
0x31: {  	[smem:$0x3FAC] =	sst s10  }
0x32: {  	s10 =	sld [smem:$0x3FAA];
	_ =	sdelay $0x3  }
0x33: {  	p0 =	seq.s32 s10, $0x1;
	s10 =	sld [smem:$0x3FAC];
	_ =	sdelay $0x3  }
0x34: {  	[smem:$0x3FAC] =	sst s10  }
0x35: {  	s10 =	sld [smem:$0x3FAB];
	_ =	sdelay $0x3  }
0x36: {  	p1 =	seq.s32 s10, $0x1;
	s10 =	sld [smem:$0x3FAC];
	_ =	sdelay $0x3  }
0x37: {  	[smem:$0x3FAC] =	sst s10  }
0x38: {  	s10 =	sld [smem:$0x3FAD]  }
0x39: {  	_ = 	snop;
	(pc) =	sbr.ind lr, $3  }
0x3a: {  	_ = 	snop  }
0x3b: {  	_ = 	snop  }
0x3c: {  	p2 =	seq.s32 s10, $0x1;
	s10 =	sld [smem:$0x3FAC]  }
0x3d: {  	_ =	shalt  }
0x3e: {  	_ =	shalt  }
0x3f: {  	_ =	shalt  }
0x40: {  	_ =	shalt  }
0x41: {  	_ =	shalt  }
0x42: {  	_ =	shalt  }
0x43: {  	_ =	shalt  }
0x44: {  	_ =	shalt  }
0x45: {  	_ =	shalt  }
0x46: {  	_ =	shalt  }
0x47: {  	_ =	shalt  }
0x48: {  	_ =	shalt  }
0x49: {  	_ =	shalt  }
0x4a: {  	_ =	shalt  }
0x4b: {  	_ =	shalt  }
0x4c: {  	_ =	shalt  }
0x4d: {  	_ =	shalt  }
0x4e: {  	_ =	shalt  }
0x4f: {  	_ =	shalt  }
0x50: {  	_ =	shalt  }
0x51: {  	_ =	shalt  }
0x52: {  	_ =	shalt  }
0x53: {  	_ =	shalt  }
0x54: {  	_ =	shalt  }
0x55: {  	_ =	shalt  }
0x56: {  	_ =	shalt  }
0x57: {  	_ =	shalt  }
0x58: {  	_ =	shalt  }
0x59: {  	_ =	shalt  }
0x5a: {  	_ =	shalt  }
0x5b: {  	_ =	shalt  }
0x5c: {  	_ =	shalt  }
0x5d: {  	_ =	shalt  }
0x5e: {  	_ =	shalt  }
0x5f: {  	_ =	shalt  }
0x60: {  	_ =	shalt  }
0x61: {  	_ =	shalt  }
0x62: {  	_ =	shalt  }
0x63: {  	_ =	shalt  }
0x64: {  	_ =	shalt  }
0x65: {  	_ =	shalt  }
0x66: {  	_ =	shalt  }
0x67: {  	_ =	shalt  }
0x68: {  	_ =	shalt  }
0x69: {  	_ =	shalt  }
0x6a: {  	_ =	shalt  }
0x6b: {  	_ =	shalt  }
0x6c: {  	_ =	shalt  }
0x6d: {  	_ =	shalt  }
0x6e: {  	_ =	shalt  }
0x6f: {  	_ =	shalt  }
0x70: {  	_ =	shalt  }
0x71: {  	_ =	shalt  }
0x72: {  	_ =	shalt  }
0x73: {  	_ =	shalt  }
0x74: {  	_ =	shalt  }
0x75: {  	_ =	shalt  }
0x76: {  	_ =	shalt  }
0x77: {  	_ =	shalt  }
0x78: {  	_ =	shalt  }
0x79: {  	_ =	shalt  }
0x7a: {  	_ =	shalt  }
0x7b: {  	_ =	shalt  }
0x7c: {  	_ =	shalt  }
0x7d: {  	_ =	shalt  }
0x7e: {  	_ =	shalt  }
0x7f: {  	_ =	shalt  }
0x80: {  	_ =	shalt  }
0x81: {  	_ =	shalt  }
0x82: {  	_ =	shalt  }
0x83: {  	_ =	shalt  }
0x84: {  	_ =	shalt  }
0x85: {  	_ =	shalt  }
0x86: {  	_ =	shalt  }
0x87: {  	_ =	shalt  }
.Lfunc_end0:
.L_simem_size_0:
called_computation.4_lowered:
.L_overlay_start_0:
0x88: {  	s2 =	sld [smem:$0x3FD9]  }
0x89: {  	s3 =	sld [smem:$0x3FFE];
	_ =	sdelay $0x1  }
0x8a: {  	s1 =	srdreg.scid  }
0x8b: {  	s0 =	sand.u32 $0x1, s1  }
0x8c: {  	s17 =	sshll.u32 s0, $0xA;
	s2 =	sadd.s32 s3, s2  }
0x8d: {  	s2 =	sadd.s32 s2, s17  }
0x8e: {  	[smem:$0x3FB8] =	sst s2  }
0x8f: {  	_ = 	snop  }
0x90: {  	(tm) =	ssettm $0x1  }
0x91: {  	s18 =	sld [smem:$0x3FFB];
	_ =	sdelay $0x3  }
0x92: {  	_ =	strace s18  }
0x93: {  	s2 =	sld [smem:$0x3FFC];
	_ =	sdelay $0x3  }
0x94: {  	_ =	strace s2  }
0x95: {  	s2 =	sld [smem:$0x3FFD];
	_ =	sdelay $0x3  }
0x96: {  	_ =	strace s2  }
0x97: {  	_ =	strace $0x8FFFFFFF  }
0x98: {  	s19 =	sld [smem:$0x3FDB];
	_ =	sdelay $0x1  }
0x99: {  	s20 =	simm.s32 $_scs_section_size  }
0x9a: {  	s4 =	simm.s32 $_size__tile_overlayer_lowered;
	s5 =	simm.s32 $_tile_overlayer_lowered  }
0x9b: {  	s6 =	simm.s32 $0x1BFF;
	s21 =	sshll.u32 s5, $0x1;
	s3 =	sadd.s32 s20, s19  }
0x9c: {  	s22 =	simm.s32 $0x0;
	s4 =	sshll.u32 s4, $0x1;
	s5 =	sadd.s32 s21, s3  }
0x9d: {  	[timem:s22], [sflag:s6] =	dma.local [hbm:s5], s4  }
0x9e: {  	_ =	swait.ge [sflag:s6], s4  }
0x9f: {  	s4 =	ssub.s32 $0x0, s4;
	[sflag:s6] =	ssyncset.done $0x0  }
0xa0: {  	[sflag:s6] =	ssyncadd.s32 s4;
	_ =	sdelay $0x1  }
0xa1: {  	s23 =	simm.s32 $0x1B8B  }
0xa2: {  	_ =	swait.ge [sflag:s23], $0x1  }
0xa3: {  	[sflag:s23] =	ssyncset.done $0x0  }
0xa4: {  	[sflag:s23] =	ssyncadd.s32 $0xFFFFFFFF  }
0xa5: {  	s4 =	sld [smem:$0x0]  }
0xa6: {  	s5 =	sand.u32 $0xFFFFFFFE, s1  }
0xa7: {  	p0 =	sne.s32 s1, s5  }
0xa8: {  	s5 =	sshll.u32 @p0 s5, $0xE  }
0xa9: {  	s5 =	sadd.s32 @p0 $0x11B8D, s5;
	s6 =	sshll.u32 @p0 s4, $0x11  }
0xaa: {  	s5 =	sor.u32 @p0 s6, s5  }
0xab: {  	[sflag:s5] =	ssyncadd.remote.s32 @p0 $0x1;
	_ =	sdelay $0x1  }
0xac: {  	s5 =	simm.s32 @p0 $0x1B8D  }
0xad: {  	_ =	swait.eq @p0 [sflag:s5], $0x1  }
0xae: {  	[sflag:s5] =	ssyncadd.s32 @p0 $0xFFFFFFFF  }
0xaf: {  	s6 =	sshll.u32 @!p0 s1, $0xE  }
0xb0: {  	s6 =	sor.u32 @!p0 $0x4000, s6;
	s5 =	simm.s32 @!p0 $0x1B8D  }
0xb1: {  	s4 =	sshll.u32 @!p0 s4, $0x11;
	s6 =	sadd.s32 @!p0 $0x11B8D, s6;
	_ =	swait.eq @!p0 [sflag:s5], $0x1  }
0xb2: {  	s4 =	sor.u32 @!p0 s4, s6;
	[sflag:s5] =	ssyncadd.s32 @!p0 $0xFFFFFFFF  }
0xb3: {  	s25 =	simm.s32 $0x1B8E;
	s24 =	sld [smem:$0x3FFE];
	[sflag:s4] =	ssyncadd.remote.s32 @!p0 $0x1  }
0xb4: {  	s26 =	simm.s32 $execute0_lowered;
	[smem:$0x3FD2] =	sst s25  }
0xb5: {  	s5 =	sshll.u32 s26, $0x1;
	_ =	strace $0x80000055;
	[dreg:$0x1] =	wrdreg $0xFFFFFFFF  }
0xb6: {  	s28 =	simm.s32 $_size_execute0_lowered;
	s3 =	sadd.s32 s3, s5;
	[dreg:$0x0] =	wrdreg $0x0  }
0xb7: {  	s5 =	sshll.u32 s28, $0x1;
	[dreg:$0x2] =	wrdreg s3  }
0xb8: {  	[dreg:$0x3] =	wrdreg s5  }
0xb9: {  	[dreg:$0x4] =	wrdreg $0xC0  }
0xba: {  	_ =	task [dreg:s22], $0x5FFFF  }
0xbb: {  	[dreg:$0x1] =	wrdreg $0xFFFFFFFF  }
0xbc: {  	[dreg:$0x0] =	wrdreg $0x60  }
0xbd: {  	[dreg:$0x2] =	wrdreg s24  }
0xbe: {  	[dreg:$0x3] =	wrdreg $0x9  }
0xbf: {  	_ =	task.clear_ibuf [dreg:s22], $0x4FFFF;
	_ =	strace $0x90000055  }
0xc0: {  	s29 =	simm.s32 $0x9;
	_ =	strace $0x80000057  }
0xc1: {  	_ =	swait.ge [sflag:s29], $0x1  }
0xc2: {  	[sflag:s29] =	ssyncadd.s32 $0xFFFFFFFF  }
0xc3: {  	_ =	strace $0x90000057  }
0xc4: {  	_ =	sfence  }
0xc5: {  	s30 =	sld [smem:$0x0];
	_ =	sdelay $0x2  }
0xc6: {  	s31 =	sshll.u32 s1, $0xD;
	s1 =	sshrl.u32 s1, $0x2  }
0xc7: {  	s4 =	sand.u32 $0x4000, s31;
	s1 =	sadd.s32 s1, s30  }
0xc8: {  	s0 =	sor.u32 s4, s0;
	s1 =	sshll.u32 s1, $0x11  }
0xc9: {  	s0 =	sor.u32 s1, s0  }
0xca: {  	s0 =	sadd.s32 $0x8F2B, s0  }
0xcb: {  	[sflag:s0] =	ssyncadd.remote.s32 $0x1  }
0xcc: {  	_ =	sfence.sel $0xFFFF  }
0xcd: {  	[dreg:$0x0] =	wrdreg $0xFFFFFFFF;
	(pc) =	sbr.abs _section_cstart, $3  }
0xce: {  	[dreg:$0x1] =	wrdreg $0xFFFFFFFF  }
0xcf: {  	_ =	task.clear_ibuf [dreg:s22], $0x2FFFF;
	_ =	strace $0x9FFFFFFF  }
0xd0: {  	(tm) =	ssettm $0x7FFFFFFF  }
0xd1: {  	_ =	shalt  }
tec
execute0_lowered:
.L_overlay_start_1:
0x0: {  	(tag) =	ssettag $0x1  }
0x1: {  	s4 =	rddreg [dreg:$0x0]  }
0x2: {  	s0 =	rddreg [dreg:$0x1];
	s2 =	simm.s32 $0x0  }
0x3: {  	s3 =	srdreg.scid;
	s1 =	stileid.u32;
	s12 =	simm.s32 $0x2100  }
0x4: {  	s13 =	simm.s32 $0x1;
	s14 =	simm.s32 $0x2;
	s15 =	simm.s32 $0x0  }
0x5: {  	[smem:$0x7FF] =	sst s2;
	s5 =	sand.u32 $0x1, s3;
	s6 =	smul.u32 $0x2800, s1  }
0x6: {  	s3 =	sadd.s32 $0x7DC00, s4;
	s8 =	sadd.s32 $0x8DC00, s4;
	s10 =	smul.u32 $0x14000, s1  }
0x7: {  	s9 =	sadd.s32 $0x2DDC00, s4;
	s7 =	smul.u32 $0x1400, s5;
	s25 =	ssub.s32 $0x2, s5  }
0x8: {  	_ =	strace $0x80000056;
	s5 =	smul.u32 $0xA000, s5;
	s11 =	sshrl.u32 s25, $0x1  }
0x9: {  	s26 =	sadd.s32 s10, s9;
	s10 =	simm.s32 $0x80;
	s7 =	sadd.s32 s7, s6  }
0xa: {  	s4 =	ssub.s32 s25, s11;
	s5 =	sadd.s32 s5, s26;
	s28 =	sor.u32 $0x80, s7  }
0xb: {  	s11 =	simm.s32 $0x2080;
	s4 =	smax.u32 s4, $0x1;
	s29 =	sshll.u32 s28, $0x3  }
0xc: {  	s31 =	sshrl.u32 s7, $0x3;
	s30 =	sshrl.u32 s28, $0x3;
	s6 =	sadd.s32 s29, s9  }
0xd: {  	s7 =	sadd.s32 s30, s8;
	s8 =	sadd.s32 s31, s8;
	s9 =	simm.s32 $0x3  }
.LBB2_1:
0xe: {  	s16 =	sadd.s32 $0x0, s8  }
0xf: {  	[tilespmem:s2], [sflag:$0x3] =	stream.linear.gather [hbm4b:s16+s2], $0x80, $0x38;
	[tilespmem:$0x4100] =	vst v63  }
0x10: {  	_ =	swait.ge [sflag:s9], $0x80  }
0x11: {  	[sflag:s9] =	ssyncset.done $0x0  }
0x12: {  	[sflag:s9] =	ssyncadd.s32 $0xFFFFFF80  }
0x13: {  	[tilespmem:s10], [sflag:$0x1] =	stream.indirect.gather [hbm4b:s3+s10], $0x40, s2, s10, $0xb8;
	[tilespmem:$0x4100] =	vst v63  }
0x14: {  	s31 =	sadd.s32 $0x0, s7  }
0x15: {  	[tilespmem:s11], [sflag:$0x3] =	stream.linear.gather [hbm4b:s31+s2], $0x80, $0x38;
	[tilespmem:$0x4100] =	vst v63  }
0x16: {  	_ =	swait.ge [sflag:s9], $0x80  }
0x17: {  	[sflag:s9] =	ssyncset.done $0x0  }
0x18: {  	[sflag:s9] =	ssyncadd.s32 $0xFFFFFF80  }
0x19: {  	[tilespmem:s12], [sflag:$0x2] =	stream.indirect.gather [hbm4b:s3+s10], $0x40, s11, s10, $0xb8;
	[tilespmem:$0x4100] =	vst v63  }
0x1a: {  	_ =	swait.ge [sflag:s13], $0x2000  }
0x1b: {  	[sflag:s13] =	ssyncset.done $0x0  }
0x1c: {  	[sflag:s13] =	ssyncadd.s32 $0xFFFFE000  }
0x1d: {  	[hbm4b:s5+s2] =	stream.linear.scatter [tilespmem:s10], [sflag:$0x3], $0x2000, $0x38;
	[tilespmem:$0x4100] =	vst v63  }
0x1e: {  	_ =	swait.ge [sflag:s9], $0x2000  }
0x1f: {  	[sflag:s9] =	ssyncset.done $0x0  }
0x20: {  	[sflag:s9] =	ssyncadd.s32 $0xFFFFE000  }
0x21: {  	_ =	swait.ge [sflag:s14], $0x2000  }
0x22: {  	[sflag:s14] =	ssyncset.done $0x0  }
0x23: {  	[sflag:s14] =	ssyncadd.s32 $0xFFFFE000  }
0x24: {  	[hbm4b:s6+s2] =	stream.linear.scatter [tilespmem:s12], [sflag:$0x3], $0x2000, $0x38;
	[tilespmem:$0x4100] =	vst v63  }
0x25: {  	s18 =	simm.s32 $0x20;
	s19 =	simm.s32 $0x40;
	_ =	swait.ge [sflag:s9], $0x2000  }
0x26: {  	s17 =	sadd.s32 $0x800, s5;
	s16 =	sadd.s32 $0x800, s6;
	[sflag:s9] =	ssyncset.done $0x0  }
.LBB2_2:
0x27: {  	s20 =	sadd.s32 s18, s8  }
0x28: {  	[sflag:s9] =	ssyncadd.s32 $0xFFFFE000;
	s21 =	smov.u32 s19;
	s22 =	sadd.s32 $0x20, s19  }
0x29: {  	[tilespmem:s2], [sflag:$0x3] =	stream.linear.gather [hbm4b:s20+s2], $0x80, $0x38;
	[tilespmem:$0x4100] =	vst v63  }
0x2a: {  	p0 =	sne.s32 s19, $0x260;
	_ =	swait.ge [sflag:s9], $0x80  }
0x2b: {  	[sflag:s9] =	ssyncset.done $0x0  }
0x2c: {  	[sflag:s9] =	ssyncadd.s32 $0xFFFFFF80  }
0x2d: {  	[tilespmem:s10], [sflag:$0x1] =	stream.indirect.gather [hbm4b:s3+s10], $0x40, s2, s10, $0xb8;
	[tilespmem:$0x4100] =	vst v63  }
0x2e: {  	s19 =	sadd.s32 s18, s7;
	s18 =	smov.u32 s21  }
0x2f: {  	[tilespmem:s11], [sflag:$0x3] =	stream.linear.gather [hbm4b:s19+s2], $0x80, $0x38;
	[tilespmem:$0x4100] =	vst v63  }
0x30: {  	_ =	swait.ge [sflag:s9], $0x80  }
0x31: {  	[sflag:s9] =	ssyncset.done $0x0  }
0x32: {  	[sflag:s9] =	ssyncadd.s32 $0xFFFFFF80  }
0x33: {  	[tilespmem:s12], [sflag:$0x2] =	stream.indirect.gather [hbm4b:s3+s10], $0x40, s11, s10, $0xb8;
	[tilespmem:$0x4100] =	vst v63  }
0x34: {  	_ =	swait.ge [sflag:s13], $0x2000  }
0x35: {  	[sflag:s13] =	ssyncset.done $0x0  }
0x36: {  	[sflag:s13] =	ssyncadd.s32 $0xFFFFE000  }
0x37: {  	[hbm4b:s17+s2] =	stream.linear.scatter [tilespmem:s10], [sflag:$0x3], $0x2000, $0x38;
	[tilespmem:$0x4100] =	vst v63  }
0x38: {  	_ =	swait.ge [sflag:s9], $0x2000  }
0x39: {  	[sflag:s9] =	ssyncset.done $0x0  }
0x3a: {  	[sflag:s9] =	ssyncadd.s32 $0xFFFFE000  }
0x3b: {  	_ =	swait.ge [sflag:s14], $0x2000  }
.Ltmp0:
0x3c: {  	[sflag:s14] =	ssyncset.done $0x0;
	(pc) =	sbr.rel @p0 .LBB2_2-.Ltmp0, $4  }
0x3d: {  	[sflag:s14] =	ssyncadd.s32 $0xFFFFE000  }
0x3e: {  	[hbm4b:s16+s2] =	stream.linear.scatter [tilespmem:s12], [sflag:$0x3], $0x2000, $0x38;
	[tilespmem:$0x4100] =	vst v63  }
0x3f: {  	s19 =	smov.u32 s22;
	_ =	swait.ge [sflag:s9], $0x2000  }
0x40: {  	s17 =	sadd.s32 $0x800, s17;
	s16 =	sadd.s32 $0x800, s16;
	[sflag:s9] =	ssyncset.done $0x0  }
0x41: {  	s19 =	sadd.s32 s18, s8;
	[sflag:s9] =	ssyncadd.s32 $0xFFFFE000  }
0x42: {  	[tilespmem:s2], [sflag:$0x3] =	stream.linear.gather [hbm4b:s19+s2], $0x80, $0x38;
	[tilespmem:$0x4100] =	vst v63  }
0x43: {  	_ =	swait.ge [sflag:s9], $0x80  }
0x44: {  	[sflag:s9] =	ssyncset.done $0x0  }
0x45: {  	[sflag:s9] =	ssyncadd.s32 $0xFFFFFF80  }
0x46: {  	[tilespmem:s10], [sflag:$0x1] =	stream.indirect.gather [hbm4b:s3+s10], $0x40, s2, s10, $0xb8;
	[tilespmem:$0x4100] =	vst v63  }
0x47: {  	s31 =	sadd.s32 s18, s7  }
0x48: {  	[tilespmem:s11], [sflag:$0x3] =	stream.linear.gather [hbm4b:s31+s2], $0x80, $0x38;
	[tilespmem:$0x4100] =	vst v63  }
0x49: {  	_ =	swait.ge [sflag:s9], $0x80  }
0x4a: {  	[sflag:s9] =	ssyncset.done $0x0  }
0x4b: {  	[sflag:s9] =	ssyncadd.s32 $0xFFFFFF80  }
0x4c: {  	[tilespmem:s12], [sflag:$0x2] =	stream.indirect.gather [hbm4b:s3+s10], $0x40, s11, s10, $0xb8;
	[tilespmem:$0x4100] =	vst v63  }
0x4d: {  	_ =	swait.ge [sflag:s13], $0x2000  }
0x4e: {  	[sflag:s13] =	ssyncset.done $0x0  }
0x4f: {  	[sflag:s13] =	ssyncadd.s32 $0xFFFFE000  }
0x50: {  	[hbm4b:s17+s2] =	stream.linear.scatter [tilespmem:s10], [sflag:$0x3], $0x2000, $0x38;
	[tilespmem:$0x4100] =	vst v63  }
0x51: {  	_ =	swait.ge [sflag:s9], $0x2000  }
0x52: {  	[sflag:s9] =	ssyncset.done $0x0  }
0x53: {  	[sflag:s9] =	ssyncadd.s32 $0xFFFFE000  }
0x54: {  	s15 =	sadd.s32 $0x1, s15;
	_ =	swait.ge [sflag:s14], $0x2000  }
0x55: {  	p0 =	sne.s32 s15, s4;
	[sflag:s14] =	ssyncset.done $0x0  }
.Ltmp1:
0x56: {  	[sflag:s14] =	ssyncadd.s32 $0xFFFFE000;
	(pc) =	sbr.rel @p0 .LBB2_1-.Ltmp1, $4  }
0x57: {  	[hbm4b:s16+s2] =	stream.linear.scatter [tilespmem:s12], [sflag:$0x3], $0x2000, $0x38;
	[tilespmem:$0x4100] =	vst v63  }
0x58: {  	_ =	swait.ge [sflag:s9], $0x2000  }
0x59: {  	[sflag:s9] =	ssyncset.done $0x0  }
0x5a: {  	[sflag:s9] =	ssyncadd.s32 $0xFFFFE000  }
0x5b: {  	_ =	sfence.sel $0x180000  }
0x5c: {  	[bflag:$0x0] =	sbarrier.arrive $0xFFFF  }
0x5d: {  	p0 =	sne.s32 s1, $0x0;
	_ =	strace $0x90000056  }
0x5e: {  	s0 =	sadd.s32 @!p0 $0x100000, s0;
	[bflag:$0x2] =	sbarrier.arrive $0xFFFF  }
0x5f: {  	[sflag:s0] =	ssyncadd.tile.s32 @!p0 $0x1;
	_ =	shalt  }
.Lfunc_end2:
_tile_overlayer_lowered:
.L_overlay_start_2:
0x60: {  	(tag) =	ssettag $0x2  }
0x61: {  	s0 =	rddreg [dreg:$0x0];
	s2 =	stileid.u32  }
0x62: {  	s1 =	rddreg [dreg:$0x1];
	p0 =	sne.s32 s2, $0x0  }
0x63: {  	s3 =	rddreg [dreg:$0x2];
	[bflag:$0x3] =	sbarrier.arrive $0xFFFF;
	s2 =	simm.s32 @!p0 $0x1C03  }
0x64: {  	[timem:s3], [sflag:s2] =	dma.local @!p0 [hbm:s0], s1  }
0x65: {  	s0 =	simm.s32 @!p0 $0x3  }
0x66: {  	_ =	swait.ge @!p0 [sflag:s0], s1  }
0x67: {  	s1 =	ssub.s32 @!p0 $0x0, s1;
	[sflag:s0] =	ssyncset.done @!p0 $0x0  }
0x68: {  	[sflag:s0] =	ssyncadd.s32 @!p0 s1  }
0x69: {  	[bflag:$0x3] =	sbarrier.arrive $0xFFFF  }
0x6a: {  	_ =	shalt  }

// kernel: kernel.44.cloned.1.call-start
scs
__scs_entry_jumppad:
0x0: {  	(pc) =	sbr.rel $0x88, $3  }
0x1: {  	(tag) =	ssettag $0x0;
	lr =	simm.s32 $0x1  }
0x2: {  	[smem:$0x3F91] =	sst lr;
	_ =	strace $0xD0000000  }
0x3: {  	_ = 	snop  }
0x4: {  	_ = 	snop  }
0x5: {  	_ = 	snop  }
0x6: {  	_ = 	snop  }
0x7: {  	_ = 	snop  }
__scs_overlays_trampoline_lowered:
0x8: {  	[smem:$0x3FA0] =	sst s0  }
0x9: {  	[smem:$0x3FA1] =	sst s1  }
0xa: {  	[smem:$0x3FA2] =	sst s2  }
0xb: {  	[smem:$0x3FA3] =	sst s3  }
0xc: {  	[smem:$0x3FA4] =	sst s4  }
0xd: {  	[smem:$0x3FA5] =	sst s5  }
0xe: {  	[smem:$0x3FA6] =	sst s6  }
0xf: {  	[smem:$0x3FA7] =	sst s7  }
0x10: {  	[smem:$0x3FA8] =	sst s8  }
0x11: {  	[smem:$0x3FA9] =	sst s9;
	s0 =	simm.s32 @!p0 $0x0  }
0x12: {  	s1 =	sld [smem:$0x3F8F];
	s0 =	simm.s32 @p0 $0x1  }
0x13: {  	[smem:$0x3FAA] =	sst s0;
	s0 =	simm.s32 @!p1 $0x0  }
0x14: {  	s2 =	sld [smem:$0x3F8E];
	s0 =	simm.s32 @p1 $0x1  }
0x15: {  	[smem:$0x3FAB] =	sst s0;
	s0 =	simm.s32 @!p2 $0x0  }
0x16: {  	s3 =	sld [smem:$0x3FDB];
	s0 =	simm.s32 @p2 $0x1  }
0x17: {  	s4 =	simm.s32 $0x1BF5;
	[smem:$0x3FAD] =	sst s0  }
0x18: {  	s0 =	sld [smem:$0x3F90];
	_ =	swait.ge [sflag:s4], $0x0  }
0x19: {  	s7 =	sld [smem:$0x3F91]  }
0x1a: {  	s8 =	sadd.s32 $0xFFFFE003, lr  }
0x1b: {  	s9 =	sadd.s32 $0xFFFFFEF7, lr;
	s5 =	simm.s32 $0xFFFFFFFF;
	p2 =	slt.u32 s8, $0xFFFFF086  }
0x1c: {  	p1 =	slt.u32 s9, $0xF7A;
	s5 =	simm.s32 @!p2 $0x0  }
0x1d: {  	s5 =	simm.s32 @p1 $0x1;
	p0 =	seq.s32 s7, s2  }
0x1e: {  	s7 =	smul.u32 @!p0 $0xF7A, s2;
	p2 =	seq.s32 @!p0 s5, $0x0  }
0x1f: {  	s9 =	smul.u32 $0xF7A, s1;
	s8 =	simm.s32 @!p0 $0x1BF5;
	p2 =	por !p2, p0  }
0x20: {  	[sflag:s8] =	ssyncset.s32 @!p0 $0xFFFFF086;
	s6 =	sadd.s32 @!p0 s3, s7;
	s7 =	simm.s32 @!p0 $0x108  }
0x21: {  	s3 =	sadd.s32 s3, s9;
	s6 =	sadd.s32 @!p0 $0x88, s6;
	s7 =	simm.s32 @p2 $0x1082  }
0x22: {  	[simem:s7], [sflag:s8] =	dma.local @!p0 [hbm:s6], $0xF7A  }
0x23: {  	s9 =	sor.u32 $0xD0000000, s2;
	s6 =	simm.s32 $0x108;
	_ =	swait.ge @!p0 [sflag:s8], $0x0  }
0x24: {  	s3 =	sadd.s32 $0x88, s3;
	s6 =	simm.s32 @!p1 $0x1082;
	[sflag:s4] =	ssyncset.s32 $0xFFFFF086  }
0x25: {  	[simem:s6], [sflag:s4] =	dma.local [hbm:s3], $0xF7A  }
0x26: {  	[smem:$0x3F91] =	sst s1;
	(tag) =	ssettag s2;
	_ =	strace s9  }
0x27: {  	s1 =	sld [smem:$0x3FA1]  }
0x28: {  	s2 =	sld [smem:$0x3FA2]  }
0x29: {  	s4 =	sld [smem:$0x3FA4]  }
0x2a: {  	p0 =	seq.s32 s5, $0x0;
	s5 =	sld [smem:$0x3FA5]  }
0x2b: {  	s6 =	sld [smem:$0x3FA6]  }
0x2c: {  	s7 =	sld [smem:$0x3FA7]  }
0x2d: {  	s3 =	simm.s32 $0x108;
	s8 =	sld [smem:$0x3FA8]  }
0x2e: {  	s3 =	simm.s32 @!p0 $0x1082;
	s9 =	sld [smem:$0x3FA9]  }
0x2f: {  	lr =	sadd.s32 s0, s3;
	s0 =	sld [smem:$0x3FA0]  }
0x30: {  	s3 =	sld [smem:$0x3FA3]  }
0x31: {  	[smem:$0x3FAC] =	sst s10  }
0x32: {  	s10 =	sld [smem:$0x3FAA];
	_ =	sdelay $0x3  }
0x33: {  	p0 =	seq.s32 s10, $0x1;
	s10 =	sld [smem:$0x3FAC];
	_ =	sdelay $0x3  }
0x34: {  	[smem:$0x3FAC] =	sst s10  }
0x35: {  	s10 =	sld [smem:$0x3FAB];
	_ =	sdelay $0x3  }
0x36: {  	p1 =	seq.s32 s10, $0x1;
	s10 =	sld [smem:$0x3FAC];
	_ =	sdelay $0x3  }
0x37: {  	[smem:$0x3FAC] =	sst s10  }
0x38: {  	s10 =	sld [smem:$0x3FAD]  }
0x39: {  	_ = 	snop;
	(pc) =	sbr.ind lr, $3  }
0x3a: {  	_ = 	snop  }
0x3b: {  	_ = 	snop  }
0x3c: {  	p2 =	seq.s32 s10, $0x1;
	s10 =	sld [smem:$0x3FAC]  }
0x3d: {  	_ =	shalt  }
0x3e: {  	_ =	shalt  }
0x3f: {  	_ =	shalt  }
0x40: {  	_ =	shalt  }
0x41: {  	_ =	shalt  }
0x42: {  	_ =	shalt  }
0x43: {  	_ =	shalt  }
0x44: {  	_ =	shalt  }
0x45: {  	_ =	shalt  }
0x46: {  	_ =	shalt  }
0x47: {  	_ =	shalt  }
0x48: {  	_ =	shalt  }
0x49: {  	_ =	shalt  }
0x4a: {  	_ =	shalt  }
0x4b: {  	_ =	shalt  }
0x4c: {  	_ =	shalt  }
0x4d: {  	_ =	shalt  }
0x4e: {  	_ =	shalt  }
0x4f: {  	_ =	shalt  }
0x50: {  	_ =	shalt  }
0x51: {  	_ =	shalt  }
0x52: {  	_ =	shalt  }
0x53: {  	_ =	shalt  }
0x54: {  	_ =	shalt  }
0x55: {  	_ =	shalt  }
0x56: {  	_ =	shalt  }
0x57: {  	_ =	shalt  }
0x58: {  	_ =	shalt  }
0x59: {  	_ =	shalt  }
0x5a: {  	_ =	shalt  }
0x5b: {  	_ =	shalt  }
0x5c: {  	_ =	shalt  }
0x5d: {  	_ =	shalt  }
0x5e: {  	_ =	shalt  }
0x5f: {  	_ =	shalt  }
0x60: {  	_ =	shalt  }
0x61: {  	_ =	shalt  }
0x62: {  	_ =	shalt  }
0x63: {  	_ =	shalt  }
0x64: {  	_ =	shalt  }
0x65: {  	_ =	shalt  }
0x66: {  	_ =	shalt  }
0x67: {  	_ =	shalt  }
0x68: {  	_ =	shalt  }
0x69: {  	_ =	shalt  }
0x6a: {  	_ =	shalt  }
0x6b: {  	_ =	shalt  }
0x6c: {  	_ =	shalt  }
0x6d: {  	_ =	shalt  }
0x6e: {  	_ =	shalt  }
0x6f: {  	_ =	shalt  }
0x70: {  	_ =	shalt  }
0x71: {  	_ =	shalt  }
0x72: {  	_ =	shalt  }
0x73: {  	_ =	shalt  }
0x74: {  	_ =	shalt  }
0x75: {  	_ =	shalt  }
0x76: {  	_ =	shalt  }
0x77: {  	_ =	shalt  }
0x78: {  	_ =	shalt  }
0x79: {  	_ =	shalt  }
0x7a: {  	_ =	shalt  }
0x7b: {  	_ =	shalt  }
0x7c: {  	_ =	shalt  }
0x7d: {  	_ =	shalt  }
0x7e: {  	_ =	shalt  }
0x7f: {  	_ =	shalt  }
0x80: {  	_ =	shalt  }
0x81: {  	_ =	shalt  }
0x82: {  	_ =	shalt  }
0x83: {  	_ =	shalt  }
0x84: {  	_ =	shalt  }
0x85: {  	_ =	shalt  }
0x86: {  	_ =	shalt  }
0x87: {  	_ =	shalt  }
.Lfunc_end0:
.L_simem_size_0:
called_computation.5_lowered:
.L_overlay_start_0:
0x88: {  	s2 =	sld [smem:$0x3FD9]  }
0x89: {  	s3 =	sld [smem:$0x3FFE];
	_ =	sdelay $0x1  }
0x8a: {  	s1 =	srdreg.scid  }
0x8b: {  	s0 =	sand.u32 $0x1, s1  }
0x8c: {  	s16 =	sshll.u32 s0, $0xA;
	s2 =	sadd.s32 s3, s2  }
0x8d: {  	s2 =	sadd.s32 s2, s16  }
0x8e: {  	[smem:$0x3FB8] =	sst s2  }
0x8f: {  	_ = 	snop  }
0x90: {  	(tm) =	ssettm $0x1  }
0x91: {  	s17 =	sld [smem:$0x3FFB];
	_ =	sdelay $0x3  }
0x92: {  	_ =	strace s17  }
0x93: {  	s2 =	sld [smem:$0x3FFC];
	_ =	sdelay $0x3  }
0x94: {  	_ =	strace s2  }
0x95: {  	s2 =	sld [smem:$0x3FFD];
	_ =	sdelay $0x3  }
0x96: {  	_ =	strace s2  }
0x97: {  	_ =	strace $0x8FFFFFFF  }
0x98: {  	s18 =	sld [smem:$0x3FDB];
	_ =	sdelay $0x1  }
0x99: {  	s19 =	simm.s32 $_scs_section_size  }
0x9a: {  	s4 =	simm.s32 $_size__tile_overlayer_lowered;
	s5 =	simm.s32 $_tile_overlayer_lowered  }
0x9b: {  	s22 =	simm.s32 $0x1BFF;
	s21 =	sshll.u32 s5, $0x1;
	s2 =	sadd.s32 s19, s18  }
0x9c: {  	s6 =	simm.s32 $0x0;
	s20 =	sshll.u32 s4, $0x1;
	s4 =	sadd.s32 s21, s2  }
0x9d: {  	[timem:s6], [sflag:s22] =	dma.local [hbm:s4], s20  }
0x9e: {  	_ =	swait.ge [sflag:s22], s20  }
0x9f: {  	s3 =	ssub.s32 $0x0, s20;
	[sflag:s22] =	ssyncset.done $0x0  }
0xa0: {  	[sflag:s22] =	ssyncadd.s32 s3;
	_ =	sdelay $0x1  }
0xa1: {  	s23 =	simm.s32 $0x1B8B  }
0xa2: {  	_ =	swait.ge [sflag:s23], $0x1  }
0xa3: {  	[sflag:s23] =	ssyncset.done $0x0  }
0xa4: {  	s25 =	simm.s32 $0x1B8E;
	s24 =	sld [smem:$0x3FFE];
	[sflag:s23] =	ssyncadd.s32 $0xFFFFFFFF  }
0xa5: {  	s26 =	simm.s32 $execute0_lowered;
	[smem:$0x3FD2] =	sst s25  }
0xa6: {  	s4 =	sshll.u32 s26, $0x1;
	_ =	strace $0x80000052;
	[dreg:$0x1] =	wrdreg $0xFFFFFFFF  }
0xa7: {  	s28 =	simm.s32 $_size_execute0_lowered;
	s2 =	sadd.s32 s2, s4;
	[dreg:$0x0] =	wrdreg $0x0  }
0xa8: {  	s4 =	sshll.u32 s28, $0x1;
	[dreg:$0x2] =	wrdreg s2  }
0xa9: {  	[dreg:$0x3] =	wrdreg s4  }
0xaa: {  	[dreg:$0x4] =	wrdreg $0xC0  }
0xab: {  	_ =	task [dreg:s6], $0x5FFFF  }
0xac: {  	[dreg:$0x1] =	wrdreg $0xFFFFFFFF  }
0xad: {  	[dreg:$0x0] =	wrdreg $0x60  }
0xae: {  	[dreg:$0x2] =	wrdreg s24  }
0xaf: {  	[dreg:$0x3] =	wrdreg $0xA  }
0xb0: {  	_ =	task.clear_ibuf [dreg:s6], $0x4FFFF;
	_ =	strace $0x90000052  }
0xb1: {  	s29 =	simm.s32 $0xA;
	_ =	strace $0x80000054  }
0xb2: {  	_ =	swait.ge [sflag:s29], $0x1  }
0xb3: {  	[sflag:s29] =	ssyncadd.s32 $0xFFFFFFFF  }
0xb4: {  	_ =	strace $0x90000054  }
0xb5: {  	_ =	sfence  }
0xb6: {  	s30 =	sld [smem:$0x0];
	_ =	sdelay $0x2  }
0xb7: {  	s31 =	sshll.u32 s1, $0xD;
	s1 =	sshrl.u32 s1, $0x2  }
0xb8: {  	s3 =	sand.u32 $0x4000, s31;
	s1 =	sadd.s32 s1, s30  }
0xb9: {  	s0 =	sor.u32 s3, s0;
	s1 =	sshll.u32 s1, $0x11  }
0xba: {  	s0 =	sor.u32 s1, s0  }
0xbb: {  	s0 =	sadd.s32 $0x8F2B, s0  }
0xbc: {  	[sflag:s0] =	ssyncadd.remote.s32 $0x1  }
0xbd: {  	_ =	sfence.sel $0xFFFF  }
0xbe: {  	[dreg:$0x0] =	wrdreg $0xFFFFFFFF;
	(pc) =	sbr.abs _section_cstart, $3  }
0xbf: {  	[dreg:$0x1] =	wrdreg $0xFFFFFFFF  }
0xc0: {  	_ =	task.clear_ibuf [dreg:s6], $0x2FFFF;
	_ =	strace $0x9FFFFFFF  }
0xc1: {  	(tm) =	ssettm $0x7FFFFFFF  }
tec
execute0_lowered:
.L_overlay_start_1:
0x0: {  	(tag) =	ssettag $0x1  }
0x1: {  	s4 =	rddreg [dreg:$0x0]  }
0x2: {  	s0 =	rddreg [dreg:$0x1];
	s2 =	simm.s32 $0x0  }
0x3: {  	s3 =	srdreg.scid;
	s1 =	stileid.u32;
	s12 =	simm.s32 $0x2100  }
0x4: {  	s13 =	simm.s32 $0x1;
	s14 =	simm.s32 $0x2;
	s15 =	simm.s32 $0x0  }
0x5: {  	[smem:$0x7FF] =	sst s2;
	s5 =	sand.u32 $0x1, s3;
	s6 =	smul.u32 $0x2800, s1  }
0x6: {  	s3 =	sadd.s32 $0x48C00, s4;
	s8 =	sadd.s32 $0x58C00, s4;
	s10 =	smul.u32 $0x14000, s1  }
0x7: {  	s9 =	sadd.s32 $0x19DC00, s4;
	s7 =	smul.u32 $0x1400, s5;
	s25 =	ssub.s32 $0x2, s5  }
0x8: {  	_ =	strace $0x80000053;
	s5 =	smul.u32 $0xA000, s5;
	s11 =	sshrl.u32 s25, $0x1  }
0x9: {  	s26 =	sadd.s32 s10, s9;
	s10 =	simm.s32 $0x80;
	s7 =	sadd.s32 s7, s6  }
0xa: {  	s4 =	ssub.s32 s25, s11;
	s5 =	sadd.s32 s5, s26;
	s28 =	sor.u32 $0x80, s7  }
0xb: {  	s11 =	simm.s32 $0x2080;
	s4 =	smax.u32 s4, $0x1;
	s29 =	sshll.u32 s28, $0x3  }
0xc: {  	s31 =	sshrl.u32 s7, $0x3;
	s30 =	sshrl.u32 s28, $0x3;
	s6 =	sadd.s32 s29, s9  }
0xd: {  	s7 =	sadd.s32 s30, s8;
	s8 =	sadd.s32 s31, s8;
	s9 =	simm.s32 $0x3  }
.LBB2_1:
0xe: {  	s16 =	sadd.s32 $0x0, s8  }
0xf: {  	[tilespmem:s2], [sflag:$0x3] =	stream.linear.gather [hbm4b:s16+s2], $0x80, $0x38;
	[tilespmem:$0x4100] =	vst v63  }
0x10: {  	_ =	swait.ge [sflag:s9], $0x80  }
0x11: {  	[sflag:s9] =	ssyncset.done $0x0  }
0x12: {  	[sflag:s9] =	ssyncadd.s32 $0xFFFFFF80  }
0x13: {  	[tilespmem:s10], [sflag:$0x1] =	stream.indirect.gather [hbm4b:s3+s10], $0x40, s2, s10, $0xb8;
	[tilespmem:$0x4100] =	vst v63  }
0x14: {  	s31 =	sadd.s32 $0x0, s7  }
0x15: {  	[tilespmem:s11], [sflag:$0x3] =	stream.linear.gather [hbm4b:s31+s2], $0x80, $0x38;
	[tilespmem:$0x4100] =	vst v63  }
0x16: {  	_ =	swait.ge [sflag:s9], $0x80  }
0x17: {  	[sflag:s9] =	ssyncset.done $0x0  }
0x18: {  	[sflag:s9] =	ssyncadd.s32 $0xFFFFFF80  }
0x19: {  	[tilespmem:s12], [sflag:$0x2] =	stream.indirect.gather [hbm4b:s3+s10], $0x40, s11, s10, $0xb8;
	[tilespmem:$0x4100] =	vst v63  }
0x1a: {  	_ =	swait.ge [sflag:s13], $0x2000  }
0x1b: {  	[sflag:s13] =	ssyncset.done $0x0  }
0x1c: {  	[sflag:s13] =	ssyncadd.s32 $0xFFFFE000  }
0x1d: {  	[hbm4b:s5+s2] =	stream.linear.scatter [tilespmem:s10], [sflag:$0x3], $0x2000, $0x38;
	[tilespmem:$0x4100] =	vst v63  }
0x1e: {  	_ =	swait.ge [sflag:s9], $0x2000  }
0x1f: {  	[sflag:s9] =	ssyncset.done $0x0  }
0x20: {  	[sflag:s9] =	ssyncadd.s32 $0xFFFFE000  }
0x21: {  	_ =	swait.ge [sflag:s14], $0x2000  }
0x22: {  	[sflag:s14] =	ssyncset.done $0x0  }
0x23: {  	[sflag:s14] =	ssyncadd.s32 $0xFFFFE000  }
0x24: {  	[hbm4b:s6+s2] =	stream.linear.scatter [tilespmem:s12], [sflag:$0x3], $0x2000, $0x38;
	[tilespmem:$0x4100] =	vst v63  }
0x25: {  	s18 =	simm.s32 $0x20;
	s19 =	simm.s32 $0x40;
	_ =	swait.ge [sflag:s9], $0x2000  }
0x26: {  	s17 =	sadd.s32 $0x800, s5;
	s16 =	sadd.s32 $0x800, s6;
	[sflag:s9] =	ssyncset.done $0x0  }
.LBB2_2:
0x27: {  	s20 =	sadd.s32 s18, s8  }
0x28: {  	[sflag:s9] =	ssyncadd.s32 $0xFFFFE000;
	s21 =	smov.u32 s19;
	s22 =	sadd.s32 $0x20, s19  }
0x29: {  	[tilespmem:s2], [sflag:$0x3] =	stream.linear.gather [hbm4b:s20+s2], $0x80, $0x38;
	[tilespmem:$0x4100] =	vst v63  }
0x2a: {  	p0 =	sne.s32 s19, $0x260;
	_ =	swait.ge [sflag:s9], $0x80  }
0x2b: {  	[sflag:s9] =	ssyncset.done $0x0  }
0x2c: {  	[sflag:s9] =	ssyncadd.s32 $0xFFFFFF80  }
0x2d: {  	[tilespmem:s10], [sflag:$0x1] =	stream.indirect.gather [hbm4b:s3+s10], $0x40, s2, s10, $0xb8;
	[tilespmem:$0x4100] =	vst v63  }
0x2e: {  	s19 =	sadd.s32 s18, s7;
	s18 =	smov.u32 s21  }
0x2f: {  	[tilespmem:s11], [sflag:$0x3] =	stream.linear.gather [hbm4b:s19+s2], $0x80, $0x38;
	[tilespmem:$0x4100] =	vst v63  }
0x30: {  	_ =	swait.ge [sflag:s9], $0x80  }
0x31: {  	[sflag:s9] =	ssyncset.done $0x0  }
0x32: {  	[sflag:s9] =	ssyncadd.s32 $0xFFFFFF80  }
0x33: {  	[tilespmem:s12], [sflag:$0x2] =	stream.indirect.gather [hbm4b:s3+s10], $0x40, s11, s10, $0xb8;
	[tilespmem:$0x4100] =	vst v63  }
0x34: {  	_ =	swait.ge [sflag:s13], $0x2000  }
0x35: {  	[sflag:s13] =	ssyncset.done $0x0  }
0x36: {  	[sflag:s13] =	ssyncadd.s32 $0xFFFFE000  }
0x37: {  	[hbm4b:s17+s2] =	stream.linear.scatter [tilespmem:s10], [sflag:$0x3], $0x2000, $0x38;
	[tilespmem:$0x4100] =	vst v63  }
0x38: {  	_ =	swait.ge [sflag:s9], $0x2000  }
0x39: {  	[sflag:s9] =	ssyncset.done $0x0  }
0x3a: {  	[sflag:s9] =	ssyncadd.s32 $0xFFFFE000  }
0x3b: {  	_ =	swait.ge [sflag:s14], $0x2000  }
.Ltmp0:
0x3c: {  	[sflag:s14] =	ssyncset.done $0x0;
	(pc) =	sbr.rel @p0 .LBB2_2-.Ltmp0, $4  }
0x3d: {  	[sflag:s14] =	ssyncadd.s32 $0xFFFFE000  }
0x3e: {  	[hbm4b:s16+s2] =	stream.linear.scatter [tilespmem:s12], [sflag:$0x3], $0x2000, $0x38;
	[tilespmem:$0x4100] =	vst v63  }
0x3f: {  	s19 =	smov.u32 s22;
	_ =	swait.ge [sflag:s9], $0x2000  }
0x40: {  	s17 =	sadd.s32 $0x800, s17;
	s16 =	sadd.s32 $0x800, s16;
	[sflag:s9] =	ssyncset.done $0x0  }
0x41: {  	s19 =	sadd.s32 s18, s8;
	[sflag:s9] =	ssyncadd.s32 $0xFFFFE000  }
0x42: {  	[tilespmem:s2], [sflag:$0x3] =	stream.linear.gather [hbm4b:s19+s2], $0x80, $0x38;
	[tilespmem:$0x4100] =	vst v63  }
0x43: {  	_ =	swait.ge [sflag:s9], $0x80  }
0x44: {  	[sflag:s9] =	ssyncset.done $0x0  }
0x45: {  	[sflag:s9] =	ssyncadd.s32 $0xFFFFFF80  }
0x46: {  	[tilespmem:s10], [sflag:$0x1] =	stream.indirect.gather [hbm4b:s3+s10], $0x40, s2, s10, $0xb8;
	[tilespmem:$0x4100] =	vst v63  }
0x47: {  	s31 =	sadd.s32 s18, s7  }
0x48: {  	[tilespmem:s11], [sflag:$0x3] =	stream.linear.gather [hbm4b:s31+s2], $0x80, $0x38;
	[tilespmem:$0x4100] =	vst v63  }
0x49: {  	_ =	swait.ge [sflag:s9], $0x80  }
0x4a: {  	[sflag:s9] =	ssyncset.done $0x0  }
0x4b: {  	[sflag:s9] =	ssyncadd.s32 $0xFFFFFF80  }
0x4c: {  	[tilespmem:s12], [sflag:$0x2] =	stream.indirect.gather [hbm4b:s3+s10], $0x40, s11, s10, $0xb8;
	[tilespmem:$0x4100] =	vst v63  }
0x4d: {  	_ =	swait.ge [sflag:s13], $0x2000  }
0x4e: {  	[sflag:s13] =	ssyncset.done $0x0  }
0x4f: {  	[sflag:s13] =	ssyncadd.s32 $0xFFFFE000  }
0x50: {  	[hbm4b:s17+s2] =	stream.linear.scatter [tilespmem:s10], [sflag:$0x3], $0x2000, $0x38;
	[tilespmem:$0x4100] =	vst v63  }
0x51: {  	_ =	swait.ge [sflag:s9], $0x2000  }
0x52: {  	[sflag:s9] =	ssyncset.done $0x0  }
0x53: {  	[sflag:s9] =	ssyncadd.s32 $0xFFFFE000  }
0x54: {  	s15 =	sadd.s32 $0x1, s15;
	_ =	swait.ge [sflag:s14], $0x2000  }
0x55: {  	p0 =	sne.s32 s15, s4;
	[sflag:s14] =	ssyncset.done $0x0  }
.Ltmp1:
0x56: {  	[sflag:s14] =	ssyncadd.s32 $0xFFFFE000;
	(pc) =	sbr.rel @p0 .LBB2_1-.Ltmp1, $4  }
0x57: {  	[hbm4b:s16+s2] =	stream.linear.scatter [tilespmem:s12], [sflag:$0x3], $0x2000, $0x38;
	[tilespmem:$0x4100] =	vst v63  }
0x58: {  	_ =	swait.ge [sflag:s9], $0x2000  }
0x59: {  	[sflag:s9] =	ssyncset.done $0x0  }
0x5a: {  	[sflag:s9] =	ssyncadd.s32 $0xFFFFE000  }
0x5b: {  	_ =	sfence.sel $0x180000  }
0x5c: {  	[bflag:$0x0] =	sbarrier.arrive $0xFFFF  }
0x5d: {  	p0 =	sne.s32 s1, $0x0;
	_ =	strace $0x90000053  }
0x5e: {  	s0 =	sadd.s32 @!p0 $0x100000, s0;
	[bflag:$0x2] =	sbarrier.arrive $0xFFFF  }
0x5f: {  	[sflag:s0] =	ssyncadd.tile.s32 @!p0 $0x1;
	_ =	shalt  }
.Lfunc_end2:
_tile_overlayer_lowered:
.L_overlay_start_2:
0x60: {  	(tag) =	ssettag $0x2  }
0x61: {  	s0 =	rddreg [dreg:$0x0];
	s2 =	stileid.u32  }
0x62: {  	s1 =	rddreg [dreg:$0x1];
	p0 =	sne.s32 s2, $0x0  }
0x63: {  	s3 =	rddreg [dreg:$0x2];
	[bflag:$0x3] =	sbarrier.arrive $0xFFFF;
	s2 =	simm.s32 @!p0 $0x1C03  }
0x64: {  	[timem:s3], [sflag:s2] =	dma.local @!p0 [hbm:s0], s1  }
0x65: {  	s0 =	simm.s32 @!p0 $0x3  }
0x66: {  	_ =	swait.ge @!p0 [sflag:s0], s1  }
0x67: {  	s1 =	ssub.s32 @!p0 $0x0, s1;
	[sflag:s0] =	ssyncset.done @!p0 $0x0  }
0x68: {  	[sflag:s0] =	ssyncadd.s32 @!p0 s1  }
0x69: {  	[bflag:$0x3] =	sbarrier.arrive $0xFFFF  }
0x6a: {  	_ =	shalt  }

// kernel: kernel.47.cloned.1.call-start
scs
__scs_entry_jumppad:
0x0: {  	(pc) =	sbr.rel $0x88, $3  }
0x1: {  	(tag) =	ssettag $0x0;
	lr =	simm.s32 $0x1  }
0x2: {  	[smem:$0x3F91] =	sst lr;
	_ =	strace $0xD0000000  }
0x3: {  	_ = 	snop  }
0x4: {  	_ = 	snop  }
0x5: {  	_ = 	snop  }
0x6: {  	_ = 	snop  }
0x7: {  	_ = 	snop  }
__scs_overlays_trampoline_lowered:
0x8: {  	[smem:$0x3FA0] =	sst s0  }
0x9: {  	[smem:$0x3FA1] =	sst s1  }
0xa: {  	[smem:$0x3FA2] =	sst s2  }
0xb: {  	[smem:$0x3FA3] =	sst s3  }
0xc: {  	[smem:$0x3FA4] =	sst s4  }
0xd: {  	[smem:$0x3FA5] =	sst s5  }
0xe: {  	[smem:$0x3FA6] =	sst s6  }
0xf: {  	[smem:$0x3FA7] =	sst s7  }
0x10: {  	[smem:$0x3FA8] =	sst s8  }
0x11: {  	[smem:$0x3FA9] =	sst s9;
	s0 =	simm.s32 @!p0 $0x0  }
0x12: {  	s1 =	sld [smem:$0x3F8F];
	s0 =	simm.s32 @p0 $0x1  }
0x13: {  	[smem:$0x3FAA] =	sst s0;
	s0 =	simm.s32 @!p1 $0x0  }
0x14: {  	s2 =	sld [smem:$0x3F8E];
	s0 =	simm.s32 @p1 $0x1  }
0x15: {  	[smem:$0x3FAB] =	sst s0;
	s0 =	simm.s32 @!p2 $0x0  }
0x16: {  	s3 =	sld [smem:$0x3FDB];
	s0 =	simm.s32 @p2 $0x1  }
0x17: {  	s4 =	simm.s32 $0x1BF5;
	[smem:$0x3FAD] =	sst s0  }
0x18: {  	s0 =	sld [smem:$0x3F90];
	_ =	swait.ge [sflag:s4], $0x0  }
0x19: {  	s7 =	sld [smem:$0x3F91]  }
0x1a: {  	s8 =	sadd.s32 $0xFFFFE003, lr  }
0x1b: {  	s9 =	sadd.s32 $0xFFFFFEF7, lr;
	s5 =	simm.s32 $0xFFFFFFFF;
	p2 =	slt.u32 s8, $0xFFFFF086  }
0x1c: {  	p1 =	slt.u32 s9, $0xF7A;
	s5 =	simm.s32 @!p2 $0x0  }
0x1d: {  	s5 =	simm.s32 @p1 $0x1;
	p0 =	seq.s32 s7, s2  }
0x1e: {  	s7 =	smul.u32 @!p0 $0xF7A, s2;
	p2 =	seq.s32 @!p0 s5, $0x0  }
0x1f: {  	s9 =	smul.u32 $0xF7A, s1;
	s8 =	simm.s32 @!p0 $0x1BF5;
	p2 =	por !p2, p0  }
0x20: {  	[sflag:s8] =	ssyncset.s32 @!p0 $0xFFFFF086;
	s6 =	sadd.s32 @!p0 s3, s7;
	s7 =	simm.s32 @!p0 $0x108  }
0x21: {  	s3 =	sadd.s32 s3, s9;
	s6 =	sadd.s32 @!p0 $0x88, s6;
	s7 =	simm.s32 @p2 $0x1082  }
0x22: {  	[simem:s7], [sflag:s8] =	dma.local @!p0 [hbm:s6], $0xF7A  }
0x23: {  	s9 =	sor.u32 $0xD0000000, s2;
	s6 =	simm.s32 $0x108;
	_ =	swait.ge @!p0 [sflag:s8], $0x0  }
0x24: {  	s3 =	sadd.s32 $0x88, s3;
	s6 =	simm.s32 @!p1 $0x1082;
	[sflag:s4] =	ssyncset.s32 $0xFFFFF086  }
0x25: {  	[simem:s6], [sflag:s4] =	dma.local [hbm:s3], $0xF7A  }
0x26: {  	[smem:$0x3F91] =	sst s1;
	(tag) =	ssettag s2;
	_ =	strace s9  }
0x27: {  	s1 =	sld [smem:$0x3FA1]  }
0x28: {  	s2 =	sld [smem:$0x3FA2]  }
0x29: {  	s4 =	sld [smem:$0x3FA4]  }
0x2a: {  	p0 =	seq.s32 s5, $0x0;
	s5 =	sld [smem:$0x3FA5]  }
0x2b: {  	s6 =	sld [smem:$0x3FA6]  }
0x2c: {  	s7 =	sld [smem:$0x3FA7]  }
0x2d: {  	s3 =	simm.s32 $0x108;
	s8 =	sld [smem:$0x3FA8]  }
0x2e: {  	s3 =	simm.s32 @!p0 $0x1082;
	s9 =	sld [smem:$0x3FA9]  }
0x2f: {  	lr =	sadd.s32 s0, s3;
	s0 =	sld [smem:$0x3FA0]  }
0x30: {  	s3 =	sld [smem:$0x3FA3]  }
0x31: {  	[smem:$0x3FAC] =	sst s10  }
0x32: {  	s10 =	sld [smem:$0x3FAA];
	_ =	sdelay $0x3  }
0x33: {  	p0 =	seq.s32 s10, $0x1;
	s10 =	sld [smem:$0x3FAC];
	_ =	sdelay $0x3  }
0x34: {  	[smem:$0x3FAC] =	sst s10  }
0x35: {  	s10 =	sld [smem:$0x3FAB];
	_ =	sdelay $0x3  }
0x36: {  	p1 =	seq.s32 s10, $0x1;
	s10 =	sld [smem:$0x3FAC];
	_ =	sdelay $0x3  }
0x37: {  	[smem:$0x3FAC] =	sst s10  }
0x38: {  	s10 =	sld [smem:$0x3FAD]  }
0x39: {  	_ = 	snop;
	(pc) =	sbr.ind lr, $3  }
0x3a: {  	_ = 	snop  }
0x3b: {  	_ = 	snop  }
0x3c: {  	p2 =	seq.s32 s10, $0x1;
	s10 =	sld [smem:$0x3FAC]  }
0x3d: {  	_ =	shalt  }
0x3e: {  	_ =	shalt  }
0x3f: {  	_ =	shalt  }
0x40: {  	_ =	shalt  }
0x41: {  	_ =	shalt  }
0x42: {  	_ =	shalt  }
0x43: {  	_ =	shalt  }
0x44: {  	_ =	shalt  }
0x45: {  	_ =	shalt  }
0x46: {  	_ =	shalt  }
0x47: {  	_ =	shalt  }
0x48: {  	_ =	shalt  }
0x49: {  	_ =	shalt  }
0x4a: {  	_ =	shalt  }
0x4b: {  	_ =	shalt  }
0x4c: {  	_ =	shalt  }
0x4d: {  	_ =	shalt  }
0x4e: {  	_ =	shalt  }
0x4f: {  	_ =	shalt  }
0x50: {  	_ =	shalt  }
0x51: {  	_ =	shalt  }
0x52: {  	_ =	shalt  }
0x53: {  	_ =	shalt  }
0x54: {  	_ =	shalt  }
0x55: {  	_ =	shalt  }
0x56: {  	_ =	shalt  }
0x57: {  	_ =	shalt  }
0x58: {  	_ =	shalt  }
0x59: {  	_ =	shalt  }
0x5a: {  	_ =	shalt  }
0x5b: {  	_ =	shalt  }
0x5c: {  	_ =	shalt  }
0x5d: {  	_ =	shalt  }
0x5e: {  	_ =	shalt  }
0x5f: {  	_ =	shalt  }
0x60: {  	_ =	shalt  }
0x61: {  	_ =	shalt  }
0x62: {  	_ =	shalt  }
0x63: {  	_ =	shalt  }
0x64: {  	_ =	shalt  }
0x65: {  	_ =	shalt  }
0x66: {  	_ =	shalt  }
0x67: {  	_ =	shalt  }
0x68: {  	_ =	shalt  }
0x69: {  	_ =	shalt  }
0x6a: {  	_ =	shalt  }
0x6b: {  	_ =	shalt  }
0x6c: {  	_ =	shalt  }
0x6d: {  	_ =	shalt  }
0x6e: {  	_ =	shalt  }
0x6f: {  	_ =	shalt  }
0x70: {  	_ =	shalt  }
0x71: {  	_ =	shalt  }
0x72: {  	_ =	shalt  }
0x73: {  	_ =	shalt  }
0x74: {  	_ =	shalt  }
0x75: {  	_ =	shalt  }
0x76: {  	_ =	shalt  }
0x77: {  	_ =	shalt  }
0x78: {  	_ =	shalt  }
0x79: {  	_ =	shalt  }
0x7a: {  	_ =	shalt  }
0x7b: {  	_ =	shalt  }
0x7c: {  	_ =	shalt  }
0x7d: {  	_ =	shalt  }
0x7e: {  	_ =	shalt  }
0x7f: {  	_ =	shalt  }
0x80: {  	_ =	shalt  }
0x81: {  	_ =	shalt  }
0x82: {  	_ =	shalt  }
0x83: {  	_ =	shalt  }
0x84: {  	_ =	shalt  }
0x85: {  	_ =	shalt  }
0x86: {  	_ =	shalt  }
0x87: {  	_ =	shalt  }
.Lfunc_end0:
.L_simem_size_0:
called_computation.6_lowered:
.L_overlay_start_0:
0x88: {  	s2 =	sld [smem:$0x3FD9]  }
0x89: {  	s3 =	sld [smem:$0x3FFE];
	_ =	sdelay $0x1  }
0x8a: {  	s1 =	srdreg.scid  }
0x8b: {  	s0 =	sand.u32 $0x1, s1  }
0x8c: {  	s16 =	sshll.u32 s0, $0xA;
	s2 =	sadd.s32 s3, s2  }
0x8d: {  	s2 =	sadd.s32 s2, s16  }
0x8e: {  	[smem:$0x3FB8] =	sst s2  }
0x8f: {  	_ = 	snop  }
0x90: {  	(tm) =	ssettm $0x1  }
0x91: {  	s17 =	sld [smem:$0x3FFB];
	_ =	sdelay $0x3  }
0x92: {  	_ =	strace s17  }
0x93: {  	s2 =	sld [smem:$0x3FFC];
	_ =	sdelay $0x3  }
0x94: {  	_ =	strace s2  }
0x95: {  	s2 =	sld [smem:$0x3FFD];
	_ =	sdelay $0x3  }
0x96: {  	_ =	strace s2  }
0x97: {  	_ =	strace $0x8FFFFFFF  }
0x98: {  	s18 =	sld [smem:$0x3FDB];
	_ =	sdelay $0x1  }
0x99: {  	s19 =	simm.s32 $_scs_section_size  }
0x9a: {  	s4 =	simm.s32 $_size__tile_overlayer_lowered;
	s5 =	simm.s32 $_tile_overlayer_lowered  }
0x9b: {  	s22 =	simm.s32 $0x1BFF;
	s21 =	sshll.u32 s5, $0x1;
	s2 =	sadd.s32 s19, s18  }
0x9c: {  	s6 =	simm.s32 $0x0;
	s20 =	sshll.u32 s4, $0x1;
	s4 =	sadd.s32 s21, s2  }
0x9d: {  	[timem:s6], [sflag:s22] =	dma.local [hbm:s4], s20  }
0x9e: {  	_ =	swait.ge [sflag:s22], s20  }
0x9f: {  	s3 =	ssub.s32 $0x0, s20;
	[sflag:s22] =	ssyncset.done $0x0  }
0xa0: {  	[sflag:s22] =	ssyncadd.s32 s3;
	_ =	sdelay $0x1  }
0xa1: {  	s23 =	simm.s32 $0x1B8B  }
0xa2: {  	_ =	swait.ge [sflag:s23], $0x1  }
0xa3: {  	[sflag:s23] =	ssyncset.done $0x0  }
0xa4: {  	s25 =	simm.s32 $0x1B8E;
	s24 =	sld [smem:$0x3FFE];
	[sflag:s23] =	ssyncadd.s32 $0xFFFFFFFF  }
0xa5: {  	s26 =	simm.s32 $execute0_lowered;
	[smem:$0x3FD2] =	sst s25  }
0xa6: {  	s4 =	sshll.u32 s26, $0x1;
	_ =	strace $0x80000058;
	[dreg:$0x1] =	wrdreg $0xFFFFFFFF  }
0xa7: {  	s28 =	simm.s32 $_size_execute0_lowered;
	s2 =	sadd.s32 s2, s4;
	[dreg:$0x0] =	wrdreg $0x0  }
0xa8: {  	s4 =	sshll.u32 s28, $0x1;
	[dreg:$0x2] =	wrdreg s2  }
0xa9: {  	[dreg:$0x3] =	wrdreg s4  }
0xaa: {  	[dreg:$0x4] =	wrdreg $0xC0  }
0xab: {  	_ =	task [dreg:s6], $0x5FFFF  }
0xac: {  	[dreg:$0x1] =	wrdreg $0xFFFFFFFF  }
0xad: {  	[dreg:$0x0] =	wrdreg $0x60  }
0xae: {  	[dreg:$0x2] =	wrdreg s24  }
0xaf: {  	[dreg:$0x3] =	wrdreg $0x9  }
0xb0: {  	_ =	task.clear_ibuf [dreg:s6], $0x4FFFF;
	_ =	strace $0x90000058  }
0xb1: {  	s29 =	simm.s32 $0x9;
	_ =	strace $0x8000005A  }
0xb2: {  	_ =	swait.ge [sflag:s29], $0x1  }
0xb3: {  	[sflag:s29] =	ssyncadd.s32 $0xFFFFFFFF  }
0xb4: {  	_ =	strace $0x9000005A  }
0xb5: {  	_ =	sfence  }
0xb6: {  	s30 =	sld [smem:$0x0];
	_ =	sdelay $0x2  }
0xb7: {  	s31 =	sshll.u32 s1, $0xD;
	s1 =	sshrl.u32 s1, $0x2  }
0xb8: {  	s3 =	sand.u32 $0x4000, s31;
	s1 =	sadd.s32 s1, s30  }
0xb9: {  	s0 =	sor.u32 s3, s0;
	s1 =	sshll.u32 s1, $0x11  }
0xba: {  	s0 =	sor.u32 s1, s0  }
0xbb: {  	s0 =	sadd.s32 $0x8F2B, s0  }
0xbc: {  	[sflag:s0] =	ssyncadd.remote.s32 $0x1  }
0xbd: {  	_ =	sfence.sel $0xFFFF  }
0xbe: {  	[dreg:$0x0] =	wrdreg $0xFFFFFFFF;
	(pc) =	sbr.abs _section_cstart, $3  }
0xbf: {  	[dreg:$0x1] =	wrdreg $0xFFFFFFFF  }
0xc0: {  	_ =	task.clear_ibuf [dreg:s6], $0x2FFFF;
	_ =	strace $0x9FFFFFFF  }
0xc1: {  	(tm) =	ssettm $0x7FFFFFFF  }
tec
execute0_lowered:
.L_overlay_start_1:
0x0: {  	(tag) =	ssettag $0x1  }
0x1: {  	s4 =	rddreg [dreg:$0x0]  }
0x2: {  	s0 =	rddreg [dreg:$0x1];
	s2 =	simm.s32 $0x0  }
0x3: {  	s3 =	srdreg.scid;
	s1 =	stileid.u32;
	s12 =	simm.s32 $0x4100  }
0x4: {  	s13 =	simm.s32 $0x1;
	s14 =	simm.s32 $0x2;
	s15 =	simm.s32 $0x0  }
0x5: {  	[smem:$0x7FF] =	sst s2;
	s5 =	sand.u32 $0x1, s3;
	s6 =	smul.u32 $0x2800, s1  }
0x6: {  	s3 =	sadd.s32 $0x7DC00, s4;
	s8 =	sadd.s32 $0x48C00, s4;
	s10 =	smul.u32 $0x28000, s1  }
0x7: {  	s9 =	sadd.s32 $0x19DC00, s4;
	s7 =	smul.u32 $0x1400, s5;
	s25 =	ssub.s32 $0x2, s5  }
0x8: {  	_ =	strace $0x80000059;
	s5 =	smul.u32 $0x14000, s5;
	s11 =	sshrl.u32 s25, $0x1  }
0x9: {  	s26 =	sadd.s32 s10, s9;
	s10 =	simm.s32 $0x80;
	s7 =	sadd.s32 s7, s6  }
0xa: {  	s4 =	ssub.s32 s25, s11;
	s5 =	sadd.s32 s5, s26;
	s28 =	sor.u32 $0x80, s7  }
0xb: {  	s11 =	simm.s32 $0x4080;
	s4 =	smax.u32 s4, $0x1;
	s29 =	sshll.u32 s28, $0x4  }
0xc: {  	s31 =	sshrl.u32 s7, $0x3;
	s30 =	sshrl.u32 s28, $0x3;
	s6 =	sadd.s32 s29, s9  }
0xd: {  	s7 =	sadd.s32 s30, s8;
	s8 =	sadd.s32 s31, s8;
	s9 =	simm.s32 $0x3  }
.LBB2_1:
0xe: {  	s16 =	sadd.s32 $0x0, s8  }
0xf: {  	[tilespmem:s2], [sflag:$0x3] =	stream.linear.gather [hbm4b:s16+s2], $0x80, $0x38;
	[tilespmem:$0x8100] =	vst v63  }
0x10: {  	_ =	swait.ge [sflag:s9], $0x80  }
0x11: {  	[sflag:s9] =	ssyncset.done $0x0  }
0x12: {  	[sflag:s9] =	ssyncadd.s32 $0xFFFFFF80  }
0x13: {  	[tilespmem:s10], [sflag:$0x1] =	stream.indirect.gather [hbm4b:s3+s10], $0x80, s2, s10, $0xb8;
	[tilespmem:$0x8100] =	vst v63  }
0x14: {  	s31 =	sadd.s32 $0x0, s7  }
0x15: {  	[tilespmem:s11], [sflag:$0x3] =	stream.linear.gather [hbm4b:s31+s2], $0x80, $0x38;
	[tilespmem:$0x8100] =	vst v63  }
0x16: {  	_ =	swait.ge [sflag:s9], $0x80  }
0x17: {  	[sflag:s9] =	ssyncset.done $0x0  }
0x18: {  	[sflag:s9] =	ssyncadd.s32 $0xFFFFFF80  }
0x19: {  	[tilespmem:s12], [sflag:$0x2] =	stream.indirect.gather [hbm4b:s3+s10], $0x80, s11, s10, $0xb8;
	[tilespmem:$0x8100] =	vst v63  }
0x1a: {  	_ =	swait.ge [sflag:s13], $0x4000  }
0x1b: {  	[sflag:s13] =	ssyncset.done $0x0  }
0x1c: {  	[sflag:s13] =	ssyncadd.s32 $0xFFFFC000  }
0x1d: {  	[hbm4b:s5+s2] =	stream.linear.scatter [tilespmem:s10], [sflag:$0x3], $0x4000, $0x38;
	[tilespmem:$0x8100] =	vst v63  }
0x1e: {  	_ =	swait.ge [sflag:s9], $0x4000  }
0x1f: {  	[sflag:s9] =	ssyncset.done $0x0  }
0x20: {  	[sflag:s9] =	ssyncadd.s32 $0xFFFFC000  }
0x21: {  	_ =	swait.ge [sflag:s14], $0x4000  }
0x22: {  	[sflag:s14] =	ssyncset.done $0x0  }
0x23: {  	[sflag:s14] =	ssyncadd.s32 $0xFFFFC000  }
0x24: {  	[hbm4b:s6+s2] =	stream.linear.scatter [tilespmem:s12], [sflag:$0x3], $0x4000, $0x38;
	[tilespmem:$0x8100] =	vst v63  }
0x25: {  	s18 =	simm.s32 $0x20;
	s19 =	simm.s32 $0x40;
	_ =	swait.ge [sflag:s9], $0x4000  }
0x26: {  	s17 =	sadd.s32 $0x1000, s5;
	s16 =	sadd.s32 $0x1000, s6;
	[sflag:s9] =	ssyncset.done $0x0  }
.LBB2_2:
0x27: {  	s20 =	sadd.s32 s18, s8  }
0x28: {  	[sflag:s9] =	ssyncadd.s32 $0xFFFFC000;
	s21 =	smov.u32 s19;
	s22 =	sadd.s32 $0x20, s19  }
0x29: {  	[tilespmem:s2], [sflag:$0x3] =	stream.linear.gather [hbm4b:s20+s2], $0x80, $0x38;
	[tilespmem:$0x8100] =	vst v63  }
0x2a: {  	p0 =	sne.s32 s19, $0x260;
	_ =	swait.ge [sflag:s9], $0x80  }
0x2b: {  	[sflag:s9] =	ssyncset.done $0x0  }
0x2c: {  	[sflag:s9] =	ssyncadd.s32 $0xFFFFFF80  }
0x2d: {  	[tilespmem:s10], [sflag:$0x1] =	stream.indirect.gather [hbm4b:s3+s10], $0x80, s2, s10, $0xb8;
	[tilespmem:$0x8100] =	vst v63  }
0x2e: {  	s19 =	sadd.s32 s18, s7;
	s18 =	smov.u32 s21  }
0x2f: {  	[tilespmem:s11], [sflag:$0x3] =	stream.linear.gather [hbm4b:s19+s2], $0x80, $0x38;
	[tilespmem:$0x8100] =	vst v63  }
0x30: {  	_ =	swait.ge [sflag:s9], $0x80  }
0x31: {  	[sflag:s9] =	ssyncset.done $0x0  }
0x32: {  	[sflag:s9] =	ssyncadd.s32 $0xFFFFFF80  }
0x33: {  	[tilespmem:s12], [sflag:$0x2] =	stream.indirect.gather [hbm4b:s3+s10], $0x80, s11, s10, $0xb8;
	[tilespmem:$0x8100] =	vst v63  }
0x34: {  	_ =	swait.ge [sflag:s13], $0x4000  }
0x35: {  	[sflag:s13] =	ssyncset.done $0x0  }
0x36: {  	[sflag:s13] =	ssyncadd.s32 $0xFFFFC000  }
0x37: {  	[hbm4b:s17+s2] =	stream.linear.scatter [tilespmem:s10], [sflag:$0x3], $0x4000, $0x38;
	[tilespmem:$0x8100] =	vst v63  }
0x38: {  	_ =	swait.ge [sflag:s9], $0x4000  }
0x39: {  	[sflag:s9] =	ssyncset.done $0x0  }
0x3a: {  	[sflag:s9] =	ssyncadd.s32 $0xFFFFC000  }
0x3b: {  	_ =	swait.ge [sflag:s14], $0x4000  }
.Ltmp0:
0x3c: {  	[sflag:s14] =	ssyncset.done $0x0;
	(pc) =	sbr.rel @p0 .LBB2_2-.Ltmp0, $4  }
0x3d: {  	[sflag:s14] =	ssyncadd.s32 $0xFFFFC000  }
0x3e: {  	[hbm4b:s16+s2] =	stream.linear.scatter [tilespmem:s12], [sflag:$0x3], $0x4000, $0x38;
	[tilespmem:$0x8100] =	vst v63  }
0x3f: {  	s19 =	smov.u32 s22;
	_ =	swait.ge [sflag:s9], $0x4000  }
0x40: {  	s17 =	sadd.s32 $0x1000, s17;
	s16 =	sadd.s32 $0x1000, s16;
	[sflag:s9] =	ssyncset.done $0x0  }
0x41: {  	s19 =	sadd.s32 s18, s8;
	[sflag:s9] =	ssyncadd.s32 $0xFFFFC000  }
0x42: {  	[tilespmem:s2], [sflag:$0x3] =	stream.linear.gather [hbm4b:s19+s2], $0x80, $0x38;
	[tilespmem:$0x8100] =	vst v63  }
0x43: {  	_ =	swait.ge [sflag:s9], $0x80  }
0x44: {  	[sflag:s9] =	ssyncset.done $0x0  }
0x45: {  	[sflag:s9] =	ssyncadd.s32 $0xFFFFFF80  }
0x46: {  	[tilespmem:s10], [sflag:$0x1] =	stream.indirect.gather [hbm4b:s3+s10], $0x80, s2, s10, $0xb8;
	[tilespmem:$0x8100] =	vst v63  }
0x47: {  	s31 =	sadd.s32 s18, s7  }
0x48: {  	[tilespmem:s11], [sflag:$0x3] =	stream.linear.gather [hbm4b:s31+s2], $0x80, $0x38;
	[tilespmem:$0x8100] =	vst v63  }
0x49: {  	_ =	swait.ge [sflag:s9], $0x80  }
0x4a: {  	[sflag:s9] =	ssyncset.done $0x0  }
0x4b: {  	[sflag:s9] =	ssyncadd.s32 $0xFFFFFF80  }
0x4c: {  	[tilespmem:s12], [sflag:$0x2] =	stream.indirect.gather [hbm4b:s3+s10], $0x80, s11, s10, $0xb8;
	[tilespmem:$0x8100] =	vst v63  }
0x4d: {  	_ =	swait.ge [sflag:s13], $0x4000  }
0x4e: {  	[sflag:s13] =	ssyncset.done $0x0  }
0x4f: {  	[sflag:s13] =	ssyncadd.s32 $0xFFFFC000  }
0x50: {  	[hbm4b:s17+s2] =	stream.linear.scatter [tilespmem:s10], [sflag:$0x3], $0x4000, $0x38;
	[tilespmem:$0x8100] =	vst v63  }
0x51: {  	_ =	swait.ge [sflag:s9], $0x4000  }
0x52: {  	[sflag:s9] =	ssyncset.done $0x0  }
0x53: {  	[sflag:s9] =	ssyncadd.s32 $0xFFFFC000  }
0x54: {  	s15 =	sadd.s32 $0x1, s15;
	_ =	swait.ge [sflag:s14], $0x4000  }
0x55: {  	p0 =	sne.s32 s15, s4;
	[sflag:s14] =	ssyncset.done $0x0  }
.Ltmp1:
0x56: {  	[sflag:s14] =	ssyncadd.s32 $0xFFFFC000;
	(pc) =	sbr.rel @p0 .LBB2_1-.Ltmp1, $4  }
0x57: {  	[hbm4b:s16+s2] =	stream.linear.scatter [tilespmem:s12], [sflag:$0x3], $0x4000, $0x38;
	[tilespmem:$0x8100] =	vst v63  }
0x58: {  	_ =	swait.ge [sflag:s9], $0x4000  }
0x59: {  	[sflag:s9] =	ssyncset.done $0x0  }
0x5a: {  	[sflag:s9] =	ssyncadd.s32 $0xFFFFC000  }
0x5b: {  	_ =	sfence.sel $0x180000  }
0x5c: {  	[bflag:$0x0] =	sbarrier.arrive $0xFFFF  }
0x5d: {  	p0 =	sne.s32 s1, $0x0;
	_ =	strace $0x90000059  }
0x5e: {  	s0 =	sadd.s32 @!p0 $0x100000, s0;
	[bflag:$0x2] =	sbarrier.arrive $0xFFFF  }
0x5f: {  	[sflag:s0] =	ssyncadd.tile.s32 @!p0 $0x1;
	_ =	shalt  }
.Lfunc_end2:
_tile_overlayer_lowered:
.L_overlay_start_2:
0x60: {  	(tag) =	ssettag $0x2  }
0x61: {  	s0 =	rddreg [dreg:$0x0];
	s2 =	stileid.u32  }
0x62: {  	s1 =	rddreg [dreg:$0x1];
	p0 =	sne.s32 s2, $0x0  }
0x63: {  	s3 =	rddreg [dreg:$0x2];
	[bflag:$0x3] =	sbarrier.arrive $0xFFFF;
	s2 =	simm.s32 @!p0 $0x1C03  }
0x64: {  	[timem:s3], [sflag:s2] =	dma.local @!p0 [hbm:s0], s1  }
0x65: {  	s0 =	simm.s32 @!p0 $0x3  }
0x66: {  	_ =	swait.ge @!p0 [sflag:s0], s1  }
0x67: {  	s1 =	ssub.s32 @!p0 $0x0, s1;
	[sflag:s0] =	ssyncset.done @!p0 $0x0  }
0x68: {  	[sflag:s0] =	ssyncadd.s32 @!p0 s1  }
0x69: {  	[bflag:$0x3] =	sbarrier.arrive $0xFFFF  }
0x6a: {  	_ =	shalt  }

// kernel: kernel.50.cloned.1.call-start
scs
__scs_entry_jumppad:
0x0: {  	(pc) =	sbr.rel $0x88, $3  }
0x1: {  	(tag) =	ssettag $0x0;
	lr =	simm.s32 $0x1  }
0x2: {  	[smem:$0x3F91] =	sst lr;
	_ =	strace $0xD0000000  }
0x3: {  	_ = 	snop  }
0x4: {  	_ = 	snop  }
0x5: {  	_ = 	snop  }
0x6: {  	_ = 	snop  }
0x7: {  	_ = 	snop  }
__scs_overlays_trampoline_lowered:
0x8: {  	[smem:$0x3FA0] =	sst s0  }
0x9: {  	[smem:$0x3FA1] =	sst s1  }
0xa: {  	[smem:$0x3FA2] =	sst s2  }
0xb: {  	[smem:$0x3FA3] =	sst s3  }
0xc: {  	[smem:$0x3FA4] =	sst s4  }
0xd: {  	[smem:$0x3FA5] =	sst s5  }
0xe: {  	[smem:$0x3FA6] =	sst s6  }
0xf: {  	[smem:$0x3FA7] =	sst s7  }
0x10: {  	[smem:$0x3FA8] =	sst s8  }
0x11: {  	[smem:$0x3FA9] =	sst s9;
	s0 =	simm.s32 @!p0 $0x0  }
0x12: {  	s1 =	sld [smem:$0x3F8F];
	s0 =	simm.s32 @p0 $0x1  }
0x13: {  	[smem:$0x3FAA] =	sst s0;
	s0 =	simm.s32 @!p1 $0x0  }
0x14: {  	s2 =	sld [smem:$0x3F8E];
	s0 =	simm.s32 @p1 $0x1  }
0x15: {  	[smem:$0x3FAB] =	sst s0;
	s0 =	simm.s32 @!p2 $0x0  }
0x16: {  	s3 =	sld [smem:$0x3FDB];
	s0 =	simm.s32 @p2 $0x1  }
0x17: {  	s4 =	simm.s32 $0x1BF5;
	[smem:$0x3FAD] =	sst s0  }
0x18: {  	s0 =	sld [smem:$0x3F90];
	_ =	swait.ge [sflag:s4], $0x0  }
0x19: {  	s7 =	sld [smem:$0x3F91]  }
0x1a: {  	s8 =	sadd.s32 $0xFFFFE003, lr  }
0x1b: {  	s9 =	sadd.s32 $0xFFFFFEF7, lr;
	s5 =	simm.s32 $0xFFFFFFFF;
	p2 =	slt.u32 s8, $0xFFFFF086  }
0x1c: {  	p1 =	slt.u32 s9, $0xF7A;
	s5 =	simm.s32 @!p2 $0x0  }
0x1d: {  	s5 =	simm.s32 @p1 $0x1;
	p0 =	seq.s32 s7, s2  }
0x1e: {  	s7 =	smul.u32 @!p0 $0xF7A, s2;
	p2 =	seq.s32 @!p0 s5, $0x0  }
0x1f: {  	s9 =	smul.u32 $0xF7A, s1;
	s8 =	simm.s32 @!p0 $0x1BF5;
	p2 =	por !p2, p0  }
0x20: {  	[sflag:s8] =	ssyncset.s32 @!p0 $0xFFFFF086;
	s6 =	sadd.s32 @!p0 s3, s7;
	s7 =	simm.s32 @!p0 $0x108  }
0x21: {  	s3 =	sadd.s32 s3, s9;
	s6 =	sadd.s32 @!p0 $0x88, s6;
	s7 =	simm.s32 @p2 $0x1082  }
0x22: {  	[simem:s7], [sflag:s8] =	dma.local @!p0 [hbm:s6], $0xF7A  }
0x23: {  	s9 =	sor.u32 $0xD0000000, s2;
	s6 =	simm.s32 $0x108;
	_ =	swait.ge @!p0 [sflag:s8], $0x0  }
0x24: {  	s3 =	sadd.s32 $0x88, s3;
	s6 =	simm.s32 @!p1 $0x1082;
	[sflag:s4] =	ssyncset.s32 $0xFFFFF086  }
0x25: {  	[simem:s6], [sflag:s4] =	dma.local [hbm:s3], $0xF7A  }
0x26: {  	[smem:$0x3F91] =	sst s1;
	(tag) =	ssettag s2;
	_ =	strace s9  }
0x27: {  	s1 =	sld [smem:$0x3FA1]  }
0x28: {  	s2 =	sld [smem:$0x3FA2]  }
0x29: {  	s4 =	sld [smem:$0x3FA4]  }
0x2a: {  	p0 =	seq.s32 s5, $0x0;
	s5 =	sld [smem:$0x3FA5]  }
0x2b: {  	s6 =	sld [smem:$0x3FA6]  }
0x2c: {  	s7 =	sld [smem:$0x3FA7]  }
0x2d: {  	s3 =	simm.s32 $0x108;
	s8 =	sld [smem:$0x3FA8]  }
0x2e: {  	s3 =	simm.s32 @!p0 $0x1082;
	s9 =	sld [smem:$0x3FA9]  }
0x2f: {  	lr =	sadd.s32 s0, s3;
	s0 =	sld [smem:$0x3FA0]  }
0x30: {  	s3 =	sld [smem:$0x3FA3]  }
0x31: {  	[smem:$0x3FAC] =	sst s10  }
0x32: {  	s10 =	sld [smem:$0x3FAA];
	_ =	sdelay $0x3  }
0x33: {  	p0 =	seq.s32 s10, $0x1;
	s10 =	sld [smem:$0x3FAC];
	_ =	sdelay $0x3  }
0x34: {  	[smem:$0x3FAC] =	sst s10  }
0x35: {  	s10 =	sld [smem:$0x3FAB];
	_ =	sdelay $0x3  }
0x36: {  	p1 =	seq.s32 s10, $0x1;
	s10 =	sld [smem:$0x3FAC];
	_ =	sdelay $0x3  }
0x37: {  	[smem:$0x3FAC] =	sst s10  }
0x38: {  	s10 =	sld [smem:$0x3FAD]  }
0x39: {  	_ = 	snop;
	(pc) =	sbr.ind lr, $3  }
0x3a: {  	_ = 	snop  }
0x3b: {  	_ = 	snop  }
0x3c: {  	p2 =	seq.s32 s10, $0x1;
	s10 =	sld [smem:$0x3FAC]  }
0x3d: {  	_ =	shalt  }
0x3e: {  	_ =	shalt  }
0x3f: {  	_ =	shalt  }
0x40: {  	_ =	shalt  }
0x41: {  	_ =	shalt  }
0x42: {  	_ =	shalt  }
0x43: {  	_ =	shalt  }
0x44: {  	_ =	shalt  }
0x45: {  	_ =	shalt  }
0x46: {  	_ =	shalt  }
0x47: {  	_ =	shalt  }
0x48: {  	_ =	shalt  }
0x49: {  	_ =	shalt  }
0x4a: {  	_ =	shalt  }
0x4b: {  	_ =	shalt  }
0x4c: {  	_ =	shalt  }
0x4d: {  	_ =	shalt  }
0x4e: {  	_ =	shalt  }
0x4f: {  	_ =	shalt  }
0x50: {  	_ =	shalt  }
0x51: {  	_ =	shalt  }
0x52: {  	_ =	shalt  }
0x53: {  	_ =	shalt  }
0x54: {  	_ =	shalt  }
0x55: {  	_ =	shalt  }
0x56: {  	_ =	shalt  }
0x57: {  	_ =	shalt  }
0x58: {  	_ =	shalt  }
0x59: {  	_ =	shalt  }
0x5a: {  	_ =	shalt  }
0x5b: {  	_ =	shalt  }
0x5c: {  	_ =	shalt  }
0x5d: {  	_ =	shalt  }
0x5e: {  	_ =	shalt  }
0x5f: {  	_ =	shalt  }
0x60: {  	_ =	shalt  }
0x61: {  	_ =	shalt  }
0x62: {  	_ =	shalt  }
0x63: {  	_ =	shalt  }
0x64: {  	_ =	shalt  }
0x65: {  	_ =	shalt  }
0x66: {  	_ =	shalt  }
0x67: {  	_ =	shalt  }
0x68: {  	_ =	shalt  }
0x69: {  	_ =	shalt  }
0x6a: {  	_ =	shalt  }
0x6b: {  	_ =	shalt  }
0x6c: {  	_ =	shalt  }
0x6d: {  	_ =	shalt  }
0x6e: {  	_ =	shalt  }
0x6f: {  	_ =	shalt  }
0x70: {  	_ =	shalt  }
0x71: {  	_ =	shalt  }
0x72: {  	_ =	shalt  }
0x73: {  	_ =	shalt  }
0x74: {  	_ =	shalt  }
0x75: {  	_ =	shalt  }
0x76: {  	_ =	shalt  }
0x77: {  	_ =	shalt  }
0x78: {  	_ =	shalt  }
0x79: {  	_ =	shalt  }
0x7a: {  	_ =	shalt  }
0x7b: {  	_ =	shalt  }
0x7c: {  	_ =	shalt  }
0x7d: {  	_ =	shalt  }
0x7e: {  	_ =	shalt  }
0x7f: {  	_ =	shalt  }
0x80: {  	_ =	shalt  }
0x81: {  	_ =	shalt  }
0x82: {  	_ =	shalt  }
0x83: {  	_ =	shalt  }
0x84: {  	_ =	shalt  }
0x85: {  	_ =	shalt  }
0x86: {  	_ =	shalt  }
0x87: {  	_ =	shalt  }
.Lfunc_end0:
.L_simem_size_0:
called_computation.7_lowered:
.L_overlay_start_0:
0x88: {  	s2 =	sld [smem:$0x3FD9]  }
0x89: {  	s3 =	sld [smem:$0x3FFE];
	_ =	sdelay $0x1  }
0x8a: {  	s1 =	srdreg.scid  }
0x8b: {  	s0 =	sand.u32 $0x1, s1  }
0x8c: {  	s17 =	sshll.u32 s0, $0xA;
	s2 =	sadd.s32 s3, s2  }
0x8d: {  	s2 =	sadd.s32 s2, s17  }
0x8e: {  	[smem:$0x3FB8] =	sst s2  }
0x8f: {  	_ = 	snop  }
0x90: {  	(tm) =	ssettm $0x1  }
0x91: {  	s18 =	sld [smem:$0x3FFB];
	_ =	sdelay $0x3  }
0x92: {  	_ =	strace s18  }
0x93: {  	s2 =	sld [smem:$0x3FFC];
	_ =	sdelay $0x3  }
0x94: {  	_ =	strace s2  }
0x95: {  	s2 =	sld [smem:$0x3FFD];
	_ =	sdelay $0x3  }
0x96: {  	_ =	strace s2  }
0x97: {  	_ =	strace $0x8FFFFFFF  }
0x98: {  	s19 =	sld [smem:$0x3FDB];
	_ =	sdelay $0x1  }
0x99: {  	s20 =	simm.s32 $_scs_section_size  }
0x9a: {  	s4 =	simm.s32 $_size__tile_overlayer_lowered;
	s5 =	simm.s32 $_tile_overlayer_lowered  }
0x9b: {  	s6 =	simm.s32 $0x1BFF;
	s21 =	sshll.u32 s5, $0x1;
	s3 =	sadd.s32 s20, s19  }
0x9c: {  	s22 =	simm.s32 $0x0;
	s4 =	sshll.u32 s4, $0x1;
	s5 =	sadd.s32 s21, s3  }
0x9d: {  	[timem:s22], [sflag:s6] =	dma.local [hbm:s5], s4  }
0x9e: {  	_ =	swait.ge [sflag:s6], s4  }
0x9f: {  	s4 =	ssub.s32 $0x0, s4;
	[sflag:s6] =	ssyncset.done $0x0  }
0xa0: {  	[sflag:s6] =	ssyncadd.s32 s4;
	_ =	sdelay $0x1  }
0xa1: {  	s23 =	simm.s32 $0x1B8B  }
0xa2: {  	_ =	swait.ge [sflag:s23], $0x1  }
0xa3: {  	[sflag:s23] =	ssyncset.done $0x0  }
0xa4: {  	[sflag:s23] =	ssyncadd.s32 $0xFFFFFFFF  }
0xa5: {  	s4 =	sld [smem:$0x0]  }
0xa6: {  	s5 =	sand.u32 $0xFFFFFFFE, s1  }
0xa7: {  	p0 =	sne.s32 s1, s5  }
0xa8: {  	s5 =	sshll.u32 @p0 s5, $0xE  }
0xa9: {  	s5 =	sadd.s32 @p0 $0x11B8D, s5;
	s6 =	sshll.u32 @p0 s4, $0x11  }
0xaa: {  	s5 =	sor.u32 @p0 s6, s5  }
0xab: {  	[sflag:s5] =	ssyncadd.remote.s32 @p0 $0x1;
	_ =	sdelay $0x1  }
0xac: {  	s5 =	simm.s32 @p0 $0x1B8D  }
0xad: {  	_ =	swait.eq @p0 [sflag:s5], $0x1  }
0xae: {  	[sflag:s5] =	ssyncadd.s32 @p0 $0xFFFFFFFF  }
0xaf: {  	s6 =	sshll.u32 @!p0 s1, $0xE  }
0xb0: {  	s6 =	sor.u32 @!p0 $0x4000, s6;
	s5 =	simm.s32 @!p0 $0x1B8D  }
0xb1: {  	s4 =	sshll.u32 @!p0 s4, $0x11;
	s6 =	sadd.s32 @!p0 $0x11B8D, s6;
	_ =	swait.eq @!p0 [sflag:s5], $0x1  }
0xb2: {  	s4 =	sor.u32 @!p0 s4, s6;
	[sflag:s5] =	ssyncadd.s32 @!p0 $0xFFFFFFFF  }
0xb3: {  	s25 =	simm.s32 $0x1B8E;
	s24 =	sld [smem:$0x3FFE];
	[sflag:s4] =	ssyncadd.remote.s32 @!p0 $0x1  }
0xb4: {  	s26 =	simm.s32 $execute0_lowered;
	[smem:$0x3FD2] =	sst s25  }
0xb5: {  	s5 =	sshll.u32 s26, $0x1;
	_ =	strace $0x8000005B;
	[dreg:$0x1] =	wrdreg $0xFFFFFFFF  }
0xb6: {  	s28 =	simm.s32 $_size_execute0_lowered;
	s3 =	sadd.s32 s3, s5;
	[dreg:$0x0] =	wrdreg $0x0  }
0xb7: {  	s5 =	sshll.u32 s28, $0x1;
	[dreg:$0x2] =	wrdreg s3  }
0xb8: {  	[dreg:$0x3] =	wrdreg s5  }
0xb9: {  	[dreg:$0x4] =	wrdreg $0xC0  }
0xba: {  	_ =	task [dreg:s22], $0x5FFFF  }
0xbb: {  	[dreg:$0x1] =	wrdreg $0xFFFFFFFF  }
0xbc: {  	[dreg:$0x0] =	wrdreg $0x60  }
0xbd: {  	[dreg:$0x2] =	wrdreg s24  }
0xbe: {  	[dreg:$0x3] =	wrdreg $0xA  }
0xbf: {  	_ =	task.clear_ibuf [dreg:s22], $0x4FFFF;
	_ =	strace $0x9000005B  }
0xc0: {  	s29 =	simm.s32 $0xA;
	_ =	strace $0x8000005D  }
0xc1: {  	_ =	swait.ge [sflag:s29], $0x1  }
0xc2: {  	[sflag:s29] =	ssyncadd.s32 $0xFFFFFFFF  }
0xc3: {  	_ =	strace $0x9000005D  }
0xc4: {  	_ =	sfence  }
0xc5: {  	s30 =	sld [smem:$0x0];
	_ =	sdelay $0x2  }
0xc6: {  	s31 =	sshll.u32 s1, $0xD;
	s1 =	sshrl.u32 s1, $0x2  }
0xc7: {  	s4 =	sand.u32 $0x4000, s31;
	s1 =	sadd.s32 s1, s30  }
0xc8: {  	s0 =	sor.u32 s4, s0;
	s1 =	sshll.u32 s1, $0x11  }
0xc9: {  	s0 =	sor.u32 s1, s0  }
0xca: {  	s0 =	sadd.s32 $0x8F2B, s0  }
0xcb: {  	[sflag:s0] =	ssyncadd.remote.s32 $0x1  }
0xcc: {  	_ =	sfence.sel $0xFFFF  }
0xcd: {  	[dreg:$0x0] =	wrdreg $0xFFFFFFFF;
	(pc) =	sbr.abs _section_cstart, $3  }
0xce: {  	[dreg:$0x1] =	wrdreg $0xFFFFFFFF  }
0xcf: {  	_ =	task.clear_ibuf [dreg:s22], $0x2FFFF;
	_ =	strace $0x9FFFFFFF  }
0xd0: {  	(tm) =	ssettm $0x7FFFFFFF  }
0xd1: {  	_ =	shalt  }
tec
execute0_lowered:
.L_overlay_start_1:
0x0: {  	(tag) =	ssettag $0x1  }
0x1: {  	s4 =	rddreg [dreg:$0x0]  }
0x2: {  	s0 =	rddreg [dreg:$0x1];
	s2 =	simm.s32 $0x0  }
0x3: {  	s3 =	srdreg.scid;
	s1 =	stileid.u32;
	s12 =	simm.s32 $0x4100  }
0x4: {  	s13 =	simm.s32 $0x1;
	s14 =	simm.s32 $0x2;
	s15 =	simm.s32 $0x0  }
0x5: {  	[smem:$0x7FF] =	sst s2;
	s5 =	sand.u32 $0x1, s3;
	s6 =	smul.u32 $0x2800, s1  }
0x6: {  	s3 =	sadd.s32 $0x9DC00, s4;
	s8 =	sadd.s32 $0x4DC00, s4;
	s10 =	smul.u32 $0x28000, s1  }
0x7: {  	s9 =	sadd.s32 $0x41DC00, s4;
	s7 =	smul.u32 $0x1400, s5;
	s25 =	ssub.s32 $0x2, s5  }
0x8: {  	_ =	strace $0x8000005C;
	s5 =	smul.u32 $0x14000, s5;
	s11 =	sshrl.u32 s25, $0x1  }
0x9: {  	s26 =	sadd.s32 s10, s9;
	s10 =	simm.s32 $0x80;
	s7 =	sadd.s32 s7, s6  }
0xa: {  	s4 =	ssub.s32 s25, s11;
	s5 =	sadd.s32 s5, s26;
	s28 =	sor.u32 $0x80, s7  }
0xb: {  	s11 =	simm.s32 $0x4080;
	s4 =	smax.u32 s4, $0x1;
	s29 =	sshll.u32 s28, $0x4  }
0xc: {  	s31 =	sshrl.u32 s7, $0x3;
	s30 =	sshrl.u32 s28, $0x3;
	s6 =	sadd.s32 s29, s9  }
0xd: {  	s7 =	sadd.s32 s30, s8;
	s8 =	sadd.s32 s31, s8;
	s9 =	simm.s32 $0x3  }
.LBB2_1:
0xe: {  	s16 =	sadd.s32 $0x0, s8  }
0xf: {  	[tilespmem:s2], [sflag:$0x3] =	stream.linear.gather [hbm4b:s16+s2], $0x80, $0x38;
	[tilespmem:$0x8100] =	vst v63  }
0x10: {  	_ =	swait.ge [sflag:s9], $0x80  }
0x11: {  	[sflag:s9] =	ssyncset.done $0x0  }
0x12: {  	[sflag:s9] =	ssyncadd.s32 $0xFFFFFF80  }
0x13: {  	[tilespmem:s10], [sflag:$0x1] =	stream.indirect.gather [hbm4b:s3+s10], $0x80, s2, s10, $0xb8;
	[tilespmem:$0x8100] =	vst v63  }
0x14: {  	s31 =	sadd.s32 $0x0, s7  }
0x15: {  	[tilespmem:s11], [sflag:$0x3] =	stream.linear.gather [hbm4b:s31+s2], $0x80, $0x38;
	[tilespmem:$0x8100] =	vst v63  }
0x16: {  	_ =	swait.ge [sflag:s9], $0x80  }
0x17: {  	[sflag:s9] =	ssyncset.done $0x0  }
0x18: {  	[sflag:s9] =	ssyncadd.s32 $0xFFFFFF80  }
0x19: {  	[tilespmem:s12], [sflag:$0x2] =	stream.indirect.gather [hbm4b:s3+s10], $0x80, s11, s10, $0xb8;
	[tilespmem:$0x8100] =	vst v63  }
0x1a: {  	_ =	swait.ge [sflag:s13], $0x4000  }
0x1b: {  	[sflag:s13] =	ssyncset.done $0x0  }
0x1c: {  	[sflag:s13] =	ssyncadd.s32 $0xFFFFC000  }
0x1d: {  	[hbm4b:s5+s2] =	stream.linear.scatter [tilespmem:s10], [sflag:$0x3], $0x4000, $0x38;
	[tilespmem:$0x8100] =	vst v63  }
0x1e: {  	_ =	swait.ge [sflag:s9], $0x4000  }
0x1f: {  	[sflag:s9] =	ssyncset.done $0x0  }
0x20: {  	[sflag:s9] =	ssyncadd.s32 $0xFFFFC000  }
0x21: {  	_ =	swait.ge [sflag:s14], $0x4000  }
0x22: {  	[sflag:s14] =	ssyncset.done $0x0  }
0x23: {  	[sflag:s14] =	ssyncadd.s32 $0xFFFFC000  }
0x24: {  	[hbm4b:s6+s2] =	stream.linear.scatter [tilespmem:s12], [sflag:$0x3], $0x4000, $0x38;
	[tilespmem:$0x8100] =	vst v63  }
0x25: {  	s18 =	simm.s32 $0x20;
	s19 =	simm.s32 $0x40;
	_ =	swait.ge [sflag:s9], $0x4000  }
0x26: {  	s17 =	sadd.s32 $0x1000, s5;
	s16 =	sadd.s32 $0x1000, s6;
	[sflag:s9] =	ssyncset.done $0x0  }
.LBB2_2:
0x27: {  	s20 =	sadd.s32 s18, s8  }
0x28: {  	[sflag:s9] =	ssyncadd.s32 $0xFFFFC000;
	s21 =	smov.u32 s19;
	s22 =	sadd.s32 $0x20, s19  }
0x29: {  	[tilespmem:s2], [sflag:$0x3] =	stream.linear.gather [hbm4b:s20+s2], $0x80, $0x38;
	[tilespmem:$0x8100] =	vst v63  }
0x2a: {  	p0 =	sne.s32 s19, $0x260;
	_ =	swait.ge [sflag:s9], $0x80  }
0x2b: {  	[sflag:s9] =	ssyncset.done $0x0  }
0x2c: {  	[sflag:s9] =	ssyncadd.s32 $0xFFFFFF80  }
0x2d: {  	[tilespmem:s10], [sflag:$0x1] =	stream.indirect.gather [hbm4b:s3+s10], $0x80, s2, s10, $0xb8;
	[tilespmem:$0x8100] =	vst v63  }
0x2e: {  	s19 =	sadd.s32 s18, s7;
	s18 =	smov.u32 s21  }
0x2f: {  	[tilespmem:s11], [sflag:$0x3] =	stream.linear.gather [hbm4b:s19+s2], $0x80, $0x38;
	[tilespmem:$0x8100] =	vst v63  }
0x30: {  	_ =	swait.ge [sflag:s9], $0x80  }
0x31: {  	[sflag:s9] =	ssyncset.done $0x0  }
0x32: {  	[sflag:s9] =	ssyncadd.s32 $0xFFFFFF80  }
0x33: {  	[tilespmem:s12], [sflag:$0x2] =	stream.indirect.gather [hbm4b:s3+s10], $0x80, s11, s10, $0xb8;
	[tilespmem:$0x8100] =	vst v63  }
0x34: {  	_ =	swait.ge [sflag:s13], $0x4000  }
0x35: {  	[sflag:s13] =	ssyncset.done $0x0  }
0x36: {  	[sflag:s13] =	ssyncadd.s32 $0xFFFFC000  }
0x37: {  	[hbm4b:s17+s2] =	stream.linear.scatter [tilespmem:s10], [sflag:$0x3], $0x4000, $0x38;
	[tilespmem:$0x8100] =	vst v63  }
0x38: {  	_ =	swait.ge [sflag:s9], $0x4000  }
0x39: {  	[sflag:s9] =	ssyncset.done $0x0  }
0x3a: {  	[sflag:s9] =	ssyncadd.s32 $0xFFFFC000  }
0x3b: {  	_ =	swait.ge [sflag:s14], $0x4000  }
.Ltmp0:
0x3c: {  	[sflag:s14] =	ssyncset.done $0x0;
	(pc) =	sbr.rel @p0 .LBB2_2-.Ltmp0, $4  }
0x3d: {  	[sflag:s14] =	ssyncadd.s32 $0xFFFFC000  }
0x3e: {  	[hbm4b:s16+s2] =	stream.linear.scatter [tilespmem:s12], [sflag:$0x3], $0x4000, $0x38;
	[tilespmem:$0x8100] =	vst v63  }
0x3f: {  	s19 =	smov.u32 s22;
	_ =	swait.ge [sflag:s9], $0x4000  }
0x40: {  	s17 =	sadd.s32 $0x1000, s17;
	s16 =	sadd.s32 $0x1000, s16;
	[sflag:s9] =	ssyncset.done $0x0  }
0x41: {  	s19 =	sadd.s32 s18, s8;
	[sflag:s9] =	ssyncadd.s32 $0xFFFFC000  }
0x42: {  	[tilespmem:s2], [sflag:$0x3] =	stream.linear.gather [hbm4b:s19+s2], $0x80, $0x38;
	[tilespmem:$0x8100] =	vst v63  }
0x43: {  	_ =	swait.ge [sflag:s9], $0x80  }
0x44: {  	[sflag:s9] =	ssyncset.done $0x0  }
0x45: {  	[sflag:s9] =	ssyncadd.s32 $0xFFFFFF80  }
0x46: {  	[tilespmem:s10], [sflag:$0x1] =	stream.indirect.gather [hbm4b:s3+s10], $0x80, s2, s10, $0xb8;
	[tilespmem:$0x8100] =	vst v63  }
0x47: {  	s31 =	sadd.s32 s18, s7  }
0x48: {  	[tilespmem:s11], [sflag:$0x3] =	stream.linear.gather [hbm4b:s31+s2], $0x80, $0x38;
	[tilespmem:$0x8100] =	vst v63  }
0x49: {  	_ =	swait.ge [sflag:s9], $0x80  }
0x4a: {  	[sflag:s9] =	ssyncset.done $0x0  }
0x4b: {  	[sflag:s9] =	ssyncadd.s32 $0xFFFFFF80  }
0x4c: {  	[tilespmem:s12], [sflag:$0x2] =	stream.indirect.gather [hbm4b:s3+s10], $0x80, s11, s10, $0xb8;
	[tilespmem:$0x8100] =	vst v63  }
0x4d: {  	_ =	swait.ge [sflag:s13], $0x4000  }
0x4e: {  	[sflag:s13] =	ssyncset.done $0x0  }
0x4f: {  	[sflag:s13] =	ssyncadd.s32 $0xFFFFC000  }
0x50: {  	[hbm4b:s17+s2] =	stream.linear.scatter [tilespmem:s10], [sflag:$0x3], $0x4000, $0x38;
	[tilespmem:$0x8100] =	vst v63  }
0x51: {  	_ =	swait.ge [sflag:s9], $0x4000  }
0x52: {  	[sflag:s9] =	ssyncset.done $0x0  }
0x53: {  	[sflag:s9] =	ssyncadd.s32 $0xFFFFC000  }
0x54: {  	s15 =	sadd.s32 $0x1, s15;
	_ =	swait.ge [sflag:s14], $0x4000  }
0x55: {  	p0 =	sne.s32 s15, s4;
	[sflag:s14] =	ssyncset.done $0x0  }
.Ltmp1:
0x56: {  	[sflag:s14] =	ssyncadd.s32 $0xFFFFC000;
	(pc) =	sbr.rel @p0 .LBB2_1-.Ltmp1, $4  }
0x57: {  	[hbm4b:s16+s2] =	stream.linear.scatter [tilespmem:s12], [sflag:$0x3], $0x4000, $0x38;
	[tilespmem:$0x8100] =	vst v63  }
0x58: {  	_ =	swait.ge [sflag:s9], $0x4000  }
0x59: {  	[sflag:s9] =	ssyncset.done $0x0  }
0x5a: {  	[sflag:s9] =	ssyncadd.s32 $0xFFFFC000  }
0x5b: {  	_ =	sfence.sel $0x180000  }
0x5c: {  	[bflag:$0x0] =	sbarrier.arrive $0xFFFF  }
0x5d: {  	p0 =	sne.s32 s1, $0x0;
	_ =	strace $0x9000005C  }
0x5e: {  	s0 =	sadd.s32 @!p0 $0x100000, s0;
	[bflag:$0x2] =	sbarrier.arrive $0xFFFF  }
0x5f: {  	[sflag:s0] =	ssyncadd.tile.s32 @!p0 $0x1;
	_ =	shalt  }
.Lfunc_end2:
_tile_overlayer_lowered:
.L_overlay_start_2:
0x60: {  	(tag) =	ssettag $0x2  }
0x61: {  	s0 =	rddreg [dreg:$0x0];
	s2 =	stileid.u32  }
0x62: {  	s1 =	rddreg [dreg:$0x1];
	p0 =	sne.s32 s2, $0x0  }
0x63: {  	s3 =	rddreg [dreg:$0x2];
	[bflag:$0x3] =	sbarrier.arrive $0xFFFF;
	s2 =	simm.s32 @!p0 $0x1C03  }
0x64: {  	[timem:s3], [sflag:s2] =	dma.local @!p0 [hbm:s0], s1  }
0x65: {  	s0 =	simm.s32 @!p0 $0x3  }
0x66: {  	_ =	swait.ge @!p0 [sflag:s0], s1  }
0x67: {  	s1 =	ssub.s32 @!p0 $0x0, s1;
	[sflag:s0] =	ssyncset.done @!p0 $0x0  }
0x68: {  	[sflag:s0] =	ssyncadd.s32 @!p0 s1  }
0x69: {  	[bflag:$0x3] =	sbarrier.arrive $0xFFFF  }
0x6a: {  	_ =	shalt  }

</sc_bundles>
